<compile_context>
chip_gen: v7x
topology: tpu7x:2x2x1
jax: 0.10.2.dev20260603
libtpu: 0.0.44.dev20260713+nightly
codegen_flags: <defaults>
</compile_context>

<pallas_src>
import functools

import jax
import jax.numpy as jnp
from jax import lax
from jax.experimental import pallas as pl
from jax.experimental.pallas import tpu as pltpu
from jax.experimental.pallas import tpu_sc as plsc

N = 100000
E = 6400000
NF = 64
H = 128
K = 3

N_PAD = 100352
ROWS = 2048
SLICE = N_PAD // 16
CSLICE = SLICE // 4
GSLICE = N_PAD // 32
EPW = E // 32
EC = 4000
NCH = EPW // EC
N_TAB = N

_f32 = jnp.float32



_INV2PI = 0.15915493667125702
_TWOPI = 6.2831854820251465
_SC = (0.9999999378055222, -0.16666621099119006, 0.008332791415928265,
       -0.00019817628169256163, 2.7088274845432636e-06, -2.0697969171923347e-08)
_CC = (0.9999992105908722, -0.499994212222991, 0.04165977670694633,
       -0.001385878635320515, 2.4202894902042305e-05, -2.1972754565835473e-07)


def _sincos(x):
    q = jnp.floor(x * _INV2PI + 0.5)
    r = x - q * _TWOPI
    t = r * r
    s = _SC[0] + t * (_SC[1] + t * (_SC[2] + t * (_SC[3] + t * (_SC[4] + t * _SC[5]))))
    c = _CC[0] + t * (_CC[1] + t * (_CC[2] + t * (_CC[3] + t * (_CC[4] + t * _CC[5]))))
    return s * r, c


def _dotT(w_ref, x):
    return lax.dot_general(w_ref[...], x, (((0,), (0,)), ((), ())),
                           preferred_element_type=_f32)


def _mlp_body(x_ref, b_ref, w0_ref, b0_ref, w1_ref, b1_ref, w2_ref,
              b2_ref, w3_ref, b3_ref, o_ref):
    x = x_ref[...]
    projT = _dotT(b_ref, x)
    sn, cn = _sincos(projT)
    w0 = w0_ref[...]
    pre = (lax.dot_general(w0[:NF], sn, (((0,), (0,)), ((), ())),
                           preferred_element_type=_f32)
           + lax.dot_general(w0[NF:], cn, (((0,), (0,)), ((), ())),
                             preferred_element_type=_f32))
    h = jnp.tanh(pre + b0_ref[...])
    h = jnp.tanh(_dotT(w1_ref, h) + b1_ref[...])
    h = jnp.tanh(_dotT(w2_ref, h) + b2_ref[...])
    o_ref[...] = _dotT(w3_ref, h) + b3_ref[...]


def _mlp(xtT, B, W0, b0, W1, b1, W2, b2, W3, b3):
    grid = (N_PAD // ROWS,)
    full = lambda r, c: pl.BlockSpec((r, c), lambda i: (0, 0))
    return pl.pallas_call(
        _mlp_body,
        grid=grid,
        in_specs=[
            pl.BlockSpec((2, ROWS), lambda i: (0, i)),
            full(2, NF), full(2 * NF, H), full(H, 1), full(H, H), full(H, 1),
            full(H, H), full(H, 1), full(H, 1), full(1, 1),
        ],
        out_specs=pl.BlockSpec((1, ROWS), lambda i: (0, i)),
        out_shape=jax.ShapeDtypeStruct((1, N_PAD), _f32),
    )(xtT, B, W0, b0.reshape(H, 1), W1, b1.reshape(H, 1),
      W2, b2.reshape(H, 1), W3, b3.reshape(1, 1))



def _hop_body(aa_hbm, ab_hbm, ei_hbm, lw_hbm, a0_hbm, a1_hbm,
              u_tab, b_srcA, b_dstA, b_lwA, b_srcB, b_dstB, b_lwB, sh_buf,
              sem_la, sem_lb, sem_sa, sem_sb, first=False):
    c = lax.axis_index("c")
    s = lax.axis_index("s")
    wid = c * 16 + s
    base = wid * EPW

    def _loads(off, bs, bd, blw, sem):
        pltpu.async_copy(ei_hbm.at[pl.ds(off, EC)], bs, sem)
        pltpu.async_copy(ei_hbm.at[pl.ds(E + off, EC)], bd, sem)
        pltpu.async_copy(lw_hbm.at[pl.ds(off, EC)], blw, sem)

    def _wait_loads(bs, bd, blw, sem):
        pltpu.make_async_copy(ei_hbm.at[pl.ds(0, EC)], bs, sem).wait()
        pltpu.make_async_copy(ei_hbm.at[pl.ds(0, EC)], bd, sem).wait()
        pltpu.make_async_copy(lw_hbm.at[pl.ds(0, EC)], blw, sem).wait()

    def _compute(bs, blw):
        @plsc.parallel_loop(0, EC // 16, 1, unroll=25)
        def _(j):
            sl = pl.ds(j * 16, 16)
            blw[sl] = jnp.exp(blw[sl]) * plsc.load_gather(u_tab, [bs[sl]])

    def _wait_scatter(blw, bd, sem):
        pltpu.make_async_copy(blw, sh_buf.at[bd], sem).wait()

    if first:
        osl0 = pl.ds(s * SLICE, SLICE)
        pltpu.sync_copy(aa_hbm.at[osl0], sh_buf.at[osl0])
    else:
        for j in range(SLICE // CSLICE):
            off = s * SLICE + j * CSLICE
            csl = pl.ds(0, CSLICE)
            pltpu.async_copy(aa_hbm.at[pl.ds(off, CSLICE)], b_lwA.at[csl],
                             sem_la)
            pltpu.async_copy(ab_hbm.at[pl.ds(off, CSLICE)], b_lwB.at[csl],
                             sem_lb)
            pltpu.make_async_copy(aa_hbm.at[pl.ds(off, CSLICE)],
                                  b_lwA.at[csl], sem_la).wait()
            pltpu.make_async_copy(ab_hbm.at[pl.ds(off, CSLICE)],
                                  b_lwB.at[csl], sem_lb).wait()

            def _add(i, _):
                sl = pl.ds(i * 16, 16)
                b_lwA[sl] = b_lwA[sl] + b_lwB[sl]
                return 0
            lax.fori_loop(0, CSLICE // 16, _add, 0)

            pltpu.sync_copy(b_lwA.at[csl], sh_buf.at[pl.ds(off, CSLICE)])

    _loads(base, b_srcA, b_dstA, b_lwA, sem_la)

    plsc.subcore_barrier()

    pltpu.sync_copy(sh_buf.at[pl.ds(0, N_TAB)], u_tab)

    plsc.subcore_barrier()

    @pl.when(c == 1)
    def _():
        def _zfill(i, _):
            b_lwB[pl.ds(i * 16, 16)] = jnp.zeros((16,), _f32)
            return 0
        lax.fori_loop(0, CSLICE // 16, _zfill, 0)
        for j in range(SLICE // CSLICE):
            off = s * SLICE + j * CSLICE
            pltpu.sync_copy(b_lwB.at[pl.ds(0, CSLICE)],
                            sh_buf.at[pl.ds(off, CSLICE)])

    _loads(base + EC, b_srcB, b_dstB, b_lwB, sem_lb)

    plsc.subcore_barrier()

    def _pair(i, _):
        @pl.when(i > 0)
        def _():
            _wait_scatter(b_lwB, b_dstB, sem_sb)
            _loads(base + (2 * i + 1) * EC, b_srcB, b_dstB, b_lwB, sem_lb)
        _wait_loads(b_srcA, b_dstA, b_lwA, sem_la)
        _compute(b_srcA, b_lwA)
        pltpu.async_copy(b_lwA, sh_buf.at[b_dstA], sem_sa, add=True)
        _wait_loads(b_srcB, b_dstB, b_lwB, sem_lb)
        _compute(b_srcB, b_lwB)
        pltpu.async_copy(b_lwB, sh_buf.at[b_dstB], sem_sb, add=True)
        _wait_scatter(b_lwA, b_dstA, sem_sa)

        @pl.when(i < NCH // 2 - 1)
        def _():
            _loads(base + (2 * i + 2) * EC, b_srcA, b_dstA, b_lwA, sem_la)
        return 0
    lax.fori_loop(0, NCH // 2, _pair, 0)
    _wait_scatter(b_lwB, b_dstB, sem_sb)

    plsc.subcore_barrier()

    osl = pl.ds(s * SLICE, SLICE)

    @pl.when(c == 0)
    def _():
        pltpu.sync_copy(sh_buf.at[osl], a0_hbm.at[osl])

    @pl.when(c == 1)
    def _():
        pltpu.sync_copy(sh_buf.at[osl], a1_hbm.at[osl])


def _hop0_body(aa_hbm, ei_hbm, lw_hbm, a0_hbm, a1_hbm,
               u_tab, b_srcA, b_dstA, b_lwA, b_srcB, b_dstB, b_lwB, sh_buf,
               sem_la, sem_lb, sem_sa, sem_sb):
    _hop_body(aa_hbm, aa_hbm, ei_hbm, lw_hbm, a0_hbm, a1_hbm,
              u_tab, b_srcA, b_dstA, b_lwA, b_srcB, b_dstB, b_lwB, sh_buf,
              sem_la, sem_lb, sem_sa, sem_sb, first=True)


_HOP_SCRATCH = [
    pltpu.VMEM((N_TAB,), _f32),
    pltpu.VMEM((EC,), jnp.int32),
    pltpu.VMEM((EC,), jnp.int32),
    pltpu.VMEM((EC,), _f32),
    pltpu.VMEM((EC,), jnp.int32),
    pltpu.VMEM((EC,), jnp.int32),
    pltpu.VMEM((EC,), _f32),
    pltpu.VMEM_SHARED((N_PAD,), _f32),
    pltpu.SemaphoreType.DMA,
    pltpu.SemaphoreType.DMA,
    pltpu.SemaphoreType.DMA,
    pltpu.SemaphoreType.DMA,
]

_hop0 = functools.partial(
    pl.kernel,
    out_type=(
        jax.ShapeDtypeStruct((N_PAD,), _f32),
        jax.ShapeDtypeStruct((N_PAD,), _f32),
    ),
    mesh=plsc.VectorSubcoreMesh(core_axis_name="c", subcore_axis_name="s"),
    compiler_params=pltpu.CompilerParams(needs_layout_passes=False),
    scratch_types=_HOP_SCRATCH,
)(_hop0_body)

_hop = functools.partial(
    pl.kernel,
    out_type=(
        jax.ShapeDtypeStruct((N_PAD,), _f32),
        jax.ShapeDtypeStruct((N_PAD,), _f32),
    ),
    mesh=plsc.VectorSubcoreMesh(core_axis_name="c", subcore_axis_name="s"),
    compiler_params=pltpu.CompilerParams(needs_layout_passes=False),
    scratch_types=_HOP_SCRATCH,
)(_hop_body)



def _fin_body(aa_hbm, ab_hbm, out_hbm, b_a, b_b):
    c = lax.axis_index("c")
    s = lax.axis_index("s")
    wid = c * 16 + s
    for j in range(GSLICE // CSLICE):
        off = wid * GSLICE + j * CSLICE
        pltpu.sync_copy(aa_hbm.at[pl.ds(off, CSLICE)], b_a)
        pltpu.sync_copy(ab_hbm.at[pl.ds(off, CSLICE)], b_b)

        def _add(i, _):
            sl = pl.ds(i * 16, 16)
            b_a[sl] = b_a[sl] + b_b[sl]
            return 0
        lax.fori_loop(0, CSLICE // 16, _add, 0)
        pltpu.sync_copy(b_a, out_hbm.at[pl.ds(off, CSLICE)])


_fin = functools.partial(
    pl.kernel,
    out_type=jax.ShapeDtypeStruct((N_PAD,), _f32),
    mesh=plsc.VectorSubcoreMesh(core_axis_name="c", subcore_axis_name="s"),
    scratch_types=[
        pltpu.VMEM((CSLICE,), _f32),
        pltpu.VMEM((CSLICE,), _f32),
    ],
)(_fin_body)



def kernel(xt, edge_index, log_w, B, W0, b0, W1, b1, W2, b2, W3, b3):
    u = _mlp(xt.T, B, W0, b0, W1, b1, W2, b2, W3, b3).reshape(N_PAD)
    ei = edge_index.reshape(2 * E)
    a0, a1 = _hop0(u, ei, log_w)
    for _ in range(K - 1):
        a0, a1 = _hop(a0, a1, ei, log_w)
    u = _fin(a0, a1)
    return u[:N].reshape(N, 1)

# --- scband reference (transcript-rebuilt; emitter-appended) ---
"""Pipeline reference for scband-holo-inspired-gnn-17987323035695 (READ-ONLY COPY).

The authoritative reference and input builder live on the scoring server;
editing this copy changes nothing except your own understanding.
"""

import jax, jax.numpy as jnp
import numpy as np

N = 100000
E = 6400000
NF = 64
H = 128
K = 3

def setup_inputs(seed: int = 0) -> dict:
    key = jax.random.key(seed)
    ks = jax.random.split(key, 12)
    xt = jax.random.normal(ks[0], (N, 2), dtype=jnp.float32)
    edge_index = jax.random.randint(ks[1], (2, E), 0, N, dtype=jnp.int32)
    log_w = jax.random.normal(ks[2], (E,), dtype=jnp.float32) * 0.1
    B = jax.random.normal(ks[3], (2, NF), dtype=jnp.float32) * 1.0  # sigma=1.0
    in_dim = 2 * NF
    W0 = jax.random.normal(ks[4], (in_dim, H), dtype=jnp.float32) * (1.0 / np.sqrt(in_dim))
    b0 = jnp.zeros((H,), dtype=jnp.float32)
    W1 = jax.random.normal(ks[5], (H, H), dtype=jnp.float32) * (1.0 / np.sqrt(H))
    b1 = jnp.zeros((H,), dtype=jnp.float32)
    W2 = jax.random.normal(ks[6], (H, H), dtype=jnp.float32) * (1.0 / np.sqrt(H))
    b2 = jnp.zeros((H,), dtype=jnp.float32)
    W3 = jax.random.normal(ks[7], (H, 1), dtype=jnp.float32) * (1.0 / np.sqrt(H))
    b3 = jnp.zeros((1,), dtype=jnp.float32)
    return {"xt": xt, "edge_index": edge_index, "log_w": log_w, "B": B,
            "W0": W0, "b0": b0, "W1": W1, "b1": b1, "W2": W2, "b2": b2,
            "W3": W3, "b3": b3}

def reference(xt, edge_index, log_w, B, W0, b0, W1, b1, W2, b2, W3, b3):
    # FourierMLP
    proj = xt @ B
    feat = jnp.concatenate([jnp.sin(proj), jnp.cos(proj)], axis=-1)
    h = jnp.tanh(feat @ W0 + b0)
    h = jnp.tanh(h @ W1 + b1)
    h = jnp.tanh(h @ W2 + b2)
    u = h @ W3 + b3  # [N, 1]
    # K hops of weighted message passing (gather from src, scatter-add to dst)
    w = jnp.exp(log_w)[:, None]  # [E, 1]
    src = edge_index[0]
    dst = edge_index[1]
    for _ in range(K):
        msg = w * u[src]  # gather
        u_new = jnp.zeros_like(u).at[dst].add(msg)  # scatter-add
        u = u + u_new
    return u

if __name__ == "__main__":
    import jax
    _d = setup_inputs()
    print(jax.jit(kernel)(*tuple(_d.values())))

</pallas_src>

<mosaic_0001>
#map = affine_map<(d0, d1) -> (0)>
module attributes {stable_mosaic.version = 14 : i64} {
  func.func @_hop0_body(%arg0: i32, %arg1: i32, %arg2: memref<100352xf32, #tpu.memory_space<hbm>>, %arg3: memref<12800000xi32, #tpu.memory_space<hbm>>, %arg4: memref<6400000xf32, #tpu.memory_space<hbm>>, %arg5: memref<100352xf32, #tpu.memory_space<hbm>>, %arg6: memref<100352xf32, #tpu.memory_space<hbm>>, %arg7: memref<100000xf32, #tpu.memory_space<vmem>>, %arg8: memref<4000xi32, #tpu.memory_space<vmem>>, %arg9: memref<4000xi32, #tpu.memory_space<vmem>>, %arg10: memref<4000xf32, #tpu.memory_space<vmem>>, %arg11: memref<4000xi32, #tpu.memory_space<vmem>>, %arg12: memref<4000xi32, #tpu.memory_space<vmem>>, %arg13: memref<4000xf32, #tpu.memory_space<vmem>>, %arg14: memref<100352xf32, #tpu.memory_space<vmem_shared>>, %arg15: memref<!tpu.dma_semaphore, #tpu.memory_space<semaphore_mem>>, %arg16: memref<!tpu.dma_semaphore, #tpu.memory_space<semaphore_mem>>, %arg17: memref<!tpu.dma_semaphore, #tpu.memory_space<semaphore_mem>>, %arg18: memref<!tpu.dma_semaphore, #tpu.memory_space<semaphore_mem>>) attributes {dimension_semantics = [#tpu.dimension_semantics<core_parallel>, #tpu.dimension_semantics<subcore_parallel>], iteration_bounds = array<i64: 2, 16>, scalar_prefetch = 0 : i64, scratch_operands = 12 : i64, tpu.core_type = #tpu.core_type<sc_vector_subcore>, window_params = [{transform_indices = #map}, {transform_indices = #map}, {transform_indices = #map}, {transform_indices = #map}, {transform_indices = #map}]} {
    %mul3A = arith.constant 16 : i32
    %mul3A_0 = arith.muli %arg0, %mul3A : i32
    %add3A = arith.addi %mul3A_0, %arg1 : i32
    %mul3A_1 = arith.constant 200000 : i32
    %mul3A_2 = arith.muli %add3A, %mul3A_1 : i32
    %mul3A_3 = arith.constant 6272 : i32
    %mul3A_4 = arith.muli %arg1, %mul3A_3 : i32
    "tpu.region"() ({
      %run_scoped3A = tpu.sem_alloc : memref<!tpu.dma_semaphore, #tpu.memory_space<semaphore_mem>>
      %dma_start3A_46 = tpu.memref_slice %arg14[%mul3A_4] : memref<100352xf32, #tpu.memory_space<vmem_shared>> -> memref<6272xf32, #tpu.memory_space<vmem_shared>>
      %dma_start3A_47 = tpu.memref_slice %arg2[%mul3A_4] : memref<100352xf32, #tpu.memory_space<hbm>> -> memref<6272xf32, #tpu.memory_space<hbm>>
      tpu.enqueue_dma source(%dma_start3A_47 : memref<6272xf32, #tpu.memory_space<hbm>>) target(%dma_start3A_46 : memref<6272xf32, #tpu.memory_space<vmem_shared>>) target_semaphore(%run_scoped3A : memref<!tpu.dma_semaphore, #tpu.memory_space<semaphore_mem>>)
      %dma_wait3A_48 = tpu.memref_slice %arg14[%mul3A_4] : memref<100352xf32, #tpu.memory_space<vmem_shared>> -> memref<6272xf32, #tpu.memory_space<vmem_shared>>
      %dma_wait3A_49 = tpu.memref_slice %arg2[%mul3A_4] : memref<100352xf32, #tpu.memory_space<hbm>> -> memref<6272xf32, #tpu.memory_space<hbm>>
      tpu.wait_dma2 semaphore(%run_scoped3A : memref<!tpu.dma_semaphore, #tpu.memory_space<semaphore_mem>>) src(%dma_wait3A_49 : memref<6272xf32, #tpu.memory_space<hbm>>) dst(%dma_wait3A_48 : memref<6272xf32, #tpu.memory_space<vmem_shared>>)
      tpu.yield
    }) : () -> ()
    %dma_start3A = tpu.memref_slice %arg3[%mul3A_2] : memref<12800000xi32, #tpu.memory_space<hbm>> -> memref<4000xi32, #tpu.memory_space<hbm>>
    %dma_start3A_5 = tpu.memref_slice %arg3[%mul3A_2] : memref<12800000xi32, #tpu.memory_space<hbm>> -> memref<4000xi32, #tpu.memory_space<hbm>>
    tpu.enqueue_dma source(%dma_start3A_5 : memref<4000xi32, #tpu.memory_space<hbm>>) target(%arg8 : memref<4000xi32, #tpu.memory_space<vmem>>) target_semaphore(%arg15 : memref<!tpu.dma_semaphore, #tpu.memory_space<semaphore_mem>>)
    %add3A_6 = arith.constant 6400000 : i32
    %add3A_7 = arith.addi %add3A_6, %mul3A_2 : i32
    %dma_start3A_8 = tpu.memref_slice %arg3[%add3A_7] : memref<12800000xi32, #tpu.memory_space<hbm>> -> memref<4000xi32, #tpu.memory_space<hbm>>
    %dma_start3A_9 = tpu.memref_slice %arg3[%add3A_7] : memref<12800000xi32, #tpu.memory_space<hbm>> -> memref<4000xi32, #tpu.memory_space<hbm>>
    tpu.enqueue_dma source(%dma_start3A_9 : memref<4000xi32, #tpu.memory_space<hbm>>) target(%arg9 : memref<4000xi32, #tpu.memory_space<vmem>>) target_semaphore(%arg15 : memref<!tpu.dma_semaphore, #tpu.memory_space<semaphore_mem>>)
    %dma_start3A_10 = tpu.memref_slice %arg4[%mul3A_2] : memref<6400000xf32, #tpu.memory_space<hbm>> -> memref<4000xf32, #tpu.memory_space<hbm>>
    %dma_start3A_11 = tpu.memref_slice %arg4[%mul3A_2] : memref<6400000xf32, #tpu.memory_space<hbm>> -> memref<4000xf32, #tpu.memory_space<hbm>>
    tpu.enqueue_dma source(%dma_start3A_11 : memref<4000xf32, #tpu.memory_space<hbm>>) target(%arg10 : memref<4000xf32, #tpu.memory_space<vmem>>) target_semaphore(%arg15 : memref<!tpu.dma_semaphore, #tpu.memory_space<semaphore_mem>>)
    %barrier3A = arith.constant 0 : index
    tpu.barrier barrier_id(%barrier3A)
    "tpu.region"() ({
      %run_scoped3A = tpu.sem_alloc : memref<!tpu.dma_semaphore, #tpu.memory_space<semaphore_mem>>
      %dma_start3A_46 = arith.constant 0 : i32
      %dma_start3A_47 = tpu.memref_slice %arg14[%dma_start3A_46] : memref<100352xf32, #tpu.memory_space<vmem_shared>> -> memref<100000xf32, #tpu.memory_space<vmem_shared>>
      %dma_start3A_48 = arith.constant 0 : i32
      %dma_start3A_49 = tpu.memref_slice %arg14[%dma_start3A_48] : memref<100352xf32, #tpu.memory_space<vmem_shared>> -> memref<100000xf32, #tpu.memory_space<vmem_shared>>
      tpu.enqueue_dma source(%dma_start3A_49 : memref<100000xf32, #tpu.memory_space<vmem_shared>>) target(%arg7 : memref<100000xf32, #tpu.memory_space<vmem>>) target_semaphore(%run_scoped3A : memref<!tpu.dma_semaphore, #tpu.memory_space<semaphore_mem>>)
      %dma_wait3A_50 = arith.constant 0 : i32
      %dma_wait3A_51 = tpu.memref_slice %arg14[%dma_wait3A_50] : memref<100352xf32, #tpu.memory_space<vmem_shared>> -> memref<100000xf32, #tpu.memory_space<vmem_shared>>
      %dma_wait3A_52 = arith.constant 0 : i32
      %dma_wait3A_53 = tpu.memref_slice %arg14[%dma_wait3A_52] : memref<100352xf32, #tpu.memory_space<vmem_shared>> -> memref<100000xf32, #tpu.memory_space<vmem_shared>>
      tpu.wait_dma2 semaphore(%run_scoped3A : memref<!tpu.dma_semaphore, #tpu.memory_space<semaphore_mem>>) src(%dma_wait3A_53 : memref<100000xf32, #tpu.memory_space<vmem_shared>>) dst(%arg7 : memref<100000xf32, #tpu.memory_space<vmem>>)
      tpu.yield
    }) : () -> ()
    %barrier3A_12 = arith.constant 0 : index
    tpu.barrier barrier_id(%barrier3A_12)
    %eq3A = arith.constant 1 : i32
    %eq3A_13 = arith.cmpi eq, %arg0, %eq3A : i32
    %convert_element_type3A = arith.extui %eq3A_13 : i1 to i32
    %cond3A = arith.constant 0 : i32
    %cond3A_14 = arith.cmpi ne, %convert_element_type3A, %cond3A : i32
    scf.if %cond3A_14 {
      %scan3A_46 = arith.constant 0 : i32
      %scan3A_47 = arith.constant 0 : i32
      %scan3A_48 = arith.constant 98 : i32
      %scan3A_49 = arith.addi %scan3A_47, %scan3A_48 : i32
      %scan3A_50 = arith.constant 1 : i32
      %scan3A_51 = scf.for %scan3A_69 = %scan3A_47 to %scan3A_49 step %scan3A_50 iter_args(%scan3A_70 = %scan3A_46) -> (i32)  : i32 {
        %broadcast_in_dim3A = arith.constant 0.000000e+00 : f32
        %broadcast_in_dim3A_71 = vector.broadcast %broadcast_in_dim3A : f32 to vector<16xf32>
        %mul3A_72 = arith.constant 16 : i32
        %mul3A_73 = arith.muli %scan3A_69, %mul3A_72 : i32
        %swap3A = arith.index_cast %mul3A_73 : i32 to index
        %swap3A_74 = tpu.vector_load %arg13[%swap3A] {strides = array<i32>} : memref<4000xf32, #tpu.memory_space<vmem>>, vector<16xf32>,
        tpu.vector_store %arg13[%swap3A], %broadcast_in_dim3A_71 {strides = array<i32>} : memref<4000xf32, #tpu.memory_space<vmem>>, vector<16xf32>,
        %scan3A_75 = arith.constant 0 : i32
        scf.yield %scan3A_75 : i32
      }
      %scan3A_52 = arith.constant 98 : i32
      %mul3A_53 = arith.constant 6272 : i32
      %mul3A_54 = arith.muli %arg1, %mul3A_53 : i32
      %add3A_55 = arith.constant 0 : i32
      %add3A_56 = arith.addi %mul3A_54, %add3A_55 : i32
      "tpu.region"() ({
        %run_scoped3A = tpu.sem_alloc : memref<!tpu.dma_semaphore, #tpu.memory_space<semaphore_mem>>
        %dma_start3A_69 = arith.constant 0 : i32
        %dma_start3A_70 = tpu.memref_slice %arg13[%dma_start3A_69] : memref<4000xf32, #tpu.memory_space<vmem>> -> memref<1568xf32, #tpu.memory_space<vmem>>
        %dma_start3A_71 = tpu.memref_slice %arg14[%add3A_56] : memref<100352xf32, #tpu.memory_space<vmem_shared>> -> memref<1568xf32, #tpu.memory_space<vmem_shared>>
        %dma_start3A_72 = tpu.memref_slice %arg14[%add3A_56] : memref<100352xf32, #tpu.memory_space<vmem_shared>> -> memref<1568xf32, #tpu.memory_space<vmem_shared>>
        %dma_start3A_73 = arith.constant 0 : i32
        %dma_start3A_74 = tpu.memref_slice %arg13[%dma_start3A_73] : memref<4000xf32, #tpu.memory_space<vmem>> -> memref<1568xf32, #tpu.memory_space<vmem>>
        tpu.enqueue_dma source(%dma_start3A_74 : memref<1568xf32, #tpu.memory_space<vmem>>) target(%dma_start3A_72 : memref<1568xf32, #tpu.memory_space<vmem_shared>>) target_semaphore(%run_scoped3A : memref<!tpu.dma_semaphore, #tpu.memory_space<semaphore_mem>>)
        %dma_wait3A_75 = arith.constant 0 : i32
        %dma_wait3A_76 = tpu.memref_slice %arg13[%dma_wait3A_75] : memref<4000xf32, #tpu.memory_space<vmem>> -> memref<1568xf32, #tpu.memory_space<vmem>>
        %dma_wait3A_77 = tpu.memref_slice %arg14[%add3A_56] : memref<100352xf32, #tpu.memory_space<vmem_shared>> -> memref<1568xf32, #tpu.memory_space<vmem_shared>>
        %dma_wait3A_78 = tpu.memref_slice %arg14[%add3A_56] : memref<100352xf32, #tpu.memory_space<vmem_shared>> -> memref<1568xf32, #tpu.memory_space<vmem_shared>>
        %dma_wait3A_79 = arith.constant 0 : i32
        %dma_wait3A_80 = tpu.memref_slice %arg13[%dma_wait3A_79] : memref<4000xf32, #tpu.memory_space<vmem>> -> memref<1568xf32, #tpu.memory_space<vmem>>
        tpu.wait_dma2 semaphore(%run_scoped3A : memref<!tpu.dma_semaphore, #tpu.memory_space<semaphore_mem>>) src(%dma_wait3A_80 : memref<1568xf32, #tpu.memory_space<vmem>>) dst(%dma_wait3A_78 : memref<1568xf32, #tpu.memory_space<vmem_shared>>)
        tpu.yield
      }) : () -> ()
      %mul3A_57 = arith.constant 6272 : i32
      %mul3A_58 = arith.muli %arg1, %mul3A_57 : i32
      %add3A_59 = arith.constant 1568 : i32
      %add3A_60 = arith.addi %mul3A_58, %add3A_59 : i32
      "tpu.region"() ({
        %run_scoped3A = tpu.sem_alloc : memref<!tpu.dma_semaphore, #tpu.memory_space<semaphore_mem>>
        %dma_start3A_69 = arith.constant 0 : i32
        %dma_start3A_70 = tpu.memref_slice %arg13[%dma_start3A_69] : memref<4000xf32, #tpu.memory_space<vmem>> -> memref<1568xf32, #tpu.memory_space<vmem>>
        %dma_start3A_71 = tpu.memref_slice %arg14[%add3A_60] : memref<100352xf32, #tpu.memory_space<vmem_shared>> -> memref<1568xf32, #tpu.memory_space<vmem_shared>>
        %dma_start3A_72 = tpu.memref_slice %arg14[%add3A_60] : memref<100352xf32, #tpu.memory_space<vmem_shared>> -> memref<1568xf32, #tpu.memory_space<vmem_shared>>
        %dma_start3A_73 = arith.constant 0 : i32
        %dma_start3A_74 = tpu.memref_slice %arg13[%dma_start3A_73] : memref<4000xf32, #tpu.memory_space<vmem>> -> memref<1568xf32, #tpu.memory_space<vmem>>
        tpu.enqueue_dma source(%dma_start3A_74 : memref<1568xf32, #tpu.memory_space<vmem>>) target(%dma_start3A_72 : memref<1568xf32, #tpu.memory_space<vmem_shared>>) target_semaphore(%run_scoped3A : memref<!tpu.dma_semaphore, #tpu.memory_space<semaphore_mem>>)
        %dma_wait3A_75 = arith.constant 0 : i32
        %dma_wait3A_76 = tpu.memref_slice %arg13[%dma_wait3A_75] : memref<4000xf32, #tpu.memory_space<vmem>> -> memref<1568xf32, #tpu.memory_space<vmem>>
        %dma_wait3A_77 = tpu.memref_slice %arg14[%add3A_60] : memref<100352xf32, #tpu.memory_space<vmem_shared>> -> memref<1568xf32, #tpu.memory_space<vmem_shared>>
        %dma_wait3A_78 = tpu.memref_slice %arg14[%add3A_60] : memref<100352xf32, #tpu.memory_space<vmem_shared>> -> memref<1568xf32, #tpu.memory_space<vmem_shared>>
        %dma_wait3A_79 = arith.constant 0 : i32
        %dma_wait3A_80 = tpu.memref_slice %arg13[%dma_wait3A_79] : memref<4000xf32, #tpu.memory_space<vmem>> -> memref<1568xf32, #tpu.memory_space<vmem>>
        tpu.wait_dma2 semaphore(%run_scoped3A : memref<!tpu.dma_semaphore, #tpu.memory_space<semaphore_mem>>) src(%dma_wait3A_80 : memref<1568xf32, #tpu.memory_space<vmem>>) dst(%dma_wait3A_78 : memref<1568xf32, #tpu.memory_space<vmem_shared>>)
        tpu.yield
      }) : () -> ()
      %mul3A_61 = arith.constant 6272 : i32
      %mul3A_62 = arith.muli %arg1, %mul3A_61 : i32
      %add3A_63 = arith.constant 3136 : i32
      %add3A_64 = arith.addi %mul3A_62, %add3A_63 : i32
      "tpu.region"() ({
        %run_scoped3A = tpu.sem_alloc : memref<!tpu.dma_semaphore, #tpu.memory_space<semaphore_mem>>
        %dma_start3A_69 = arith.constant 0 : i32
        %dma_start3A_70 = tpu.memref_slice %arg13[%dma_start3A_69] : memref<4000xf32, #tpu.memory_space<vmem>> -> memref<1568xf32, #tpu.memory_space<vmem>>
        %dma_start3A_71 = tpu.memref_slice %arg14[%add3A_64] : memref<100352xf32, #tpu.memory_space<vmem_shared>> -> memref<1568xf32, #tpu.memory_space<vmem_shared>>
        %dma_start3A_72 = tpu.memref_slice %arg14[%add3A_64] : memref<100352xf32, #tpu.memory_space<vmem_shared>> -> memref<1568xf32, #tpu.memory_space<vmem_shared>>
        %dma_start3A_73 = arith.constant 0 : i32
        %dma_start3A_74 = tpu.memref_slice %arg13[%dma_start3A_73] : memref<4000xf32, #tpu.memory_space<vmem>> -> memref<1568xf32, #tpu.memory_space<vmem>>
        tpu.enqueue_dma source(%dma_start3A_74 : memref<1568xf32, #tpu.memory_space<vmem>>) target(%dma_start3A_72 : memref<1568xf32, #tpu.memory_space<vmem_shared>>) target_semaphore(%run_scoped3A : memref<!tpu.dma_semaphore, #tpu.memory_space<semaphore_mem>>)
        %dma_wait3A_75 = arith.constant 0 : i32
        %dma_wait3A_76 = tpu.memref_slice %arg13[%dma_wait3A_75] : memref<4000xf32, #tpu.memory_space<vmem>> -> memref<1568xf32, #tpu.memory_space<vmem>>
        %dma_wait3A_77 = tpu.memref_slice %arg14[%add3A_64] : memref<100352xf32, #tpu.memory_space<vmem_shared>> -> memref<1568xf32, #tpu.memory_space<vmem_shared>>
        %dma_wait3A_78 = tpu.memref_slice %arg14[%add3A_64] : memref<100352xf32, #tpu.memory_space<vmem_shared>> -> memref<1568xf32, #tpu.memory_space<vmem_shared>>
        %dma_wait3A_79 = arith.constant 0 : i32
        %dma_wait3A_80 = tpu.memref_slice %arg13[%dma_wait3A_79] : memref<4000xf32, #tpu.memory_space<vmem>> -> memref<1568xf32, #tpu.memory_space<vmem>>
        tpu.wait_dma2 semaphore(%run_scoped3A : memref<!tpu.dma_semaphore, #tpu.memory_space<semaphore_mem>>) src(%dma_wait3A_80 : memref<1568xf32, #tpu.memory_space<vmem>>) dst(%dma_wait3A_78 : memref<1568xf32, #tpu.memory_space<vmem_shared>>)
        tpu.yield
      }) : () -> ()
      %mul3A_65 = arith.constant 6272 : i32
      %mul3A_66 = arith.muli %arg1, %mul3A_65 : i32
      %add3A_67 = arith.constant 4704 : i32
      %add3A_68 = arith.addi %mul3A_66, %add3A_67 : i32
      "tpu.region"() ({
        %run_scoped3A = tpu.sem_alloc : memref<!tpu.dma_semaphore, #tpu.memory_space<semaphore_mem>>
        %dma_start3A_69 = arith.constant 0 : i32
        %dma_start3A_70 = tpu.memref_slice %arg13[%dma_start3A_69] : memref<4000xf32, #tpu.memory_space<vmem>> -> memref<1568xf32, #tpu.memory_space<vmem>>
        %dma_start3A_71 = tpu.memref_slice %arg14[%add3A_68] : memref<100352xf32, #tpu.memory_space<vmem_shared>> -> memref<1568xf32, #tpu.memory_space<vmem_shared>>
        %dma_start3A_72 = tpu.memref_slice %arg14[%add3A_68] : memref<100352xf32, #tpu.memory_space<vmem_shared>> -> memref<1568xf32, #tpu.memory_space<vmem_shared>>
        %dma_start3A_73 = arith.constant 0 : i32
        %dma_start3A_74 = tpu.memref_slice %arg13[%dma_start3A_73] : memref<4000xf32, #tpu.memory_space<vmem>> -> memref<1568xf32, #tpu.memory_space<vmem>>
        tpu.enqueue_dma source(%dma_start3A_74 : memref<1568xf32, #tpu.memory_space<vmem>>) target(%dma_start3A_72 : memref<1568xf32, #tpu.memory_space<vmem_shared>>) target_semaphore(%run_scoped3A : memref<!tpu.dma_semaphore, #tpu.memory_space<semaphore_mem>>)
        %dma_wait3A_75 = arith.constant 0 : i32
        %dma_wait3A_76 = tpu.memref_slice %arg13[%dma_wait3A_75] : memref<4000xf32, #tpu.memory_space<vmem>> -> memref<1568xf32, #tpu.memory_space<vmem>>
        %dma_wait3A_77 = tpu.memref_slice %arg14[%add3A_68] : memref<100352xf32, #tpu.memory_space<vmem_shared>> -> memref<1568xf32, #tpu.memory_space<vmem_shared>>
        %dma_wait3A_78 = tpu.memref_slice %arg14[%add3A_68] : memref<100352xf32, #tpu.memory_space<vmem_shared>> -> memref<1568xf32, #tpu.memory_space<vmem_shared>>
        %dma_wait3A_79 = arith.constant 0 : i32
        %dma_wait3A_80 = tpu.memref_slice %arg13[%dma_wait3A_79] : memref<4000xf32, #tpu.memory_space<vmem>> -> memref<1568xf32, #tpu.memory_space<vmem>>
        tpu.wait_dma2 semaphore(%run_scoped3A : memref<!tpu.dma_semaphore, #tpu.memory_space<semaphore_mem>>) src(%dma_wait3A_80 : memref<1568xf32, #tpu.memory_space<vmem>>) dst(%dma_wait3A_78 : memref<1568xf32, #tpu.memory_space<vmem_shared>>)
        tpu.yield
      }) : () -> ()
    } else {
    }
    %add3A_15 = arith.constant 4000 : i32
    %add3A_16 = arith.addi %mul3A_2, %add3A_15 : i32
    %dma_start3A_17 = tpu.memref_slice %arg3[%add3A_16] : memref<12800000xi32, #tpu.memory_space<hbm>> -> memref<4000xi32, #tpu.memory_space<hbm>>
    %dma_start3A_18 = tpu.memref_slice %arg3[%add3A_16] : memref<12800000xi32, #tpu.memory_space<hbm>> -> memref<4000xi32, #tpu.memory_space<hbm>>
    tpu.enqueue_dma source(%dma_start3A_18 : memref<4000xi32, #tpu.memory_space<hbm>>) target(%arg11 : memref<4000xi32, #tpu.memory_space<vmem>>) target_semaphore(%arg16 : memref<!tpu.dma_semaphore, #tpu.memory_space<semaphore_mem>>)
    %add3A_19 = arith.constant 6400000 : i32
    %add3A_20 = arith.addi %add3A_19, %add3A_16 : i32
    %dma_start3A_21 = tpu.memref_slice %arg3[%add3A_20] : memref<12800000xi32, #tpu.memory_space<hbm>> -> memref<4000xi32, #tpu.memory_space<hbm>>
    %dma_start3A_22 = tpu.memref_slice %arg3[%add3A_20] : memref<12800000xi32, #tpu.memory_space<hbm>> -> memref<4000xi32, #tpu.memory_space<hbm>>
    tpu.enqueue_dma source(%dma_start3A_22 : memref<4000xi32, #tpu.memory_space<hbm>>) target(%arg12 : memref<4000xi32, #tpu.memory_space<vmem>>) target_semaphore(%arg16 : memref<!tpu.dma_semaphore, #tpu.memory_space<semaphore_mem>>)
    %dma_start3A_23 = tpu.memref_slice %arg4[%add3A_16] : memref<6400000xf32, #tpu.memory_space<hbm>> -> memref<4000xf32, #tpu.memory_space<hbm>>
    %dma_start3A_24 = tpu.memref_slice %arg4[%add3A_16] : memref<6400000xf32, #tpu.memory_space<hbm>> -> memref<4000xf32, #tpu.memory_space<hbm>>
    tpu.enqueue_dma source(%dma_start3A_24 : memref<4000xf32, #tpu.memory_space<hbm>>) target(%arg13 : memref<4000xf32, #tpu.memory_space<vmem>>) target_semaphore(%arg16 : memref<!tpu.dma_semaphore, #tpu.memory_space<semaphore_mem>>)
    %barrier3A_25 = arith.constant 0 : index
    tpu.barrier barrier_id(%barrier3A_25)
    %scan3A = arith.constant 0 : i32
    %scan3A_26 = arith.constant 0 : i32
    %scan3A_27 = arith.constant 25 : i32
    %scan3A_28 = arith.addi %scan3A_26, %scan3A_27 : i32
    %scan3A_29 = arith.constant 1 : i32
    %scan3A_30 = scf.for %scan3A_46 = %scan3A_26 to %scan3A_28 step %scan3A_29 iter_args(%scan3A_47 = %scan3A) -> (i32)  : i32 {
      %gt3A = arith.constant 0 : i32
      %gt3A_48 = arith.cmpi sgt, %scan3A_46, %gt3A : i32
      %convert_element_type3A_49 = arith.extui %gt3A_48 : i1 to i32
      %cond3A_50 = arith.constant 0 : i32
      %cond3A_51 = arith.cmpi ne, %convert_element_type3A_49, %cond3A_50 : i32
      scf.if %cond3A_51 {
        %dma_wait3A_92 = arith.constant 0 : i32
        %dma_wait3A_93 = tpu.memref_slice %arg14[%dma_wait3A_92] : memref<100352xf32, #tpu.memory_space<vmem_shared>> -> memref<100352xf32, #tpu.memory_space<vmem_shared>>
        tpu.wait_indirect_dma semaphore(%arg18 : memref<!tpu.dma_semaphore, #tpu.memory_space<semaphore_mem>>) src(%arg13 : memref<4000xf32, #tpu.memory_space<vmem>>) dst(%dma_wait3A_93 : memref<100352xf32, #tpu.memory_space<vmem_shared>>)
        %mul3A_94 = arith.constant 2 : i32
        %mul3A_95 = arith.muli %mul3A_94, %scan3A_46 : i32
        %add3A_96 = arith.constant 1 : i32
        %add3A_97 = arith.addi %mul3A_95, %add3A_96 : i32
        %mul3A_98 = arith.constant 4000 : i32
        %mul3A_99 = arith.muli %add3A_97, %mul3A_98 : i32
        %add3A_100 = arith.addi %mul3A_2, %mul3A_99 : i32
        %dma_start3A_101 = tpu.memref_slice %arg3[%add3A_100] : memref<12800000xi32, #tpu.memory_space<hbm>> -> memref<4000xi32, #tpu.memory_space<hbm>>
        %dma_start3A_102 = tpu.memref_slice %arg3[%add3A_100] : memref<12800000xi32, #tpu.memory_space<hbm>> -> memref<4000xi32, #tpu.memory_space<hbm>>
        tpu.enqueue_dma source(%dma_start3A_102 : memref<4000xi32, #tpu.memory_space<hbm>>) target(%arg11 : memref<4000xi32, #tpu.memory_space<vmem>>) target_semaphore(%arg16 : memref<!tpu.dma_semaphore, #tpu.memory_space<semaphore_mem>>)
        %add3A_103 = arith.constant 6400000 : i32
        %add3A_104 = arith.addi %add3A_103, %add3A_100 : i32
        %dma_start3A_105 = tpu.memref_slice %arg3[%add3A_104] : memref<12800000xi32, #tpu.memory_space<hbm>> -> memref<4000xi32, #tpu.memory_space<hbm>>
        %dma_start3A_106 = tpu.memref_slice %arg3[%add3A_104] : memref<12800000xi32, #tpu.memory_space<hbm>> -> memref<4000xi32, #tpu.memory_space<hbm>>
        tpu.enqueue_dma source(%dma_start3A_106 : memref<4000xi32, #tpu.memory_space<hbm>>) target(%arg12 : memref<4000xi32, #tpu.memory_space<vmem>>) target_semaphore(%arg16 : memref<!tpu.dma_semaphore, #tpu.memory_space<semaphore_mem>>)
        %dma_start3A_107 = tpu.memref_slice %arg4[%add3A_100] : memref<6400000xf32, #tpu.memory_space<hbm>> -> memref<4000xf32, #tpu.memory_space<hbm>>
        %dma_start3A_108 = tpu.memref_slice %arg4[%add3A_100] : memref<6400000xf32, #tpu.memory_space<hbm>> -> memref<4000xf32, #tpu.memory_space<hbm>>
        tpu.enqueue_dma source(%dma_start3A_108 : memref<4000xf32, #tpu.memory_space<hbm>>) target(%arg13 : memref<4000xf32, #tpu.memory_space<vmem>>) target_semaphore(%arg16 : memref<!tpu.dma_semaphore, #tpu.memory_space<semaphore_mem>>)
      } else {
      }
      %dma_wait3A_52 = arith.constant 0 : i32
      %dma_wait3A_53 = tpu.memref_slice %arg3[%dma_wait3A_52] : memref<12800000xi32, #tpu.memory_space<hbm>> -> memref<4000xi32, #tpu.memory_space<hbm>>
      %dma_wait3A_54 = arith.constant 0 : i32
      %dma_wait3A_55 = tpu.memref_slice %arg3[%dma_wait3A_54] : memref<12800000xi32, #tpu.memory_space<hbm>> -> memref<4000xi32, #tpu.memory_space<hbm>>
      tpu.wait_dma2 semaphore(%arg15 : memref<!tpu.dma_semaphore, #tpu.memory_space<semaphore_mem>>) src(%dma_wait3A_55 : memref<4000xi32, #tpu.memory_space<hbm>>) dst(%arg8 : memref<4000xi32, #tpu.memory_space<vmem>>)
      %dma_wait3A_56 = arith.constant 0 : i32
      %dma_wait3A_57 = tpu.memref_slice %arg3[%dma_wait3A_56] : memref<12800000xi32, #tpu.memory_space<hbm>> -> memref<4000xi32, #tpu.memory_space<hbm>>
      %dma_wait3A_58 = arith.constant 0 : i32
      %dma_wait3A_59 = tpu.memref_slice %arg3[%dma_wait3A_58] : memref<12800000xi32, #tpu.memory_space<hbm>> -> memref<4000xi32, #tpu.memory_space<hbm>>
      tpu.wait_dma2 semaphore(%arg15 : memref<!tpu.dma_semaphore, #tpu.memory_space<semaphore_mem>>) src(%dma_wait3A_59 : memref<4000xi32, #tpu.memory_space<hbm>>) dst(%arg9 : memref<4000xi32, #tpu.memory_space<vmem>>)
      %dma_wait3A_60 = arith.constant 0 : i32
      %dma_wait3A_61 = tpu.memref_slice %arg4[%dma_wait3A_60] : memref<6400000xf32, #tpu.memory_space<hbm>> -> memref<4000xf32, #tpu.memory_space<hbm>>
      %dma_wait3A_62 = arith.constant 0 : i32
      %dma_wait3A_63 = tpu.memref_slice %arg4[%dma_wait3A_62] : memref<6400000xf32, #tpu.memory_space<hbm>> -> memref<4000xf32, #tpu.memory_space<hbm>>
      tpu.wait_dma2 semaphore(%arg15 : memref<!tpu.dma_semaphore, #tpu.memory_space<semaphore_mem>>) src(%dma_wait3A_63 : memref<4000xf32, #tpu.memory_space<hbm>>) dst(%arg10 : memref<4000xf32, #tpu.memory_space<vmem>>)
      %parallel_loop3A = arith.constant 0 : i32
      %parallel_loop3A_64 = arith.constant 250 : i32
      %parallel_loop3A_65 = arith.constant 1 : i32
      scf.for %parallel_loop3A_92 = %parallel_loop3A to %parallel_loop3A_64 step %parallel_loop3A_65  : i32 {
        %parallel_loop3A_93 = arith.constant 16 : i32
        %parallel_loop3A_94 = arith.muli %parallel_loop3A_92, %parallel_loop3A_93 : i32
        %parallel_loop3A_95 = arith.index_cast %parallel_loop3A_94 : i32 to index
        %parallel_loop3A_96 = tpu.vector_load %arg10[%parallel_loop3A_95] {strides = array<i32>} : memref<4000xf32, #tpu.memory_space<vmem>>, vector<16xf32>,
        %parallel_loop3A_97 = math.exp %parallel_loop3A_96 : vector<16xf32>
        %parallel_loop3A_98 = arith.index_cast %parallel_loop3A_94 : i32 to index
        %parallel_loop3A_99 = tpu.vector_load %arg8[%parallel_loop3A_98] {strides = array<i32>} : memref<4000xi32, #tpu.memory_space<vmem>>, vector<16xi32>,
        %parallel_loop3A_100 = tpu.vector_load_idx %arg7[%parallel_loop3A_99] : memref<100000xf32, #tpu.memory_space<vmem>>[vector<16xi32>], vector<16xf32>,
        %parallel_loop3A_101 = arith.mulf %parallel_loop3A_97, %parallel_loop3A_100 : vector<16xf32>
        %parallel_loop3A_102 = arith.index_cast %parallel_loop3A_94 : i32 to index
        %parallel_loop3A_103 = tpu.vector_load %arg10[%parallel_loop3A_102] {strides = array<i32>} : memref<4000xf32, #tpu.memory_space<vmem>>, vector<16xf32>,
        tpu.vector_store %arg10[%parallel_loop3A_102], %parallel_loop3A_101 {strides = array<i32>} : memref<4000xf32, #tpu.memory_space<vmem>>, vector<16xf32>,
      } {sc.loop_unroll_factor = 25 : i64, sc.parallel_access}
      %dma_start3A_66 = arith.constant 0 : i32
      %dma_start3A_67 = tpu.memref_slice %arg14[%dma_start3A_66] : memref<100352xf32, #tpu.memory_space<vmem_shared>> -> memref<100352xf32, #tpu.memory_space<vmem_shared>>
      tpu.enqueue_indirect_dma source(%arg10 : memref<4000xf32, #tpu.memory_space<vmem>>) target(%dma_start3A_67 : memref<100352xf32, #tpu.memory_space<vmem_shared>>) offsets(%arg9 : memref<4000xi32, #tpu.memory_space<vmem>>) semaphore(%arg17 : memref<!tpu.dma_semaphore, #tpu.memory_space<semaphore_mem>>) {add = true}
      %dma_wait3A_68 = arith.constant 0 : i32
      %dma_wait3A_69 = tpu.memref_slice %arg3[%dma_wait3A_68] : memref<12800000xi32, #tpu.memory_space<hbm>> -> memref<4000xi32, #tpu.memory_space<hbm>>
      %dma_wait3A_70 = arith.constant 0 : i32
      %dma_wait3A_71 = tpu.memref_slice %arg3[%dma_wait3A_70] : memref<12800000xi32, #tpu.memory_space<hbm>> -> memref<4000xi32, #tpu.memory_space<hbm>>
      tpu.wait_dma2 semaphore(%arg16 : memref<!tpu.dma_semaphore, #tpu.memory_space<semaphore_mem>>) src(%dma_wait3A_71 : memref<4000xi32, #tpu.memory_space<hbm>>) dst(%arg11 : memref<4000xi32, #tpu.memory_space<vmem>>)
      %dma_wait3A_72 = arith.constant 0 : i32
      %dma_wait3A_73 = tpu.memref_slice %arg3[%dma_wait3A_72] : memref<12800000xi32, #tpu.memory_space<hbm>> -> memref<4000xi32, #tpu.memory_space<hbm>>
      %dma_wait3A_74 = arith.constant 0 : i32
      %dma_wait3A_75 = tpu.memref_slice %arg3[%dma_wait3A_74] : memref<12800000xi32, #tpu.memory_space<hbm>> -> memref<4000xi32, #tpu.memory_space<hbm>>
      tpu.wait_dma2 semaphore(%arg16 : memref<!tpu.dma_semaphore, #tpu.memory_space<semaphore_mem>>) src(%dma_wait3A_75 : memref<4000xi32, #tpu.memory_space<hbm>>) dst(%arg12 : memref<4000xi32, #tpu.memory_space<vmem>>)
      %dma_wait3A_76 = arith.constant 0 : i32
      %dma_wait3A_77 = tpu.memref_slice %arg4[%dma_wait3A_76] : memref<6400000xf32, #tpu.memory_space<hbm>> -> memref<4000xf32, #tpu.memory_space<hbm>>
      %dma_wait3A_78 = arith.constant 0 : i32
      %dma_wait3A_79 = tpu.memref_slice %arg4[%dma_wait3A_78] : memref<6400000xf32, #tpu.memory_space<hbm>> -> memref<4000xf32, #tpu.memory_space<hbm>>
      tpu.wait_dma2 semaphore(%arg16 : memref<!tpu.dma_semaphore, #tpu.memory_space<semaphore_mem>>) src(%dma_wait3A_79 : memref<4000xf32, #tpu.memory_space<hbm>>) dst(%arg13 : memref<4000xf32, #tpu.memory_space<vmem>>)
      %parallel_loop3A_80 = arith.constant 0 : i32
      %parallel_loop3A_81 = arith.constant 250 : i32
      %parallel_loop3A_82 = arith.constant 1 : i32
      scf.for %parallel_loop3A_92 = %parallel_loop3A_80 to %parallel_loop3A_81 step %parallel_loop3A_82  : i32 {
        %parallel_loop3A_93 = arith.constant 16 : i32
        %parallel_loop3A_94 = arith.muli %parallel_loop3A_92, %parallel_loop3A_93 : i32
        %parallel_loop3A_95 = arith.index_cast %parallel_loop3A_94 : i32 to index
        %parallel_loop3A_96 = tpu.vector_load %arg13[%parallel_loop3A_95] {strides = array<i32>} : memref<4000xf32, #tpu.memory_space<vmem>>, vector<16xf32>,
        %parallel_loop3A_97 = math.exp %parallel_loop3A_96 : vector<16xf32>
        %parallel_loop3A_98 = arith.index_cast %parallel_loop3A_94 : i32 to index
        %parallel_loop3A_99 = tpu.vector_load %arg11[%parallel_loop3A_98] {strides = array<i32>} : memref<4000xi32, #tpu.memory_space<vmem>>, vector<16xi32>,
        %parallel_loop3A_100 = tpu.vector_load_idx %arg7[%parallel_loop3A_99] : memref<100000xf32, #tpu.memory_space<vmem>>[vector<16xi32>], vector<16xf32>,
        %parallel_loop3A_101 = arith.mulf %parallel_loop3A_97, %parallel_loop3A_100 : vector<16xf32>
        %parallel_loop3A_102 = arith.index_cast %parallel_loop3A_94 : i32 to index
        %parallel_loop3A_103 = tpu.vector_load %arg13[%parallel_loop3A_102] {strides = array<i32>} : memref<4000xf32, #tpu.memory_space<vmem>>, vector<16xf32>,
        tpu.vector_store %arg13[%parallel_loop3A_102], %parallel_loop3A_101 {strides = array<i32>} : memref<4000xf32, #tpu.memory_space<vmem>>, vector<16xf32>,
      } {sc.loop_unroll_factor = 25 : i64, sc.parallel_access}
      %dma_start3A_83 = arith.constant 0 : i32
      %dma_start3A_84 = tpu.memref_slice %arg14[%dma_start3A_83] : memref<100352xf32, #tpu.memory_space<vmem_shared>> -> memref<100352xf32, #tpu.memory_space<vmem_shared>>
      tpu.enqueue_indirect_dma source(%arg13 : memref<4000xf32, #tpu.memory_space<vmem>>) target(%dma_start3A_84 : memref<100352xf32, #tpu.memory_space<vmem_shared>>) offsets(%arg12 : memref<4000xi32, #tpu.memory_space<vmem>>) semaphore(%arg18 : memref<!tpu.dma_semaphore, #tpu.memory_space<semaphore_mem>>) {add = true}
      %dma_wait3A_85 = arith.constant 0 : i32
      %dma_wait3A_86 = tpu.memref_slice %arg14[%dma_wait3A_85] : memref<100352xf32, #tpu.memory_space<vmem_shared>> -> memref<100352xf32, #tpu.memory_space<vmem_shared>>
      tpu.wait_indirect_dma semaphore(%arg17 : memref<!tpu.dma_semaphore, #tpu.memory_space<semaphore_mem>>) src(%arg10 : memref<4000xf32, #tpu.memory_space<vmem>>) dst(%dma_wait3A_86 : memref<100352xf32, #tpu.memory_space<vmem_shared>>)
      %lt3A = arith.constant 24 : i32
      %lt3A_87 = arith.cmpi slt, %scan3A_46, %lt3A : i32
      %convert_element_type3A_88 = arith.extui %lt3A_87 : i1 to i32
      %cond3A_89 = arith.constant 0 : i32
      %cond3A_90 = arith.cmpi ne, %convert_element_type3A_88, %cond3A_89 : i32
      scf.if %cond3A_90 {
        %mul3A_92 = arith.constant 2 : i32
        %mul3A_93 = arith.muli %mul3A_92, %scan3A_46 : i32
        %add3A_94 = arith.constant 2 : i32
        %add3A_95 = arith.addi %mul3A_93, %add3A_94 : i32
        %mul3A_96 = arith.constant 4000 : i32
        %mul3A_97 = arith.muli %add3A_95, %mul3A_96 : i32
        %add3A_98 = arith.addi %mul3A_2, %mul3A_97 : i32
        %dma_start3A_99 = tpu.memref_slice %arg3[%add3A_98] : memref<12800000xi32, #tpu.memory_space<hbm>> -> memref<4000xi32, #tpu.memory_space<hbm>>
        %dma_start3A_100 = tpu.memref_slice %arg3[%add3A_98] : memref<12800000xi32, #tpu.memory_space<hbm>> -> memref<4000xi32, #tpu.memory_space<hbm>>
        tpu.enqueue_dma source(%dma_start3A_100 : memref<4000xi32, #tpu.memory_space<hbm>>) target(%arg8 : memref<4000xi32, #tpu.memory_space<vmem>>) target_semaphore(%arg15 : memref<!tpu.dma_semaphore, #tpu.memory_space<semaphore_mem>>)
        %add3A_101 = arith.constant 6400000 : i32
        %add3A_102 = arith.addi %add3A_101, %add3A_98 : i32
        %dma_start3A_103 = tpu.memref_slice %arg3[%add3A_102] : memref<12800000xi32, #tpu.memory_space<hbm>> -> memref<4000xi32, #tpu.memory_space<hbm>>
        %dma_start3A_104 = tpu.memref_slice %arg3[%add3A_102] : memref<12800000xi32, #tpu.memory_space<hbm>> -> memref<4000xi32, #tpu.memory_space<hbm>>
        tpu.enqueue_dma source(%dma_start3A_104 : memref<4000xi32, #tpu.memory_space<hbm>>) target(%arg9 : memref<4000xi32, #tpu.memory_space<vmem>>) target_semaphore(%arg15 : memref<!tpu.dma_semaphore, #tpu.memory_space<semaphore_mem>>)
        %dma_start3A_105 = tpu.memref_slice %arg4[%add3A_98] : memref<6400000xf32, #tpu.memory_space<hbm>> -> memref<4000xf32, #tpu.memory_space<hbm>>
        %dma_start3A_106 = tpu.memref_slice %arg4[%add3A_98] : memref<6400000xf32, #tpu.memory_space<hbm>> -> memref<4000xf32, #tpu.memory_space<hbm>>
        tpu.enqueue_dma source(%dma_start3A_106 : memref<4000xf32, #tpu.memory_space<hbm>>) target(%arg10 : memref<4000xf32, #tpu.memory_space<vmem>>) target_semaphore(%arg15 : memref<!tpu.dma_semaphore, #tpu.memory_space<semaphore_mem>>)
      } else {
      }
      %scan3A_91 = arith.constant 0 : i32
      scf.yield %scan3A_91 : i32
    }
    %scan3A_31 = arith.constant 25 : i32
    %dma_wait3A = arith.constant 0 : i32
    %dma_wait3A_32 = tpu.memref_slice %arg14[%dma_wait3A] : memref<100352xf32, #tpu.memory_space<vmem_shared>> -> memref<100352xf32, #tpu.memory_space<vmem_shared>>
    tpu.wait_indirect_dma semaphore(%arg18 : memref<!tpu.dma_semaphore, #tpu.memory_space<semaphore_mem>>) src(%arg13 : memref<4000xf32, #tpu.memory_space<vmem>>) dst(%dma_wait3A_32 : memref<100352xf32, #tpu.memory_space<vmem_shared>>)
    %barrier3A_33 = arith.constant 0 : index
    tpu.barrier barrier_id(%barrier3A_33)
    %mul3A_34 = arith.constant 6272 : i32
    %mul3A_35 = arith.muli %arg1, %mul3A_34 : i32
    %eq3A_36 = arith.constant 0 : i32
    %eq3A_37 = arith.cmpi eq, %arg0, %eq3A_36 : i32
    %convert_element_type3A_38 = arith.extui %eq3A_37 : i1 to i32
    %cond3A_39 = arith.constant 0 : i32
    %cond3A_40 = arith.cmpi ne, %convert_element_type3A_38, %cond3A_39 : i32
    scf.if %cond3A_40 {
      "tpu.region"() ({
        %run_scoped3A = tpu.sem_alloc : memref<!tpu.dma_semaphore, #tpu.memory_space<semaphore_mem>>
        %dma_start3A_46 = tpu.memref_slice %arg5[%mul3A_35] : memref<100352xf32, #tpu.memory_space<hbm>> -> memref<6272xf32, #tpu.memory_space<hbm>>
        %dma_start3A_47 = tpu.memref_slice %arg14[%mul3A_35] : memref<100352xf32, #tpu.memory_space<vmem_shared>> -> memref<6272xf32, #tpu.memory_space<vmem_shared>>
        tpu.enqueue_dma source(%dma_start3A_47 : memref<6272xf32, #tpu.memory_space<vmem_shared>>) target(%dma_start3A_46 : memref<6272xf32, #tpu.memory_space<hbm>>) target_semaphore(%run_scoped3A : memref<!tpu.dma_semaphore, #tpu.memory_space<semaphore_mem>>)
        %dma_wait3A_48 = tpu.memref_slice %arg5[%mul3A_35] : memref<100352xf32, #tpu.memory_space<hbm>> -> memref<6272xf32, #tpu.memory_space<hbm>>
        %dma_wait3A_49 = tpu.memref_slice %arg14[%mul3A_35] : memref<100352xf32, #tpu.memory_space<vmem_shared>> -> memref<6272xf32, #tpu.memory_space<vmem_shared>>
        tpu.wait_dma2 semaphore(%run_scoped3A : memref<!tpu.dma_semaphore, #tpu.memory_space<semaphore_mem>>) src(%dma_wait3A_49 : memref<6272xf32, #tpu.memory_space<vmem_shared>>) dst(%dma_wait3A_48 : memref<6272xf32, #tpu.memory_space<hbm>>)
        tpu.yield
      }) : () -> ()
    } else {
    }
    %eq3A_41 = arith.constant 1 : i32
    %eq3A_42 = arith.cmpi eq, %arg0, %eq3A_41 : i32
    %convert_element_type3A_43 = arith.extui %eq3A_42 : i1 to i32
    %cond3A_44 = arith.constant 0 : i32
    %cond3A_45 = arith.cmpi ne, %convert_element_type3A_43, %cond3A_44 : i32
    scf.if %cond3A_45 {
      "tpu.region"() ({
        %run_scoped3A = tpu.sem_alloc : memref<!tpu.dma_semaphore, #tpu.memory_space<semaphore_mem>>
        %dma_start3A_46 = tpu.memref_slice %arg6[%mul3A_35] : memref<100352xf32, #tpu.memory_space<hbm>> -> memref<6272xf32, #tpu.memory_space<hbm>>
        %dma_start3A_47 = tpu.memref_slice %arg14[%mul3A_35] : memref<100352xf32, #tpu.memory_space<vmem_shared>> -> memref<6272xf32, #tpu.memory_space<vmem_shared>>
        tpu.enqueue_dma source(%dma_start3A_47 : memref<6272xf32, #tpu.memory_space<vmem_shared>>) target(%dma_start3A_46 : memref<6272xf32, #tpu.memory_space<hbm>>) target_semaphore(%run_scoped3A : memref<!tpu.dma_semaphore, #tpu.memory_space<semaphore_mem>>)
        %dma_wait3A_48 = tpu.memref_slice %arg6[%mul3A_35] : memref<100352xf32, #tpu.memory_space<hbm>> -> memref<6272xf32, #tpu.memory_space<hbm>>
        %dma_wait3A_49 = tpu.memref_slice %arg14[%mul3A_35] : memref<100352xf32, #tpu.memory_space<vmem_shared>> -> memref<6272xf32, #tpu.memory_space<vmem_shared>>
        tpu.wait_dma2 semaphore(%run_scoped3A : memref<!tpu.dma_semaphore, #tpu.memory_space<semaphore_mem>>) src(%dma_wait3A_49 : memref<6272xf32, #tpu.memory_space<vmem_shared>>) dst(%dma_wait3A_48 : memref<6272xf32, #tpu.memory_space<hbm>>)
        tpu.yield
      }) : () -> ()
    } else {
    }
    return
  }
}

#map = affine_map<(d0, d1) -> (0)>
module attributes {stable_mosaic.version = 14 : i64} {
  func.func @_hop_body(%arg0: i32, %arg1: i32, %arg2: memref<100352xf32, #tpu.memory_space<hbm>>, %arg3: memref<100352xf32, #tpu.memory_space<hbm>>, %arg4: memref<12800000xi32, #tpu.memory_space<hbm>>, %arg5: memref<6400000xf32, #tpu.memory_space<hbm>>, %arg6: memref<100352xf32, #tpu.memory_space<hbm>>, %arg7: memref<100352xf32, #tpu.memory_space<hbm>>, %arg8: memref<100000xf32, #tpu.memory_space<vmem>>, %arg9: memref<4000xi32, #tpu.memory_space<vmem>>, %arg10: memref<4000xi32, #tpu.memory_space<vmem>>, %arg11: memref<4000xf32, #tpu.memory_space<vmem>>, %arg12: memref<4000xi32, #tpu.memory_space<vmem>>, %arg13: memref<4000xi32, #tpu.memory_space<vmem>>, %arg14: memref<4000xf32, #tpu.memory_space<vmem>>, %arg15: memref<100352xf32, #tpu.memory_space<vmem_shared>>, %arg16: memref<!tpu.dma_semaphore, #tpu.memory_space<semaphore_mem>>, %arg17: memref<!tpu.dma_semaphore, #tpu.memory_space<semaphore_mem>>, %arg18: memref<!tpu.dma_semaphore, #tpu.memory_space<semaphore_mem>>, %arg19: memref<!tpu.dma_semaphore, #tpu.memory_space<semaphore_mem>>) attributes {dimension_semantics = [#tpu.dimension_semantics<core_parallel>, #tpu.dimension_semantics<subcore_parallel>], iteration_bounds = array<i64: 2, 16>, scalar_prefetch = 0 : i64, scratch_operands = 12 : i64, tpu.core_type = #tpu.core_type<sc_vector_subcore>, window_params = [{transform_indices = #map}, {transform_indices = #map}, {transform_indices = #map}, {transform_indices = #map}, {transform_indices = #map}, {transform_indices = #map}]} {
    %mul3A = arith.constant 16 : i32
    %mul3A_0 = arith.muli %arg0, %mul3A : i32
    %add3A = arith.addi %mul3A_0, %arg1 : i32
    %mul3A_1 = arith.constant 200000 : i32
    %mul3A_2 = arith.muli %add3A, %mul3A_1 : i32
    %mul3A_3 = arith.constant 6272 : i32
    %mul3A_4 = arith.muli %arg1, %mul3A_3 : i32
    %add3A_5 = arith.constant 0 : i32
    %add3A_6 = arith.addi %mul3A_4, %add3A_5 : i32
    %dma_start3A = arith.constant 0 : i32
    %dma_start3A_7 = tpu.memref_slice %arg11[%dma_start3A] : memref<4000xf32, #tpu.memory_space<vmem>> -> memref<1568xf32, #tpu.memory_space<vmem>>
    %dma_start3A_8 = tpu.memref_slice %arg2[%add3A_6] : memref<100352xf32, #tpu.memory_space<hbm>> -> memref<1568xf32, #tpu.memory_space<hbm>>
    %dma_start3A_9 = arith.constant 0 : i32
    %dma_start3A_10 = tpu.memref_slice %arg11[%dma_start3A_9] : memref<4000xf32, #tpu.memory_space<vmem>> -> memref<1568xf32, #tpu.memory_space<vmem>>
    %dma_start3A_11 = tpu.memref_slice %arg2[%add3A_6] : memref<100352xf32, #tpu.memory_space<hbm>> -> memref<1568xf32, #tpu.memory_space<hbm>>
    tpu.enqueue_dma source(%dma_start3A_11 : memref<1568xf32, #tpu.memory_space<hbm>>) target(%dma_start3A_10 : memref<1568xf32, #tpu.memory_space<vmem>>) target_semaphore(%arg16 : memref<!tpu.dma_semaphore, #tpu.memory_space<semaphore_mem>>)
    %dma_start3A_12 = arith.constant 0 : i32
    %dma_start3A_13 = tpu.memref_slice %arg14[%dma_start3A_12] : memref<4000xf32, #tpu.memory_space<vmem>> -> memref<1568xf32, #tpu.memory_space<vmem>>
    %dma_start3A_14 = tpu.memref_slice %arg3[%add3A_6] : memref<100352xf32, #tpu.memory_space<hbm>> -> memref<1568xf32, #tpu.memory_space<hbm>>
    %dma_start3A_15 = arith.constant 0 : i32
    %dma_start3A_16 = tpu.memref_slice %arg14[%dma_start3A_15] : memref<4000xf32, #tpu.memory_space<vmem>> -> memref<1568xf32, #tpu.memory_space<vmem>>
    %dma_start3A_17 = tpu.memref_slice %arg3[%add3A_6] : memref<100352xf32, #tpu.memory_space<hbm>> -> memref<1568xf32, #tpu.memory_space<hbm>>
    tpu.enqueue_dma source(%dma_start3A_17 : memref<1568xf32, #tpu.memory_space<hbm>>) target(%dma_start3A_16 : memref<1568xf32, #tpu.memory_space<vmem>>) target_semaphore(%arg17 : memref<!tpu.dma_semaphore, #tpu.memory_space<semaphore_mem>>)
    %dma_wait3A = arith.constant 0 : i32
    %dma_wait3A_18 = tpu.memref_slice %arg11[%dma_wait3A] : memref<4000xf32, #tpu.memory_space<vmem>> -> memref<1568xf32, #tpu.memory_space<vmem>>
    %dma_wait3A_19 = tpu.memref_slice %arg2[%add3A_6] : memref<100352xf32, #tpu.memory_space<hbm>> -> memref<1568xf32, #tpu.memory_space<hbm>>
    %dma_wait3A_20 = arith.constant 0 : i32
    %dma_wait3A_21 = tpu.memref_slice %arg11[%dma_wait3A_20] : memref<4000xf32, #tpu.memory_space<vmem>> -> memref<1568xf32, #tpu.memory_space<vmem>>
    %dma_wait3A_22 = tpu.memref_slice %arg2[%add3A_6] : memref<100352xf32, #tpu.memory_space<hbm>> -> memref<1568xf32, #tpu.memory_space<hbm>>
    tpu.wait_dma2 semaphore(%arg16 : memref<!tpu.dma_semaphore, #tpu.memory_space<semaphore_mem>>) src(%dma_wait3A_22 : memref<1568xf32, #tpu.memory_space<hbm>>) dst(%dma_wait3A_21 : memref<1568xf32, #tpu.memory_space<vmem>>)
    %dma_wait3A_23 = arith.constant 0 : i32
    %dma_wait3A_24 = tpu.memref_slice %arg14[%dma_wait3A_23] : memref<4000xf32, #tpu.memory_space<vmem>> -> memref<1568xf32, #tpu.memory_space<vmem>>
    %dma_wait3A_25 = tpu.memref_slice %arg3[%add3A_6] : memref<100352xf32, #tpu.memory_space<hbm>> -> memref<1568xf32, #tpu.memory_space<hbm>>
    %dma_wait3A_26 = arith.constant 0 : i32
    %dma_wait3A_27 = tpu.memref_slice %arg14[%dma_wait3A_26] : memref<4000xf32, #tpu.memory_space<vmem>> -> memref<1568xf32, #tpu.memory_space<vmem>>
    %dma_wait3A_28 = tpu.memref_slice %arg3[%add3A_6] : memref<100352xf32, #tpu.memory_space<hbm>> -> memref<1568xf32, #tpu.memory_space<hbm>>
    tpu.wait_dma2 semaphore(%arg17 : memref<!tpu.dma_semaphore, #tpu.memory_space<semaphore_mem>>) src(%dma_wait3A_28 : memref<1568xf32, #tpu.memory_space<hbm>>) dst(%dma_wait3A_27 : memref<1568xf32, #tpu.memory_space<vmem>>)
    %scan3A = arith.constant 0 : i32
    %scan3A_29 = arith.constant 0 : i32
    %scan3A_30 = arith.constant 98 : i32
    %scan3A_31 = arith.addi %scan3A_29, %scan3A_30 : i32
    %scan3A_32 = arith.constant 1 : i32
    %scan3A_33 = scf.for %scan3A_184 = %scan3A_29 to %scan3A_31 step %scan3A_32 iter_args(%scan3A_185 = %scan3A) -> (i32)  : i32 {
      %mul3A_186 = arith.constant 16 : i32
      %mul3A_187 = arith.muli %scan3A_184, %mul3A_186 : i32
      %get3A = arith.index_cast %mul3A_187 : i32 to index
      %get3A_188 = tpu.vector_load %arg11[%get3A] {strides = array<i32>} : memref<4000xf32, #tpu.memory_space<vmem>>, vector<16xf32>,
      %get3A_189 = arith.index_cast %mul3A_187 : i32 to index
      %get3A_190 = tpu.vector_load %arg14[%get3A_189] {strides = array<i32>} : memref<4000xf32, #tpu.memory_space<vmem>>, vector<16xf32>,
      %add3A_191 = arith.addf %get3A_188, %get3A_190 : vector<16xf32>
      %swap3A = arith.index_cast %mul3A_187 : i32 to index
      %swap3A_192 = tpu.vector_load %arg11[%swap3A] {strides = array<i32>} : memref<4000xf32, #tpu.memory_space<vmem>>, vector<16xf32>,
      tpu.vector_store %arg11[%swap3A], %add3A_191 {strides = array<i32>} : memref<4000xf32, #tpu.memory_space<vmem>>, vector<16xf32>,
      %scan3A_193 = arith.constant 0 : i32
      scf.yield %scan3A_193 : i32
    }
    %scan3A_34 = arith.constant 98 : i32
    "tpu.region"() ({
      %run_scoped3A = tpu.sem_alloc : memref<!tpu.dma_semaphore, #tpu.memory_space<semaphore_mem>>
      %dma_start3A_184 = arith.constant 0 : i32
      %dma_start3A_185 = tpu.memref_slice %arg11[%dma_start3A_184] : memref<4000xf32, #tpu.memory_space<vmem>> -> memref<1568xf32, #tpu.memory_space<vmem>>
      %dma_start3A_186 = tpu.memref_slice %arg15[%add3A_6] : memref<100352xf32, #tpu.memory_space<vmem_shared>> -> memref<1568xf32, #tpu.memory_space<vmem_shared>>
      %dma_start3A_187 = tpu.memref_slice %arg15[%add3A_6] : memref<100352xf32, #tpu.memory_space<vmem_shared>> -> memref<1568xf32, #tpu.memory_space<vmem_shared>>
      %dma_start3A_188 = arith.constant 0 : i32
      %dma_start3A_189 = tpu.memref_slice %arg11[%dma_start3A_188] : memref<4000xf32, #tpu.memory_space<vmem>> -> memref<1568xf32, #tpu.memory_space<vmem>>
      tpu.enqueue_dma source(%dma_start3A_189 : memref<1568xf32, #tpu.memory_space<vmem>>) target(%dma_start3A_187 : memref<1568xf32, #tpu.memory_space<vmem_shared>>) target_semaphore(%run_scoped3A : memref<!tpu.dma_semaphore, #tpu.memory_space<semaphore_mem>>)
      %dma_wait3A_190 = arith.constant 0 : i32
      %dma_wait3A_191 = tpu.memref_slice %arg11[%dma_wait3A_190] : memref<4000xf32, #tpu.memory_space<vmem>> -> memref<1568xf32, #tpu.memory_space<vmem>>
      %dma_wait3A_192 = tpu.memref_slice %arg15[%add3A_6] : memref<100352xf32, #tpu.memory_space<vmem_shared>> -> memref<1568xf32, #tpu.memory_space<vmem_shared>>
      %dma_wait3A_193 = tpu.memref_slice %arg15[%add3A_6] : memref<100352xf32, #tpu.memory_space<vmem_shared>> -> memref<1568xf32, #tpu.memory_space<vmem_shared>>
      %dma_wait3A_194 = arith.constant 0 : i32
      %dma_wait3A_195 = tpu.memref_slice %arg11[%dma_wait3A_194] : memref<4000xf32, #tpu.memory_space<vmem>> -> memref<1568xf32, #tpu.memory_space<vmem>>
      tpu.wait_dma2 semaphore(%run_scoped3A : memref<!tpu.dma_semaphore, #tpu.memory_space<semaphore_mem>>) src(%dma_wait3A_195 : memref<1568xf32, #tpu.memory_space<vmem>>) dst(%dma_wait3A_193 : memref<1568xf32, #tpu.memory_space<vmem_shared>>)
      tpu.yield
    }) : () -> ()
    %mul3A_35 = arith.constant 6272 : i32
    %mul3A_36 = arith.muli %arg1, %mul3A_35 : i32
    %add3A_37 = arith.constant 1568 : i32
    %add3A_38 = arith.addi %mul3A_36, %add3A_37 : i32
    %dma_start3A_39 = arith.constant 0 : i32
    %dma_start3A_40 = tpu.memref_slice %arg11[%dma_start3A_39] : memref<4000xf32, #tpu.memory_space<vmem>> -> memref<1568xf32, #tpu.memory_space<vmem>>
    %dma_start3A_41 = tpu.memref_slice %arg2[%add3A_38] : memref<100352xf32, #tpu.memory_space<hbm>> -> memref<1568xf32, #tpu.memory_space<hbm>>
    %dma_start3A_42 = arith.constant 0 : i32
    %dma_start3A_43 = tpu.memref_slice %arg11[%dma_start3A_42] : memref<4000xf32, #tpu.memory_space<vmem>> -> memref<1568xf32, #tpu.memory_space<vmem>>
    %dma_start3A_44 = tpu.memref_slice %arg2[%add3A_38] : memref<100352xf32, #tpu.memory_space<hbm>> -> memref<1568xf32, #tpu.memory_space<hbm>>
    tpu.enqueue_dma source(%dma_start3A_44 : memref<1568xf32, #tpu.memory_space<hbm>>) target(%dma_start3A_43 : memref<1568xf32, #tpu.memory_space<vmem>>) target_semaphore(%arg16 : memref<!tpu.dma_semaphore, #tpu.memory_space<semaphore_mem>>)
    %dma_start3A_45 = arith.constant 0 : i32
    %dma_start3A_46 = tpu.memref_slice %arg14[%dma_start3A_45] : memref<4000xf32, #tpu.memory_space<vmem>> -> memref<1568xf32, #tpu.memory_space<vmem>>
    %dma_start3A_47 = tpu.memref_slice %arg3[%add3A_38] : memref<100352xf32, #tpu.memory_space<hbm>> -> memref<1568xf32, #tpu.memory_space<hbm>>
    %dma_start3A_48 = arith.constant 0 : i32
    %dma_start3A_49 = tpu.memref_slice %arg14[%dma_start3A_48] : memref<4000xf32, #tpu.memory_space<vmem>> -> memref<1568xf32, #tpu.memory_space<vmem>>
    %dma_start3A_50 = tpu.memref_slice %arg3[%add3A_38] : memref<100352xf32, #tpu.memory_space<hbm>> -> memref<1568xf32, #tpu.memory_space<hbm>>
    tpu.enqueue_dma source(%dma_start3A_50 : memref<1568xf32, #tpu.memory_space<hbm>>) target(%dma_start3A_49 : memref<1568xf32, #tpu.memory_space<vmem>>) target_semaphore(%arg17 : memref<!tpu.dma_semaphore, #tpu.memory_space<semaphore_mem>>)
    %dma_wait3A_51 = arith.constant 0 : i32
    %dma_wait3A_52 = tpu.memref_slice %arg11[%dma_wait3A_51] : memref<4000xf32, #tpu.memory_space<vmem>> -> memref<1568xf32, #tpu.memory_space<vmem>>
    %dma_wait3A_53 = tpu.memref_slice %arg2[%add3A_38] : memref<100352xf32, #tpu.memory_space<hbm>> -> memref<1568xf32, #tpu.memory_space<hbm>>
    %dma_wait3A_54 = arith.constant 0 : i32
    %dma_wait3A_55 = tpu.memref_slice %arg11[%dma_wait3A_54] : memref<4000xf32, #tpu.memory_space<vmem>> -> memref<1568xf32, #tpu.memory_space<vmem>>
    %dma_wait3A_56 = tpu.memref_slice %arg2[%add3A_38] : memref<100352xf32, #tpu.memory_space<hbm>> -> memref<1568xf32, #tpu.memory_space<hbm>>
    tpu.wait_dma2 semaphore(%arg16 : memref<!tpu.dma_semaphore, #tpu.memory_space<semaphore_mem>>) src(%dma_wait3A_56 : memref<1568xf32, #tpu.memory_space<hbm>>) dst(%dma_wait3A_55 : memref<1568xf32, #tpu.memory_space<vmem>>)
    %dma_wait3A_57 = arith.constant 0 : i32
    %dma_wait3A_58 = tpu.memref_slice %arg14[%dma_wait3A_57] : memref<4000xf32, #tpu.memory_space<vmem>> -> memref<1568xf32, #tpu.memory_space<vmem>>
    %dma_wait3A_59 = tpu.memref_slice %arg3[%add3A_38] : memref<100352xf32, #tpu.memory_space<hbm>> -> memref<1568xf32, #tpu.memory_space<hbm>>
    %dma_wait3A_60 = arith.constant 0 : i32
    %dma_wait3A_61 = tpu.memref_slice %arg14[%dma_wait3A_60] : memref<4000xf32, #tpu.memory_space<vmem>> -> memref<1568xf32, #tpu.memory_space<vmem>>
    %dma_wait3A_62 = tpu.memref_slice %arg3[%add3A_38] : memref<100352xf32, #tpu.memory_space<hbm>> -> memref<1568xf32, #tpu.memory_space<hbm>>
    tpu.wait_dma2 semaphore(%arg17 : memref<!tpu.dma_semaphore, #tpu.memory_space<semaphore_mem>>) src(%dma_wait3A_62 : memref<1568xf32, #tpu.memory_space<hbm>>) dst(%dma_wait3A_61 : memref<1568xf32, #tpu.memory_space<vmem>>)
    %scan3A_63 = arith.constant 0 : i32
    %scan3A_64 = arith.constant 0 : i32
    %scan3A_65 = arith.constant 98 : i32
    %scan3A_66 = arith.addi %scan3A_64, %scan3A_65 : i32
    %scan3A_67 = arith.constant 1 : i32
    %scan3A_68 = scf.for %scan3A_184 = %scan3A_64 to %scan3A_66 step %scan3A_67 iter_args(%scan3A_185 = %scan3A_63) -> (i32)  : i32 {
      %mul3A_186 = arith.constant 16 : i32
      %mul3A_187 = arith.muli %scan3A_184, %mul3A_186 : i32
      %get3A = arith.index_cast %mul3A_187 : i32 to index
      %get3A_188 = tpu.vector_load %arg11[%get3A] {strides = array<i32>} : memref<4000xf32, #tpu.memory_space<vmem>>, vector<16xf32>,
      %get3A_189 = arith.index_cast %mul3A_187 : i32 to index
      %get3A_190 = tpu.vector_load %arg14[%get3A_189] {strides = array<i32>} : memref<4000xf32, #tpu.memory_space<vmem>>, vector<16xf32>,
      %add3A_191 = arith.addf %get3A_188, %get3A_190 : vector<16xf32>
      %swap3A = arith.index_cast %mul3A_187 : i32 to index
      %swap3A_192 = tpu.vector_load %arg11[%swap3A] {strides = array<i32>} : memref<4000xf32, #tpu.memory_space<vmem>>, vector<16xf32>,
      tpu.vector_store %arg11[%swap3A], %add3A_191 {strides = array<i32>} : memref<4000xf32, #tpu.memory_space<vmem>>, vector<16xf32>,
      %scan3A_193 = arith.constant 0 : i32
      scf.yield %scan3A_193 : i32
    }
    %scan3A_69 = arith.constant 98 : i32
    "tpu.region"() ({
      %run_scoped3A = tpu.sem_alloc : memref<!tpu.dma_semaphore, #tpu.memory_space<semaphore_mem>>
      %dma_start3A_184 = arith.constant 0 : i32
      %dma_start3A_185 = tpu.memref_slice %arg11[%dma_start3A_184] : memref<4000xf32, #tpu.memory_space<vmem>> -> memref<1568xf32, #tpu.memory_space<vmem>>
      %dma_start3A_186 = tpu.memref_slice %arg15[%add3A_38] : memref<100352xf32, #tpu.memory_space<vmem_shared>> -> memref<1568xf32, #tpu.memory_space<vmem_shared>>
      %dma_start3A_187 = tpu.memref_slice %arg15[%add3A_38] : memref<100352xf32, #tpu.memory_space<vmem_shared>> -> memref<1568xf32, #tpu.memory_space<vmem_shared>>
      %dma_start3A_188 = arith.constant 0 : i32
      %dma_start3A_189 = tpu.memref_slice %arg11[%dma_start3A_188] : memref<4000xf32, #tpu.memory_space<vmem>> -> memref<1568xf32, #tpu.memory_space<vmem>>
      tpu.enqueue_dma source(%dma_start3A_189 : memref<1568xf32, #tpu.memory_space<vmem>>) target(%dma_start3A_187 : memref<1568xf32, #tpu.memory_space<vmem_shared>>) target_semaphore(%run_scoped3A : memref<!tpu.dma_semaphore, #tpu.memory_space<semaphore_mem>>)
      %dma_wait3A_190 = arith.constant 0 : i32
      %dma_wait3A_191 = tpu.memref_slice %arg11[%dma_wait3A_190] : memref<4000xf32, #tpu.memory_space<vmem>> -> memref<1568xf32, #tpu.memory_space<vmem>>
      %dma_wait3A_192 = tpu.memref_slice %arg15[%add3A_38] : memref<100352xf32, #tpu.memory_space<vmem_shared>> -> memref<1568xf32, #tpu.memory_space<vmem_shared>>
      %dma_wait3A_193 = tpu.memref_slice %arg15[%add3A_38] : memref<100352xf32, #tpu.memory_space<vmem_shared>> -> memref<1568xf32, #tpu.memory_space<vmem_shared>>
      %dma_wait3A_194 = arith.constant 0 : i32
      %dma_wait3A_195 = tpu.memref_slice %arg11[%dma_wait3A_194] : memref<4000xf32, #tpu.memory_space<vmem>> -> memref<1568xf32, #tpu.memory_space<vmem>>
      tpu.wait_dma2 semaphore(%run_scoped3A : memref<!tpu.dma_semaphore, #tpu.memory_space<semaphore_mem>>) src(%dma_wait3A_195 : memref<1568xf32, #tpu.memory_space<vmem>>) dst(%dma_wait3A_193 : memref<1568xf32, #tpu.memory_space<vmem_shared>>)
      tpu.yield
    }) : () -> ()
    %mul3A_70 = arith.constant 6272 : i32
    %mul3A_71 = arith.muli %arg1, %mul3A_70 : i32
    %add3A_72 = arith.constant 3136 : i32
    %add3A_73 = arith.addi %mul3A_71, %add3A_72 : i32
    %dma_start3A_74 = arith.constant 0 : i32
    %dma_start3A_75 = tpu.memref_slice %arg11[%dma_start3A_74] : memref<4000xf32, #tpu.memory_space<vmem>> -> memref<1568xf32, #tpu.memory_space<vmem>>
    %dma_start3A_76 = tpu.memref_slice %arg2[%add3A_73] : memref<100352xf32, #tpu.memory_space<hbm>> -> memref<1568xf32, #tpu.memory_space<hbm>>
    %dma_start3A_77 = arith.constant 0 : i32
    %dma_start3A_78 = tpu.memref_slice %arg11[%dma_start3A_77] : memref<4000xf32, #tpu.memory_space<vmem>> -> memref<1568xf32, #tpu.memory_space<vmem>>
    %dma_start3A_79 = tpu.memref_slice %arg2[%add3A_73] : memref<100352xf32, #tpu.memory_space<hbm>> -> memref<1568xf32, #tpu.memory_space<hbm>>
    tpu.enqueue_dma source(%dma_start3A_79 : memref<1568xf32, #tpu.memory_space<hbm>>) target(%dma_start3A_78 : memref<1568xf32, #tpu.memory_space<vmem>>) target_semaphore(%arg16 : memref<!tpu.dma_semaphore, #tpu.memory_space<semaphore_mem>>)
    %dma_start3A_80 = arith.constant 0 : i32
    %dma_start3A_81 = tpu.memref_slice %arg14[%dma_start3A_80] : memref<4000xf32, #tpu.memory_space<vmem>> -> memref<1568xf32, #tpu.memory_space<vmem>>
    %dma_start3A_82 = tpu.memref_slice %arg3[%add3A_73] : memref<100352xf32, #tpu.memory_space<hbm>> -> memref<1568xf32, #tpu.memory_space<hbm>>
    %dma_start3A_83 = arith.constant 0 : i32
    %dma_start3A_84 = tpu.memref_slice %arg14[%dma_start3A_83] : memref<4000xf32, #tpu.memory_space<vmem>> -> memref<1568xf32, #tpu.memory_space<vmem>>
    %dma_start3A_85 = tpu.memref_slice %arg3[%add3A_73] : memref<100352xf32, #tpu.memory_space<hbm>> -> memref<1568xf32, #tpu.memory_space<hbm>>
    tpu.enqueue_dma source(%dma_start3A_85 : memref<1568xf32, #tpu.memory_space<hbm>>) target(%dma_start3A_84 : memref<1568xf32, #tpu.memory_space<vmem>>) target_semaphore(%arg17 : memref<!tpu.dma_semaphore, #tpu.memory_space<semaphore_mem>>)
    %dma_wait3A_86 = arith.constant 0 : i32
    %dma_wait3A_87 = tpu.memref_slice %arg11[%dma_wait3A_86] : memref<4000xf32, #tpu.memory_space<vmem>> -> memref<1568xf32, #tpu.memory_space<vmem>>
    %dma_wait3A_88 = tpu.memref_slice %arg2[%add3A_73] : memref<100352xf32, #tpu.memory_space<hbm>> -> memref<1568xf32, #tpu.memory_space<hbm>>
    %dma_wait3A_89 = arith.constant 0 : i32
    %dma_wait3A_90 = tpu.memref_slice %arg11[%dma_wait3A_89] : memref<4000xf32, #tpu.memory_space<vmem>> -> memref<1568xf32, #tpu.memory_space<vmem>>
    %dma_wait3A_91 = tpu.memref_slice %arg2[%add3A_73] : memref<100352xf32, #tpu.memory_space<hbm>> -> memref<1568xf32, #tpu.memory_space<hbm>>
    tpu.wait_dma2 semaphore(%arg16 : memref<!tpu.dma_semaphore, #tpu.memory_space<semaphore_mem>>) src(%dma_wait3A_91 : memref<1568xf32, #tpu.memory_space<hbm>>) dst(%dma_wait3A_90 : memref<1568xf32, #tpu.memory_space<vmem>>)
    %dma_wait3A_92 = arith.constant 0 : i32
    %dma_wait3A_93 = tpu.memref_slice %arg14[%dma_wait3A_92] : memref<4000xf32, #tpu.memory_space<vmem>> -> memref<1568xf32, #tpu.memory_space<vmem>>
    %dma_wait3A_94 = tpu.memref_slice %arg3[%add3A_73] : memref<100352xf32, #tpu.memory_space<hbm>> -> memref<1568xf32, #tpu.memory_space<hbm>>
    %dma_wait3A_95 = arith.constant 0 : i32
    %dma_wait3A_96 = tpu.memref_slice %arg14[%dma_wait3A_95] : memref<4000xf32, #tpu.memory_space<vmem>> -> memref<1568xf32, #tpu.memory_space<vmem>>
    %dma_wait3A_97 = tpu.memref_slice %arg3[%add3A_73] : memref<100352xf32, #tpu.memory_space<hbm>> -> memref<1568xf32, #tpu.memory_space<hbm>>
    tpu.wait_dma2 semaphore(%arg17 : memref<!tpu.dma_semaphore, #tpu.memory_space<semaphore_mem>>) src(%dma_wait3A_97 : memref<1568xf32, #tpu.memory_space<hbm>>) dst(%dma_wait3A_96 : memref<1568xf32, #tpu.memory_space<vmem>>)
    %scan3A_98 = arith.constant 0 : i32
    %scan3A_99 = arith.constant 0 : i32
    %scan3A_100 = arith.constant 98 : i32
    %scan3A_101 = arith.addi %scan3A_99, %scan3A_100 : i32
    %scan3A_102 = arith.constant 1 : i32
    %scan3A_103 = scf.for %scan3A_184 = %scan3A_99 to %scan3A_101 step %scan3A_102 iter_args(%scan3A_185 = %scan3A_98) -> (i32)  : i32 {
      %mul3A_186 = arith.constant 16 : i32
      %mul3A_187 = arith.muli %scan3A_184, %mul3A_186 : i32
      %get3A = arith.index_cast %mul3A_187 : i32 to index
      %get3A_188 = tpu.vector_load %arg11[%get3A] {strides = array<i32>} : memref<4000xf32, #tpu.memory_space<vmem>>, vector<16xf32>,
      %get3A_189 = arith.index_cast %mul3A_187 : i32 to index
      %get3A_190 = tpu.vector_load %arg14[%get3A_189] {strides = array<i32>} : memref<4000xf32, #tpu.memory_space<vmem>>, vector<16xf32>,
      %add3A_191 = arith.addf %get3A_188, %get3A_190 : vector<16xf32>
      %swap3A = arith.index_cast %mul3A_187 : i32 to index
      %swap3A_192 = tpu.vector_load %arg11[%swap3A] {strides = array<i32>} : memref<4000xf32, #tpu.memory_space<vmem>>, vector<16xf32>,
      tpu.vector_store %arg11[%swap3A], %add3A_191 {strides = array<i32>} : memref<4000xf32, #tpu.memory_space<vmem>>, vector<16xf32>,
      %scan3A_193 = arith.constant 0 : i32
      scf.yield %scan3A_193 : i32
    }
    %scan3A_104 = arith.constant 98 : i32
    "tpu.region"() ({
      %run_scoped3A = tpu.sem_alloc : memref<!tpu.dma_semaphore, #tpu.memory_space<semaphore_mem>>
      %dma_start3A_184 = arith.constant 0 : i32
      %dma_start3A_185 = tpu.memref_slice %arg11[%dma_start3A_184] : memref<4000xf32, #tpu.memory_space<vmem>> -> memref<1568xf32, #tpu.memory_space<vmem>>
      %dma_start3A_186 = tpu.memref_slice %arg15[%add3A_73] : memref<100352xf32, #tpu.memory_space<vmem_shared>> -> memref<1568xf32, #tpu.memory_space<vmem_shared>>
      %dma_start3A_187 = tpu.memref_slice %arg15[%add3A_73] : memref<100352xf32, #tpu.memory_space<vmem_shared>> -> memref<1568xf32, #tpu.memory_space<vmem_shared>>
      %dma_start3A_188 = arith.constant 0 : i32
      %dma_start3A_189 = tpu.memref_slice %arg11[%dma_start3A_188] : memref<4000xf32, #tpu.memory_space<vmem>> -> memref<1568xf32, #tpu.memory_space<vmem>>
      tpu.enqueue_dma source(%dma_start3A_189 : memref<1568xf32, #tpu.memory_space<vmem>>) target(%dma_start3A_187 : memref<1568xf32, #tpu.memory_space<vmem_shared>>) target_semaphore(%run_scoped3A : memref<!tpu.dma_semaphore, #tpu.memory_space<semaphore_mem>>)
      %dma_wait3A_190 = arith.constant 0 : i32
      %dma_wait3A_191 = tpu.memref_slice %arg11[%dma_wait3A_190] : memref<4000xf32, #tpu.memory_space<vmem>> -> memref<1568xf32, #tpu.memory_space<vmem>>
      %dma_wait3A_192 = tpu.memref_slice %arg15[%add3A_73] : memref<100352xf32, #tpu.memory_space<vmem_shared>> -> memref<1568xf32, #tpu.memory_space<vmem_shared>>
      %dma_wait3A_193 = tpu.memref_slice %arg15[%add3A_73] : memref<100352xf32, #tpu.memory_space<vmem_shared>> -> memref<1568xf32, #tpu.memory_space<vmem_shared>>
      %dma_wait3A_194 = arith.constant 0 : i32
      %dma_wait3A_195 = tpu.memref_slice %arg11[%dma_wait3A_194] : memref<4000xf32, #tpu.memory_space<vmem>> -> memref<1568xf32, #tpu.memory_space<vmem>>
      tpu.wait_dma2 semaphore(%run_scoped3A : memref<!tpu.dma_semaphore, #tpu.memory_space<semaphore_mem>>) src(%dma_wait3A_195 : memref<1568xf32, #tpu.memory_space<vmem>>) dst(%dma_wait3A_193 : memref<1568xf32, #tpu.memory_space<vmem_shared>>)
      tpu.yield
    }) : () -> ()
    %mul3A_105 = arith.constant 6272 : i32
    %mul3A_106 = arith.muli %arg1, %mul3A_105 : i32
    %add3A_107 = arith.constant 4704 : i32
    %add3A_108 = arith.addi %mul3A_106, %add3A_107 : i32
    %dma_start3A_109 = arith.constant 0 : i32
    %dma_start3A_110 = tpu.memref_slice %arg11[%dma_start3A_109] : memref<4000xf32, #tpu.memory_space<vmem>> -> memref<1568xf32, #tpu.memory_space<vmem>>
    %dma_start3A_111 = tpu.memref_slice %arg2[%add3A_108] : memref<100352xf32, #tpu.memory_space<hbm>> -> memref<1568xf32, #tpu.memory_space<hbm>>
    %dma_start3A_112 = arith.constant 0 : i32
    %dma_start3A_113 = tpu.memref_slice %arg11[%dma_start3A_112] : memref<4000xf32, #tpu.memory_space<vmem>> -> memref<1568xf32, #tpu.memory_space<vmem>>
    %dma_start3A_114 = tpu.memref_slice %arg2[%add3A_108] : memref<100352xf32, #tpu.memory_space<hbm>> -> memref<1568xf32, #tpu.memory_space<hbm>>
    tpu.enqueue_dma source(%dma_start3A_114 : memref<1568xf32, #tpu.memory_space<hbm>>) target(%dma_start3A_113 : memref<1568xf32, #tpu.memory_space<vmem>>) target_semaphore(%arg16 : memref<!tpu.dma_semaphore, #tpu.memory_space<semaphore_mem>>)
    %dma_start3A_115 = arith.constant 0 : i32
    %dma_start3A_116 = tpu.memref_slice %arg14[%dma_start3A_115] : memref<4000xf32, #tpu.memory_space<vmem>> -> memref<1568xf32, #tpu.memory_space<vmem>>
    %dma_start3A_117 = tpu.memref_slice %arg3[%add3A_108] : memref<100352xf32, #tpu.memory_space<hbm>> -> memref<1568xf32, #tpu.memory_space<hbm>>
    %dma_start3A_118 = arith.constant 0 : i32
    %dma_start3A_119 = tpu.memref_slice %arg14[%dma_start3A_118] : memref<4000xf32, #tpu.memory_space<vmem>> -> memref<1568xf32, #tpu.memory_space<vmem>>
    %dma_start3A_120 = tpu.memref_slice %arg3[%add3A_108] : memref<100352xf32, #tpu.memory_space<hbm>> -> memref<1568xf32, #tpu.memory_space<hbm>>
    tpu.enqueue_dma source(%dma_start3A_120 : memref<1568xf32, #tpu.memory_space<hbm>>) target(%dma_start3A_119 : memref<1568xf32, #tpu.memory_space<vmem>>) target_semaphore(%arg17 : memref<!tpu.dma_semaphore, #tpu.memory_space<semaphore_mem>>)
    %dma_wait3A_121 = arith.constant 0 : i32
    %dma_wait3A_122 = tpu.memref_slice %arg11[%dma_wait3A_121] : memref<4000xf32, #tpu.memory_space<vmem>> -> memref<1568xf32, #tpu.memory_space<vmem>>
    %dma_wait3A_123 = tpu.memref_slice %arg2[%add3A_108] : memref<100352xf32, #tpu.memory_space<hbm>> -> memref<1568xf32, #tpu.memory_space<hbm>>
    %dma_wait3A_124 = arith.constant 0 : i32
    %dma_wait3A_125 = tpu.memref_slice %arg11[%dma_wait3A_124] : memref<4000xf32, #tpu.memory_space<vmem>> -> memref<1568xf32, #tpu.memory_space<vmem>>
    %dma_wait3A_126 = tpu.memref_slice %arg2[%add3A_108] : memref<100352xf32, #tpu.memory_space<hbm>> -> memref<1568xf32, #tpu.memory_space<hbm>>
    tpu.wait_dma2 semaphore(%arg16 : memref<!tpu.dma_semaphore, #tpu.memory_space<semaphore_mem>>) src(%dma_wait3A_126 : memref<1568xf32, #tpu.memory_space<hbm>>) dst(%dma_wait3A_125 : memref<1568xf32, #tpu.memory_space<vmem>>)
    %dma_wait3A_127 = arith.constant 0 : i32
    %dma_wait3A_128 = tpu.memref_slice %arg14[%dma_wait3A_127] : memref<4000xf32, #tpu.memory_space<vmem>> -> memref<1568xf32, #tpu.memory_space<vmem>>
    %dma_wait3A_129 = tpu.memref_slice %arg3[%add3A_108] : memref<100352xf32, #tpu.memory_space<hbm>> -> memref<1568xf32, #tpu.memory_space<hbm>>
    %dma_wait3A_130 = arith.constant 0 : i32
    %dma_wait3A_131 = tpu.memref_slice %arg14[%dma_wait3A_130] : memref<4000xf32, #tpu.memory_space<vmem>> -> memref<1568xf32, #tpu.memory_space<vmem>>
    %dma_wait3A_132 = tpu.memref_slice %arg3[%add3A_108] : memref<100352xf32, #tpu.memory_space<hbm>> -> memref<1568xf32, #tpu.memory_space<hbm>>
    tpu.wait_dma2 semaphore(%arg17 : memref<!tpu.dma_semaphore, #tpu.memory_space<semaphore_mem>>) src(%dma_wait3A_132 : memref<1568xf32, #tpu.memory_space<hbm>>) dst(%dma_wait3A_131 : memref<1568xf32, #tpu.memory_space<vmem>>)
    %scan3A_133 = arith.constant 0 : i32
    %scan3A_134 = arith.constant 0 : i32
    %scan3A_135 = arith.constant 98 : i32
    %scan3A_136 = arith.addi %scan3A_134, %scan3A_135 : i32
    %scan3A_137 = arith.constant 1 : i32
    %scan3A_138 = scf.for %scan3A_184 = %scan3A_134 to %scan3A_136 step %scan3A_137 iter_args(%scan3A_185 = %scan3A_133) -> (i32)  : i32 {
      %mul3A_186 = arith.constant 16 : i32
      %mul3A_187 = arith.muli %scan3A_184, %mul3A_186 : i32
      %get3A = arith.index_cast %mul3A_187 : i32 to index
      %get3A_188 = tpu.vector_load %arg11[%get3A] {strides = array<i32>} : memref<4000xf32, #tpu.memory_space<vmem>>, vector<16xf32>,
      %get3A_189 = arith.index_cast %mul3A_187 : i32 to index
      %get3A_190 = tpu.vector_load %arg14[%get3A_189] {strides = array<i32>} : memref<4000xf32, #tpu.memory_space<vmem>>, vector<16xf32>,
      %add3A_191 = arith.addf %get3A_188, %get3A_190 : vector<16xf32>
      %swap3A = arith.index_cast %mul3A_187 : i32 to index
      %swap3A_192 = tpu.vector_load %arg11[%swap3A] {strides = array<i32>} : memref<4000xf32, #tpu.memory_space<vmem>>, vector<16xf32>,
      tpu.vector_store %arg11[%swap3A], %add3A_191 {strides = array<i32>} : memref<4000xf32, #tpu.memory_space<vmem>>, vector<16xf32>,
      %scan3A_193 = arith.constant 0 : i32
      scf.yield %scan3A_193 : i32
    }
    %scan3A_139 = arith.constant 98 : i32
    "tpu.region"() ({
      %run_scoped3A = tpu.sem_alloc : memref<!tpu.dma_semaphore, #tpu.memory_space<semaphore_mem>>
      %dma_start3A_184 = arith.constant 0 : i32
      %dma_start3A_185 = tpu.memref_slice %arg11[%dma_start3A_184] : memref<4000xf32, #tpu.memory_space<vmem>> -> memref<1568xf32, #tpu.memory_space<vmem>>
      %dma_start3A_186 = tpu.memref_slice %arg15[%add3A_108] : memref<100352xf32, #tpu.memory_space<vmem_shared>> -> memref<1568xf32, #tpu.memory_space<vmem_shared>>
      %dma_start3A_187 = tpu.memref_slice %arg15[%add3A_108] : memref<100352xf32, #tpu.memory_space<vmem_shared>> -> memref<1568xf32, #tpu.memory_space<vmem_shared>>
      %dma_start3A_188 = arith.constant 0 : i32
      %dma_start3A_189 = tpu.memref_slice %arg11[%dma_start3A_188] : memref<4000xf32, #tpu.memory_space<vmem>> -> memref<1568xf32, #tpu.memory_space<vmem>>
      tpu.enqueue_dma source(%dma_start3A_189 : memref<1568xf32, #tpu.memory_space<vmem>>) target(%dma_start3A_187 : memref<1568xf32, #tpu.memory_space<vmem_shared>>) target_semaphore(%run_scoped3A : memref<!tpu.dma_semaphore, #tpu.memory_space<semaphore_mem>>)
      %dma_wait3A_190 = arith.constant 0 : i32
      %dma_wait3A_191 = tpu.memref_slice %arg11[%dma_wait3A_190] : memref<4000xf32, #tpu.memory_space<vmem>> -> memref<1568xf32, #tpu.memory_space<vmem>>
      %dma_wait3A_192 = tpu.memref_slice %arg15[%add3A_108] : memref<100352xf32, #tpu.memory_space<vmem_shared>> -> memref<1568xf32, #tpu.memory_space<vmem_shared>>
      %dma_wait3A_193 = tpu.memref_slice %arg15[%add3A_108] : memref<100352xf32, #tpu.memory_space<vmem_shared>> -> memref<1568xf32, #tpu.memory_space<vmem_shared>>
      %dma_wait3A_194 = arith.constant 0 : i32
      %dma_wait3A_195 = tpu.memref_slice %arg11[%dma_wait3A_194] : memref<4000xf32, #tpu.memory_space<vmem>> -> memref<1568xf32, #tpu.memory_space<vmem>>
      tpu.wait_dma2 semaphore(%run_scoped3A : memref<!tpu.dma_semaphore, #tpu.memory_space<semaphore_mem>>) src(%dma_wait3A_195 : memref<1568xf32, #tpu.memory_space<vmem>>) dst(%dma_wait3A_193 : memref<1568xf32, #tpu.memory_space<vmem_shared>>)
      tpu.yield
    }) : () -> ()
    %dma_start3A_140 = tpu.memref_slice %arg4[%mul3A_2] : memref<12800000xi32, #tpu.memory_space<hbm>> -> memref<4000xi32, #tpu.memory_space<hbm>>
    %dma_start3A_141 = tpu.memref_slice %arg4[%mul3A_2] : memref<12800000xi32, #tpu.memory_space<hbm>> -> memref<4000xi32, #tpu.memory_space<hbm>>
    tpu.enqueue_dma source(%dma_start3A_141 : memref<4000xi32, #tpu.memory_space<hbm>>) target(%arg9 : memref<4000xi32, #tpu.memory_space<vmem>>) target_semaphore(%arg16 : memref<!tpu.dma_semaphore, #tpu.memory_space<semaphore_mem>>)
    %add3A_142 = arith.constant 6400000 : i32
    %add3A_143 = arith.addi %add3A_142, %mul3A_2 : i32
    %dma_start3A_144 = tpu.memref_slice %arg4[%add3A_143] : memref<12800000xi32, #tpu.memory_space<hbm>> -> memref<4000xi32, #tpu.memory_space<hbm>>
    %dma_start3A_145 = tpu.memref_slice %arg4[%add3A_143] : memref<12800000xi32, #tpu.memory_space<hbm>> -> memref<4000xi32, #tpu.memory_space<hbm>>
    tpu.enqueue_dma source(%dma_start3A_145 : memref<4000xi32, #tpu.memory_space<hbm>>) target(%arg10 : memref<4000xi32, #tpu.memory_space<vmem>>) target_semaphore(%arg16 : memref<!tpu.dma_semaphore, #tpu.memory_space<semaphore_mem>>)
    %dma_start3A_146 = tpu.memref_slice %arg5[%mul3A_2] : memref<6400000xf32, #tpu.memory_space<hbm>> -> memref<4000xf32, #tpu.memory_space<hbm>>
    %dma_start3A_147 = tpu.memref_slice %arg5[%mul3A_2] : memref<6400000xf32, #tpu.memory_space<hbm>> -> memref<4000xf32, #tpu.memory_space<hbm>>
    tpu.enqueue_dma source(%dma_start3A_147 : memref<4000xf32, #tpu.memory_space<hbm>>) target(%arg11 : memref<4000xf32, #tpu.memory_space<vmem>>) target_semaphore(%arg16 : memref<!tpu.dma_semaphore, #tpu.memory_space<semaphore_mem>>)
    %barrier3A = arith.constant 0 : index
    tpu.barrier barrier_id(%barrier3A)
    "tpu.region"() ({
      %run_scoped3A = tpu.sem_alloc : memref<!tpu.dma_semaphore, #tpu.memory_space<semaphore_mem>>
      %dma_start3A_184 = arith.constant 0 : i32
      %dma_start3A_185 = tpu.memref_slice %arg15[%dma_start3A_184] : memref<100352xf32, #tpu.memory_space<vmem_shared>> -> memref<100000xf32, #tpu.memory_space<vmem_shared>>
      %dma_start3A_186 = arith.constant 0 : i32
      %dma_start3A_187 = tpu.memref_slice %arg15[%dma_start3A_186] : memref<100352xf32, #tpu.memory_space<vmem_shared>> -> memref<100000xf32, #tpu.memory_space<vmem_shared>>
      tpu.enqueue_dma source(%dma_start3A_187 : memref<100000xf32, #tpu.memory_space<vmem_shared>>) target(%arg8 : memref<100000xf32, #tpu.memory_space<vmem>>) target_semaphore(%run_scoped3A : memref<!tpu.dma_semaphore, #tpu.memory_space<semaphore_mem>>)
      %dma_wait3A_188 = arith.constant 0 : i32
      %dma_wait3A_189 = tpu.memref_slice %arg15[%dma_wait3A_188] : memref<100352xf32, #tpu.memory_space<vmem_shared>> -> memref<100000xf32, #tpu.memory_space<vmem_shared>>
      %dma_wait3A_190 = arith.constant 0 : i32
      %dma_wait3A_191 = tpu.memref_slice %arg15[%dma_wait3A_190] : memref<100352xf32, #tpu.memory_space<vmem_shared>> -> memref<100000xf32, #tpu.memory_space<vmem_shared>>
      tpu.wait_dma2 semaphore(%run_scoped3A : memref<!tpu.dma_semaphore, #tpu.memory_space<semaphore_mem>>) src(%dma_wait3A_191 : memref<100000xf32, #tpu.memory_space<vmem_shared>>) dst(%arg8 : memref<100000xf32, #tpu.memory_space<vmem>>)
      tpu.yield
    }) : () -> ()
    %barrier3A_148 = arith.constant 0 : index
    tpu.barrier barrier_id(%barrier3A_148)
    %eq3A = arith.constant 1 : i32
    %eq3A_149 = arith.cmpi eq, %arg0, %eq3A : i32
    %convert_element_type3A = arith.extui %eq3A_149 : i1 to i32
    %cond3A = arith.constant 0 : i32
    %cond3A_150 = arith.cmpi ne, %convert_element_type3A, %cond3A : i32
    scf.if %cond3A_150 {
      %scan3A_184 = arith.constant 0 : i32
      %scan3A_185 = arith.constant 0 : i32
      %scan3A_186 = arith.constant 98 : i32
      %scan3A_187 = arith.addi %scan3A_185, %scan3A_186 : i32
      %scan3A_188 = arith.constant 1 : i32
      %scan3A_189 = scf.for %scan3A_207 = %scan3A_185 to %scan3A_187 step %scan3A_188 iter_args(%scan3A_208 = %scan3A_184) -> (i32)  : i32 {
        %broadcast_in_dim3A = arith.constant 0.000000e+00 : f32
        %broadcast_in_dim3A_209 = vector.broadcast %broadcast_in_dim3A : f32 to vector<16xf32>
        %mul3A_210 = arith.constant 16 : i32
        %mul3A_211 = arith.muli %scan3A_207, %mul3A_210 : i32
        %swap3A = arith.index_cast %mul3A_211 : i32 to index
        %swap3A_212 = tpu.vector_load %arg14[%swap3A] {strides = array<i32>} : memref<4000xf32, #tpu.memory_space<vmem>>, vector<16xf32>,
        tpu.vector_store %arg14[%swap3A], %broadcast_in_dim3A_209 {strides = array<i32>} : memref<4000xf32, #tpu.memory_space<vmem>>, vector<16xf32>,
        %scan3A_213 = arith.constant 0 : i32
        scf.yield %scan3A_213 : i32
      }
      %scan3A_190 = arith.constant 98 : i32
      %mul3A_191 = arith.constant 6272 : i32
      %mul3A_192 = arith.muli %arg1, %mul3A_191 : i32
      %add3A_193 = arith.constant 0 : i32
      %add3A_194 = arith.addi %mul3A_192, %add3A_193 : i32
      "tpu.region"() ({
        %run_scoped3A = tpu.sem_alloc : memref<!tpu.dma_semaphore, #tpu.memory_space<semaphore_mem>>
        %dma_start3A_207 = arith.constant 0 : i32
        %dma_start3A_208 = tpu.memref_slice %arg14[%dma_start3A_207] : memref<4000xf32, #tpu.memory_space<vmem>> -> memref<1568xf32, #tpu.memory_space<vmem>>
        %dma_start3A_209 = tpu.memref_slice %arg15[%add3A_194] : memref<100352xf32, #tpu.memory_space<vmem_shared>> -> memref<1568xf32, #tpu.memory_space<vmem_shared>>
        %dma_start3A_210 = tpu.memref_slice %arg15[%add3A_194] : memref<100352xf32, #tpu.memory_space<vmem_shared>> -> memref<1568xf32, #tpu.memory_space<vmem_shared>>
        %dma_start3A_211 = arith.constant 0 : i32
        %dma_start3A_212 = tpu.memref_slice %arg14[%dma_start3A_211] : memref<4000xf32, #tpu.memory_space<vmem>> -> memref<1568xf32, #tpu.memory_space<vmem>>
        tpu.enqueue_dma source(%dma_start3A_212 : memref<1568xf32, #tpu.memory_space<vmem>>) target(%dma_start3A_210 : memref<1568xf32, #tpu.memory_space<vmem_shared>>) target_semaphore(%run_scoped3A : memref<!tpu.dma_semaphore, #tpu.memory_space<semaphore_mem>>)
        %dma_wait3A_213 = arith.constant 0 : i32
        %dma_wait3A_214 = tpu.memref_slice %arg14[%dma_wait3A_213] : memref<4000xf32, #tpu.memory_space<vmem>> -> memref<1568xf32, #tpu.memory_space<vmem>>
        %dma_wait3A_215 = tpu.memref_slice %arg15[%add3A_194] : memref<100352xf32, #tpu.memory_space<vmem_shared>> -> memref<1568xf32, #tpu.memory_space<vmem_shared>>
        %dma_wait3A_216 = tpu.memref_slice %arg15[%add3A_194] : memref<100352xf32, #tpu.memory_space<vmem_shared>> -> memref<1568xf32, #tpu.memory_space<vmem_shared>>
        %dma_wait3A_217 = arith.constant 0 : i32
        %dma_wait3A_218 = tpu.memref_slice %arg14[%dma_wait3A_217] : memref<4000xf32, #tpu.memory_space<vmem>> -> memref<1568xf32, #tpu.memory_space<vmem>>
        tpu.wait_dma2 semaphore(%run_scoped3A : memref<!tpu.dma_semaphore, #tpu.memory_space<semaphore_mem>>) src(%dma_wait3A_218 : memref<1568xf32, #tpu.memory_space<vmem>>) dst(%dma_wait3A_216 : memref<1568xf32, #tpu.memory_space<vmem_shared>>)
        tpu.yield
      }) : () -> ()
      %mul3A_195 = arith.constant 6272 : i32
      %mul3A_196 = arith.muli %arg1, %mul3A_195 : i32
      %add3A_197 = arith.constant 1568 : i32
      %add3A_198 = arith.addi %mul3A_196, %add3A_197 : i32
      "tpu.region"() ({
        %run_scoped3A = tpu.sem_alloc : memref<!tpu.dma_semaphore, #tpu.memory_space<semaphore_mem>>
        %dma_start3A_207 = arith.constant 0 : i32
        %dma_start3A_208 = tpu.memref_slice %arg14[%dma_start3A_207] : memref<4000xf32, #tpu.memory_space<vmem>> -> memref<1568xf32, #tpu.memory_space<vmem>>
        %dma_start3A_209 = tpu.memref_slice %arg15[%add3A_198] : memref<100352xf32, #tpu.memory_space<vmem_shared>> -> memref<1568xf32, #tpu.memory_space<vmem_shared>>
        %dma_start3A_210 = tpu.memref_slice %arg15[%add3A_198] : memref<100352xf32, #tpu.memory_space<vmem_shared>> -> memref<1568xf32, #tpu.memory_space<vmem_shared>>
        %dma_start3A_211 = arith.constant 0 : i32
        %dma_start3A_212 = tpu.memref_slice %arg14[%dma_start3A_211] : memref<4000xf32, #tpu.memory_space<vmem>> -> memref<1568xf32, #tpu.memory_space<vmem>>
        tpu.enqueue_dma source(%dma_start3A_212 : memref<1568xf32, #tpu.memory_space<vmem>>) target(%dma_start3A_210 : memref<1568xf32, #tpu.memory_space<vmem_shared>>) target_semaphore(%run_scoped3A : memref<!tpu.dma_semaphore, #tpu.memory_space<semaphore_mem>>)
        %dma_wait3A_213 = arith.constant 0 : i32
        %dma_wait3A_214 = tpu.memref_slice %arg14[%dma_wait3A_213] : memref<4000xf32, #tpu.memory_space<vmem>> -> memref<1568xf32, #tpu.memory_space<vmem>>
        %dma_wait3A_215 = tpu.memref_slice %arg15[%add3A_198] : memref<100352xf32, #tpu.memory_space<vmem_shared>> -> memref<1568xf32, #tpu.memory_space<vmem_shared>>
        %dma_wait3A_216 = tpu.memref_slice %arg15[%add3A_198] : memref<100352xf32, #tpu.memory_space<vmem_shared>> -> memref<1568xf32, #tpu.memory_space<vmem_shared>>
        %dma_wait3A_217 = arith.constant 0 : i32
        %dma_wait3A_218 = tpu.memref_slice %arg14[%dma_wait3A_217] : memref<4000xf32, #tpu.memory_space<vmem>> -> memref<1568xf32, #tpu.memory_space<vmem>>
        tpu.wait_dma2 semaphore(%run_scoped3A : memref<!tpu.dma_semaphore, #tpu.memory_space<semaphore_mem>>) src(%dma_wait3A_218 : memref<1568xf32, #tpu.memory_space<vmem>>) dst(%dma_wait3A_216 : memref<1568xf32, #tpu.memory_space<vmem_shared>>)
        tpu.yield
      }) : () -> ()
      %mul3A_199 = arith.constant 6272 : i32
      %mul3A_200 = arith.muli %arg1, %mul3A_199 : i32
      %add3A_201 = arith.constant 3136 : i32
      %add3A_202 = arith.addi %mul3A_200, %add3A_201 : i32
      "tpu.region"() ({
        %run_scoped3A = tpu.sem_alloc : memref<!tpu.dma_semaphore, #tpu.memory_space<semaphore_mem>>
        %dma_start3A_207 = arith.constant 0 : i32
        %dma_start3A_208 = tpu.memref_slice %arg14[%dma_start3A_207] : memref<4000xf32, #tpu.memory_space<vmem>> -> memref<1568xf32, #tpu.memory_space<vmem>>
        %dma_start3A_209 = tpu.memref_slice %arg15[%add3A_202] : memref<100352xf32, #tpu.memory_space<vmem_shared>> -> memref<1568xf32, #tpu.memory_space<vmem_shared>>
        %dma_start3A_210 = tpu.memref_slice %arg15[%add3A_202] : memref<100352xf32, #tpu.memory_space<vmem_shared>> -> memref<1568xf32, #tpu.memory_space<vmem_shared>>
        %dma_start3A_211 = arith.constant 0 : i32
        %dma_start3A_212 = tpu.memref_slice %arg14[%dma_start3A_211] : memref<4000xf32, #tpu.memory_space<vmem>> -> memref<1568xf32, #tpu.memory_space<vmem>>
        tpu.enqueue_dma source(%dma_start3A_212 : memref<1568xf32, #tpu.memory_space<vmem>>) target(%dma_start3A_210 : memref<1568xf32, #tpu.memory_space<vmem_shared>>) target_semaphore(%run_scoped3A : memref<!tpu.dma_semaphore, #tpu.memory_space<semaphore_mem>>)
        %dma_wait3A_213 = arith.constant 0 : i32
        %dma_wait3A_214 = tpu.memref_slice %arg14[%dma_wait3A_213] : memref<4000xf32, #tpu.memory_space<vmem>> -> memref<1568xf32, #tpu.memory_space<vmem>>
        %dma_wait3A_215 = tpu.memref_slice %arg15[%add3A_202] : memref<100352xf32, #tpu.memory_space<vmem_shared>> -> memref<1568xf32, #tpu.memory_space<vmem_shared>>
        %dma_wait3A_216 = tpu.memref_slice %arg15[%add3A_202] : memref<100352xf32, #tpu.memory_space<vmem_shared>> -> memref<1568xf32, #tpu.memory_space<vmem_shared>>
        %dma_wait3A_217 = arith.constant 0 : i32
        %dma_wait3A_218 = tpu.memref_slice %arg14[%dma_wait3A_217] : memref<4000xf32, #tpu.memory_space<vmem>> -> memref<1568xf32, #tpu.memory_space<vmem>>
        tpu.wait_dma2 semaphore(%run_scoped3A : memref<!tpu.dma_semaphore, #tpu.memory_space<semaphore_mem>>) src(%dma_wait3A_218 : memref<1568xf32, #tpu.memory_space<vmem>>) dst(%dma_wait3A_216 : memref<1568xf32, #tpu.memory_space<vmem_shared>>)
        tpu.yield
      }) : () -> ()
      %mul3A_203 = arith.constant 6272 : i32
      %mul3A_204 = arith.muli %arg1, %mul3A_203 : i32
      %add3A_205 = arith.constant 4704 : i32
      %add3A_206 = arith.addi %mul3A_204, %add3A_205 : i32
      "tpu.region"() ({
        %run_scoped3A = tpu.sem_alloc : memref<!tpu.dma_semaphore, #tpu.memory_space<semaphore_mem>>
        %dma_start3A_207 = arith.constant 0 : i32
        %dma_start3A_208 = tpu.memref_slice %arg14[%dma_start3A_207] : memref<4000xf32, #tpu.memory_space<vmem>> -> memref<1568xf32, #tpu.memory_space<vmem>>
        %dma_start3A_209 = tpu.memref_slice %arg15[%add3A_206] : memref<100352xf32, #tpu.memory_space<vmem_shared>> -> memref<1568xf32, #tpu.memory_space<vmem_shared>>
        %dma_start3A_210 = tpu.memref_slice %arg15[%add3A_206] : memref<100352xf32, #tpu.memory_space<vmem_shared>> -> memref<1568xf32, #tpu.memory_space<vmem_shared>>
        %dma_start3A_211 = arith.constant 0 : i32
        %dma_start3A_212 = tpu.memref_slice %arg14[%dma_start3A_211] : memref<4000xf32, #tpu.memory_space<vmem>> -> memref<1568xf32, #tpu.memory_space<vmem>>
        tpu.enqueue_dma source(%dma_start3A_212 : memref<1568xf32, #tpu.memory_space<vmem>>) target(%dma_start3A_210 : memref<1568xf32, #tpu.memory_space<vmem_shared>>) target_semaphore(%run_scoped3A : memref<!tpu.dma_semaphore, #tpu.memory_space<semaphore_mem>>)
        %dma_wait3A_213 = arith.constant 0 : i32
        %dma_wait3A_214 = tpu.memref_slice %arg14[%dma_wait3A_213] : memref<4000xf32, #tpu.memory_space<vmem>> -> memref<1568xf32, #tpu.memory_space<vmem>>
        %dma_wait3A_215 = tpu.memref_slice %arg15[%add3A_206] : memref<100352xf32, #tpu.memory_space<vmem_shared>> -> memref<1568xf32, #tpu.memory_space<vmem_shared>>
        %dma_wait3A_216 = tpu.memref_slice %arg15[%add3A_206] : memref<100352xf32, #tpu.memory_space<vmem_shared>> -> memref<1568xf32, #tpu.memory_space<vmem_shared>>
        %dma_wait3A_217 = arith.constant 0 : i32
        %dma_wait3A_218 = tpu.memref_slice %arg14[%dma_wait3A_217] : memref<4000xf32, #tpu.memory_space<vmem>> -> memref<1568xf32, #tpu.memory_space<vmem>>
        tpu.wait_dma2 semaphore(%run_scoped3A : memref<!tpu.dma_semaphore, #tpu.memory_space<semaphore_mem>>) src(%dma_wait3A_218 : memref<1568xf32, #tpu.memory_space<vmem>>) dst(%dma_wait3A_216 : memref<1568xf32, #tpu.memory_space<vmem_shared>>)
        tpu.yield
      }) : () -> ()
    } else {
    }
    %add3A_151 = arith.constant 4000 : i32
    %add3A_152 = arith.addi %mul3A_2, %add3A_151 : i32
    %dma_start3A_153 = tpu.memref_slice %arg4[%add3A_152] : memref<12800000xi32, #tpu.memory_space<hbm>> -> memref<4000xi32, #tpu.memory_space<hbm>>
    %dma_start3A_154 = tpu.memref_slice %arg4[%add3A_152] : memref<12800000xi32, #tpu.memory_space<hbm>> -> memref<4000xi32, #tpu.memory_space<hbm>>
    tpu.enqueue_dma source(%dma_start3A_154 : memref<4000xi32, #tpu.memory_space<hbm>>) target(%arg12 : memref<4000xi32, #tpu.memory_space<vmem>>) target_semaphore(%arg17 : memref<!tpu.dma_semaphore, #tpu.memory_space<semaphore_mem>>)
    %add3A_155 = arith.constant 6400000 : i32
    %add3A_156 = arith.addi %add3A_155, %add3A_152 : i32
    %dma_start3A_157 = tpu.memref_slice %arg4[%add3A_156] : memref<12800000xi32, #tpu.memory_space<hbm>> -> memref<4000xi32, #tpu.memory_space<hbm>>
    %dma_start3A_158 = tpu.memref_slice %arg4[%add3A_156] : memref<12800000xi32, #tpu.memory_space<hbm>> -> memref<4000xi32, #tpu.memory_space<hbm>>
    tpu.enqueue_dma source(%dma_start3A_158 : memref<4000xi32, #tpu.memory_space<hbm>>) target(%arg13 : memref<4000xi32, #tpu.memory_space<vmem>>) target_semaphore(%arg17 : memref<!tpu.dma_semaphore, #tpu.memory_space<semaphore_mem>>)
    %dma_start3A_159 = tpu.memref_slice %arg5[%add3A_152] : memref<6400000xf32, #tpu.memory_space<hbm>> -> memref<4000xf32, #tpu.memory_space<hbm>>
    %dma_start3A_160 = tpu.memref_slice %arg5[%add3A_152] : memref<6400000xf32, #tpu.memory_space<hbm>> -> memref<4000xf32, #tpu.memory_space<hbm>>
    tpu.enqueue_dma source(%dma_start3A_160 : memref<4000xf32, #tpu.memory_space<hbm>>) target(%arg14 : memref<4000xf32, #tpu.memory_space<vmem>>) target_semaphore(%arg17 : memref<!tpu.dma_semaphore, #tpu.memory_space<semaphore_mem>>)
    %barrier3A_161 = arith.constant 0 : index
    tpu.barrier barrier_id(%barrier3A_161)
    %scan3A_162 = arith.constant 0 : i32
    %scan3A_163 = arith.constant 0 : i32
    %scan3A_164 = arith.constant 25 : i32
    %scan3A_165 = arith.addi %scan3A_163, %scan3A_164 : i32
    %scan3A_166 = arith.constant 1 : i32
    %scan3A_167 = scf.for %scan3A_184 = %scan3A_163 to %scan3A_165 step %scan3A_166 iter_args(%scan3A_185 = %scan3A_162) -> (i32)  : i32 {
      %gt3A = arith.constant 0 : i32
      %gt3A_186 = arith.cmpi sgt, %scan3A_184, %gt3A : i32
      %convert_element_type3A_187 = arith.extui %gt3A_186 : i1 to i32
      %cond3A_188 = arith.constant 0 : i32
      %cond3A_189 = arith.cmpi ne, %convert_element_type3A_187, %cond3A_188 : i32
      scf.if %cond3A_189 {
        %dma_wait3A_230 = arith.constant 0 : i32
        %dma_wait3A_231 = tpu.memref_slice %arg15[%dma_wait3A_230] : memref<100352xf32, #tpu.memory_space<vmem_shared>> -> memref<100352xf32, #tpu.memory_space<vmem_shared>>
        tpu.wait_indirect_dma semaphore(%arg19 : memref<!tpu.dma_semaphore, #tpu.memory_space<semaphore_mem>>) src(%arg14 : memref<4000xf32, #tpu.memory_space<vmem>>) dst(%dma_wait3A_231 : memref<100352xf32, #tpu.memory_space<vmem_shared>>)
        %mul3A_232 = arith.constant 2 : i32
        %mul3A_233 = arith.muli %mul3A_232, %scan3A_184 : i32
        %add3A_234 = arith.constant 1 : i32
        %add3A_235 = arith.addi %mul3A_233, %add3A_234 : i32
        %mul3A_236 = arith.constant 4000 : i32
        %mul3A_237 = arith.muli %add3A_235, %mul3A_236 : i32
        %add3A_238 = arith.addi %mul3A_2, %mul3A_237 : i32
        %dma_start3A_239 = tpu.memref_slice %arg4[%add3A_238] : memref<12800000xi32, #tpu.memory_space<hbm>> -> memref<4000xi32, #tpu.memory_space<hbm>>
        %dma_start3A_240 = tpu.memref_slice %arg4[%add3A_238] : memref<12800000xi32, #tpu.memory_space<hbm>> -> memref<4000xi32, #tpu.memory_space<hbm>>
        tpu.enqueue_dma source(%dma_start3A_240 : memref<4000xi32, #tpu.memory_space<hbm>>) target(%arg12 : memref<4000xi32, #tpu.memory_space<vmem>>) target_semaphore(%arg17 : memref<!tpu.dma_semaphore, #tpu.memory_space<semaphore_mem>>)
        %add3A_241 = arith.constant 6400000 : i32
        %add3A_242 = arith.addi %add3A_241, %add3A_238 : i32
        %dma_start3A_243 = tpu.memref_slice %arg4[%add3A_242] : memref<12800000xi32, #tpu.memory_space<hbm>> -> memref<4000xi32, #tpu.memory_space<hbm>>
        %dma_start3A_244 = tpu.memref_slice %arg4[%add3A_242] : memref<12800000xi32, #tpu.memory_space<hbm>> -> memref<4000xi32, #tpu.memory_space<hbm>>
        tpu.enqueue_dma source(%dma_start3A_244 : memref<4000xi32, #tpu.memory_space<hbm>>) target(%arg13 : memref<4000xi32, #tpu.memory_space<vmem>>) target_semaphore(%arg17 : memref<!tpu.dma_semaphore, #tpu.memory_space<semaphore_mem>>)
        %dma_start3A_245 = tpu.memref_slice %arg5[%add3A_238] : memref<6400000xf32, #tpu.memory_space<hbm>> -> memref<4000xf32, #tpu.memory_space<hbm>>
        %dma_start3A_246 = tpu.memref_slice %arg5[%add3A_238] : memref<6400000xf32, #tpu.memory_space<hbm>> -> memref<4000xf32, #tpu.memory_space<hbm>>
        tpu.enqueue_dma source(%dma_start3A_246 : memref<4000xf32, #tpu.memory_space<hbm>>) target(%arg14 : memref<4000xf32, #tpu.memory_space<vmem>>) target_semaphore(%arg17 : memref<!tpu.dma_semaphore, #tpu.memory_space<semaphore_mem>>)
      } else {
      }
      %dma_wait3A_190 = arith.constant 0 : i32
      %dma_wait3A_191 = tpu.memref_slice %arg4[%dma_wait3A_190] : memref<12800000xi32, #tpu.memory_space<hbm>> -> memref<4000xi32, #tpu.memory_space<hbm>>
      %dma_wait3A_192 = arith.constant 0 : i32
      %dma_wait3A_193 = tpu.memref_slice %arg4[%dma_wait3A_192] : memref<12800000xi32, #tpu.memory_space<hbm>> -> memref<4000xi32, #tpu.memory_space<hbm>>
      tpu.wait_dma2 semaphore(%arg16 : memref<!tpu.dma_semaphore, #tpu.memory_space<semaphore_mem>>) src(%dma_wait3A_193 : memref<4000xi32, #tpu.memory_space<hbm>>) dst(%arg9 : memref<4000xi32, #tpu.memory_space<vmem>>)
      %dma_wait3A_194 = arith.constant 0 : i32
      %dma_wait3A_195 = tpu.memref_slice %arg4[%dma_wait3A_194] : memref<12800000xi32, #tpu.memory_space<hbm>> -> memref<4000xi32, #tpu.memory_space<hbm>>
      %dma_wait3A_196 = arith.constant 0 : i32
      %dma_wait3A_197 = tpu.memref_slice %arg4[%dma_wait3A_196] : memref<12800000xi32, #tpu.memory_space<hbm>> -> memref<4000xi32, #tpu.memory_space<hbm>>
      tpu.wait_dma2 semaphore(%arg16 : memref<!tpu.dma_semaphore, #tpu.memory_space<semaphore_mem>>) src(%dma_wait3A_197 : memref<4000xi32, #tpu.memory_space<hbm>>) dst(%arg10 : memref<4000xi32, #tpu.memory_space<vmem>>)
      %dma_wait3A_198 = arith.constant 0 : i32
      %dma_wait3A_199 = tpu.memref_slice %arg5[%dma_wait3A_198] : memref<6400000xf32, #tpu.memory_space<hbm>> -> memref<4000xf32, #tpu.memory_space<hbm>>
      %dma_wait3A_200 = arith.constant 0 : i32
      %dma_wait3A_201 = tpu.memref_slice %arg5[%dma_wait3A_200] : memref<6400000xf32, #tpu.memory_space<hbm>> -> memref<4000xf32, #tpu.memory_space<hbm>>
      tpu.wait_dma2 semaphore(%arg16 : memref<!tpu.dma_semaphore, #tpu.memory_space<semaphore_mem>>) src(%dma_wait3A_201 : memref<4000xf32, #tpu.memory_space<hbm>>) dst(%arg11 : memref<4000xf32, #tpu.memory_space<vmem>>)
      %parallel_loop3A = arith.constant 0 : i32
      %parallel_loop3A_202 = arith.constant 250 : i32
      %parallel_loop3A_203 = arith.constant 1 : i32
      scf.for %parallel_loop3A_230 = %parallel_loop3A to %parallel_loop3A_202 step %parallel_loop3A_203  : i32 {
        %parallel_loop3A_231 = arith.constant 16 : i32
        %parallel_loop3A_232 = arith.muli %parallel_loop3A_230, %parallel_loop3A_231 : i32
        %parallel_loop3A_233 = arith.index_cast %parallel_loop3A_232 : i32 to index
        %parallel_loop3A_234 = tpu.vector_load %arg11[%parallel_loop3A_233] {strides = array<i32>} : memref<4000xf32, #tpu.memory_space<vmem>>, vector<16xf32>,
        %parallel_loop3A_235 = math.exp %parallel_loop3A_234 : vector<16xf32>
        %parallel_loop3A_236 = arith.index_cast %parallel_loop3A_232 : i32 to index
        %parallel_loop3A_237 = tpu.vector_load %arg9[%parallel_loop3A_236] {strides = array<i32>} : memref<4000xi32, #tpu.memory_space<vmem>>, vector<16xi32>,
        %parallel_loop3A_238 = tpu.vector_load_idx %arg8[%parallel_loop3A_237] : memref<100000xf32, #tpu.memory_space<vmem>>[vector<16xi32>], vector<16xf32>,
        %parallel_loop3A_239 = arith.mulf %parallel_loop3A_235, %parallel_loop3A_238 : vector<16xf32>
        %parallel_loop3A_240 = arith.index_cast %parallel_loop3A_232 : i32 to index
        %parallel_loop3A_241 = tpu.vector_load %arg11[%parallel_loop3A_240] {strides = array<i32>} : memref<4000xf32, #tpu.memory_space<vmem>>, vector<16xf32>,
        tpu.vector_store %arg11[%parallel_loop3A_240], %parallel_loop3A_239 {strides = array<i32>} : memref<4000xf32, #tpu.memory_space<vmem>>, vector<16xf32>,
      } {sc.loop_unroll_factor = 25 : i64, sc.parallel_access}
      %dma_start3A_204 = arith.constant 0 : i32
      %dma_start3A_205 = tpu.memref_slice %arg15[%dma_start3A_204] : memref<100352xf32, #tpu.memory_space<vmem_shared>> -> memref<100352xf32, #tpu.memory_space<vmem_shared>>
      tpu.enqueue_indirect_dma source(%arg11 : memref<4000xf32, #tpu.memory_space<vmem>>) target(%dma_start3A_205 : memref<100352xf32, #tpu.memory_space<vmem_shared>>) offsets(%arg10 : memref<4000xi32, #tpu.memory_space<vmem>>) semaphore(%arg18 : memref<!tpu.dma_semaphore, #tpu.memory_space<semaphore_mem>>) {add = true}
      %dma_wait3A_206 = arith.constant 0 : i32
      %dma_wait3A_207 = tpu.memref_slice %arg4[%dma_wait3A_206] : memref<12800000xi32, #tpu.memory_space<hbm>> -> memref<4000xi32, #tpu.memory_space<hbm>>
      %dma_wait3A_208 = arith.constant 0 : i32
      %dma_wait3A_209 = tpu.memref_slice %arg4[%dma_wait3A_208] : memref<12800000xi32, #tpu.memory_space<hbm>> -> memref<4000xi32, #tpu.memory_space<hbm>>
      tpu.wait_dma2 semaphore(%arg17 : memref<!tpu.dma_semaphore, #tpu.memory_space<semaphore_mem>>) src(%dma_wait3A_209 : memref<4000xi32, #tpu.memory_space<hbm>>) dst(%arg12 : memref<4000xi32, #tpu.memory_space<vmem>>)
      %dma_wait3A_210 = arith.constant 0 : i32
      %dma_wait3A_211 = tpu.memref_slice %arg4[%dma_wait3A_210] : memref<12800000xi32, #tpu.memory_space<hbm>> -> memref<4000xi32, #tpu.memory_space<hbm>>
      %dma_wait3A_212 = arith.constant 0 : i32
      %dma_wait3A_213 = tpu.memref_slice %arg4[%dma_wait3A_212] : memref<12800000xi32, #tpu.memory_space<hbm>> -> memref<4000xi32, #tpu.memory_space<hbm>>
      tpu.wait_dma2 semaphore(%arg17 : memref<!tpu.dma_semaphore, #tpu.memory_space<semaphore_mem>>) src(%dma_wait3A_213 : memref<4000xi32, #tpu.memory_space<hbm>>) dst(%arg13 : memref<4000xi32, #tpu.memory_space<vmem>>)
      %dma_wait3A_214 = arith.constant 0 : i32
      %dma_wait3A_215 = tpu.memref_slice %arg5[%dma_wait3A_214] : memref<6400000xf32, #tpu.memory_space<hbm>> -> memref<4000xf32, #tpu.memory_space<hbm>>
      %dma_wait3A_216 = arith.constant 0 : i32
      %dma_wait3A_217 = tpu.memref_slice %arg5[%dma_wait3A_216] : memref<6400000xf32, #tpu.memory_space<hbm>> -> memref<4000xf32, #tpu.memory_space<hbm>>
      tpu.wait_dma2 semaphore(%arg17 : memref<!tpu.dma_semaphore, #tpu.memory_space<semaphore_mem>>) src(%dma_wait3A_217 : memref<4000xf32, #tpu.memory_space<hbm>>) dst(%arg14 : memref<4000xf32, #tpu.memory_space<vmem>>)
      %parallel_loop3A_218 = arith.constant 0 : i32
      %parallel_loop3A_219 = arith.constant 250 : i32
      %parallel_loop3A_220 = arith.constant 1 : i32
      scf.for %parallel_loop3A_230 = %parallel_loop3A_218 to %parallel_loop3A_219 step %parallel_loop3A_220  : i32 {
        %parallel_loop3A_231 = arith.constant 16 : i32
        %parallel_loop3A_232 = arith.muli %parallel_loop3A_230, %parallel_loop3A_231 : i32
        %parallel_loop3A_233 = arith.index_cast %parallel_loop3A_232 : i32 to index
        %parallel_loop3A_234 = tpu.vector_load %arg14[%parallel_loop3A_233] {strides = array<i32>} : memref<4000xf32, #tpu.memory_space<vmem>>, vector<16xf32>,
        %parallel_loop3A_235 = math.exp %parallel_loop3A_234 : vector<16xf32>
        %parallel_loop3A_236 = arith.index_cast %parallel_loop3A_232 : i32 to index
        %parallel_loop3A_237 = tpu.vector_load %arg12[%parallel_loop3A_236] {strides = array<i32>} : memref<4000xi32, #tpu.memory_space<vmem>>, vector<16xi32>,
        %parallel_loop3A_238 = tpu.vector_load_idx %arg8[%parallel_loop3A_237] : memref<100000xf32, #tpu.memory_space<vmem>>[vector<16xi32>], vector<16xf32>,
        %parallel_loop3A_239 = arith.mulf %parallel_loop3A_235, %parallel_loop3A_238 : vector<16xf32>
        %parallel_loop3A_240 = arith.index_cast %parallel_loop3A_232 : i32 to index
        %parallel_loop3A_241 = tpu.vector_load %arg14[%parallel_loop3A_240] {strides = array<i32>} : memref<4000xf32, #tpu.memory_space<vmem>>, vector<16xf32>,
        tpu.vector_store %arg14[%parallel_loop3A_240], %parallel_loop3A_239 {strides = array<i32>} : memref<4000xf32, #tpu.memory_space<vmem>>, vector<16xf32>,
      } {sc.loop_unroll_factor = 25 : i64, sc.parallel_access}
      %dma_start3A_221 = arith.constant 0 : i32
      %dma_start3A_222 = tpu.memref_slice %arg15[%dma_start3A_221] : memref<100352xf32, #tpu.memory_space<vmem_shared>> -> memref<100352xf32, #tpu.memory_space<vmem_shared>>
      tpu.enqueue_indirect_dma source(%arg14 : memref<4000xf32, #tpu.memory_space<vmem>>) target(%dma_start3A_222 : memref<100352xf32, #tpu.memory_space<vmem_shared>>) offsets(%arg13 : memref<4000xi32, #tpu.memory_space<vmem>>) semaphore(%arg19 : memref<!tpu.dma_semaphore, #tpu.memory_space<semaphore_mem>>) {add = true}
      %dma_wait3A_223 = arith.constant 0 : i32
      %dma_wait3A_224 = tpu.memref_slice %arg15[%dma_wait3A_223] : memref<100352xf32, #tpu.memory_space<vmem_shared>> -> memref<100352xf32, #tpu.memory_space<vmem_shared>>
      tpu.wait_indirect_dma semaphore(%arg18 : memref<!tpu.dma_semaphore, #tpu.memory_space<semaphore_mem>>) src(%arg11 : memref<4000xf32, #tpu.memory_space<vmem>>) dst(%dma_wait3A_224 : memref<100352xf32, #tpu.memory_space<vmem_shared>>)
      %lt3A = arith.constant 24 : i32
      %lt3A_225 = arith.cmpi slt, %scan3A_184, %lt3A : i32
      %convert_element_type3A_226 = arith.extui %lt3A_225 : i1 to i32
      %cond3A_227 = arith.constant 0 : i32
      %cond3A_228 = arith.cmpi ne, %convert_element_type3A_226, %cond3A_227 : i32
      scf.if %cond3A_228 {
        %mul3A_230 = arith.constant 2 : i32
        %mul3A_231 = arith.muli %mul3A_230, %scan3A_184 : i32
        %add3A_232 = arith.constant 2 : i32
        %add3A_233 = arith.addi %mul3A_231, %add3A_232 : i32
        %mul3A_234 = arith.constant 4000 : i32
        %mul3A_235 = arith.muli %add3A_233, %mul3A_234 : i32
        %add3A_236 = arith.addi %mul3A_2, %mul3A_235 : i32
        %dma_start3A_237 = tpu.memref_slice %arg4[%add3A_236] : memref<12800000xi32, #tpu.memory_space<hbm>> -> memref<4000xi32, #tpu.memory_space<hbm>>
        %dma_start3A_238 = tpu.memref_slice %arg4[%add3A_236] : memref<12800000xi32, #tpu.memory_space<hbm>> -> memref<4000xi32, #tpu.memory_space<hbm>>
        tpu.enqueue_dma source(%dma_start3A_238 : memref<4000xi32, #tpu.memory_space<hbm>>) target(%arg9 : memref<4000xi32, #tpu.memory_space<vmem>>) target_semaphore(%arg16 : memref<!tpu.dma_semaphore, #tpu.memory_space<semaphore_mem>>)
        %add3A_239 = arith.constant 6400000 : i32
        %add3A_240 = arith.addi %add3A_239, %add3A_236 : i32
        %dma_start3A_241 = tpu.memref_slice %arg4[%add3A_240] : memref<12800000xi32, #tpu.memory_space<hbm>> -> memref<4000xi32, #tpu.memory_space<hbm>>
        %dma_start3A_242 = tpu.memref_slice %arg4[%add3A_240] : memref<12800000xi32, #tpu.memory_space<hbm>> -> memref<4000xi32, #tpu.memory_space<hbm>>
        tpu.enqueue_dma source(%dma_start3A_242 : memref<4000xi32, #tpu.memory_space<hbm>>) target(%arg10 : memref<4000xi32, #tpu.memory_space<vmem>>) target_semaphore(%arg16 : memref<!tpu.dma_semaphore, #tpu.memory_space<semaphore_mem>>)
        %dma_start3A_243 = tpu.memref_slice %arg5[%add3A_236] : memref<6400000xf32, #tpu.memory_space<hbm>> -> memref<4000xf32, #tpu.memory_space<hbm>>
        %dma_start3A_244 = tpu.memref_slice %arg5[%add3A_236] : memref<6400000xf32, #tpu.memory_space<hbm>> -> memref<4000xf32, #tpu.memory_space<hbm>>
        tpu.enqueue_dma source(%dma_start3A_244 : memref<4000xf32, #tpu.memory_space<hbm>>) target(%arg11 : memref<4000xf32, #tpu.memory_space<vmem>>) target_semaphore(%arg16 : memref<!tpu.dma_semaphore, #tpu.memory_space<semaphore_mem>>)
      } else {
      }
      %scan3A_229 = arith.constant 0 : i32
      scf.yield %scan3A_229 : i32
    }
    %scan3A_168 = arith.constant 25 : i32
    %dma_wait3A_169 = arith.constant 0 : i32
    %dma_wait3A_170 = tpu.memref_slice %arg15[%dma_wait3A_169] : memref<100352xf32, #tpu.memory_space<vmem_shared>> -> memref<100352xf32, #tpu.memory_space<vmem_shared>>
    tpu.wait_indirect_dma semaphore(%arg19 : memref<!tpu.dma_semaphore, #tpu.memory_space<semaphore_mem>>) src(%arg14 : memref<4000xf32, #tpu.memory_space<vmem>>) dst(%dma_wait3A_170 : memref<100352xf32, #tpu.memory_space<vmem_shared>>)
    %barrier3A_171 = arith.constant 0 : index
    tpu.barrier barrier_id(%barrier3A_171)
    %mul3A_172 = arith.constant 6272 : i32
    %mul3A_173 = arith.muli %arg1, %mul3A_172 : i32
    %eq3A_174 = arith.constant 0 : i32
    %eq3A_175 = arith.cmpi eq, %arg0, %eq3A_174 : i32
    %convert_element_type3A_176 = arith.extui %eq3A_175 : i1 to i32
    %cond3A_177 = arith.constant 0 : i32
    %cond3A_178 = arith.cmpi ne, %convert_element_type3A_176, %cond3A_177 : i32
    scf.if %cond3A_178 {
      "tpu.region"() ({
        %run_scoped3A = tpu.sem_alloc : memref<!tpu.dma_semaphore, #tpu.memory_space<semaphore_mem>>
        %dma_start3A_184 = tpu.memref_slice %arg6[%mul3A_173] : memref<100352xf32, #tpu.memory_space<hbm>> -> memref<6272xf32, #tpu.memory_space<hbm>>
        %dma_start3A_185 = tpu.memref_slice %arg15[%mul3A_173] : memref<100352xf32, #tpu.memory_space<vmem_shared>> -> memref<6272xf32, #tpu.memory_space<vmem_shared>>
        tpu.enqueue_dma source(%dma_start3A_185 : memref<6272xf32, #tpu.memory_space<vmem_shared>>) target(%dma_start3A_184 : memref<6272xf32, #tpu.memory_space<hbm>>) target_semaphore(%run_scoped3A : memref<!tpu.dma_semaphore, #tpu.memory_space<semaphore_mem>>)
        %dma_wait3A_186 = tpu.memref_slice %arg6[%mul3A_173] : memref<100352xf32, #tpu.memory_space<hbm>> -> memref<6272xf32, #tpu.memory_space<hbm>>
        %dma_wait3A_187 = tpu.memref_slice %arg15[%mul3A_173] : memref<100352xf32, #tpu.memory_space<vmem_shared>> -> memref<6272xf32, #tpu.memory_space<vmem_shared>>
        tpu.wait_dma2 semaphore(%run_scoped3A : memref<!tpu.dma_semaphore, #tpu.memory_space<semaphore_mem>>) src(%dma_wait3A_187 : memref<6272xf32, #tpu.memory_space<vmem_shared>>) dst(%dma_wait3A_186 : memref<6272xf32, #tpu.memory_space<hbm>>)
        tpu.yield
      }) : () -> ()
    } else {
    }
    %eq3A_179 = arith.constant 1 : i32
    %eq3A_180 = arith.cmpi eq, %arg0, %eq3A_179 : i32
    %convert_element_type3A_181 = arith.extui %eq3A_180 : i1 to i32
    %cond3A_182 = arith.constant 0 : i32
    %cond3A_183 = arith.cmpi ne, %convert_element_type3A_181, %cond3A_182 : i32
    scf.if %cond3A_183 {
      "tpu.region"() ({
        %run_scoped3A = tpu.sem_alloc : memref<!tpu.dma_semaphore, #tpu.memory_space<semaphore_mem>>
        %dma_start3A_184 = tpu.memref_slice %arg7[%mul3A_173] : memref<100352xf32, #tpu.memory_space<hbm>> -> memref<6272xf32, #tpu.memory_space<hbm>>
        %dma_start3A_185 = tpu.memref_slice %arg15[%mul3A_173] : memref<100352xf32, #tpu.memory_space<vmem_shared>> -> memref<6272xf32, #tpu.memory_space<vmem_shared>>
        tpu.enqueue_dma source(%dma_start3A_185 : memref<6272xf32, #tpu.memory_space<vmem_shared>>) target(%dma_start3A_184 : memref<6272xf32, #tpu.memory_space<hbm>>) target_semaphore(%run_scoped3A : memref<!tpu.dma_semaphore, #tpu.memory_space<semaphore_mem>>)
        %dma_wait3A_186 = tpu.memref_slice %arg7[%mul3A_173] : memref<100352xf32, #tpu.memory_space<hbm>> -> memref<6272xf32, #tpu.memory_space<hbm>>
        %dma_wait3A_187 = tpu.memref_slice %arg15[%mul3A_173] : memref<100352xf32, #tpu.memory_space<vmem_shared>> -> memref<6272xf32, #tpu.memory_space<vmem_shared>>
        tpu.wait_dma2 semaphore(%run_scoped3A : memref<!tpu.dma_semaphore, #tpu.memory_space<semaphore_mem>>) src(%dma_wait3A_187 : memref<6272xf32, #tpu.memory_space<vmem_shared>>) dst(%dma_wait3A_186 : memref<6272xf32, #tpu.memory_space<hbm>>)
        tpu.yield
      }) : () -> ()
    } else {
    }
    return
  }
}

#map = affine_map<(d0, d1) -> (0)>
module attributes {stable_mosaic.version = 14 : i64} {
  func.func @_hop_body(%arg0: i32, %arg1: i32, %arg2: memref<100352xf32, #tpu.memory_space<hbm>>, %arg3: memref<100352xf32, #tpu.memory_space<hbm>>, %arg4: memref<12800000xi32, #tpu.memory_space<hbm>>, %arg5: memref<6400000xf32, #tpu.memory_space<hbm>>, %arg6: memref<100352xf32, #tpu.memory_space<hbm>>, %arg7: memref<100352xf32, #tpu.memory_space<hbm>>, %arg8: memref<100000xf32, #tpu.memory_space<vmem>>, %arg9: memref<4000xi32, #tpu.memory_space<vmem>>, %arg10: memref<4000xi32, #tpu.memory_space<vmem>>, %arg11: memref<4000xf32, #tpu.memory_space<vmem>>, %arg12: memref<4000xi32, #tpu.memory_space<vmem>>, %arg13: memref<4000xi32, #tpu.memory_space<vmem>>, %arg14: memref<4000xf32, #tpu.memory_space<vmem>>, %arg15: memref<100352xf32, #tpu.memory_space<vmem_shared>>, %arg16: memref<!tpu.dma_semaphore, #tpu.memory_space<semaphore_mem>>, %arg17: memref<!tpu.dma_semaphore, #tpu.memory_space<semaphore_mem>>, %arg18: memref<!tpu.dma_semaphore, #tpu.memory_space<semaphore_mem>>, %arg19: memref<!tpu.dma_semaphore, #tpu.memory_space<semaphore_mem>>) attributes {dimension_semantics = [#tpu.dimension_semantics<core_parallel>, #tpu.dimension_semantics<subcore_parallel>], iteration_bounds = array<i64: 2, 16>, scalar_prefetch = 0 : i64, scratch_operands = 12 : i64, tpu.core_type = #tpu.core_type<sc_vector_subcore>, window_params = [{transform_indices = #map}, {transform_indices = #map}, {transform_indices = #map}, {transform_indices = #map}, {transform_indices = #map}, {transform_indices = #map}]} {
    %mul3A = arith.constant 16 : i32
    %mul3A_0 = arith.muli %arg0, %mul3A : i32
    %add3A = arith.addi %mul3A_0, %arg1 : i32
    %mul3A_1 = arith.constant 200000 : i32
    %mul3A_2 = arith.muli %add3A, %mul3A_1 : i32
    %mul3A_3 = arith.constant 6272 : i32
    %mul3A_4 = arith.muli %arg1, %mul3A_3 : i32
    %add3A_5 = arith.constant 0 : i32
    %add3A_6 = arith.addi %mul3A_4, %add3A_5 : i32
    %dma_start3A = arith.constant 0 : i32
    %dma_start3A_7 = tpu.memref_slice %arg11[%dma_start3A] : memref<4000xf32, #tpu.memory_space<vmem>> -> memref<1568xf32, #tpu.memory_space<vmem>>
    %dma_start3A_8 = tpu.memref_slice %arg2[%add3A_6] : memref<100352xf32, #tpu.memory_space<hbm>> -> memref<1568xf32, #tpu.memory_space<hbm>>
    %dma_start3A_9 = arith.constant 0 : i32
    %dma_start3A_10 = tpu.memref_slice %arg11[%dma_start3A_9] : memref<4000xf32, #tpu.memory_space<vmem>> -> memref<1568xf32, #tpu.memory_space<vmem>>
    %dma_start3A_11 = tpu.memref_slice %arg2[%add3A_6] : memref<100352xf32, #tpu.memory_space<hbm>> -> memref<1568xf32, #tpu.memory_space<hbm>>
    tpu.enqueue_dma source(%dma_start3A_11 : memref<1568xf32, #tpu.memory_space<hbm>>) target(%dma_start3A_10 : memref<1568xf32, #tpu.memory_space<vmem>>) target_semaphore(%arg16 : memref<!tpu.dma_semaphore, #tpu.memory_space<semaphore_mem>>)
    %dma_start3A_12 = arith.constant 0 : i32
    %dma_start3A_13 = tpu.memref_slice %arg14[%dma_start3A_12] : memref<4000xf32, #tpu.memory_space<vmem>> -> memref<1568xf32, #tpu.memory_space<vmem>>
    %dma_start3A_14 = tpu.memref_slice %arg3[%add3A_6] : memref<100352xf32, #tpu.memory_space<hbm>> -> memref<1568xf32, #tpu.memory_space<hbm>>
    %dma_start3A_15 = arith.constant 0 : i32
    %dma_start3A_16 = tpu.memref_slice %arg14[%dma_start3A_15] : memref<4000xf32, #tpu.memory_space<vmem>> -> memref<1568xf32, #tpu.memory_space<vmem>>
    %dma_start3A_17 = tpu.memref_slice %arg3[%add3A_6] : memref<100352xf32, #tpu.memory_space<hbm>> -> memref<1568xf32, #tpu.memory_space<hbm>>
    tpu.enqueue_dma source(%dma_start3A_17 : memref<1568xf32, #tpu.memory_space<hbm>>) target(%dma_start3A_16 : memref<1568xf32, #tpu.memory_space<vmem>>) target_semaphore(%arg17 : memref<!tpu.dma_semaphore, #tpu.memory_space<semaphore_mem>>)
    %dma_wait3A = arith.constant 0 : i32
    %dma_wait3A_18 = tpu.memref_slice %arg11[%dma_wait3A] : memref<4000xf32, #tpu.memory_space<vmem>> -> memref<1568xf32, #tpu.memory_space<vmem>>
    %dma_wait3A_19 = tpu.memref_slice %arg2[%add3A_6] : memref<100352xf32, #tpu.memory_space<hbm>> -> memref<1568xf32, #tpu.memory_space<hbm>>
    %dma_wait3A_20 = arith.constant 0 : i32
    %dma_wait3A_21 = tpu.memref_slice %arg11[%dma_wait3A_20] : memref<4000xf32, #tpu.memory_space<vmem>> -> memref<1568xf32, #tpu.memory_space<vmem>>
    %dma_wait3A_22 = tpu.memref_slice %arg2[%add3A_6] : memref<100352xf32, #tpu.memory_space<hbm>> -> memref<1568xf32, #tpu.memory_space<hbm>>
    tpu.wait_dma2 semaphore(%arg16 : memref<!tpu.dma_semaphore, #tpu.memory_space<semaphore_mem>>) src(%dma_wait3A_22 : memref<1568xf32, #tpu.memory_space<hbm>>) dst(%dma_wait3A_21 : memref<1568xf32, #tpu.memory_space<vmem>>)
    %dma_wait3A_23 = arith.constant 0 : i32
    %dma_wait3A_24 = tpu.memref_slice %arg14[%dma_wait3A_23] : memref<4000xf32, #tpu.memory_space<vmem>> -> memref<1568xf32, #tpu.memory_space<vmem>>
    %dma_wait3A_25 = tpu.memref_slice %arg3[%add3A_6] : memref<100352xf32, #tpu.memory_space<hbm>> -> memref<1568xf32, #tpu.memory_space<hbm>>
    %dma_wait3A_26 = arith.constant 0 : i32
    %dma_wait3A_27 = tpu.memref_slice %arg14[%dma_wait3A_26] : memref<4000xf32, #tpu.memory_space<vmem>> -> memref<1568xf32, #tpu.memory_space<vmem>>
    %dma_wait3A_28 = tpu.memref_slice %arg3[%add3A_6] : memref<100352xf32, #tpu.memory_space<hbm>> -> memref<1568xf32, #tpu.memory_space<hbm>>
    tpu.wait_dma2 semaphore(%arg17 : memref<!tpu.dma_semaphore, #tpu.memory_space<semaphore_mem>>) src(%dma_wait3A_28 : memref<1568xf32, #tpu.memory_space<hbm>>) dst(%dma_wait3A_27 : memref<1568xf32, #tpu.memory_space<vmem>>)
    %scan3A = arith.constant 0 : i32
    %scan3A_29 = arith.constant 0 : i32
    %scan3A_30 = arith.constant 98 : i32
    %scan3A_31 = arith.addi %scan3A_29, %scan3A_30 : i32
    %scan3A_32 = arith.constant 1 : i32
    %scan3A_33 = scf.for %scan3A_184 = %scan3A_29 to %scan3A_31 step %scan3A_32 iter_args(%scan3A_185 = %scan3A) -> (i32)  : i32 {
      %mul3A_186 = arith.constant 16 : i32
      %mul3A_187 = arith.muli %scan3A_184, %mul3A_186 : i32
      %get3A = arith.index_cast %mul3A_187 : i32 to index
      %get3A_188 = tpu.vector_load %arg11[%get3A] {strides = array<i32>} : memref<4000xf32, #tpu.memory_space<vmem>>, vector<16xf32>,
      %get3A_189 = arith.index_cast %mul3A_187 : i32 to index
      %get3A_190 = tpu.vector_load %arg14[%get3A_189] {strides = array<i32>} : memref<4000xf32, #tpu.memory_space<vmem>>, vector<16xf32>,
      %add3A_191 = arith.addf %get3A_188, %get3A_190 : vector<16xf32>
      %swap3A = arith.index_cast %mul3A_187 : i32 to index
      %swap3A_192 = tpu.vector_load %arg11[%swap3A] {strides = array<i32>} : memref<4000xf32, #tpu.memory_space<vmem>>, vector<16xf32>,
      tpu.vector_store %arg11[%swap3A], %add3A_191 {strides = array<i32>} : memref<4000xf32, #tpu.memory_space<vmem>>, vector<16xf32>,
      %scan3A_193 = arith.constant 0 : i32
      scf.yield %scan3A_193 : i32
    }
    %scan3A_34 = arith.constant 98 : i32
    "tpu.region"() ({
      %run_scoped3A = tpu.sem_alloc : memref<!tpu.dma_semaphore, #tpu.memory_space<semaphore_mem>>
      %dma_start3A_184 = arith.constant 0 : i32
      %dma_start3A_185 = tpu.memref_slice %arg11[%dma_start3A_184] : memref<4000xf32, #tpu.memory_space<vmem>> -> memref<1568xf32, #tpu.memory_space<vmem>>
      %dma_start3A_186 = tpu.memref_slice %arg15[%add3A_6] : memref<100352xf32, #tpu.memory_space<vmem_shared>> -> memref<1568xf32, #tpu.memory_space<vmem_shared>>
      %dma_start3A_187 = tpu.memref_slice %arg15[%add3A_6] : memref<100352xf32, #tpu.memory_space<vmem_shared>> -> memref<1568xf32, #tpu.memory_space<vmem_shared>>
      %dma_start3A_188 = arith.constant 0 : i32
      %dma_start3A_189 = tpu.memref_slice %arg11[%dma_start3A_188] : memref<4000xf32, #tpu.memory_space<vmem>> -> memref<1568xf32, #tpu.memory_space<vmem>>
      tpu.enqueue_dma source(%dma_start3A_189 : memref<1568xf32, #tpu.memory_space<vmem>>) target(%dma_start3A_187 : memref<1568xf32, #tpu.memory_space<vmem_shared>>) target_semaphore(%run_scoped3A : memref<!tpu.dma_semaphore, #tpu.memory_space<semaphore_mem>>)
      %dma_wait3A_190 = arith.constant 0 : i32
      %dma_wait3A_191 = tpu.memref_slice %arg11[%dma_wait3A_190] : memref<4000xf32, #tpu.memory_space<vmem>> -> memref<1568xf32, #tpu.memory_space<vmem>>
      %dma_wait3A_192 = tpu.memref_slice %arg15[%add3A_6] : memref<100352xf32, #tpu.memory_space<vmem_shared>> -> memref<1568xf32, #tpu.memory_space<vmem_shared>>
      %dma_wait3A_193 = tpu.memref_slice %arg15[%add3A_6] : memref<100352xf32, #tpu.memory_space<vmem_shared>> -> memref<1568xf32, #tpu.memory_space<vmem_shared>>
      %dma_wait3A_194 = arith.constant 0 : i32
      %dma_wait3A_195 = tpu.memref_slice %arg11[%dma_wait3A_194] : memref<4000xf32, #tpu.memory_space<vmem>> -> memref<1568xf32, #tpu.memory_space<vmem>>
      tpu.wait_dma2 semaphore(%run_scoped3A : memref<!tpu.dma_semaphore, #tpu.memory_space<semaphore_mem>>) src(%dma_wait3A_195 : memref<1568xf32, #tpu.memory_space<vmem>>) dst(%dma_wait3A_193 : memref<1568xf32, #tpu.memory_space<vmem_shared>>)
      tpu.yield
    }) : () -> ()
    %mul3A_35 = arith.constant 6272 : i32
    %mul3A_36 = arith.muli %arg1, %mul3A_35 : i32
    %add3A_37 = arith.constant 1568 : i32
    %add3A_38 = arith.addi %mul3A_36, %add3A_37 : i32
    %dma_start3A_39 = arith.constant 0 : i32
    %dma_start3A_40 = tpu.memref_slice %arg11[%dma_start3A_39] : memref<4000xf32, #tpu.memory_space<vmem>> -> memref<1568xf32, #tpu.memory_space<vmem>>
    %dma_start3A_41 = tpu.memref_slice %arg2[%add3A_38] : memref<100352xf32, #tpu.memory_space<hbm>> -> memref<1568xf32, #tpu.memory_space<hbm>>
    %dma_start3A_42 = arith.constant 0 : i32
    %dma_start3A_43 = tpu.memref_slice %arg11[%dma_start3A_42] : memref<4000xf32, #tpu.memory_space<vmem>> -> memref<1568xf32, #tpu.memory_space<vmem>>
    %dma_start3A_44 = tpu.memref_slice %arg2[%add3A_38] : memref<100352xf32, #tpu.memory_space<hbm>> -> memref<1568xf32, #tpu.memory_space<hbm>>
    tpu.enqueue_dma source(%dma_start3A_44 : memref<1568xf32, #tpu.memory_space<hbm>>) target(%dma_start3A_43 : memref<1568xf32, #tpu.memory_space<vmem>>) target_semaphore(%arg16 : memref<!tpu.dma_semaphore, #tpu.memory_space<semaphore_mem>>)
    %dma_start3A_45 = arith.constant 0 : i32
    %dma_start3A_46 = tpu.memref_slice %arg14[%dma_start3A_45] : memref<4000xf32, #tpu.memory_space<vmem>> -> memref<1568xf32, #tpu.memory_space<vmem>>
    %dma_start3A_47 = tpu.memref_slice %arg3[%add3A_38] : memref<100352xf32, #tpu.memory_space<hbm>> -> memref<1568xf32, #tpu.memory_space<hbm>>
    %dma_start3A_48 = arith.constant 0 : i32
    %dma_start3A_49 = tpu.memref_slice %arg14[%dma_start3A_48] : memref<4000xf32, #tpu.memory_space<vmem>> -> memref<1568xf32, #tpu.memory_space<vmem>>
    %dma_start3A_50 = tpu.memref_slice %arg3[%add3A_38] : memref<100352xf32, #tpu.memory_space<hbm>> -> memref<1568xf32, #tpu.memory_space<hbm>>
    tpu.enqueue_dma source(%dma_start3A_50 : memref<1568xf32, #tpu.memory_space<hbm>>) target(%dma_start3A_49 : memref<1568xf32, #tpu.memory_space<vmem>>) target_semaphore(%arg17 : memref<!tpu.dma_semaphore, #tpu.memory_space<semaphore_mem>>)
    %dma_wait3A_51 = arith.constant 0 : i32
    %dma_wait3A_52 = tpu.memref_slice %arg11[%dma_wait3A_51] : memref<4000xf32, #tpu.memory_space<vmem>> -> memref<1568xf32, #tpu.memory_space<vmem>>
    %dma_wait3A_53 = tpu.memref_slice %arg2[%add3A_38] : memref<100352xf32, #tpu.memory_space<hbm>> -> memref<1568xf32, #tpu.memory_space<hbm>>
    %dma_wait3A_54 = arith.constant 0 : i32
    %dma_wait3A_55 = tpu.memref_slice %arg11[%dma_wait3A_54] : memref<4000xf32, #tpu.memory_space<vmem>> -> memref<1568xf32, #tpu.memory_space<vmem>>
    %dma_wait3A_56 = tpu.memref_slice %arg2[%add3A_38] : memref<100352xf32, #tpu.memory_space<hbm>> -> memref<1568xf32, #tpu.memory_space<hbm>>
    tpu.wait_dma2 semaphore(%arg16 : memref<!tpu.dma_semaphore, #tpu.memory_space<semaphore_mem>>) src(%dma_wait3A_56 : memref<1568xf32, #tpu.memory_space<hbm>>) dst(%dma_wait3A_55 : memref<1568xf32, #tpu.memory_space<vmem>>)
    %dma_wait3A_57 = arith.constant 0 : i32
    %dma_wait3A_58 = tpu.memref_slice %arg14[%dma_wait3A_57] : memref<4000xf32, #tpu.memory_space<vmem>> -> memref<1568xf32, #tpu.memory_space<vmem>>
    %dma_wait3A_59 = tpu.memref_slice %arg3[%add3A_38] : memref<100352xf32, #tpu.memory_space<hbm>> -> memref<1568xf32, #tpu.memory_space<hbm>>
    %dma_wait3A_60 = arith.constant 0 : i32
    %dma_wait3A_61 = tpu.memref_slice %arg14[%dma_wait3A_60] : memref<4000xf32, #tpu.memory_space<vmem>> -> memref<1568xf32, #tpu.memory_space<vmem>>
    %dma_wait3A_62 = tpu.memref_slice %arg3[%add3A_38] : memref<100352xf32, #tpu.memory_space<hbm>> -> memref<1568xf32, #tpu.memory_space<hbm>>
    tpu.wait_dma2 semaphore(%arg17 : memref<!tpu.dma_semaphore, #tpu.memory_space<semaphore_mem>>) src(%dma_wait3A_62 : memref<1568xf32, #tpu.memory_space<hbm>>) dst(%dma_wait3A_61 : memref<1568xf32, #tpu.memory_space<vmem>>)
    %scan3A_63 = arith.constant 0 : i32
    %scan3A_64 = arith.constant 0 : i32
    %scan3A_65 = arith.constant 98 : i32
    %scan3A_66 = arith.addi %scan3A_64, %scan3A_65 : i32
    %scan3A_67 = arith.constant 1 : i32
    %scan3A_68 = scf.for %scan3A_184 = %scan3A_64 to %scan3A_66 step %scan3A_67 iter_args(%scan3A_185 = %scan3A_63) -> (i32)  : i32 {
      %mul3A_186 = arith.constant 16 : i32
      %mul3A_187 = arith.muli %scan3A_184, %mul3A_186 : i32
      %get3A = arith.index_cast %mul3A_187 : i32 to index
      %get3A_188 = tpu.vector_load %arg11[%get3A] {strides = array<i32>} : memref<4000xf32, #tpu.memory_space<vmem>>, vector<16xf32>,
      %get3A_189 = arith.index_cast %mul3A_187 : i32 to index
      %get3A_190 = tpu.vector_load %arg14[%get3A_189] {strides = array<i32>} : memref<4000xf32, #tpu.memory_space<vmem>>, vector<16xf32>,
      %add3A_191 = arith.addf %get3A_188, %get3A_190 : vector<16xf32>
      %swap3A = arith.index_cast %mul3A_187 : i32 to index
      %swap3A_192 = tpu.vector_load %arg11[%swap3A] {strides = array<i32>} : memref<4000xf32, #tpu.memory_space<vmem>>, vector<16xf32>,
      tpu.vector_store %arg11[%swap3A], %add3A_191 {strides = array<i32>} : memref<4000xf32, #tpu.memory_space<vmem>>, vector<16xf32>,
      %scan3A_193 = arith.constant 0 : i32
      scf.yield %scan3A_193 : i32
    }
    %scan3A_69 = arith.constant 98 : i32
    "tpu.region"() ({
      %run_scoped3A = tpu.sem_alloc : memref<!tpu.dma_semaphore, #tpu.memory_space<semaphore_mem>>
      %dma_start3A_184 = arith.constant 0 : i32
      %dma_start3A_185 = tpu.memref_slice %arg11[%dma_start3A_184] : memref<4000xf32, #tpu.memory_space<vmem>> -> memref<1568xf32, #tpu.memory_space<vmem>>
      %dma_start3A_186 = tpu.memref_slice %arg15[%add3A_38] : memref<100352xf32, #tpu.memory_space<vmem_shared>> -> memref<1568xf32, #tpu.memory_space<vmem_shared>>
      %dma_start3A_187 = tpu.memref_slice %arg15[%add3A_38] : memref<100352xf32, #tpu.memory_space<vmem_shared>> -> memref<1568xf32, #tpu.memory_space<vmem_shared>>
      %dma_start3A_188 = arith.constant 0 : i32
      %dma_start3A_189 = tpu.memref_slice %arg11[%dma_start3A_188] : memref<4000xf32, #tpu.memory_space<vmem>> -> memref<1568xf32, #tpu.memory_space<vmem>>
      tpu.enqueue_dma source(%dma_start3A_189 : memref<1568xf32, #tpu.memory_space<vmem>>) target(%dma_start3A_187 : memref<1568xf32, #tpu.memory_space<vmem_shared>>) target_semaphore(%run_scoped3A : memref<!tpu.dma_semaphore, #tpu.memory_space<semaphore_mem>>)
      %dma_wait3A_190 = arith.constant 0 : i32
      %dma_wait3A_191 = tpu.memref_slice %arg11[%dma_wait3A_190] : memref<4000xf32, #tpu.memory_space<vmem>> -> memref<1568xf32, #tpu.memory_space<vmem>>
      %dma_wait3A_192 = tpu.memref_slice %arg15[%add3A_38] : memref<100352xf32, #tpu.memory_space<vmem_shared>> -> memref<1568xf32, #tpu.memory_space<vmem_shared>>
      %dma_wait3A_193 = tpu.memref_slice %arg15[%add3A_38] : memref<100352xf32, #tpu.memory_space<vmem_shared>> -> memref<1568xf32, #tpu.memory_space<vmem_shared>>
      %dma_wait3A_194 = arith.constant 0 : i32
      %dma_wait3A_195 = tpu.memref_slice %arg11[%dma_wait3A_194] : memref<4000xf32, #tpu.memory_space<vmem>> -> memref<1568xf32, #tpu.memory_space<vmem>>
      tpu.wait_dma2 semaphore(%run_scoped3A : memref<!tpu.dma_semaphore, #tpu.memory_space<semaphore_mem>>) src(%dma_wait3A_195 : memref<1568xf32, #tpu.memory_space<vmem>>) dst(%dma_wait3A_193 : memref<1568xf32, #tpu.memory_space<vmem_shared>>)
      tpu.yield
    }) : () -> ()
    %mul3A_70 = arith.constant 6272 : i32
    %mul3A_71 = arith.muli %arg1, %mul3A_70 : i32
    %add3A_72 = arith.constant 3136 : i32
    %add3A_73 = arith.addi %mul3A_71, %add3A_72 : i32
    %dma_start3A_74 = arith.constant 0 : i32
    %dma_start3A_75 = tpu.memref_slice %arg11[%dma_start3A_74] : memref<4000xf32, #tpu.memory_space<vmem>> -> memref<1568xf32, #tpu.memory_space<vmem>>
    %dma_start3A_76 = tpu.memref_slice %arg2[%add3A_73] : memref<100352xf32, #tpu.memory_space<hbm>> -> memref<1568xf32, #tpu.memory_space<hbm>>
    %dma_start3A_77 = arith.constant 0 : i32
    %dma_start3A_78 = tpu.memref_slice %arg11[%dma_start3A_77] : memref<4000xf32, #tpu.memory_space<vmem>> -> memref<1568xf32, #tpu.memory_space<vmem>>
    %dma_start3A_79 = tpu.memref_slice %arg2[%add3A_73] : memref<100352xf32, #tpu.memory_space<hbm>> -> memref<1568xf32, #tpu.memory_space<hbm>>
    tpu.enqueue_dma source(%dma_start3A_79 : memref<1568xf32, #tpu.memory_space<hbm>>) target(%dma_start3A_78 : memref<1568xf32, #tpu.memory_space<vmem>>) target_semaphore(%arg16 : memref<!tpu.dma_semaphore, #tpu.memory_space<semaphore_mem>>)
    %dma_start3A_80 = arith.constant 0 : i32
    %dma_start3A_81 = tpu.memref_slice %arg14[%dma_start3A_80] : memref<4000xf32, #tpu.memory_space<vmem>> -> memref<1568xf32, #tpu.memory_space<vmem>>
    %dma_start3A_82 = tpu.memref_slice %arg3[%add3A_73] : memref<100352xf32, #tpu.memory_space<hbm>> -> memref<1568xf32, #tpu.memory_space<hbm>>
    %dma_start3A_83 = arith.constant 0 : i32
    %dma_start3A_84 = tpu.memref_slice %arg14[%dma_start3A_83] : memref<4000xf32, #tpu.memory_space<vmem>> -> memref<1568xf32, #tpu.memory_space<vmem>>
    %dma_start3A_85 = tpu.memref_slice %arg3[%add3A_73] : memref<100352xf32, #tpu.memory_space<hbm>> -> memref<1568xf32, #tpu.memory_space<hbm>>
    tpu.enqueue_dma source(%dma_start3A_85 : memref<1568xf32, #tpu.memory_space<hbm>>) target(%dma_start3A_84 : memref<1568xf32, #tpu.memory_space<vmem>>) target_semaphore(%arg17 : memref<!tpu.dma_semaphore, #tpu.memory_space<semaphore_mem>>)
    %dma_wait3A_86 = arith.constant 0 : i32
    %dma_wait3A_87 = tpu.memref_slice %arg11[%dma_wait3A_86] : memref<4000xf32, #tpu.memory_space<vmem>> -> memref<1568xf32, #tpu.memory_space<vmem>>
    %dma_wait3A_88 = tpu.memref_slice %arg2[%add3A_73] : memref<100352xf32, #tpu.memory_space<hbm>> -> memref<1568xf32, #tpu.memory_space<hbm>>
    %dma_wait3A_89 = arith.constant 0 : i32
    %dma_wait3A_90 = tpu.memref_slice %arg11[%dma_wait3A_89] : memref<4000xf32, #tpu.memory_space<vmem>> -> memref<1568xf32, #tpu.memory_space<vmem>>
    %dma_wait3A_91 = tpu.memref_slice %arg2[%add3A_73] : memref<100352xf32, #tpu.memory_space<hbm>> -> memref<1568xf32, #tpu.memory_space<hbm>>
    tpu.wait_dma2 semaphore(%arg16 : memref<!tpu.dma_semaphore, #tpu.memory_space<semaphore_mem>>) src(%dma_wait3A_91 : memref<1568xf32, #tpu.memory_space<hbm>>) dst(%dma_wait3A_90 : memref<1568xf32, #tpu.memory_space<vmem>>)
    %dma_wait3A_92 = arith.constant 0 : i32
    %dma_wait3A_93 = tpu.memref_slice %arg14[%dma_wait3A_92] : memref<4000xf32, #tpu.memory_space<vmem>> -> memref<1568xf32, #tpu.memory_space<vmem>>
    %dma_wait3A_94 = tpu.memref_slice %arg3[%add3A_73] : memref<100352xf32, #tpu.memory_space<hbm>> -> memref<1568xf32, #tpu.memory_space<hbm>>
    %dma_wait3A_95 = arith.constant 0 : i32
    %dma_wait3A_96 = tpu.memref_slice %arg14[%dma_wait3A_95] : memref<4000xf32, #tpu.memory_space<vmem>> -> memref<1568xf32, #tpu.memory_space<vmem>>
    %dma_wait3A_97 = tpu.memref_slice %arg3[%add3A_73] : memref<100352xf32, #tpu.memory_space<hbm>> -> memref<1568xf32, #tpu.memory_space<hbm>>
    tpu.wait_dma2 semaphore(%arg17 : memref<!tpu.dma_semaphore, #tpu.memory_space<semaphore_mem>>) src(%dma_wait3A_97 : memref<1568xf32, #tpu.memory_space<hbm>>) dst(%dma_wait3A_96 : memref<1568xf32, #tpu.memory_space<vmem>>)
    %scan3A_98 = arith.constant 0 : i32
    %scan3A_99 = arith.constant 0 : i32
    %scan3A_100 = arith.constant 98 : i32
    %scan3A_101 = arith.addi %scan3A_99, %scan3A_100 : i32
    %scan3A_102 = arith.constant 1 : i32
    %scan3A_103 = scf.for %scan3A_184 = %scan3A_99 to %scan3A_101 step %scan3A_102 iter_args(%scan3A_185 = %scan3A_98) -> (i32)  : i32 {
      %mul3A_186 = arith.constant 16 : i32
      %mul3A_187 = arith.muli %scan3A_184, %mul3A_186 : i32
      %get3A = arith.index_cast %mul3A_187 : i32 to index
      %get3A_188 = tpu.vector_load %arg11[%get3A] {strides = array<i32>} : memref<4000xf32, #tpu.memory_space<vmem>>, vector<16xf32>,
      %get3A_189 = arith.index_cast %mul3A_187 : i32 to index
      %get3A_190 = tpu.vector_load %arg14[%get3A_189] {strides = array<i32>} : memref<4000xf32, #tpu.memory_space<vmem>>, vector<16xf32>,
      %add3A_191 = arith.addf %get3A_188, %get3A_190 : vector<16xf32>
      %swap3A = arith.index_cast %mul3A_187 : i32 to index
      %swap3A_192 = tpu.vector_load %arg11[%swap3A] {strides = array<i32>} : memref<4000xf32, #tpu.memory_space<vmem>>, vector<16xf32>,
      tpu.vector_store %arg11[%swap3A], %add3A_191 {strides = array<i32>} : memref<4000xf32, #tpu.memory_space<vmem>>, vector<16xf32>,
      %scan3A_193 = arith.constant 0 : i32
      scf.yield %scan3A_193 : i32
    }
    %scan3A_104 = arith.constant 98 : i32
    "tpu.region"() ({
      %run_scoped3A = tpu.sem_alloc : memref<!tpu.dma_semaphore, #tpu.memory_space<semaphore_mem>>
      %dma_start3A_184 = arith.constant 0 : i32
      %dma_start3A_185 = tpu.memref_slice %arg11[%dma_start3A_184] : memref<4000xf32, #tpu.memory_space<vmem>> -> memref<1568xf32, #tpu.memory_space<vmem>>
      %dma_start3A_186 = tpu.memref_slice %arg15[%add3A_73] : memref<100352xf32, #tpu.memory_space<vmem_shared>> -> memref<1568xf32, #tpu.memory_space<vmem_shared>>
      %dma_start3A_187 = tpu.memref_slice %arg15[%add3A_73] : memref<100352xf32, #tpu.memory_space<vmem_shared>> -> memref<1568xf32, #tpu.memory_space<vmem_shared>>
      %dma_start3A_188 = arith.constant 0 : i32
      %dma_start3A_189 = tpu.memref_slice %arg11[%dma_start3A_188] : memref<4000xf32, #tpu.memory_space<vmem>> -> memref<1568xf32, #tpu.memory_space<vmem>>
      tpu.enqueue_dma source(%dma_start3A_189 : memref<1568xf32, #tpu.memory_space<vmem>>) target(%dma_start3A_187 : memref<1568xf32, #tpu.memory_space<vmem_shared>>) target_semaphore(%run_scoped3A : memref<!tpu.dma_semaphore, #tpu.memory_space<semaphore_mem>>)
      %dma_wait3A_190 = arith.constant 0 : i32
      %dma_wait3A_191 = tpu.memref_slice %arg11[%dma_wait3A_190] : memref<4000xf32, #tpu.memory_space<vmem>> -> memref<1568xf32, #tpu.memory_space<vmem>>
      %dma_wait3A_192 = tpu.memref_slice %arg15[%add3A_73] : memref<100352xf32, #tpu.memory_space<vmem_shared>> -> memref<1568xf32, #tpu.memory_space<vmem_shared>>
      %dma_wait3A_193 = tpu.memref_slice %arg15[%add3A_73] : memref<100352xf32, #tpu.memory_space<vmem_shared>> -> memref<1568xf32, #tpu.memory_space<vmem_shared>>
      %dma_wait3A_194 = arith.constant 0 : i32
      %dma_wait3A_195 = tpu.memref_slice %arg11[%dma_wait3A_194] : memref<4000xf32, #tpu.memory_space<vmem>> -> memref<1568xf32, #tpu.memory_space<vmem>>
      tpu.wait_dma2 semaphore(%run_scoped3A : memref<!tpu.dma_semaphore, #tpu.memory_space<semaphore_mem>>) src(%dma_wait3A_195 : memref<1568xf32, #tpu.memory_space<vmem>>) dst(%dma_wait3A_193 : memref<1568xf32, #tpu.memory_space<vmem_shared>>)
      tpu.yield
    }) : () -> ()
    %mul3A_105 = arith.constant 6272 : i32
    %mul3A_106 = arith.muli %arg1, %mul3A_105 : i32
    %add3A_107 = arith.constant 4704 : i32
    %add3A_108 = arith.addi %mul3A_106, %add3A_107 : i32
    %dma_start3A_109 = arith.constant 0 : i32
    %dma_start3A_110 = tpu.memref_slice %arg11[%dma_start3A_109] : memref<4000xf32, #tpu.memory_space<vmem>> -> memref<1568xf32, #tpu.memory_space<vmem>>
    %dma_start3A_111 = tpu.memref_slice %arg2[%add3A_108] : memref<100352xf32, #tpu.memory_space<hbm>> -> memref<1568xf32, #tpu.memory_space<hbm>>
    %dma_start3A_112 = arith.constant 0 : i32
    %dma_start3A_113 = tpu.memref_slice %arg11[%dma_start3A_112] : memref<4000xf32, #tpu.memory_space<vmem>> -> memref<1568xf32, #tpu.memory_space<vmem>>
    %dma_start3A_114 = tpu.memref_slice %arg2[%add3A_108] : memref<100352xf32, #tpu.memory_space<hbm>> -> memref<1568xf32, #tpu.memory_space<hbm>>
    tpu.enqueue_dma source(%dma_start3A_114 : memref<1568xf32, #tpu.memory_space<hbm>>) target(%dma_start3A_113 : memref<1568xf32, #tpu.memory_space<vmem>>) target_semaphore(%arg16 : memref<!tpu.dma_semaphore, #tpu.memory_space<semaphore_mem>>)
    %dma_start3A_115 = arith.constant 0 : i32
    %dma_start3A_116 = tpu.memref_slice %arg14[%dma_start3A_115] : memref<4000xf32, #tpu.memory_space<vmem>> -> memref<1568xf32, #tpu.memory_space<vmem>>
    %dma_start3A_117 = tpu.memref_slice %arg3[%add3A_108] : memref<100352xf32, #tpu.memory_space<hbm>> -> memref<1568xf32, #tpu.memory_space<hbm>>
    %dma_start3A_118 = arith.constant 0 : i32
    %dma_start3A_119 = tpu.memref_slice %arg14[%dma_start3A_118] : memref<4000xf32, #tpu.memory_space<vmem>> -> memref<1568xf32, #tpu.memory_space<vmem>>
    %dma_start3A_120 = tpu.memref_slice %arg3[%add3A_108] : memref<100352xf32, #tpu.memory_space<hbm>> -> memref<1568xf32, #tpu.memory_space<hbm>>
    tpu.enqueue_dma source(%dma_start3A_120 : memref<1568xf32, #tpu.memory_space<hbm>>) target(%dma_start3A_119 : memref<1568xf32, #tpu.memory_space<vmem>>) target_semaphore(%arg17 : memref<!tpu.dma_semaphore, #tpu.memory_space<semaphore_mem>>)
    %dma_wait3A_121 = arith.constant 0 : i32
    %dma_wait3A_122 = tpu.memref_slice %arg11[%dma_wait3A_121] : memref<4000xf32, #tpu.memory_space<vmem>> -> memref<1568xf32, #tpu.memory_space<vmem>>
    %dma_wait3A_123 = tpu.memref_slice %arg2[%add3A_108] : memref<100352xf32, #tpu.memory_space<hbm>> -> memref<1568xf32, #tpu.memory_space<hbm>>
    %dma_wait3A_124 = arith.constant 0 : i32
    %dma_wait3A_125 = tpu.memref_slice %arg11[%dma_wait3A_124] : memref<4000xf32, #tpu.memory_space<vmem>> -> memref<1568xf32, #tpu.memory_space<vmem>>
    %dma_wait3A_126 = tpu.memref_slice %arg2[%add3A_108] : memref<100352xf32, #tpu.memory_space<hbm>> -> memref<1568xf32, #tpu.memory_space<hbm>>
    tpu.wait_dma2 semaphore(%arg16 : memref<!tpu.dma_semaphore, #tpu.memory_space<semaphore_mem>>) src(%dma_wait3A_126 : memref<1568xf32, #tpu.memory_space<hbm>>) dst(%dma_wait3A_125 : memref<1568xf32, #tpu.memory_space<vmem>>)
    %dma_wait3A_127 = arith.constant 0 : i32
    %dma_wait3A_128 = tpu.memref_slice %arg14[%dma_wait3A_127] : memref<4000xf32, #tpu.memory_space<vmem>> -> memref<1568xf32, #tpu.memory_space<vmem>>
    %dma_wait3A_129 = tpu.memref_slice %arg3[%add3A_108] : memref<100352xf32, #tpu.memory_space<hbm>> -> memref<1568xf32, #tpu.memory_space<hbm>>
    %dma_wait3A_130 = arith.constant 0 : i32
    %dma_wait3A_131 = tpu.memref_slice %arg14[%dma_wait3A_130] : memref<4000xf32, #tpu.memory_space<vmem>> -> memref<1568xf32, #tpu.memory_space<vmem>>
    %dma_wait3A_132 = tpu.memref_slice %arg3[%add3A_108] : memref<100352xf32, #tpu.memory_space<hbm>> -> memref<1568xf32, #tpu.memory_space<hbm>>
    tpu.wait_dma2 semaphore(%arg17 : memref<!tpu.dma_semaphore, #tpu.memory_space<semaphore_mem>>) src(%dma_wait3A_132 : memref<1568xf32, #tpu.memory_space<hbm>>) dst(%dma_wait3A_131 : memref<1568xf32, #tpu.memory_space<vmem>>)
    %scan3A_133 = arith.constant 0 : i32
    %scan3A_134 = arith.constant 0 : i32
    %scan3A_135 = arith.constant 98 : i32
    %scan3A_136 = arith.addi %scan3A_134, %scan3A_135 : i32
    %scan3A_137 = arith.constant 1 : i32
    %scan3A_138 = scf.for %scan3A_184 = %scan3A_134 to %scan3A_136 step %scan3A_137 iter_args(%scan3A_185 = %scan3A_133) -> (i32)  : i32 {
      %mul3A_186 = arith.constant 16 : i32
      %mul3A_187 = arith.muli %scan3A_184, %mul3A_186 : i32
      %get3A = arith.index_cast %mul3A_187 : i32 to index
      %get3A_188 = tpu.vector_load %arg11[%get3A] {strides = array<i32>} : memref<4000xf32, #tpu.memory_space<vmem>>, vector<16xf32>,
      %get3A_189 = arith.index_cast %mul3A_187 : i32 to index
      %get3A_190 = tpu.vector_load %arg14[%get3A_189] {strides = array<i32>} : memref<4000xf32, #tpu.memory_space<vmem>>, vector<16xf32>,
      %add3A_191 = arith.addf %get3A_188, %get3A_190 : vector<16xf32>
      %swap3A = arith.index_cast %mul3A_187 : i32 to index
      %swap3A_192 = tpu.vector_load %arg11[%swap3A] {strides = array<i32>} : memref<4000xf32, #tpu.memory_space<vmem>>, vector<16xf32>,
      tpu.vector_store %arg11[%swap3A], %add3A_191 {strides = array<i32>} : memref<4000xf32, #tpu.memory_space<vmem>>, vector<16xf32>,
      %scan3A_193 = arith.constant 0 : i32
      scf.yield %scan3A_193 : i32
    }
    %scan3A_139 = arith.constant 98 : i32
    "tpu.region"() ({
      %run_scoped3A = tpu.sem_alloc : memref<!tpu.dma_semaphore, #tpu.memory_space<semaphore_mem>>
      %dma_start3A_184 = arith.constant 0 : i32
      %dma_start3A_185 = tpu.memref_slice %arg11[%dma_start3A_184] : memref<4000xf32, #tpu.memory_space<vmem>> -> memref<1568xf32, #tpu.memory_space<vmem>>
      %dma_start3A_186 = tpu.memref_slice %arg15[%add3A_108] : memref<100352xf32, #tpu.memory_space<vmem_shared>> -> memref<1568xf32, #tpu.memory_space<vmem_shared>>
      %dma_start3A_187 = tpu.memref_slice %arg15[%add3A_108] : memref<100352xf32, #tpu.memory_space<vmem_shared>> -> memref<1568xf32, #tpu.memory_space<vmem_shared>>
      %dma_start3A_188 = arith.constant 0 : i32
      %dma_start3A_189 = tpu.memref_slice %arg11[%dma_start3A_188] : memref<4000xf32, #tpu.memory_space<vmem>> -> memref<1568xf32, #tpu.memory_space<vmem>>
      tpu.enqueue_dma source(%dma_start3A_189 : memref<1568xf32, #tpu.memory_space<vmem>>) target(%dma_start3A_187 : memref<1568xf32, #tpu.memory_space<vmem_shared>>) target_semaphore(%run_scoped3A : memref<!tpu.dma_semaphore, #tpu.memory_space<semaphore_mem>>)
      %dma_wait3A_190 = arith.constant 0 : i32
      %dma_wait3A_191 = tpu.memref_slice %arg11[%dma_wait3A_190] : memref<4000xf32, #tpu.memory_space<vmem>> -> memref<1568xf32, #tpu.memory_space<vmem>>
      %dma_wait3A_192 = tpu.memref_slice %arg15[%add3A_108] : memref<100352xf32, #tpu.memory_space<vmem_shared>> -> memref<1568xf32, #tpu.memory_space<vmem_shared>>
      %dma_wait3A_193 = tpu.memref_slice %arg15[%add3A_108] : memref<100352xf32, #tpu.memory_space<vmem_shared>> -> memref<1568xf32, #tpu.memory_space<vmem_shared>>
      %dma_wait3A_194 = arith.constant 0 : i32
      %dma_wait3A_195 = tpu.memref_slice %arg11[%dma_wait3A_194] : memref<4000xf32, #tpu.memory_space<vmem>> -> memref<1568xf32, #tpu.memory_space<vmem>>
      tpu.wait_dma2 semaphore(%run_scoped3A : memref<!tpu.dma_semaphore, #tpu.memory_space<semaphore_mem>>) src(%dma_wait3A_195 : memref<1568xf32, #tpu.memory_space<vmem>>) dst(%dma_wait3A_193 : memref<1568xf32, #tpu.memory_space<vmem_shared>>)
      tpu.yield
    }) : () -> ()
    %dma_start3A_140 = tpu.memref_slice %arg4[%mul3A_2] : memref<12800000xi32, #tpu.memory_space<hbm>> -> memref<4000xi32, #tpu.memory_space<hbm>>
    %dma_start3A_141 = tpu.memref_slice %arg4[%mul3A_2] : memref<12800000xi32, #tpu.memory_space<hbm>> -> memref<4000xi32, #tpu.memory_space<hbm>>
    tpu.enqueue_dma source(%dma_start3A_141 : memref<4000xi32, #tpu.memory_space<hbm>>) target(%arg9 : memref<4000xi32, #tpu.memory_space<vmem>>) target_semaphore(%arg16 : memref<!tpu.dma_semaphore, #tpu.memory_space<semaphore_mem>>)
    %add3A_142 = arith.constant 6400000 : i32
    %add3A_143 = arith.addi %add3A_142, %mul3A_2 : i32
    %dma_start3A_144 = tpu.memref_slice %arg4[%add3A_143] : memref<12800000xi32, #tpu.memory_space<hbm>> -> memref<4000xi32, #tpu.memory_space<hbm>>
    %dma_start3A_145 = tpu.memref_slice %arg4[%add3A_143] : memref<12800000xi32, #tpu.memory_space<hbm>> -> memref<4000xi32, #tpu.memory_space<hbm>>
    tpu.enqueue_dma source(%dma_start3A_145 : memref<4000xi32, #tpu.memory_space<hbm>>) target(%arg10 : memref<4000xi32, #tpu.memory_space<vmem>>) target_semaphore(%arg16 : memref<!tpu.dma_semaphore, #tpu.memory_space<semaphore_mem>>)
    %dma_start3A_146 = tpu.memref_slice %arg5[%mul3A_2] : memref<6400000xf32, #tpu.memory_space<hbm>> -> memref<4000xf32, #tpu.memory_space<hbm>>
    %dma_start3A_147 = tpu.memref_slice %arg5[%mul3A_2] : memref<6400000xf32, #tpu.memory_space<hbm>> -> memref<4000xf32, #tpu.memory_space<hbm>>
    tpu.enqueue_dma source(%dma_start3A_147 : memref<4000xf32, #tpu.memory_space<hbm>>) target(%arg11 : memref<4000xf32, #tpu.memory_space<vmem>>) target_semaphore(%arg16 : memref<!tpu.dma_semaphore, #tpu.memory_space<semaphore_mem>>)
    %barrier3A = arith.constant 0 : index
    tpu.barrier barrier_id(%barrier3A)
    "tpu.region"() ({
      %run_scoped3A = tpu.sem_alloc : memref<!tpu.dma_semaphore, #tpu.memory_space<semaphore_mem>>
      %dma_start3A_184 = arith.constant 0 : i32
      %dma_start3A_185 = tpu.memref_slice %arg15[%dma_start3A_184] : memref<100352xf32, #tpu.memory_space<vmem_shared>> -> memref<100000xf32, #tpu.memory_space<vmem_shared>>
      %dma_start3A_186 = arith.constant 0 : i32
      %dma_start3A_187 = tpu.memref_slice %arg15[%dma_start3A_186] : memref<100352xf32, #tpu.memory_space<vmem_shared>> -> memref<100000xf32, #tpu.memory_space<vmem_shared>>
      tpu.enqueue_dma source(%dma_start3A_187 : memref<100000xf32, #tpu.memory_space<vmem_shared>>) target(%arg8 : memref<100000xf32, #tpu.memory_space<vmem>>) target_semaphore(%run_scoped3A : memref<!tpu.dma_semaphore, #tpu.memory_space<semaphore_mem>>)
      %dma_wait3A_188 = arith.constant 0 : i32
      %dma_wait3A_189 = tpu.memref_slice %arg15[%dma_wait3A_188] : memref<100352xf32, #tpu.memory_space<vmem_shared>> -> memref<100000xf32, #tpu.memory_space<vmem_shared>>
      %dma_wait3A_190 = arith.constant 0 : i32
      %dma_wait3A_191 = tpu.memref_slice %arg15[%dma_wait3A_190] : memref<100352xf32, #tpu.memory_space<vmem_shared>> -> memref<100000xf32, #tpu.memory_space<vmem_shared>>
      tpu.wait_dma2 semaphore(%run_scoped3A : memref<!tpu.dma_semaphore, #tpu.memory_space<semaphore_mem>>) src(%dma_wait3A_191 : memref<100000xf32, #tpu.memory_space<vmem_shared>>) dst(%arg8 : memref<100000xf32, #tpu.memory_space<vmem>>)
      tpu.yield
    }) : () -> ()
    %barrier3A_148 = arith.constant 0 : index
    tpu.barrier barrier_id(%barrier3A_148)
    %eq3A = arith.constant 1 : i32
    %eq3A_149 = arith.cmpi eq, %arg0, %eq3A : i32
    %convert_element_type3A = arith.extui %eq3A_149 : i1 to i32
    %cond3A = arith.constant 0 : i32
    %cond3A_150 = arith.cmpi ne, %convert_element_type3A, %cond3A : i32
    scf.if %cond3A_150 {
      %scan3A_184 = arith.constant 0 : i32
      %scan3A_185 = arith.constant 0 : i32
      %scan3A_186 = arith.constant 98 : i32
      %scan3A_187 = arith.addi %scan3A_185, %scan3A_186 : i32
      %scan3A_188 = arith.constant 1 : i32
      %scan3A_189 = scf.for %scan3A_207 = %scan3A_185 to %scan3A_187 step %scan3A_188 iter_args(%scan3A_208 = %scan3A_184) -> (i32)  : i32 {
        %broadcast_in_dim3A = arith.constant 0.000000e+00 : f32
        %broadcast_in_dim3A_209 = vector.broadcast %broadcast_in_dim3A : f32 to vector<16xf32>
        %mul3A_210 = arith.constant 16 : i32
        %mul3A_211 = arith.muli %scan3A_207, %mul3A_210 : i32
        %swap3A = arith.index_cast %mul3A_211 : i32 to index
        %swap3A_212 = tpu.vector_load %arg14[%swap3A] {strides = array<i32>} : memref<4000xf32, #tpu.memory_space<vmem>>, vector<16xf32>,
        tpu.vector_store %arg14[%swap3A], %broadcast_in_dim3A_209 {strides = array<i32>} : memref<4000xf32, #tpu.memory_space<vmem>>, vector<16xf32>,
        %scan3A_213 = arith.constant 0 : i32
        scf.yield %scan3A_213 : i32
      }
      %scan3A_190 = arith.constant 98 : i32
      %mul3A_191 = arith.constant 6272 : i32
      %mul3A_192 = arith.muli %arg1, %mul3A_191 : i32
      %add3A_193 = arith.constant 0 : i32
      %add3A_194 = arith.addi %mul3A_192, %add3A_193 : i32
      "tpu.region"() ({
        %run_scoped3A = tpu.sem_alloc : memref<!tpu.dma_semaphore, #tpu.memory_space<semaphore_mem>>
        %dma_start3A_207 = arith.constant 0 : i32
        %dma_start3A_208 = tpu.memref_slice %arg14[%dma_start3A_207] : memref<4000xf32, #tpu.memory_space<vmem>> -> memref<1568xf32, #tpu.memory_space<vmem>>
        %dma_start3A_209 = tpu.memref_slice %arg15[%add3A_194] : memref<100352xf32, #tpu.memory_space<vmem_shared>> -> memref<1568xf32, #tpu.memory_space<vmem_shared>>
        %dma_start3A_210 = tpu.memref_slice %arg15[%add3A_194] : memref<100352xf32, #tpu.memory_space<vmem_shared>> -> memref<1568xf32, #tpu.memory_space<vmem_shared>>
        %dma_start3A_211 = arith.constant 0 : i32
        %dma_start3A_212 = tpu.memref_slice %arg14[%dma_start3A_211] : memref<4000xf32, #tpu.memory_space<vmem>> -> memref<1568xf32, #tpu.memory_space<vmem>>
        tpu.enqueue_dma source(%dma_start3A_212 : memref<1568xf32, #tpu.memory_space<vmem>>) target(%dma_start3A_210 : memref<1568xf32, #tpu.memory_space<vmem_shared>>) target_semaphore(%run_scoped3A : memref<!tpu.dma_semaphore, #tpu.memory_space<semaphore_mem>>)
        %dma_wait3A_213 = arith.constant 0 : i32
        %dma_wait3A_214 = tpu.memref_slice %arg14[%dma_wait3A_213] : memref<4000xf32, #tpu.memory_space<vmem>> -> memref<1568xf32, #tpu.memory_space<vmem>>
        %dma_wait3A_215 = tpu.memref_slice %arg15[%add3A_194] : memref<100352xf32, #tpu.memory_space<vmem_shared>> -> memref<1568xf32, #tpu.memory_space<vmem_shared>>
        %dma_wait3A_216 = tpu.memref_slice %arg15[%add3A_194] : memref<100352xf32, #tpu.memory_space<vmem_shared>> -> memref<1568xf32, #tpu.memory_space<vmem_shared>>
        %dma_wait3A_217 = arith.constant 0 : i32
        %dma_wait3A_218 = tpu.memref_slice %arg14[%dma_wait3A_217] : memref<4000xf32, #tpu.memory_space<vmem>> -> memref<1568xf32, #tpu.memory_space<vmem>>
        tpu.wait_dma2 semaphore(%run_scoped3A : memref<!tpu.dma_semaphore, #tpu.memory_space<semaphore_mem>>) src(%dma_wait3A_218 : memref<1568xf32, #tpu.memory_space<vmem>>) dst(%dma_wait3A_216 : memref<1568xf32, #tpu.memory_space<vmem_shared>>)
        tpu.yield
      }) : () -> ()
      %mul3A_195 = arith.constant 6272 : i32
      %mul3A_196 = arith.muli %arg1, %mul3A_195 : i32
      %add3A_197 = arith.constant 1568 : i32
      %add3A_198 = arith.addi %mul3A_196, %add3A_197 : i32
      "tpu.region"() ({
        %run_scoped3A = tpu.sem_alloc : memref<!tpu.dma_semaphore, #tpu.memory_space<semaphore_mem>>
        %dma_start3A_207 = arith.constant 0 : i32
        %dma_start3A_208 = tpu.memref_slice %arg14[%dma_start3A_207] : memref<4000xf32, #tpu.memory_space<vmem>> -> memref<1568xf32, #tpu.memory_space<vmem>>
        %dma_start3A_209 = tpu.memref_slice %arg15[%add3A_198] : memref<100352xf32, #tpu.memory_space<vmem_shared>> -> memref<1568xf32, #tpu.memory_space<vmem_shared>>
        %dma_start3A_210 = tpu.memref_slice %arg15[%add3A_198] : memref<100352xf32, #tpu.memory_space<vmem_shared>> -> memref<1568xf32, #tpu.memory_space<vmem_shared>>
        %dma_start3A_211 = arith.constant 0 : i32
        %dma_start3A_212 = tpu.memref_slice %arg14[%dma_start3A_211] : memref<4000xf32, #tpu.memory_space<vmem>> -> memref<1568xf32, #tpu.memory_space<vmem>>
        tpu.enqueue_dma source(%dma_start3A_212 : memref<1568xf32, #tpu.memory_space<vmem>>) target(%dma_start3A_210 : memref<1568xf32, #tpu.memory_space<vmem_shared>>) target_semaphore(%run_scoped3A : memref<!tpu.dma_semaphore, #tpu.memory_space<semaphore_mem>>)
        %dma_wait3A_213 = arith.constant 0 : i32
        %dma_wait3A_214 = tpu.memref_slice %arg14[%dma_wait3A_213] : memref<4000xf32, #tpu.memory_space<vmem>> -> memref<1568xf32, #tpu.memory_space<vmem>>
        %dma_wait3A_215 = tpu.memref_slice %arg15[%add3A_198] : memref<100352xf32, #tpu.memory_space<vmem_shared>> -> memref<1568xf32, #tpu.memory_space<vmem_shared>>
        %dma_wait3A_216 = tpu.memref_slice %arg15[%add3A_198] : memref<100352xf32, #tpu.memory_space<vmem_shared>> -> memref<1568xf32, #tpu.memory_space<vmem_shared>>
        %dma_wait3A_217 = arith.constant 0 : i32
        %dma_wait3A_218 = tpu.memref_slice %arg14[%dma_wait3A_217] : memref<4000xf32, #tpu.memory_space<vmem>> -> memref<1568xf32, #tpu.memory_space<vmem>>
        tpu.wait_dma2 semaphore(%run_scoped3A : memref<!tpu.dma_semaphore, #tpu.memory_space<semaphore_mem>>) src(%dma_wait3A_218 : memref<1568xf32, #tpu.memory_space<vmem>>) dst(%dma_wait3A_216 : memref<1568xf32, #tpu.memory_space<vmem_shared>>)
        tpu.yield
      }) : () -> ()
      %mul3A_199 = arith.constant 6272 : i32
      %mul3A_200 = arith.muli %arg1, %mul3A_199 : i32
      %add3A_201 = arith.constant 3136 : i32
      %add3A_202 = arith.addi %mul3A_200, %add3A_201 : i32
      "tpu.region"() ({
        %run_scoped3A = tpu.sem_alloc : memref<!tpu.dma_semaphore, #tpu.memory_space<semaphore_mem>>
        %dma_start3A_207 = arith.constant 0 : i32
        %dma_start3A_208 = tpu.memref_slice %arg14[%dma_start3A_207] : memref<4000xf32, #tpu.memory_space<vmem>> -> memref<1568xf32, #tpu.memory_space<vmem>>
        %dma_start3A_209 = tpu.memref_slice %arg15[%add3A_202] : memref<100352xf32, #tpu.memory_space<vmem_shared>> -> memref<1568xf32, #tpu.memory_space<vmem_shared>>
        %dma_start3A_210 = tpu.memref_slice %arg15[%add3A_202] : memref<100352xf32, #tpu.memory_space<vmem_shared>> -> memref<1568xf32, #tpu.memory_space<vmem_shared>>
        %dma_start3A_211 = arith.constant 0 : i32
        %dma_start3A_212 = tpu.memref_slice %arg14[%dma_start3A_211] : memref<4000xf32, #tpu.memory_space<vmem>> -> memref<1568xf32, #tpu.memory_space<vmem>>
        tpu.enqueue_dma source(%dma_start3A_212 : memref<1568xf32, #tpu.memory_space<vmem>>) target(%dma_start3A_210 : memref<1568xf32, #tpu.memory_space<vmem_shared>>) target_semaphore(%run_scoped3A : memref<!tpu.dma_semaphore, #tpu.memory_space<semaphore_mem>>)
        %dma_wait3A_213 = arith.constant 0 : i32
        %dma_wait3A_214 = tpu.memref_slice %arg14[%dma_wait3A_213] : memref<4000xf32, #tpu.memory_space<vmem>> -> memref<1568xf32, #tpu.memory_space<vmem>>
        %dma_wait3A_215 = tpu.memref_slice %arg15[%add3A_202] : memref<100352xf32, #tpu.memory_space<vmem_shared>> -> memref<1568xf32, #tpu.memory_space<vmem_shared>>
        %dma_wait3A_216 = tpu.memref_slice %arg15[%add3A_202] : memref<100352xf32, #tpu.memory_space<vmem_shared>> -> memref<1568xf32, #tpu.memory_space<vmem_shared>>
        %dma_wait3A_217 = arith.constant 0 : i32
        %dma_wait3A_218 = tpu.memref_slice %arg14[%dma_wait3A_217] : memref<4000xf32, #tpu.memory_space<vmem>> -> memref<1568xf32, #tpu.memory_space<vmem>>
        tpu.wait_dma2 semaphore(%run_scoped3A : memref<!tpu.dma_semaphore, #tpu.memory_space<semaphore_mem>>) src(%dma_wait3A_218 : memref<1568xf32, #tpu.memory_space<vmem>>) dst(%dma_wait3A_216 : memref<1568xf32, #tpu.memory_space<vmem_shared>>)
        tpu.yield
      }) : () -> ()
      %mul3A_203 = arith.constant 6272 : i32
      %mul3A_204 = arith.muli %arg1, %mul3A_203 : i32
      %add3A_205 = arith.constant 4704 : i32
      %add3A_206 = arith.addi %mul3A_204, %add3A_205 : i32
      "tpu.region"() ({
        %run_scoped3A = tpu.sem_alloc : memref<!tpu.dma_semaphore, #tpu.memory_space<semaphore_mem>>
        %dma_start3A_207 = arith.constant 0 : i32
        %dma_start3A_208 = tpu.memref_slice %arg14[%dma_start3A_207] : memref<4000xf32, #tpu.memory_space<vmem>> -> memref<1568xf32, #tpu.memory_space<vmem>>
        %dma_start3A_209 = tpu.memref_slice %arg15[%add3A_206] : memref<100352xf32, #tpu.memory_space<vmem_shared>> -> memref<1568xf32, #tpu.memory_space<vmem_shared>>
        %dma_start3A_210 = tpu.memref_slice %arg15[%add3A_206] : memref<100352xf32, #tpu.memory_space<vmem_shared>> -> memref<1568xf32, #tpu.memory_space<vmem_shared>>
        %dma_start3A_211 = arith.constant 0 : i32
        %dma_start3A_212 = tpu.memref_slice %arg14[%dma_start3A_211] : memref<4000xf32, #tpu.memory_space<vmem>> -> memref<1568xf32, #tpu.memory_space<vmem>>
        tpu.enqueue_dma source(%dma_start3A_212 : memref<1568xf32, #tpu.memory_space<vmem>>) target(%dma_start3A_210 : memref<1568xf32, #tpu.memory_space<vmem_shared>>) target_semaphore(%run_scoped3A : memref<!tpu.dma_semaphore, #tpu.memory_space<semaphore_mem>>)
        %dma_wait3A_213 = arith.constant 0 : i32
        %dma_wait3A_214 = tpu.memref_slice %arg14[%dma_wait3A_213] : memref<4000xf32, #tpu.memory_space<vmem>> -> memref<1568xf32, #tpu.memory_space<vmem>>
        %dma_wait3A_215 = tpu.memref_slice %arg15[%add3A_206] : memref<100352xf32, #tpu.memory_space<vmem_shared>> -> memref<1568xf32, #tpu.memory_space<vmem_shared>>
        %dma_wait3A_216 = tpu.memref_slice %arg15[%add3A_206] : memref<100352xf32, #tpu.memory_space<vmem_shared>> -> memref<1568xf32, #tpu.memory_space<vmem_shared>>
        %dma_wait3A_217 = arith.constant 0 : i32
        %dma_wait3A_218 = tpu.memref_slice %arg14[%dma_wait3A_217] : memref<4000xf32, #tpu.memory_space<vmem>> -> memref<1568xf32, #tpu.memory_space<vmem>>
        tpu.wait_dma2 semaphore(%run_scoped3A : memref<!tpu.dma_semaphore, #tpu.memory_space<semaphore_mem>>) src(%dma_wait3A_218 : memref<1568xf32, #tpu.memory_space<vmem>>) dst(%dma_wait3A_216 : memref<1568xf32, #tpu.memory_space<vmem_shared>>)
        tpu.yield
      }) : () -> ()
    } else {
    }
    %add3A_151 = arith.constant 4000 : i32
    %add3A_152 = arith.addi %mul3A_2, %add3A_151 : i32
    %dma_start3A_153 = tpu.memref_slice %arg4[%add3A_152] : memref<12800000xi32, #tpu.memory_space<hbm>> -> memref<4000xi32, #tpu.memory_space<hbm>>
    %dma_start3A_154 = tpu.memref_slice %arg4[%add3A_152] : memref<12800000xi32, #tpu.memory_space<hbm>> -> memref<4000xi32, #tpu.memory_space<hbm>>
    tpu.enqueue_dma source(%dma_start3A_154 : memref<4000xi32, #tpu.memory_space<hbm>>) target(%arg12 : memref<4000xi32, #tpu.memory_space<vmem>>) target_semaphore(%arg17 : memref<!tpu.dma_semaphore, #tpu.memory_space<semaphore_mem>>)
    %add3A_155 = arith.constant 6400000 : i32
    %add3A_156 = arith.addi %add3A_155, %add3A_152 : i32
    %dma_start3A_157 = tpu.memref_slice %arg4[%add3A_156] : memref<12800000xi32, #tpu.memory_space<hbm>> -> memref<4000xi32, #tpu.memory_space<hbm>>
    %dma_start3A_158 = tpu.memref_slice %arg4[%add3A_156] : memref<12800000xi32, #tpu.memory_space<hbm>> -> memref<4000xi32, #tpu.memory_space<hbm>>
    tpu.enqueue_dma source(%dma_start3A_158 : memref<4000xi32, #tpu.memory_space<hbm>>) target(%arg13 : memref<4000xi32, #tpu.memory_space<vmem>>) target_semaphore(%arg17 : memref<!tpu.dma_semaphore, #tpu.memory_space<semaphore_mem>>)
    %dma_start3A_159 = tpu.memref_slice %arg5[%add3A_152] : memref<6400000xf32, #tpu.memory_space<hbm>> -> memref<4000xf32, #tpu.memory_space<hbm>>
    %dma_start3A_160 = tpu.memref_slice %arg5[%add3A_152] : memref<6400000xf32, #tpu.memory_space<hbm>> -> memref<4000xf32, #tpu.memory_space<hbm>>
    tpu.enqueue_dma source(%dma_start3A_160 : memref<4000xf32, #tpu.memory_space<hbm>>) target(%arg14 : memref<4000xf32, #tpu.memory_space<vmem>>) target_semaphore(%arg17 : memref<!tpu.dma_semaphore, #tpu.memory_space<semaphore_mem>>)
    %barrier3A_161 = arith.constant 0 : index
    tpu.barrier barrier_id(%barrier3A_161)
    %scan3A_162 = arith.constant 0 : i32
    %scan3A_163 = arith.constant 0 : i32
    %scan3A_164 = arith.constant 25 : i32
    %scan3A_165 = arith.addi %scan3A_163, %scan3A_164 : i32
    %scan3A_166 = arith.constant 1 : i32
    %scan3A_167 = scf.for %scan3A_184 = %scan3A_163 to %scan3A_165 step %scan3A_166 iter_args(%scan3A_185 = %scan3A_162) -> (i32)  : i32 {
      %gt3A = arith.constant 0 : i32
      %gt3A_186 = arith.cmpi sgt, %scan3A_184, %gt3A : i32
      %convert_element_type3A_187 = arith.extui %gt3A_186 : i1 to i32
      %cond3A_188 = arith.constant 0 : i32
      %cond3A_189 = arith.cmpi ne, %convert_element_type3A_187, %cond3A_188 : i32
      scf.if %cond3A_189 {
        %dma_wait3A_230 = arith.constant 0 : i32
        %dma_wait3A_231 = tpu.memref_slice %arg15[%dma_wait3A_230] : memref<100352xf32, #tpu.memory_space<vmem_shared>> -> memref<100352xf32, #tpu.memory_space<vmem_shared>>
        tpu.wait_indirect_dma semaphore(%arg19 : memref<!tpu.dma_semaphore, #tpu.memory_space<semaphore_mem>>) src(%arg14 : memref<4000xf32, #tpu.memory_space<vmem>>) dst(%dma_wait3A_231 : memref<100352xf32, #tpu.memory_space<vmem_shared>>)
        %mul3A_232 = arith.constant 2 : i32
        %mul3A_233 = arith.muli %mul3A_232, %scan3A_184 : i32
        %add3A_234 = arith.constant 1 : i32
        %add3A_235 = arith.addi %mul3A_233, %add3A_234 : i32
        %mul3A_236 = arith.constant 4000 : i32
        %mul3A_237 = arith.muli %add3A_235, %mul3A_236 : i32
        %add3A_238 = arith.addi %mul3A_2, %mul3A_237 : i32
        %dma_start3A_239 = tpu.memref_slice %arg4[%add3A_238] : memref<12800000xi32, #tpu.memory_space<hbm>> -> memref<4000xi32, #tpu.memory_space<hbm>>
        %dma_start3A_240 = tpu.memref_slice %arg4[%add3A_238] : memref<12800000xi32, #tpu.memory_space<hbm>> -> memref<4000xi32, #tpu.memory_space<hbm>>
        tpu.enqueue_dma source(%dma_start3A_240 : memref<4000xi32, #tpu.memory_space<hbm>>) target(%arg12 : memref<4000xi32, #tpu.memory_space<vmem>>) target_semaphore(%arg17 : memref<!tpu.dma_semaphore, #tpu.memory_space<semaphore_mem>>)
        %add3A_241 = arith.constant 6400000 : i32
        %add3A_242 = arith.addi %add3A_241, %add3A_238 : i32
        %dma_start3A_243 = tpu.memref_slice %arg4[%add3A_242] : memref<12800000xi32, #tpu.memory_space<hbm>> -> memref<4000xi32, #tpu.memory_space<hbm>>
        %dma_start3A_244 = tpu.memref_slice %arg4[%add3A_242] : memref<12800000xi32, #tpu.memory_space<hbm>> -> memref<4000xi32, #tpu.memory_space<hbm>>
        tpu.enqueue_dma source(%dma_start3A_244 : memref<4000xi32, #tpu.memory_space<hbm>>) target(%arg13 : memref<4000xi32, #tpu.memory_space<vmem>>) target_semaphore(%arg17 : memref<!tpu.dma_semaphore, #tpu.memory_space<semaphore_mem>>)
        %dma_start3A_245 = tpu.memref_slice %arg5[%add3A_238] : memref<6400000xf32, #tpu.memory_space<hbm>> -> memref<4000xf32, #tpu.memory_space<hbm>>
        %dma_start3A_246 = tpu.memref_slice %arg5[%add3A_238] : memref<6400000xf32, #tpu.memory_space<hbm>> -> memref<4000xf32, #tpu.memory_space<hbm>>
        tpu.enqueue_dma source(%dma_start3A_246 : memref<4000xf32, #tpu.memory_space<hbm>>) target(%arg14 : memref<4000xf32, #tpu.memory_space<vmem>>) target_semaphore(%arg17 : memref<!tpu.dma_semaphore, #tpu.memory_space<semaphore_mem>>)
      } else {
      }
      %dma_wait3A_190 = arith.constant 0 : i32
      %dma_wait3A_191 = tpu.memref_slice %arg4[%dma_wait3A_190] : memref<12800000xi32, #tpu.memory_space<hbm>> -> memref<4000xi32, #tpu.memory_space<hbm>>
      %dma_wait3A_192 = arith.constant 0 : i32
      %dma_wait3A_193 = tpu.memref_slice %arg4[%dma_wait3A_192] : memref<12800000xi32, #tpu.memory_space<hbm>> -> memref<4000xi32, #tpu.memory_space<hbm>>
      tpu.wait_dma2 semaphore(%arg16 : memref<!tpu.dma_semaphore, #tpu.memory_space<semaphore_mem>>) src(%dma_wait3A_193 : memref<4000xi32, #tpu.memory_space<hbm>>) dst(%arg9 : memref<4000xi32, #tpu.memory_space<vmem>>)
      %dma_wait3A_194 = arith.constant 0 : i32
      %dma_wait3A_195 = tpu.memref_slice %arg4[%dma_wait3A_194] : memref<12800000xi32, #tpu.memory_space<hbm>> -> memref<4000xi32, #tpu.memory_space<hbm>>
      %dma_wait3A_196 = arith.constant 0 : i32
      %dma_wait3A_197 = tpu.memref_slice %arg4[%dma_wait3A_196] : memref<12800000xi32, #tpu.memory_space<hbm>> -> memref<4000xi32, #tpu.memory_space<hbm>>
      tpu.wait_dma2 semaphore(%arg16 : memref<!tpu.dma_semaphore, #tpu.memory_space<semaphore_mem>>) src(%dma_wait3A_197 : memref<4000xi32, #tpu.memory_space<hbm>>) dst(%arg10 : memref<4000xi32, #tpu.memory_space<vmem>>)
      %dma_wait3A_198 = arith.constant 0 : i32
      %dma_wait3A_199 = tpu.memref_slice %arg5[%dma_wait3A_198] : memref<6400000xf32, #tpu.memory_space<hbm>> -> memref<4000xf32, #tpu.memory_space<hbm>>
      %dma_wait3A_200 = arith.constant 0 : i32
      %dma_wait3A_201 = tpu.memref_slice %arg5[%dma_wait3A_200] : memref<6400000xf32, #tpu.memory_space<hbm>> -> memref<4000xf32, #tpu.memory_space<hbm>>
      tpu.wait_dma2 semaphore(%arg16 : memref<!tpu.dma_semaphore, #tpu.memory_space<semaphore_mem>>) src(%dma_wait3A_201 : memref<4000xf32, #tpu.memory_space<hbm>>) dst(%arg11 : memref<4000xf32, #tpu.memory_space<vmem>>)
      %parallel_loop3A = arith.constant 0 : i32
      %parallel_loop3A_202 = arith.constant 250 : i32
      %parallel_loop3A_203 = arith.constant 1 : i32
      scf.for %parallel_loop3A_230 = %parallel_loop3A to %parallel_loop3A_202 step %parallel_loop3A_203  : i32 {
        %parallel_loop3A_231 = arith.constant 16 : i32
        %parallel_loop3A_232 = arith.muli %parallel_loop3A_230, %parallel_loop3A_231 : i32
        %parallel_loop3A_233 = arith.index_cast %parallel_loop3A_232 : i32 to index
        %parallel_loop3A_234 = tpu.vector_load %arg11[%parallel_loop3A_233] {strides = array<i32>} : memref<4000xf32, #tpu.memory_space<vmem>>, vector<16xf32>,
        %parallel_loop3A_235 = math.exp %parallel_loop3A_234 : vector<16xf32>
        %parallel_loop3A_236 = arith.index_cast %parallel_loop3A_232 : i32 to index
        %parallel_loop3A_237 = tpu.vector_load %arg9[%parallel_loop3A_236] {strides = array<i32>} : memref<4000xi32, #tpu.memory_space<vmem>>, vector<16xi32>,
        %parallel_loop3A_238 = tpu.vector_load_idx %arg8[%parallel_loop3A_237] : memref<100000xf32, #tpu.memory_space<vmem>>[vector<16xi32>], vector<16xf32>,
        %parallel_loop3A_239 = arith.mulf %parallel_loop3A_235, %parallel_loop3A_238 : vector<16xf32>
        %parallel_loop3A_240 = arith.index_cast %parallel_loop3A_232 : i32 to index
        %parallel_loop3A_241 = tpu.vector_load %arg11[%parallel_loop3A_240] {strides = array<i32>} : memref<4000xf32, #tpu.memory_space<vmem>>, vector<16xf32>,
        tpu.vector_store %arg11[%parallel_loop3A_240], %parallel_loop3A_239 {strides = array<i32>} : memref<4000xf32, #tpu.memory_space<vmem>>, vector<16xf32>,
      } {sc.loop_unroll_factor = 25 : i64, sc.parallel_access}
      %dma_start3A_204 = arith.constant 0 : i32
      %dma_start3A_205 = tpu.memref_slice %arg15[%dma_start3A_204] : memref<100352xf32, #tpu.memory_space<vmem_shared>> -> memref<100352xf32, #tpu.memory_space<vmem_shared>>
      tpu.enqueue_indirect_dma source(%arg11 : memref<4000xf32, #tpu.memory_space<vmem>>) target(%dma_start3A_205 : memref<100352xf32, #tpu.memory_space<vmem_shared>>) offsets(%arg10 : memref<4000xi32, #tpu.memory_space<vmem>>) semaphore(%arg18 : memref<!tpu.dma_semaphore, #tpu.memory_space<semaphore_mem>>) {add = true}
      %dma_wait3A_206 = arith.constant 0 : i32
      %dma_wait3A_207 = tpu.memref_slice %arg4[%dma_wait3A_206] : memref<12800000xi32, #tpu.memory_space<hbm>> -> memref<4000xi32, #tpu.memory_space<hbm>>
      %dma_wait3A_208 = arith.constant 0 : i32
      %dma_wait3A_209 = tpu.memref_slice %arg4[%dma_wait3A_208] : memref<12800000xi32, #tpu.memory_space<hbm>> -> memref<4000xi32, #tpu.memory_space<hbm>>
      tpu.wait_dma2 semaphore(%arg17 : memref<!tpu.dma_semaphore, #tpu.memory_space<semaphore_mem>>) src(%dma_wait3A_209 : memref<4000xi32, #tpu.memory_space<hbm>>) dst(%arg12 : memref<4000xi32, #tpu.memory_space<vmem>>)
      %dma_wait3A_210 = arith.constant 0 : i32
      %dma_wait3A_211 = tpu.memref_slice %arg4[%dma_wait3A_210] : memref<12800000xi32, #tpu.memory_space<hbm>> -> memref<4000xi32, #tpu.memory_space<hbm>>
      %dma_wait3A_212 = arith.constant 0 : i32
      %dma_wait3A_213 = tpu.memref_slice %arg4[%dma_wait3A_212] : memref<12800000xi32, #tpu.memory_space<hbm>> -> memref<4000xi32, #tpu.memory_space<hbm>>
      tpu.wait_dma2 semaphore(%arg17 : memref<!tpu.dma_semaphore, #tpu.memory_space<semaphore_mem>>) src(%dma_wait3A_213 : memref<4000xi32, #tpu.memory_space<hbm>>) dst(%arg13 : memref<4000xi32, #tpu.memory_space<vmem>>)
      %dma_wait3A_214 = arith.constant 0 : i32
      %dma_wait3A_215 = tpu.memref_slice %arg5[%dma_wait3A_214] : memref<6400000xf32, #tpu.memory_space<hbm>> -> memref<4000xf32, #tpu.memory_space<hbm>>
      %dma_wait3A_216 = arith.constant 0 : i32
      %dma_wait3A_217 = tpu.memref_slice %arg5[%dma_wait3A_216] : memref<6400000xf32, #tpu.memory_space<hbm>> -> memref<4000xf32, #tpu.memory_space<hbm>>
      tpu.wait_dma2 semaphore(%arg17 : memref<!tpu.dma_semaphore, #tpu.memory_space<semaphore_mem>>) src(%dma_wait3A_217 : memref<4000xf32, #tpu.memory_space<hbm>>) dst(%arg14 : memref<4000xf32, #tpu.memory_space<vmem>>)
      %parallel_loop3A_218 = arith.constant 0 : i32
      %parallel_loop3A_219 = arith.constant 250 : i32
      %parallel_loop3A_220 = arith.constant 1 : i32
      scf.for %parallel_loop3A_230 = %parallel_loop3A_218 to %parallel_loop3A_219 step %parallel_loop3A_220  : i32 {
        %parallel_loop3A_231 = arith.constant 16 : i32
        %parallel_loop3A_232 = arith.muli %parallel_loop3A_230, %parallel_loop3A_231 : i32
        %parallel_loop3A_233 = arith.index_cast %parallel_loop3A_232 : i32 to index
        %parallel_loop3A_234 = tpu.vector_load %arg14[%parallel_loop3A_233] {strides = array<i32>} : memref<4000xf32, #tpu.memory_space<vmem>>, vector<16xf32>,
        %parallel_loop3A_235 = math.exp %parallel_loop3A_234 : vector<16xf32>
        %parallel_loop3A_236 = arith.index_cast %parallel_loop3A_232 : i32 to index
        %parallel_loop3A_237 = tpu.vector_load %arg12[%parallel_loop3A_236] {strides = array<i32>} : memref<4000xi32, #tpu.memory_space<vmem>>, vector<16xi32>,
        %parallel_loop3A_238 = tpu.vector_load_idx %arg8[%parallel_loop3A_237] : memref<100000xf32, #tpu.memory_space<vmem>>[vector<16xi32>], vector<16xf32>,
        %parallel_loop3A_239 = arith.mulf %parallel_loop3A_235, %parallel_loop3A_238 : vector<16xf32>
        %parallel_loop3A_240 = arith.index_cast %parallel_loop3A_232 : i32 to index
        %parallel_loop3A_241 = tpu.vector_load %arg14[%parallel_loop3A_240] {strides = array<i32>} : memref<4000xf32, #tpu.memory_space<vmem>>, vector<16xf32>,
        tpu.vector_store %arg14[%parallel_loop3A_240], %parallel_loop3A_239 {strides = array<i32>} : memref<4000xf32, #tpu.memory_space<vmem>>, vector<16xf32>,
      } {sc.loop_unroll_factor = 25 : i64, sc.parallel_access}
      %dma_start3A_221 = arith.constant 0 : i32
      %dma_start3A_222 = tpu.memref_slice %arg15[%dma_start3A_221] : memref<100352xf32, #tpu.memory_space<vmem_shared>> -> memref<100352xf32, #tpu.memory_space<vmem_shared>>
      tpu.enqueue_indirect_dma source(%arg14 : memref<4000xf32, #tpu.memory_space<vmem>>) target(%dma_start3A_222 : memref<100352xf32, #tpu.memory_space<vmem_shared>>) offsets(%arg13 : memref<4000xi32, #tpu.memory_space<vmem>>) semaphore(%arg19 : memref<!tpu.dma_semaphore, #tpu.memory_space<semaphore_mem>>) {add = true}
      %dma_wait3A_223 = arith.constant 0 : i32
      %dma_wait3A_224 = tpu.memref_slice %arg15[%dma_wait3A_223] : memref<100352xf32, #tpu.memory_space<vmem_shared>> -> memref<100352xf32, #tpu.memory_space<vmem_shared>>
      tpu.wait_indirect_dma semaphore(%arg18 : memref<!tpu.dma_semaphore, #tpu.memory_space<semaphore_mem>>) src(%arg11 : memref<4000xf32, #tpu.memory_space<vmem>>) dst(%dma_wait3A_224 : memref<100352xf32, #tpu.memory_space<vmem_shared>>)
      %lt3A = arith.constant 24 : i32
      %lt3A_225 = arith.cmpi slt, %scan3A_184, %lt3A : i32
      %convert_element_type3A_226 = arith.extui %lt3A_225 : i1 to i32
      %cond3A_227 = arith.constant 0 : i32
      %cond3A_228 = arith.cmpi ne, %convert_element_type3A_226, %cond3A_227 : i32
      scf.if %cond3A_228 {
        %mul3A_230 = arith.constant 2 : i32
        %mul3A_231 = arith.muli %mul3A_230, %scan3A_184 : i32
        %add3A_232 = arith.constant 2 : i32
        %add3A_233 = arith.addi %mul3A_231, %add3A_232 : i32
        %mul3A_234 = arith.constant 4000 : i32
        %mul3A_235 = arith.muli %add3A_233, %mul3A_234 : i32
        %add3A_236 = arith.addi %mul3A_2, %mul3A_235 : i32
        %dma_start3A_237 = tpu.memref_slice %arg4[%add3A_236] : memref<12800000xi32, #tpu.memory_space<hbm>> -> memref<4000xi32, #tpu.memory_space<hbm>>
        %dma_start3A_238 = tpu.memref_slice %arg4[%add3A_236] : memref<12800000xi32, #tpu.memory_space<hbm>> -> memref<4000xi32, #tpu.memory_space<hbm>>
        tpu.enqueue_dma source(%dma_start3A_238 : memref<4000xi32, #tpu.memory_space<hbm>>) target(%arg9 : memref<4000xi32, #tpu.memory_space<vmem>>) target_semaphore(%arg16 : memref<!tpu.dma_semaphore, #tpu.memory_space<semaphore_mem>>)
        %add3A_239 = arith.constant 6400000 : i32
        %add3A_240 = arith.addi %add3A_239, %add3A_236 : i32
        %dma_start3A_241 = tpu.memref_slice %arg4[%add3A_240] : memref<12800000xi32, #tpu.memory_space<hbm>> -> memref<4000xi32, #tpu.memory_space<hbm>>
        %dma_start3A_242 = tpu.memref_slice %arg4[%add3A_240] : memref<12800000xi32, #tpu.memory_space<hbm>> -> memref<4000xi32, #tpu.memory_space<hbm>>
        tpu.enqueue_dma source(%dma_start3A_242 : memref<4000xi32, #tpu.memory_space<hbm>>) target(%arg10 : memref<4000xi32, #tpu.memory_space<vmem>>) target_semaphore(%arg16 : memref<!tpu.dma_semaphore, #tpu.memory_space<semaphore_mem>>)
        %dma_start3A_243 = tpu.memref_slice %arg5[%add3A_236] : memref<6400000xf32, #tpu.memory_space<hbm>> -> memref<4000xf32, #tpu.memory_space<hbm>>
        %dma_start3A_244 = tpu.memref_slice %arg5[%add3A_236] : memref<6400000xf32, #tpu.memory_space<hbm>> -> memref<4000xf32, #tpu.memory_space<hbm>>
        tpu.enqueue_dma source(%dma_start3A_244 : memref<4000xf32, #tpu.memory_space<hbm>>) target(%arg11 : memref<4000xf32, #tpu.memory_space<vmem>>) target_semaphore(%arg16 : memref<!tpu.dma_semaphore, #tpu.memory_space<semaphore_mem>>)
      } else {
      }
      %scan3A_229 = arith.constant 0 : i32
      scf.yield %scan3A_229 : i32
    }
    %scan3A_168 = arith.constant 25 : i32
    %dma_wait3A_169 = arith.constant 0 : i32
    %dma_wait3A_170 = tpu.memref_slice %arg15[%dma_wait3A_169] : memref<100352xf32, #tpu.memory_space<vmem_shared>> -> memref<100352xf32, #tpu.memory_space<vmem_shared>>
    tpu.wait_indirect_dma semaphore(%arg19 : memref<!tpu.dma_semaphore, #tpu.memory_space<semaphore_mem>>) src(%arg14 : memref<4000xf32, #tpu.memory_space<vmem>>) dst(%dma_wait3A_170 : memref<100352xf32, #tpu.memory_space<vmem_shared>>)
    %barrier3A_171 = arith.constant 0 : index
    tpu.barrier barrier_id(%barrier3A_171)
    %mul3A_172 = arith.constant 6272 : i32
    %mul3A_173 = arith.muli %arg1, %mul3A_172 : i32
    %eq3A_174 = arith.constant 0 : i32
    %eq3A_175 = arith.cmpi eq, %arg0, %eq3A_174 : i32
    %convert_element_type3A_176 = arith.extui %eq3A_175 : i1 to i32
    %cond3A_177 = arith.constant 0 : i32
    %cond3A_178 = arith.cmpi ne, %convert_element_type3A_176, %cond3A_177 : i32
    scf.if %cond3A_178 {
      "tpu.region"() ({
        %run_scoped3A = tpu.sem_alloc : memref<!tpu.dma_semaphore, #tpu.memory_space<semaphore_mem>>
        %dma_start3A_184 = tpu.memref_slice %arg6[%mul3A_173] : memref<100352xf32, #tpu.memory_space<hbm>> -> memref<6272xf32, #tpu.memory_space<hbm>>
        %dma_start3A_185 = tpu.memref_slice %arg15[%mul3A_173] : memref<100352xf32, #tpu.memory_space<vmem_shared>> -> memref<6272xf32, #tpu.memory_space<vmem_shared>>
        tpu.enqueue_dma source(%dma_start3A_185 : memref<6272xf32, #tpu.memory_space<vmem_shared>>) target(%dma_start3A_184 : memref<6272xf32, #tpu.memory_space<hbm>>) target_semaphore(%run_scoped3A : memref<!tpu.dma_semaphore, #tpu.memory_space<semaphore_mem>>)
        %dma_wait3A_186 = tpu.memref_slice %arg6[%mul3A_173] : memref<100352xf32, #tpu.memory_space<hbm>> -> memref<6272xf32, #tpu.memory_space<hbm>>
        %dma_wait3A_187 = tpu.memref_slice %arg15[%mul3A_173] : memref<100352xf32, #tpu.memory_space<vmem_shared>> -> memref<6272xf32, #tpu.memory_space<vmem_shared>>
        tpu.wait_dma2 semaphore(%run_scoped3A : memref<!tpu.dma_semaphore, #tpu.memory_space<semaphore_mem>>) src(%dma_wait3A_187 : memref<6272xf32, #tpu.memory_space<vmem_shared>>) dst(%dma_wait3A_186 : memref<6272xf32, #tpu.memory_space<hbm>>)
        tpu.yield
      }) : () -> ()
    } else {
    }
    %eq3A_179 = arith.constant 1 : i32
    %eq3A_180 = arith.cmpi eq, %arg0, %eq3A_179 : i32
    %convert_element_type3A_181 = arith.extui %eq3A_180 : i1 to i32
    %cond3A_182 = arith.constant 0 : i32
    %cond3A_183 = arith.cmpi ne, %convert_element_type3A_181, %cond3A_182 : i32
    scf.if %cond3A_183 {
      "tpu.region"() ({
        %run_scoped3A = tpu.sem_alloc : memref<!tpu.dma_semaphore, #tpu.memory_space<semaphore_mem>>
        %dma_start3A_184 = tpu.memref_slice %arg7[%mul3A_173] : memref<100352xf32, #tpu.memory_space<hbm>> -> memref<6272xf32, #tpu.memory_space<hbm>>
        %dma_start3A_185 = tpu.memref_slice %arg15[%mul3A_173] : memref<100352xf32, #tpu.memory_space<vmem_shared>> -> memref<6272xf32, #tpu.memory_space<vmem_shared>>
        tpu.enqueue_dma source(%dma_start3A_185 : memref<6272xf32, #tpu.memory_space<vmem_shared>>) target(%dma_start3A_184 : memref<6272xf32, #tpu.memory_space<hbm>>) target_semaphore(%run_scoped3A : memref<!tpu.dma_semaphore, #tpu.memory_space<semaphore_mem>>)
        %dma_wait3A_186 = tpu.memref_slice %arg7[%mul3A_173] : memref<100352xf32, #tpu.memory_space<hbm>> -> memref<6272xf32, #tpu.memory_space<hbm>>
        %dma_wait3A_187 = tpu.memref_slice %arg15[%mul3A_173] : memref<100352xf32, #tpu.memory_space<vmem_shared>> -> memref<6272xf32, #tpu.memory_space<vmem_shared>>
        tpu.wait_dma2 semaphore(%run_scoped3A : memref<!tpu.dma_semaphore, #tpu.memory_space<semaphore_mem>>) src(%dma_wait3A_187 : memref<6272xf32, #tpu.memory_space<vmem_shared>>) dst(%dma_wait3A_186 : memref<6272xf32, #tpu.memory_space<hbm>>)
        tpu.yield
      }) : () -> ()
    } else {
    }
    return
  }
}

#map = affine_map<(d0, d1) -> (0)>
module attributes {stable_mosaic.version = 14 : i64} {
  func.func @_fin_body(%arg0: i32, %arg1: i32, %arg2: memref<100352xf32, #tpu.memory_space<hbm>>, %arg3: memref<100352xf32, #tpu.memory_space<hbm>>, %arg4: memref<100352xf32, #tpu.memory_space<hbm>>, %arg5: memref<1568xf32, #tpu.memory_space<vmem>>, %arg6: memref<1568xf32, #tpu.memory_space<vmem>>) attributes {dimension_semantics = [#tpu.dimension_semantics<core_parallel>, #tpu.dimension_semantics<subcore_parallel>], iteration_bounds = array<i64: 2, 16>, scalar_prefetch = 0 : i64, scratch_operands = 2 : i64, tpu.core_type = #tpu.core_type<sc_vector_subcore>, window_params = [{transform_indices = #map}, {transform_indices = #map}, {transform_indices = #map}]} {
    %mul3A = arith.constant 16 : i32
    %mul3A_0 = arith.muli %arg0, %mul3A : i32
    %add3A = arith.addi %mul3A_0, %arg1 : i32
    %mul3A_1 = arith.constant 3136 : i32
    %mul3A_2 = arith.muli %add3A, %mul3A_1 : i32
    %add3A_3 = arith.constant 0 : i32
    %add3A_4 = arith.addi %mul3A_2, %add3A_3 : i32
    "tpu.region"() ({
      %run_scoped3A = tpu.sem_alloc : memref<!tpu.dma_semaphore, #tpu.memory_space<semaphore_mem>>
      %dma_start3A = tpu.memref_slice %arg2[%add3A_4] : memref<100352xf32, #tpu.memory_space<hbm>> -> memref<1568xf32, #tpu.memory_space<hbm>>
      %dma_start3A_22 = tpu.memref_slice %arg2[%add3A_4] : memref<100352xf32, #tpu.memory_space<hbm>> -> memref<1568xf32, #tpu.memory_space<hbm>>
      tpu.enqueue_dma source(%dma_start3A_22 : memref<1568xf32, #tpu.memory_space<hbm>>) target(%arg5 : memref<1568xf32, #tpu.memory_space<vmem>>) target_semaphore(%run_scoped3A : memref<!tpu.dma_semaphore, #tpu.memory_space<semaphore_mem>>)
      %dma_wait3A = tpu.memref_slice %arg2[%add3A_4] : memref<100352xf32, #tpu.memory_space<hbm>> -> memref<1568xf32, #tpu.memory_space<hbm>>
      %dma_wait3A_23 = tpu.memref_slice %arg2[%add3A_4] : memref<100352xf32, #tpu.memory_space<hbm>> -> memref<1568xf32, #tpu.memory_space<hbm>>
      tpu.wait_dma2 semaphore(%run_scoped3A : memref<!tpu.dma_semaphore, #tpu.memory_space<semaphore_mem>>) src(%dma_wait3A_23 : memref<1568xf32, #tpu.memory_space<hbm>>) dst(%arg5 : memref<1568xf32, #tpu.memory_space<vmem>>)
      tpu.yield
    }) : () -> ()
    "tpu.region"() ({
      %run_scoped3A = tpu.sem_alloc : memref<!tpu.dma_semaphore, #tpu.memory_space<semaphore_mem>>
      %dma_start3A = tpu.memref_slice %arg3[%add3A_4] : memref<100352xf32, #tpu.memory_space<hbm>> -> memref<1568xf32, #tpu.memory_space<hbm>>
      %dma_start3A_22 = tpu.memref_slice %arg3[%add3A_4] : memref<100352xf32, #tpu.memory_space<hbm>> -> memref<1568xf32, #tpu.memory_space<hbm>>
      tpu.enqueue_dma source(%dma_start3A_22 : memref<1568xf32, #tpu.memory_space<hbm>>) target(%arg6 : memref<1568xf32, #tpu.memory_space<vmem>>) target_semaphore(%run_scoped3A : memref<!tpu.dma_semaphore, #tpu.memory_space<semaphore_mem>>)
      %dma_wait3A = tpu.memref_slice %arg3[%add3A_4] : memref<100352xf32, #tpu.memory_space<hbm>> -> memref<1568xf32, #tpu.memory_space<hbm>>
      %dma_wait3A_23 = tpu.memref_slice %arg3[%add3A_4] : memref<100352xf32, #tpu.memory_space<hbm>> -> memref<1568xf32, #tpu.memory_space<hbm>>
      tpu.wait_dma2 semaphore(%run_scoped3A : memref<!tpu.dma_semaphore, #tpu.memory_space<semaphore_mem>>) src(%dma_wait3A_23 : memref<1568xf32, #tpu.memory_space<hbm>>) dst(%arg6 : memref<1568xf32, #tpu.memory_space<vmem>>)
      tpu.yield
    }) : () -> ()
    %scan3A = arith.constant 0 : i32
    %scan3A_5 = arith.constant 0 : i32
    %scan3A_6 = arith.constant 98 : i32
    %scan3A_7 = arith.addi %scan3A_5, %scan3A_6 : i32
    %scan3A_8 = arith.constant 1 : i32
    %scan3A_9 = scf.for %scan3A_22 = %scan3A_5 to %scan3A_7 step %scan3A_8 iter_args(%scan3A_23 = %scan3A) -> (i32)  : i32 {
      %mul3A_24 = arith.constant 16 : i32
      %mul3A_25 = arith.muli %scan3A_22, %mul3A_24 : i32
      %get3A = arith.index_cast %mul3A_25 : i32 to index
      %get3A_26 = tpu.vector_load %arg5[%get3A] {strides = array<i32>} : memref<1568xf32, #tpu.memory_space<vmem>>, vector<16xf32>,
      %get3A_27 = vector.shape_cast %get3A_26 : vector<16xf32> to vector<16xf32>
      %get3A_28 = arith.index_cast %mul3A_25 : i32 to index
      %get3A_29 = tpu.vector_load %arg6[%get3A_28] {strides = array<i32>} : memref<1568xf32, #tpu.memory_space<vmem>>, vector<16xf32>,
      %get3A_30 = vector.shape_cast %get3A_29 : vector<16xf32> to vector<16xf32>
      %add3A_31 = arith.addf %get3A_27, %get3A_30 : vector<16xf32>
      %swap3A = arith.index_cast %mul3A_25 : i32 to index
      %swap3A_32 = tpu.vector_load %arg5[%swap3A] {strides = array<i32>} : memref<1568xf32, #tpu.memory_space<vmem>>, vector<16xf32>,
      %swap3A_33 = vector.shape_cast %swap3A_32 : vector<16xf32> to vector<16xf32>
      %swap3A_34 = vector.shape_cast %add3A_31 : vector<16xf32> to vector<16xf32>
      tpu.vector_store %arg5[%swap3A], %swap3A_34 {strides = array<i32>} : memref<1568xf32, #tpu.memory_space<vmem>>, vector<16xf32>,
      %scan3A_35 = arith.constant 0 : i32
      scf.yield %scan3A_35 : i32
    }
    %scan3A_10 = arith.constant 98 : i32
    "tpu.region"() ({
      %run_scoped3A = tpu.sem_alloc : memref<!tpu.dma_semaphore, #tpu.memory_space<semaphore_mem>>
      %dma_start3A = tpu.memref_slice %arg4[%add3A_4] : memref<100352xf32, #tpu.memory_space<hbm>> -> memref<1568xf32, #tpu.memory_space<hbm>>
      %dma_start3A_22 = tpu.memref_slice %arg4[%add3A_4] : memref<100352xf32, #tpu.memory_space<hbm>> -> memref<1568xf32, #tpu.memory_space<hbm>>
      tpu.enqueue_dma source(%arg5 : memref<1568xf32, #tpu.memory_space<vmem>>) target(%dma_start3A_22 : memref<1568xf32, #tpu.memory_space<hbm>>) target_semaphore(%run_scoped3A : memref<!tpu.dma_semaphore, #tpu.memory_space<semaphore_mem>>)
      %dma_wait3A = tpu.memref_slice %arg4[%add3A_4] : memref<100352xf32, #tpu.memory_space<hbm>> -> memref<1568xf32, #tpu.memory_space<hbm>>
      %dma_wait3A_23 = tpu.memref_slice %arg4[%add3A_4] : memref<100352xf32, #tpu.memory_space<hbm>> -> memref<1568xf32, #tpu.memory_space<hbm>>
      tpu.wait_dma2 semaphore(%run_scoped3A : memref<!tpu.dma_semaphore, #tpu.memory_space<semaphore_mem>>) src(%arg5 : memref<1568xf32, #tpu.memory_space<vmem>>) dst(%dma_wait3A_23 : memref<1568xf32, #tpu.memory_space<hbm>>)
      tpu.yield
    }) : () -> ()
    %mul3A_11 = arith.constant 3136 : i32
    %mul3A_12 = arith.muli %add3A, %mul3A_11 : i32
    %add3A_13 = arith.constant 1568 : i32
    %add3A_14 = arith.addi %mul3A_12, %add3A_13 : i32
    "tpu.region"() ({
      %run_scoped3A = tpu.sem_alloc : memref<!tpu.dma_semaphore, #tpu.memory_space<semaphore_mem>>
      %dma_start3A = tpu.memref_slice %arg2[%add3A_14] : memref<100352xf32, #tpu.memory_space<hbm>> -> memref<1568xf32, #tpu.memory_space<hbm>>
      %dma_start3A_22 = tpu.memref_slice %arg2[%add3A_14] : memref<100352xf32, #tpu.memory_space<hbm>> -> memref<1568xf32, #tpu.memory_space<hbm>>
      tpu.enqueue_dma source(%dma_start3A_22 : memref<1568xf32, #tpu.memory_space<hbm>>) target(%arg5 : memref<1568xf32, #tpu.memory_space<vmem>>) target_semaphore(%run_scoped3A : memref<!tpu.dma_semaphore, #tpu.memory_space<semaphore_mem>>)
      %dma_wait3A = tpu.memref_slice %arg2[%add3A_14] : memref<100352xf32, #tpu.memory_space<hbm>> -> memref<1568xf32, #tpu.memory_space<hbm>>
      %dma_wait3A_23 = tpu.memref_slice %arg2[%add3A_14] : memref<100352xf32, #tpu.memory_space<hbm>> -> memref<1568xf32, #tpu.memory_space<hbm>>
      tpu.wait_dma2 semaphore(%run_scoped3A : memref<!tpu.dma_semaphore, #tpu.memory_space<semaphore_mem>>) src(%dma_wait3A_23 : memref<1568xf32, #tpu.memory_space<hbm>>) dst(%arg5 : memref<1568xf32, #tpu.memory_space<vmem>>)
      tpu.yield
    }) : () -> ()
    "tpu.region"() ({
      %run_scoped3A = tpu.sem_alloc : memref<!tpu.dma_semaphore, #tpu.memory_space<semaphore_mem>>
      %dma_start3A = tpu.memref_slice %arg3[%add3A_14] : memref<100352xf32, #tpu.memory_space<hbm>> -> memref<1568xf32, #tpu.memory_space<hbm>>
      %dma_start3A_22 = tpu.memref_slice %arg3[%add3A_14] : memref<100352xf32, #tpu.memory_space<hbm>> -> memref<1568xf32, #tpu.memory_space<hbm>>
      tpu.enqueue_dma source(%dma_start3A_22 : memref<1568xf32, #tpu.memory_space<hbm>>) target(%arg6 : memref<1568xf32, #tpu.memory_space<vmem>>) target_semaphore(%run_scoped3A : memref<!tpu.dma_semaphore, #tpu.memory_space<semaphore_mem>>)
      %dma_wait3A = tpu.memref_slice %arg3[%add3A_14] : memref<100352xf32, #tpu.memory_space<hbm>> -> memref<1568xf32, #tpu.memory_space<hbm>>
      %dma_wait3A_23 = tpu.memref_slice %arg3[%add3A_14] : memref<100352xf32, #tpu.memory_space<hbm>> -> memref<1568xf32, #tpu.memory_space<hbm>>
      tpu.wait_dma2 semaphore(%run_scoped3A : memref<!tpu.dma_semaphore, #tpu.memory_space<semaphore_mem>>) src(%dma_wait3A_23 : memref<1568xf32, #tpu.memory_space<hbm>>) dst(%arg6 : memref<1568xf32, #tpu.memory_space<vmem>>)
      tpu.yield
    }) : () -> ()
    %scan3A_15 = arith.constant 0 : i32
    %scan3A_16 = arith.constant 0 : i32
    %scan3A_17 = arith.constant 98 : i32
    %scan3A_18 = arith.addi %scan3A_16, %scan3A_17 : i32
    %scan3A_19 = arith.constant 1 : i32
    %scan3A_20 = scf.for %scan3A_22 = %scan3A_16 to %scan3A_18 step %scan3A_19 iter_args(%scan3A_23 = %scan3A_15) -> (i32)  : i32 {
      %mul3A_24 = arith.constant 16 : i32
      %mul3A_25 = arith.muli %scan3A_22, %mul3A_24 : i32
      %get3A = arith.index_cast %mul3A_25 : i32 to index
      %get3A_26 = tpu.vector_load %arg5[%get3A] {strides = array<i32>} : memref<1568xf32, #tpu.memory_space<vmem>>, vector<16xf32>,
      %get3A_27 = vector.shape_cast %get3A_26 : vector<16xf32> to vector<16xf32>
      %get3A_28 = arith.index_cast %mul3A_25 : i32 to index
      %get3A_29 = tpu.vector_load %arg6[%get3A_28] {strides = array<i32>} : memref<1568xf32, #tpu.memory_space<vmem>>, vector<16xf32>,
      %get3A_30 = vector.shape_cast %get3A_29 : vector<16xf32> to vector<16xf32>
      %add3A_31 = arith.addf %get3A_27, %get3A_30 : vector<16xf32>
      %swap3A = arith.index_cast %mul3A_25 : i32 to index
      %swap3A_32 = tpu.vector_load %arg5[%swap3A] {strides = array<i32>} : memref<1568xf32, #tpu.memory_space<vmem>>, vector<16xf32>,
      %swap3A_33 = vector.shape_cast %swap3A_32 : vector<16xf32> to vector<16xf32>
      %swap3A_34 = vector.shape_cast %add3A_31 : vector<16xf32> to vector<16xf32>
      tpu.vector_store %arg5[%swap3A], %swap3A_34 {strides = array<i32>} : memref<1568xf32, #tpu.memory_space<vmem>>, vector<16xf32>,
      %scan3A_35 = arith.constant 0 : i32
      scf.yield %scan3A_35 : i32
    }
    %scan3A_21 = arith.constant 98 : i32
    "tpu.region"() ({
      %run_scoped3A = tpu.sem_alloc : memref<!tpu.dma_semaphore, #tpu.memory_space<semaphore_mem>>
      %dma_start3A = tpu.memref_slice %arg4[%add3A_14] : memref<100352xf32, #tpu.memory_space<hbm>> -> memref<1568xf32, #tpu.memory_space<hbm>>
      %dma_start3A_22 = tpu.memref_slice %arg4[%add3A_14] : memref<100352xf32, #tpu.memory_space<hbm>> -> memref<1568xf32, #tpu.memory_space<hbm>>
      tpu.enqueue_dma source(%arg5 : memref<1568xf32, #tpu.memory_space<vmem>>) target(%dma_start3A_22 : memref<1568xf32, #tpu.memory_space<hbm>>) target_semaphore(%run_scoped3A : memref<!tpu.dma_semaphore, #tpu.memory_space<semaphore_mem>>)
      %dma_wait3A = tpu.memref_slice %arg4[%add3A_14] : memref<100352xf32, #tpu.memory_space<hbm>> -> memref<1568xf32, #tpu.memory_space<hbm>>
      %dma_wait3A_23 = tpu.memref_slice %arg4[%add3A_14] : memref<100352xf32, #tpu.memory_space<hbm>> -> memref<1568xf32, #tpu.memory_space<hbm>>
      tpu.wait_dma2 semaphore(%run_scoped3A : memref<!tpu.dma_semaphore, #tpu.memory_space<semaphore_mem>>) src(%arg5 : memref<1568xf32, #tpu.memory_space<vmem>>) dst(%dma_wait3A_23 : memref<1568xf32, #tpu.memory_space<hbm>>)
      tpu.yield
    }) : () -> ()
    return
  }
}

module attributes {stable_mosaic.version = 14 : i64} {
  func.func @_mlp_body(%arg0: i32, %arg1: memref<2x2048xf32, #tpu.memory_space<vmem>>, %arg2: memref<2x64xf32, #tpu.memory_space<vmem>>, %arg3: memref<128x128xf32, #tpu.memory_space<vmem>>, %arg4: memref<128x1xf32, #tpu.memory_space<vmem>>, %arg5: memref<128x128xf32, #tpu.memory_space<vmem>>, %arg6: memref<128x1xf32, #tpu.memory_space<vmem>>, %arg7: memref<128x128xf32, #tpu.memory_space<vmem>>, %arg8: memref<128x1xf32, #tpu.memory_space<vmem>>, %arg9: memref<128x1xf32, #tpu.memory_space<vmem>>, %arg10: memref<1x1xf32, #tpu.memory_space<vmem>>, %arg11: memref<1x2048xf32, #tpu.memory_space<vmem>>) attributes {dimension_semantics = [#tpu.dimension_semantics<arbitrary>], iteration_bounds = array<i64: 49>, scalar_prefetch = 0 : i64, scratch_operands = 0 : i64, tpu.core_type = #tpu.core_type<tc>, window_params = [{transform_indices = @transform_0, window_bounds = array<i64: 2, 2048>}, {pipeline_mode = #tpu.pipeline_mode<synchronous>, transform_indices = @transform_1, window_bounds = array<i64: 2, 64>}, {pipeline_mode = #tpu.pipeline_mode<synchronous>, transform_indices = @transform_2, window_bounds = array<i64: 128, 128>}, {pipeline_mode = #tpu.pipeline_mode<synchronous>, transform_indices = @transform_3, window_bounds = array<i64: 128, 1>}, {pipeline_mode = #tpu.pipeline_mode<synchronous>, transform_indices = @transform_4, window_bounds = array<i64: 128, 128>}, {pipeline_mode = #tpu.pipeline_mode<synchronous>, transform_indices = @transform_5, window_bounds = array<i64: 128, 1>}, {pipeline_mode = #tpu.pipeline_mode<synchronous>, transform_indices = @transform_6, window_bounds = array<i64: 128, 128>}, {pipeline_mode = #tpu.pipeline_mode<synchronous>, transform_indices = @transform_7, window_bounds = array<i64: 128, 1>}, {pipeline_mode = #tpu.pipeline_mode<synchronous>, transform_indices = @transform_8, window_bounds = array<i64: 128, 1>}, {pipeline_mode = #tpu.pipeline_mode<synchronous>, transform_indices = @transform_9, window_bounds = array<i64: 1, 1>}, {transform_indices = @transform_10, window_bounds = array<i64: 1, 2048>}]} {
    %get3A = arith.constant 0 : index
    %get3A_0 = arith.constant 0 : index
    %get3A_1 = vector.load %arg1[%get3A, %get3A_0] : memref<2x2048xf32, #tpu.memory_space<vmem>>, vector<2x2048xf32>
    %get3A_2 = arith.constant 0 : index
    %get3A_3 = arith.constant 0 : index
    %get3A_4 = vector.load %arg2[%get3A_2, %get3A_3] : memref<2x64xf32, #tpu.memory_space<vmem>>, vector<2x64xf32>
    %dot_general3A = arith.constant dense<0.000000e+00> : vector<64x2048xf32>
    %dot_general3A_5 = tpu.matmul %get3A_4, %get3A_1, %dot_general3A {dimension_numbers = #tpu.dot_dimension_numbers<[0], [0], [1], [1], [0, 1, 1, 1], [], []>, transpose_lhs_hint = false} : vector<2x64xf32>, vector<2x2048xf32>, vector<64x2048xf32> -> vector<64x2048xf32>
    %mul3A = arith.constant 0.159154937 : f32
    %mul3A_6 = vector.broadcast %mul3A : f32 to vector<64x2048xf32>
    %mul3A_7 = arith.mulf %dot_general3A_5, %mul3A_6 : vector<64x2048xf32>
    %add3A = arith.constant 5.000000e-01 : f32
    %add3A_8 = vector.broadcast %add3A : f32 to vector<64x2048xf32>
    %add3A_9 = arith.addf %mul3A_7, %add3A_8 : vector<64x2048xf32>
    %floor3A = math.floor %add3A_9 : vector<64x2048xf32>
    %mul3A_10 = arith.constant 6.28318548 : f32
    %mul3A_11 = vector.broadcast %mul3A_10 : f32 to vector<64x2048xf32>
    %mul3A_12 = arith.mulf %floor3A, %mul3A_11 : vector<64x2048xf32>
    %sub3A = arith.subf %dot_general3A_5, %mul3A_12 : vector<64x2048xf32>
    %mul3A_13 = arith.mulf %sub3A, %sub3A : vector<64x2048xf32>
    %mul3A_14 = arith.constant -2.06979696E-8 : f32
    %mul3A_15 = vector.broadcast %mul3A_14 : f32 to vector<64x2048xf32>
    %mul3A_16 = arith.mulf %mul3A_13, %mul3A_15 : vector<64x2048xf32>
    %add3A_17 = arith.constant 2.70882742E-6 : f32
    %add3A_18 = vector.broadcast %add3A_17 : f32 to vector<64x2048xf32>
    %add3A_19 = arith.addf %add3A_18, %mul3A_16 : vector<64x2048xf32>
    %mul3A_20 = arith.mulf %mul3A_13, %add3A_19 : vector<64x2048xf32>
    %add3A_21 = arith.constant -1.98176276E-4 : f32
    %add3A_22 = vector.broadcast %add3A_21 : f32 to vector<64x2048xf32>
    %add3A_23 = arith.addf %add3A_22, %mul3A_20 : vector<64x2048xf32>
    %mul3A_24 = arith.mulf %mul3A_13, %add3A_23 : vector<64x2048xf32>
    %add3A_25 = arith.constant 0.00833279174 : f32
    %add3A_26 = vector.broadcast %add3A_25 : f32 to vector<64x2048xf32>
    %add3A_27 = arith.addf %add3A_26, %mul3A_24 : vector<64x2048xf32>
    %mul3A_28 = arith.mulf %mul3A_13, %add3A_27 : vector<64x2048xf32>
    %add3A_29 = arith.constant -0.16666621 : f32
    %add3A_30 = vector.broadcast %add3A_29 : f32 to vector<64x2048xf32>
    %add3A_31 = arith.addf %add3A_30, %mul3A_28 : vector<64x2048xf32>
    %mul3A_32 = arith.mulf %mul3A_13, %add3A_31 : vector<64x2048xf32>
    %add3A_33 = arith.constant 0.99999994 : f32
    %add3A_34 = vector.broadcast %add3A_33 : f32 to vector<64x2048xf32>
    %add3A_35 = arith.addf %add3A_34, %mul3A_32 : vector<64x2048xf32>
    %mul3A_36 = arith.constant -2.19727539E-7 : f32
    %mul3A_37 = vector.broadcast %mul3A_36 : f32 to vector<64x2048xf32>
    %mul3A_38 = arith.mulf %mul3A_13, %mul3A_37 : vector<64x2048xf32>
    %add3A_39 = arith.constant 2.42028946E-5 : f32
    %add3A_40 = vector.broadcast %add3A_39 : f32 to vector<64x2048xf32>
    %add3A_41 = arith.addf %add3A_40, %mul3A_38 : vector<64x2048xf32>
    %mul3A_42 = arith.mulf %mul3A_13, %add3A_41 : vector<64x2048xf32>
    %add3A_43 = arith.constant -0.00138587866 : f32
    %add3A_44 = vector.broadcast %add3A_43 : f32 to vector<64x2048xf32>
    %add3A_45 = arith.addf %add3A_44, %mul3A_42 : vector<64x2048xf32>
    %mul3A_46 = arith.mulf %mul3A_13, %add3A_45 : vector<64x2048xf32>
    %add3A_47 = arith.constant 0.0416597761 : f32
    %add3A_48 = vector.broadcast %add3A_47 : f32 to vector<64x2048xf32>
    %add3A_49 = arith.addf %add3A_48, %mul3A_46 : vector<64x2048xf32>
    %mul3A_50 = arith.mulf %mul3A_13, %add3A_49 : vector<64x2048xf32>
    %add3A_51 = arith.constant -0.499994218 : f32
    %add3A_52 = vector.broadcast %add3A_51 : f32 to vector<64x2048xf32>
    %add3A_53 = arith.addf %add3A_52, %mul3A_50 : vector<64x2048xf32>
    %mul3A_54 = arith.mulf %mul3A_13, %add3A_53 : vector<64x2048xf32>
    %add3A_55 = arith.constant 0.999999225 : f32
    %add3A_56 = vector.broadcast %add3A_55 : f32 to vector<64x2048xf32>
    %add3A_57 = arith.addf %add3A_56, %mul3A_54 : vector<64x2048xf32>
    %mul3A_58 = arith.mulf %add3A_35, %sub3A : vector<64x2048xf32>
    %get3A_59 = arith.constant 0 : index
    %get3A_60 = arith.constant 0 : index
    %get3A_61 = vector.load %arg3[%get3A_59, %get3A_60] : memref<128x128xf32, #tpu.memory_space<vmem>>, vector<128x128xf32>
    %slice3A = vector.extract_strided_slice %get3A_61 {offsets = [0, 0], sizes = [64, 128], strides = [1, 1]} : vector<128x128xf32> to vector<64x128xf32>
    %dot_general3A_62 = arith.constant dense<0.000000e+00> : vector<128x2048xf32>
    %dot_general3A_63 = tpu.matmul %slice3A, %mul3A_58, %dot_general3A_62 {dimension_numbers = #tpu.dot_dimension_numbers<[0], [0], [1], [1], [0, 1, 1, 1], [], []>, transpose_lhs_hint = false} : vector<64x128xf32>, vector<64x2048xf32>, vector<128x2048xf32> -> vector<128x2048xf32>
    %slice3A_64 = vector.extract_strided_slice %get3A_61 {offsets = [64, 0], sizes = [64, 128], strides = [1, 1]} : vector<128x128xf32> to vector<64x128xf32>
    %dot_general3A_65 = arith.constant dense<0.000000e+00> : vector<128x2048xf32>
    %dot_general3A_66 = tpu.matmul %slice3A_64, %add3A_57, %dot_general3A_65 {dimension_numbers = #tpu.dot_dimension_numbers<[0], [0], [1], [1], [0, 1, 1, 1], [], []>, transpose_lhs_hint = false} : vector<64x128xf32>, vector<64x2048xf32>, vector<128x2048xf32> -> vector<128x2048xf32>
    %add3A_67 = arith.addf %dot_general3A_63, %dot_general3A_66 : vector<128x2048xf32>
    %get3A_68 = arith.constant 0 : index
    %get3A_69 = arith.constant 0 : index
    %get3A_70 = vector.load %arg4[%get3A_68, %get3A_69] : memref<128x1xf32, #tpu.memory_space<vmem>>, vector<128x1xf32>
    %add3A_71 = vector.broadcast %get3A_70 : vector<128x1xf32> to vector<128x2048xf32>
    %add3A_72 = arith.addf %add3A_67, %add3A_71 : vector<128x2048xf32>
    %tanh3A = math.tanh %add3A_72 : vector<128x2048xf32>
    %get3A_73 = arith.constant 0 : index
    %get3A_74 = arith.constant 0 : index
    %get3A_75 = vector.load %arg5[%get3A_73, %get3A_74] : memref<128x128xf32, #tpu.memory_space<vmem>>, vector<128x128xf32>
    %dot_general3A_76 = arith.constant dense<0.000000e+00> : vector<128x2048xf32>
    %dot_general3A_77 = tpu.matmul %get3A_75, %tanh3A, %dot_general3A_76 {dimension_numbers = #tpu.dot_dimension_numbers<[0], [0], [1], [1], [0, 1, 1, 1], [], []>, transpose_lhs_hint = false} : vector<128x128xf32>, vector<128x2048xf32>, vector<128x2048xf32> -> vector<128x2048xf32>
    %get3A_78 = arith.constant 0 : index
    %get3A_79 = arith.constant 0 : index
    %get3A_80 = vector.load %arg6[%get3A_78, %get3A_79] : memref<128x1xf32, #tpu.memory_space<vmem>>, vector<128x1xf32>
    %add3A_81 = vector.broadcast %get3A_80 : vector<128x1xf32> to vector<128x2048xf32>
    %add3A_82 = arith.addf %dot_general3A_77, %add3A_81 : vector<128x2048xf32>
    %tanh3A_83 = math.tanh %add3A_82 : vector<128x2048xf32>
    %get3A_84 = arith.constant 0 : index
    %get3A_85 = arith.constant 0 : index
    %get3A_86 = vector.load %arg7[%get3A_84, %get3A_85] : memref<128x128xf32, #tpu.memory_space<vmem>>, vector<128x128xf32>
    %dot_general3A_87 = arith.constant dense<0.000000e+00> : vector<128x2048xf32>
    %dot_general3A_88 = tpu.matmul %get3A_86, %tanh3A_83, %dot_general3A_87 {dimension_numbers = #tpu.dot_dimension_numbers<[0], [0], [1], [1], [0, 1, 1, 1], [], []>, transpose_lhs_hint = false} : vector<128x128xf32>, vector<128x2048xf32>, vector<128x2048xf32> -> vector<128x2048xf32>
    %get3A_89 = arith.constant 0 : index
    %get3A_90 = arith.constant 0 : index
    %get3A_91 = vector.load %arg8[%get3A_89, %get3A_90] : memref<128x1xf32, #tpu.memory_space<vmem>>, vector<128x1xf32>
    %add3A_92 = vector.broadcast %get3A_91 : vector<128x1xf32> to vector<128x2048xf32>
    %add3A_93 = arith.addf %dot_general3A_88, %add3A_92 : vector<128x2048xf32>
    %tanh3A_94 = math.tanh %add3A_93 : vector<128x2048xf32>
    %get3A_95 = arith.constant 0 : index
    %get3A_96 = arith.constant 0 : index
    %get3A_97 = vector.load %arg9[%get3A_95, %get3A_96] : memref<128x1xf32, #tpu.memory_space<vmem>>, vector<128x1xf32>
    %dot_general3A_98 = arith.constant dense<0.000000e+00> : vector<1x2048xf32>
    %dot_general3A_99 = tpu.matmul %get3A_97, %tanh3A_94, %dot_general3A_98 {dimension_numbers = #tpu.dot_dimension_numbers<[0], [0], [1], [1], [0, 1, 1, 1], [], []>, transpose_lhs_hint = false} : vector<128x1xf32>, vector<128x2048xf32>, vector<1x2048xf32> -> vector<1x2048xf32>
    %get3A_100 = arith.constant 0 : index
    %get3A_101 = arith.constant 0 : index
    %get3A_102 = vector.load %arg10[%get3A_100, %get3A_101] : memref<1x1xf32, #tpu.memory_space<vmem>>, vector<1x1xf32>
    %add3A_103 = vector.broadcast %get3A_102 : vector<1x1xf32> to vector<1x2048xf32>
    %add3A_104 = arith.addf %dot_general3A_99, %add3A_103 : vector<1x2048xf32>
    %swap3A = arith.constant 0 : index
    %swap3A_105 = arith.constant 0 : index
    %swap3A_106 = vector.load %arg11[%swap3A, %swap3A_105] : memref<1x2048xf32, #tpu.memory_space<vmem>>, vector<1x2048xf32>
    tpu.vector_store %arg11[%swap3A, %swap3A_105], %add3A_104 {strides = array<i32>} : memref<1x2048xf32, #tpu.memory_space<vmem>>, vector<1x2048xf32>,
    return
  }
  func.func @transform_0(%arg0: i32) -> (i32, i32) {
    %c0_i32 = arith.constant 0 : i32
    %c0_i32_0 = arith.constant 0 : i32
    return %c0_i32, %arg0 : i32, i32
  }
  func.func @transform_1(%arg0: i32) -> (i32, i32) {
    %c0_i32 = arith.constant 0 : i32
    %c0_i32_0 = arith.constant 0 : i32
    %c0_i32_1 = arith.constant 0 : i32
    return %c0_i32, %c0_i32_0 : i32, i32
  }
  func.func @transform_2(%arg0: i32) -> (i32, i32) {
    %c0_i32 = arith.constant 0 : i32
    %c0_i32_0 = arith.constant 0 : i32
    %c0_i32_1 = arith.constant 0 : i32
    return %c0_i32, %c0_i32_0 : i32, i32
  }
  func.func @transform_3(%arg0: i32) -> (i32, i32) {
    %c0_i32 = arith.constant 0 : i32
    %c0_i32_0 = arith.constant 0 : i32
    %c0_i32_1 = arith.constant 0 : i32
    return %c0_i32, %c0_i32_0 : i32, i32
  }
  func.func @transform_4(%arg0: i32) -> (i32, i32) {
    %c0_i32 = arith.constant 0 : i32
    %c0_i32_0 = arith.constant 0 : i32
    %c0_i32_1 = arith.constant 0 : i32
    return %c0_i32, %c0_i32_0 : i32, i32
  }
  func.func @transform_5(%arg0: i32) -> (i32, i32) {
    %c0_i32 = arith.constant 0 : i32
    %c0_i32_0 = arith.constant 0 : i32
    %c0_i32_1 = arith.constant 0 : i32
    return %c0_i32, %c0_i32_0 : i32, i32
  }
  func.func @transform_6(%arg0: i32) -> (i32, i32) {
    %c0_i32 = arith.constant 0 : i32
    %c0_i32_0 = arith.constant 0 : i32
    %c0_i32_1 = arith.constant 0 : i32
    return %c0_i32, %c0_i32_0 : i32, i32
  }
  func.func @transform_7(%arg0: i32) -> (i32, i32) {
    %c0_i32 = arith.constant 0 : i32
    %c0_i32_0 = arith.constant 0 : i32
    %c0_i32_1 = arith.constant 0 : i32
    return %c0_i32, %c0_i32_0 : i32, i32
  }
  func.func @transform_8(%arg0: i32) -> (i32, i32) {
    %c0_i32 = arith.constant 0 : i32
    %c0_i32_0 = arith.constant 0 : i32
    %c0_i32_1 = arith.constant 0 : i32
    return %c0_i32, %c0_i32_0 : i32, i32
  }
  func.func @transform_9(%arg0: i32) -> (i32, i32) {
    %c0_i32 = arith.constant 0 : i32
    %c0_i32_0 = arith.constant 0 : i32
    %c0_i32_1 = arith.constant 0 : i32
    return %c0_i32, %c0_i32_0 : i32, i32
  }
  func.func @transform_10(%arg0: i32) -> (i32, i32) {
    %c0_i32 = arith.constant 0 : i32
    %c0_i32_0 = arith.constant 0 : i32
    return %c0_i32, %arg0 : i32, i32
  }
}

</mosaic_0001>

<sc_bundles>
// kernel: kernel.10.cloned.1.call-start
scs
__scs_entry_jumppad:
0x0: {  	(pc) =	sbr.rel $0x88, $3  }
0x1: {  	(tag) =	ssettag $0x0;
	lr =	simm.s32 $0x1  }
0x2: {  	[smem:$0x3F95] =	sst lr;
	_ =	strace $0xD0000000  }
0x3: {  	_ = 	snop  }
0x4: {  	_ = 	snop  }
0x5: {  	_ = 	snop  }
0x6: {  	_ = 	snop  }
0x7: {  	_ = 	snop  }
__scs_overlays_trampoline_lowered:
0x8: {  	[smem:$0x3FA4] =	sst s0  }
0x9: {  	[smem:$0x3FA5] =	sst s1  }
0xa: {  	[smem:$0x3FA6] =	sst s2  }
0xb: {  	[smem:$0x3FA7] =	sst s3  }
0xc: {  	[smem:$0x3FA8] =	sst s4  }
0xd: {  	[smem:$0x3FA9] =	sst s5  }
0xe: {  	[smem:$0x3FAA] =	sst s6  }
0xf: {  	[smem:$0x3FAB] =	sst s7  }
0x10: {  	[smem:$0x3FAC] =	sst s8  }
0x11: {  	[smem:$0x3FAD] =	sst s9;
	s0 =	simm.s32 @!p0 $0x0  }
0x12: {  	s1 =	sld [smem:$0x3F93];
	s0 =	simm.s32 @p0 $0x1  }
0x13: {  	[smem:$0x3FAE] =	sst s0;
	s0 =	simm.s32 @!p1 $0x0  }
0x14: {  	s2 =	sld [smem:$0x3F92];
	s0 =	simm.s32 @p1 $0x1  }
0x15: {  	[smem:$0x3FAF] =	sst s0;
	s0 =	simm.s32 @!p2 $0x0  }
0x16: {  	s3 =	sld [smem:$0x3FDB];
	s0 =	simm.s32 @p2 $0x1  }
0x17: {  	s4 =	simm.s32 $0x1BF5;
	[smem:$0x3FB1] =	sst s0  }
0x18: {  	s0 =	sld [smem:$0x3F94];
	_ =	swait.ge [sflag:s4], $0x0  }
0x19: {  	s7 =	sld [smem:$0x3F95]  }
0x1a: {  	s8 =	sadd.s32 $0xFFFFE003, lr  }
0x1b: {  	s9 =	sadd.s32 $0xFFFFFEF7, lr;
	s5 =	simm.s32 $0xFFFFFFFF;
	p2 =	slt.u32 s8, $0xFFFFF086  }
0x1c: {  	p1 =	slt.u32 s9, $0xF7A;
	s5 =	simm.s32 @!p2 $0x0  }
0x1d: {  	s5 =	simm.s32 @p1 $0x1;
	p0 =	seq.s32 s7, s2  }
0x1e: {  	s7 =	smul.u32 @!p0 $0xF7A, s2;
	p2 =	seq.s32 @!p0 s5, $0x0  }
0x1f: {  	s9 =	smul.u32 $0xF7A, s1;
	s8 =	simm.s32 @!p0 $0x1BF5;
	p2 =	por !p2, p0  }
0x20: {  	[sflag:s8] =	ssyncset.s32 @!p0 $0xFFFFF086;
	s6 =	sadd.s32 @!p0 s3, s7;
	s7 =	simm.s32 @!p0 $0x108  }
0x21: {  	s3 =	sadd.s32 s3, s9;
	s6 =	sadd.s32 @!p0 $0x88, s6;
	s7 =	simm.s32 @p2 $0x1082  }
0x22: {  	[simem:s7], [sflag:s8] =	dma.local @!p0 [hbm:s6], $0xF7A  }
0x23: {  	s9 =	sor.u32 $0xD0000000, s2;
	s6 =	simm.s32 $0x108;
	_ =	swait.ge @!p0 [sflag:s8], $0x0  }
0x24: {  	s3 =	sadd.s32 $0x88, s3;
	s6 =	simm.s32 @!p1 $0x1082;
	[sflag:s4] =	ssyncset.s32 $0xFFFFF086  }
0x25: {  	[simem:s6], [sflag:s4] =	dma.local [hbm:s3], $0xF7A  }
0x26: {  	[smem:$0x3F95] =	sst s1;
	(tag) =	ssettag s2;
	_ =	strace s9  }
0x27: {  	s1 =	sld [smem:$0x3FA5]  }
0x28: {  	s2 =	sld [smem:$0x3FA6]  }
0x29: {  	s4 =	sld [smem:$0x3FA8]  }
0x2a: {  	p0 =	seq.s32 s5, $0x0;
	s5 =	sld [smem:$0x3FA9]  }
0x2b: {  	s6 =	sld [smem:$0x3FAA]  }
0x2c: {  	s7 =	sld [smem:$0x3FAB]  }
0x2d: {  	s3 =	simm.s32 $0x108;
	s8 =	sld [smem:$0x3FAC]  }
0x2e: {  	s3 =	simm.s32 @!p0 $0x1082;
	s9 =	sld [smem:$0x3FAD]  }
0x2f: {  	lr =	sadd.s32 s0, s3;
	s0 =	sld [smem:$0x3FA4]  }
0x30: {  	s3 =	sld [smem:$0x3FA7]  }
0x31: {  	[smem:$0x3FB0] =	sst s10  }
0x32: {  	s10 =	sld [smem:$0x3FAE];
	_ =	sdelay $0x3  }
0x33: {  	p0 =	seq.s32 s10, $0x1;
	s10 =	sld [smem:$0x3FB0];
	_ =	sdelay $0x3  }
0x34: {  	[smem:$0x3FB0] =	sst s10  }
0x35: {  	s10 =	sld [smem:$0x3FAF];
	_ =	sdelay $0x3  }
0x36: {  	p1 =	seq.s32 s10, $0x1;
	s10 =	sld [smem:$0x3FB0];
	_ =	sdelay $0x3  }
0x37: {  	[smem:$0x3FB0] =	sst s10  }
0x38: {  	s10 =	sld [smem:$0x3FB1]  }
0x39: {  	_ = 	snop;
	(pc) =	sbr.ind lr, $3  }
0x3a: {  	_ = 	snop  }
0x3b: {  	_ = 	snop  }
0x3c: {  	p2 =	seq.s32 s10, $0x1;
	s10 =	sld [smem:$0x3FB0]  }
0x3d: {  	_ =	shalt  }
0x3e: {  	_ =	shalt  }
0x3f: {  	_ =	shalt  }
0x40: {  	_ =	shalt  }
0x41: {  	_ =	shalt  }
0x42: {  	_ =	shalt  }
0x43: {  	_ =	shalt  }
0x44: {  	_ =	shalt  }
0x45: {  	_ =	shalt  }
0x46: {  	_ =	shalt  }
0x47: {  	_ =	shalt  }
0x48: {  	_ =	shalt  }
0x49: {  	_ =	shalt  }
0x4a: {  	_ =	shalt  }
0x4b: {  	_ =	shalt  }
0x4c: {  	_ =	shalt  }
0x4d: {  	_ =	shalt  }
0x4e: {  	_ =	shalt  }
0x4f: {  	_ =	shalt  }
0x50: {  	_ =	shalt  }
0x51: {  	_ =	shalt  }
0x52: {  	_ =	shalt  }
0x53: {  	_ =	shalt  }
0x54: {  	_ =	shalt  }
0x55: {  	_ =	shalt  }
0x56: {  	_ =	shalt  }
0x57: {  	_ =	shalt  }
0x58: {  	_ =	shalt  }
0x59: {  	_ =	shalt  }
0x5a: {  	_ =	shalt  }
0x5b: {  	_ =	shalt  }
0x5c: {  	_ =	shalt  }
0x5d: {  	_ =	shalt  }
0x5e: {  	_ =	shalt  }
0x5f: {  	_ =	shalt  }
0x60: {  	_ =	shalt  }
0x61: {  	_ =	shalt  }
0x62: {  	_ =	shalt  }
0x63: {  	_ =	shalt  }
0x64: {  	_ =	shalt  }
0x65: {  	_ =	shalt  }
0x66: {  	_ =	shalt  }
0x67: {  	_ =	shalt  }
0x68: {  	_ =	shalt  }
0x69: {  	_ =	shalt  }
0x6a: {  	_ =	shalt  }
0x6b: {  	_ =	shalt  }
0x6c: {  	_ =	shalt  }
0x6d: {  	_ =	shalt  }
0x6e: {  	_ =	shalt  }
0x6f: {  	_ =	shalt  }
0x70: {  	_ =	shalt  }
0x71: {  	_ =	shalt  }
0x72: {  	_ =	shalt  }
0x73: {  	_ =	shalt  }
0x74: {  	_ =	shalt  }
0x75: {  	_ =	shalt  }
0x76: {  	_ =	shalt  }
0x77: {  	_ =	shalt  }
0x78: {  	_ =	shalt  }
0x79: {  	_ =	shalt  }
0x7a: {  	_ =	shalt  }
0x7b: {  	_ =	shalt  }
0x7c: {  	_ =	shalt  }
0x7d: {  	_ =	shalt  }
0x7e: {  	_ =	shalt  }
0x7f: {  	_ =	shalt  }
0x80: {  	_ =	shalt  }
0x81: {  	_ =	shalt  }
0x82: {  	_ =	shalt  }
0x83: {  	_ =	shalt  }
0x84: {  	_ =	shalt  }
0x85: {  	_ =	shalt  }
0x86: {  	_ =	shalt  }
0x87: {  	_ =	shalt  }
.Lfunc_end0:
.L_simem_size_0:
called_computation.2_lowered:
.L_overlay_start_0:
0x88: {  	s2 =	sld [smem:$0x3FD9]  }
0x89: {  	s3 =	sld [smem:$0x3FFE];
	_ =	sdelay $0x1  }
0x8a: {  	s1 =	srdreg.scid  }
0x8b: {  	s0 =	sand.u32 $0x1, s1  }
0x8c: {  	s17 =	sshll.u32 s0, $0xA;
	s2 =	sadd.s32 s3, s2  }
0x8d: {  	s2 =	sadd.s32 s2, s17  }
0x8e: {  	[smem:$0x3FBC] =	sst s2  }
0x8f: {  	_ = 	snop  }
0x90: {  	s2 =	sld [smem:$0x3FC7];
	(tm) =	ssettm $0x1  }
0x91: {  	s18 =	sld [smem:$0x3FFB];
	_ =	sdelay $0x3  }
0x92: {  	_ =	strace s18  }
0x93: {  	s3 =	sld [smem:$0x3FFC];
	_ =	sdelay $0x3  }
0x94: {  	_ =	strace s3  }
0x95: {  	s3 =	sld [smem:$0x3FFD];
	_ =	sdelay $0x3  }
0x96: {  	_ =	strace s3  }
0x97: {  	_ =	strace $0x8FFFFFFF  }
0x98: {  	s19 =	sld [smem:$0x3FDB];
	_ =	sdelay $0x1  }
0x99: {  	s4 =	simm.s32 $_scs_section_size  }
0x9a: {  	s5 =	simm.s32 $_size__tile_overlayer_lowered;
	s6 =	simm.s32 $_tile_overlayer_lowered  }
0x9b: {  	s22 =	simm.s32 $0x1BFF;
	s21 =	sshll.u32 s6, $0x1;
	s3 =	sadd.s32 s4, s19  }
0x9c: {  	s7 =	simm.s32 $0x0;
	s20 =	sshll.u32 s5, $0x1;
	s5 =	sadd.s32 s21, s3  }
0x9d: {  	[timem:s7], [sflag:s22] =	dma.local [hbm:s5], s20  }
0x9e: {  	_ =	swait.ge [sflag:s22], s20  }
0x9f: {  	s4 =	ssub.s32 $0x0, s20;
	[sflag:s22] =	ssyncset.done $0x0  }
0xa0: {  	[sflag:s22] =	ssyncadd.s32 s4;
	_ =	sdelay $0x1  }
0xa1: {  	s23 =	simm.s32 $0x1B8B  }
0xa2: {  	_ =	swait.ge [sflag:s23], $0x1  }
0xa3: {  	[sflag:s23] =	ssyncset.done $0x0  }
0xa4: {  	s25 =	simm.s32 $0x1B8E;
	s24 =	sld [smem:$0x3FFE];
	[sflag:s23] =	ssyncadd.s32 $0xFFFFFFFF  }
0xa5: {  	s26 =	simm.s32 $execute0_lowered;
	[smem:$0x3FD2] =	sst s25  }
0xa6: {  	s5 =	sshll.u32 s26, $0x1;
	_ =	strace $0x8000004C;
	[dreg:$0x1] =	wrdreg $0xFFFFFFFF  }
0xa7: {  	s28 =	simm.s32 $_size_execute0_lowered;
	s3 =	sadd.s32 s3, s5;
	[dreg:$0x0] =	wrdreg $0x0  }
0xa8: {  	s5 =	sshll.u32 s28, $0x1;
	[dreg:$0x2] =	wrdreg s3  }
0xa9: {  	[dreg:$0x3] =	wrdreg s5  }
0xaa: {  	[dreg:$0x4] =	wrdreg $0xC0  }
0xab: {  	_ =	task [dreg:s7], $0x5FFFF  }
0xac: {  	[dreg:$0x1] =	wrdreg $0xFFFFFFFF  }
0xad: {  	[dreg:$0x0] =	wrdreg $0x60  }
0xae: {  	[dreg:$0x2] =	wrdreg s24  }
0xaf: {  	[dreg:$0x3] =	wrdreg s2  }
0xb0: {  	[dreg:$0x4] =	wrdreg $0x1E7000  }
0xb1: {  	[dreg:$0x5] =	wrdreg $0x9  }
0xb2: {  	_ =	task.clear_ibuf [dreg:s7], $0x6FFFF;
	_ =	strace $0x9000004C  }
0xb3: {  	s29 =	simm.s32 $0x9;
	_ =	strace $0x8000004E  }
0xb4: {  	_ =	swait.ge [sflag:s29], $0x1  }
0xb5: {  	[sflag:s29] =	ssyncadd.s32 $0xFFFFFFFF  }
0xb6: {  	_ =	strace $0x9000004E  }
0xb7: {  	_ =	sfence  }
0xb8: {  	s30 =	sld [smem:$0x0];
	_ =	sdelay $0x2  }
0xb9: {  	s31 =	sshll.u32 s1, $0xD;
	s1 =	sshrl.u32 s1, $0x2  }
0xba: {  	s3 =	sand.u32 $0x4000, s31;
	s1 =	sadd.s32 s1, s30  }
0xbb: {  	s0 =	sor.u32 s3, s0;
	s1 =	sshll.u32 s1, $0x11  }
0xbc: {  	s0 =	sor.u32 s1, s0  }
0xbd: {  	s0 =	sadd.s32 $0x8F2B, s0  }
0xbe: {  	[sflag:s0] =	ssyncadd.remote.s32 $0x1  }
0xbf: {  	_ =	sfence.sel $0xFFFF  }
0xc0: {  	[dreg:$0x0] =	wrdreg $0xFFFFFFFF;
	(pc) =	sbr.abs _section_cstart, $3  }
0xc1: {  	[dreg:$0x1] =	wrdreg $0xFFFFFFFF  }
0xc2: {  	_ =	task.clear_ibuf [dreg:s7], $0x2FFFF;
	_ =	strace $0x9FFFFFFF  }
0xc3: {  	(tm) =	ssettm $0x7FFFFFFF  }
tec
execute0_lowered:
.L_overlay_start_1:
0x0: {  	(tag) =	ssettag $0x1  }
0x1: {  	s0 =	rddreg [dreg:$0x0]  }
0x2: {  	s1 =	rddreg [dreg:$0x1]  }
0x3: {  	s2 =	rddreg [dreg:$0x2];
	s3 =	simm.s32 $0x0  }
0x4: {  	s4 =	srdreg.scid;
	s12 =	stileid.u32;
	s29 =	simm.s32 $0x1A700  }
0x5: {  	s30 =	simm.s32 $0x1D700;
	s31 =	simm.s32 $0x1;
	[smem:$0x7FF] =	sst s3  }
0x6: {  	s6 =	sadd.s32 $0x18D000, s0;
	s4 =	sand.u32 $0x1, s4;
	s7 =	sadd.s32 $0x190200, s0  }
0x7: {  	s9 =	smul.u32 $0x1880, s12;
	s5 =	sadd.s32 $0x3400, s0;
	_ =	strace $0x8000004D  }
0x8: {  	s8 =	ssub.s32 $0x2, s4;
	s11 =	sshll.u32 s4, $0x4;
	p0 =	seq.s32 s4, $0x0  }
0x9: {  	s4 =	simm.s32 $0x189E00;
	s10 =	sshrl.u32 s8, $0x1;
	s24 =	sor.u32 s12, s11  }
0xa: {  	s25 =	sshrl.u32 s9, $0x3;
	s28 =	sadd.s32 $0x620, s9;
	s17 =	sadd.s32 $0xC40, s9  }
0xb: {  	s4 =	simm.s32 @!p0 $0x193400;
	s12 =	simm.s32 $0x3;
	s10 =	ssub.s32 s8, s10  }
0xc: {  	s13 =	smul.u32 $0x30D40, s24;
	s26 =	sadd.s32 s6, s25;
	s16 =	sadd.s32 s7, s25  }
0xd: {  	s8 =	sadd.s32 s9, s2;
	s14 =	sshrl.u32 s28, $0x3;
	s11 =	sadd.s32 s28, s2  }
0xe: {  	s18 =	sshrl.u32 s17, $0x3;
	s9 =	sadd.s32 $0x1260, s9;
	[dreg:$0x4] =	wrdreg s26  }
0xf: {  	s0 =	sadd.s32 s4, s0;
	s4 =	simm.s32 $0x5;
	[dreg:$0x5] =	wrdreg s16  }
0x10: {  	s15 =	sadd.s32 s6, s14;
	s14 =	sadd.s32 s7, s14;
	s16 =	sadd.s32 s6, s18  }
0x11: {  	s19 =	sshrl.u32 s9, $0x3;
	s0 =	sadd.s32 s0, s25;
	[dreg:$0x6] =	wrdreg s15  }
0x12: {  	s25 =	smax.u32 s10, $0x1;
	s10 =	simm.s32 $0xFA0;
	[dreg:$0x7] =	wrdreg s14  }
0x13: {  	[dreg:$0x8] =	wrdreg s16;
	s15 =	sadd.s32 s7, s18;
	s14 =	sadd.s32 s17, s2  }
0x14: {  	s6 =	sadd.s32 s6, s19;
	s20 =	sadd.s32 s7, s19;
	[dreg:$0xd] =	wrdreg s0  }
0x15: {  	s17 =	sadd.s32 s9, s2;
	s21 =	sshrl.u32 s13, $0x3;
	[dreg:$0x10] =	wrdreg s25  }
0x16: {  	s18 =	sadd.s32 $0xFA0, s13;
	s0 =	simm.s32 $0x2;
	[dreg:$0x9] =	wrdreg s15  }
0x17: {  	s7 =	simm.s32 $0x19700;
	s9 =	simm.s32 $0x1C700;
	[dreg:$0xa] =	wrdreg s6  }
0x18: {  	[dreg:$0xb] =	wrdreg s20;
	s22 =	sshrl.u32 s18, $0x3;
	s6 =	sadd.s32 s1, s21  }
.Ltmp0:
0x19: {  	[dreg:$0xc] =	wrdreg s6;
	s23 =	sadd.s32 s5, s22;
	(pc) =	sbr.rel .LBB2_1-.Ltmp0, $4  }
0x1a: {  	s19 =	sadd.s32 s5, s21;
	s24 =	sadd.s32 s1, s22;
	[dreg:$0xe] =	wrdreg s23  }
0x1b: {  	s15 =	simm.s32 $0x0;
	s26 =	sadd.s32 $0xC3500, s19;
	[dreg:$0xf] =	wrdreg s24  }
0x1c: {  	s28 =	sadd.s32 $0xC36F4, s19;
	s6 =	simm.s32 $0x18700;
	[dreg:$0x11] =	wrdreg s26  }
0x1d: {  	v0 =	vimm.f32 $0.0e+00;
	s24 =	sadd.s32 $0x1F40, s13;
	[dreg:$0x12] =	wrdreg s28;
	s13 =	simm.s32 $0x4  }
.LBB2_20:
0x1e: {  	_ =	swait.ge [sflag:s13], $0xFA0  }
0x1f: {  	[sflag:s13] =	ssyncset.done $0x0  }
0x20: {  	s16 =	stileid.u32;
	[sflag:s13] =	ssyncadd.s32 $0xFFFFF060  }
0x21: {  	s16 =	sshll.u32 s16, $0x6;
	[bflag:$0x0] =	sbarrier.arrive $0xFFFF  }
0x22: {  	s20 =	sshrl.u32 s8, $0x3;
	s16 =	sor.u32 $0x1C05, s16;
	s21 =	rddreg [dreg:$0xd]  }
0x23: {  	[hbm:s21], [sflag:s16] =	dma.local [spmem:s20], $0x310  }
0x24: {  	_ =	swait.ge [sflag:s4], $0x310  }
0x25: {  	s15 =	sadd.s32 $0x1, s15;
	s28 =	rddreg [dreg:$0x10]  }
0x26: {  	p1 =	sne.s32 s15, s28  }
.Ltmp1:
0x27: {  	_ = 	snop;
	(pc) =	sbr.rel @!p1 .LBB2_21-.Ltmp1, $3  }
0x28: {  	_ =	sdelay $0x1  }
0x29: {  	[sflag:s4] =	ssyncset.done $0x0  }
0x2a: {  	[sflag:s4] =	ssyncadd.s32 $0xFFFFFCF0  }
.LBB2_1:
0x2b: {  	s16 =	rddreg [dreg:$0x4]  }
0x2c: {  	[tilespmem:s29], [sflag:$0x1] =	stream.linear.gather [hbm4b:s16+s3], $0x620, $0x38;
	[tilespmem:$0x1FF80] =	vst v63  }
0x2d: {  	s28 =	rddreg [dreg:$0x5]  }
0x2e: {  	[tilespmem:s30], [sflag:$0x2] =	stream.linear.gather [hbm4b:s28+s3], $0x620, $0x38;
	[tilespmem:$0x1FF80] =	vst v63  }
0x2f: {  	_ =	swait.ge [sflag:s31], $0x620  }
0x30: {  	[sflag:s31] =	ssyncset.done $0x0  }
0x31: {  	[sflag:s31] =	ssyncadd.s32 $0xFFFFF9E0  }
0x32: {  	_ =	swait.ge [sflag:s0], $0x620  }
0x33: {  	[sflag:s0] =	ssyncset.done $0x0  }
0x34: {  	s16 =	simm.s32 $0x0;
	[sflag:s0] =	ssyncadd.s32 $0xFFFFF9E0  }
0x35: {  	s20 =	simm.s32 $0x40;
	v1 =	vld [tilespmem:s16+$0x1D700]  }
.LBB2_2:
0x36: {  	p1 =	sne.s32 s20, $0x1840;
	v2 =	vld [tilespmem:s16+$0x1A700];
	_ =	sdelay $0x2  }
.Ltmp2:
0x37: {  	(pc) =	sbr.rel @p1 .LBB2_2-.Ltmp2, $4  }
0x38: {  	_ = 	snop  }
0x39: {  	v2 =	vadd.f32 v1, v2  }
0x3a: {  	s21 =	sshra.s32 s20, $0x2  }
0x3b: {  	s20 =	sadd.s32 $0x40, s20;
	v1 =	vld [tilespmem:s21+$0x1D700];
	[tilespmem:s16+$0x1A700] =	vst v2;
	s16 =	smov.u32 s21  }
0x3c: {  	v2 =	vld [tilespmem:s16+$0x1A700];
	_ =	sdelay $0x4  }
0x3d: {  	v1 =	vadd.f32 v1, v2;
	_ =	sdelay $0x1  }
0x3e: {  	[tilespmem:s16+$0x1A700] =	vst v1  }
0x3f: {  	[spmem:s8] =	stream.linear.scatter [tilespmem:s29], [sflag:$0x5], $0x620, $0x38;
	[tilespmem:$0x1FF80] =	vst v63  }
0x40: {  	_ =	swait.ge [sflag:s4], $0x620  }
0x41: {  	[sflag:s4] =	ssyncset.done $0x0  }
0x42: {  	s26 =	simm.s32 $0x0;
	s20 =	rddreg [dreg:$0x6];
	[sflag:s4] =	ssyncadd.s32 $0xFFFFF9E0  }
0x43: {  	[tilespmem:s29], [sflag:$0x1] =	stream.linear.gather [hbm4b:s20+s26], $0x620, $0x38;
	[tilespmem:$0x1FF80] =	vst v63  }
0x44: {  	s28 =	rddreg [dreg:$0x7]  }
0x45: {  	[tilespmem:s30], [sflag:$0x2] =	stream.linear.gather [hbm4b:s28+s26], $0x620, $0x38;
	[tilespmem:$0x1FF80] =	vst v63  }
0x46: {  	_ =	swait.ge [sflag:s31], $0x620  }
0x47: {  	[sflag:s31] =	ssyncset.done $0x0  }
0x48: {  	[sflag:s31] =	ssyncadd.s32 $0xFFFFF9E0  }
0x49: {  	_ =	swait.ge [sflag:s0], $0x620  }
0x4a: {  	[sflag:s0] =	ssyncset.done $0x0  }
0x4b: {  	s16 =	simm.s32 $0x0;
	[sflag:s0] =	ssyncadd.s32 $0xFFFFF9E0  }
0x4c: {  	s20 =	simm.s32 $0x40;
	v1 =	vld [tilespmem:s16+$0x1D700]  }
.LBB2_4:
0x4d: {  	p1 =	sne.s32 s20, $0x1840;
	v2 =	vld [tilespmem:s16+$0x1A700];
	_ =	sdelay $0x2  }
.Ltmp3:
0x4e: {  	(pc) =	sbr.rel @p1 .LBB2_4-.Ltmp3, $4  }
0x4f: {  	_ = 	snop  }
0x50: {  	v2 =	vadd.f32 v1, v2  }
0x51: {  	s21 =	sshra.s32 s20, $0x2  }
0x52: {  	s20 =	sadd.s32 $0x40, s20;
	v1 =	vld [tilespmem:s21+$0x1D700];
	[tilespmem:s16+$0x1A700] =	vst v2;
	s16 =	smov.u32 s21  }
0x53: {  	v2 =	vld [tilespmem:s16+$0x1A700];
	_ =	sdelay $0x4  }
0x54: {  	v1 =	vadd.f32 v1, v2;
	_ =	sdelay $0x1  }
0x55: {  	[tilespmem:s16+$0x1A700] =	vst v1  }
0x56: {  	[spmem:s11] =	stream.linear.scatter [tilespmem:s29], [sflag:$0x5], $0x620, $0x38;
	[tilespmem:$0x1FF80] =	vst v63  }
0x57: {  	_ =	swait.ge [sflag:s4], $0x620  }
0x58: {  	[sflag:s4] =	ssyncset.done $0x0  }
0x59: {  	s26 =	simm.s32 $0x0;
	s20 =	rddreg [dreg:$0x8];
	[sflag:s4] =	ssyncadd.s32 $0xFFFFF9E0  }
0x5a: {  	[tilespmem:s29], [sflag:$0x1] =	stream.linear.gather [hbm4b:s20+s26], $0x620, $0x38;
	[tilespmem:$0x1FF80] =	vst v63  }
0x5b: {  	s28 =	rddreg [dreg:$0x9]  }
0x5c: {  	[tilespmem:s30], [sflag:$0x2] =	stream.linear.gather [hbm4b:s28+s26], $0x620, $0x38;
	[tilespmem:$0x1FF80] =	vst v63  }
0x5d: {  	_ =	swait.ge [sflag:s31], $0x620  }
0x5e: {  	[sflag:s31] =	ssyncset.done $0x0  }
0x5f: {  	[sflag:s31] =	ssyncadd.s32 $0xFFFFF9E0  }
0x60: {  	_ =	swait.ge [sflag:s0], $0x620  }
0x61: {  	[sflag:s0] =	ssyncset.done $0x0  }
0x62: {  	s16 =	simm.s32 $0x0;
	[sflag:s0] =	ssyncadd.s32 $0xFFFFF9E0  }
0x63: {  	s20 =	simm.s32 $0x40;
	v1 =	vld [tilespmem:s16+$0x1D700]  }
.LBB2_6:
0x64: {  	p1 =	sne.s32 s20, $0x1840;
	v2 =	vld [tilespmem:s16+$0x1A700];
	_ =	sdelay $0x2  }
.Ltmp4:
0x65: {  	(pc) =	sbr.rel @p1 .LBB2_6-.Ltmp4, $4  }
0x66: {  	_ = 	snop  }
0x67: {  	v2 =	vadd.f32 v1, v2  }
0x68: {  	s21 =	sshra.s32 s20, $0x2  }
0x69: {  	s20 =	sadd.s32 $0x40, s20;
	v1 =	vld [tilespmem:s21+$0x1D700];
	[tilespmem:s16+$0x1A700] =	vst v2;
	s16 =	smov.u32 s21  }
0x6a: {  	v2 =	vld [tilespmem:s16+$0x1A700];
	_ =	sdelay $0x4  }
0x6b: {  	v1 =	vadd.f32 v1, v2;
	_ =	sdelay $0x1  }
0x6c: {  	[tilespmem:s16+$0x1A700] =	vst v1  }
0x6d: {  	[spmem:s14] =	stream.linear.scatter [tilespmem:s29], [sflag:$0x5], $0x620, $0x38;
	[tilespmem:$0x1FF80] =	vst v63  }
0x6e: {  	_ =	swait.ge [sflag:s4], $0x620  }
0x6f: {  	[sflag:s4] =	ssyncset.done $0x0  }
0x70: {  	s26 =	simm.s32 $0x0;
	s20 =	rddreg [dreg:$0xa];
	[sflag:s4] =	ssyncadd.s32 $0xFFFFF9E0  }
0x71: {  	[tilespmem:s29], [sflag:$0x1] =	stream.linear.gather [hbm4b:s20+s26], $0x620, $0x38;
	[tilespmem:$0x1FF80] =	vst v63  }
0x72: {  	s28 =	rddreg [dreg:$0xb]  }
0x73: {  	[tilespmem:s30], [sflag:$0x2] =	stream.linear.gather [hbm4b:s28+s26], $0x620, $0x38;
	[tilespmem:$0x1FF80] =	vst v63  }
0x74: {  	_ =	swait.ge [sflag:s31], $0x620  }
0x75: {  	[sflag:s31] =	ssyncset.done $0x0  }
0x76: {  	[sflag:s31] =	ssyncadd.s32 $0xFFFFF9E0  }
0x77: {  	_ =	swait.ge [sflag:s0], $0x620  }
0x78: {  	[sflag:s0] =	ssyncset.done $0x0  }
0x79: {  	s16 =	simm.s32 $0x0;
	[sflag:s0] =	ssyncadd.s32 $0xFFFFF9E0  }
0x7a: {  	s20 =	simm.s32 $0x40;
	v1 =	vld [tilespmem:s16+$0x1D700]  }
.LBB2_8:
0x7b: {  	p1 =	sne.s32 s20, $0x1840;
	v2 =	vld [tilespmem:s16+$0x1A700];
	_ =	sdelay $0x2  }
.Ltmp5:
0x7c: {  	(pc) =	sbr.rel @p1 .LBB2_8-.Ltmp5, $4  }
0x7d: {  	_ = 	snop  }
0x7e: {  	v2 =	vadd.f32 v1, v2  }
0x7f: {  	s21 =	sshra.s32 s20, $0x2  }
0x80: {  	s20 =	sadd.s32 $0x40, s20;
	v1 =	vld [tilespmem:s21+$0x1D700];
	[tilespmem:s16+$0x1A700] =	vst v2;
	s16 =	smov.u32 s21  }
0x81: {  	v2 =	vld [tilespmem:s16+$0x1A700];
	_ =	sdelay $0x4  }
0x82: {  	v1 =	vadd.f32 v1, v2;
	_ =	sdelay $0x1  }
0x83: {  	[tilespmem:s16+$0x1A700] =	vst v1  }
0x84: {  	[spmem:s17] =	stream.linear.scatter [tilespmem:s29], [sflag:$0x5], $0x620, $0x38;
	[tilespmem:$0x1FF80] =	vst v63  }
0x85: {  	_ =	swait.ge [sflag:s4], $0x620  }
0x86: {  	[sflag:s4] =	ssyncset.done $0x0  }
0x87: {  	s16 =	simm.s32 $0x0;
	[sflag:s4] =	ssyncadd.s32 $0xFFFFF9E0  }
0x88: {  	[tilespmem:s6], [sflag:$0x1] =	stream.linear.gather [hbm4b:s19+s16], $0xFA0, $0x38;
	[tilespmem:$0x1FF80] =	vst v63  }
0x89: {  	s20 =	rddreg [dreg:$0x11]  }
0x8a: {  	[tilespmem:s7], [sflag:$0x1] =	stream.linear.gather [hbm4b:s20+s16], $0xFA0, $0x38;
	[tilespmem:$0x1FF80] =	vst v63  }
0x8b: {  	s28 =	rddreg [dreg:$0xc]  }
0x8c: {  	[tilespmem:s29], [sflag:$0x1] =	stream.linear.gather [hbm4b:s28+s16], $0xFA0, $0x38;
	[tilespmem:$0x1FF80] =	vst v63  }
0x8d: {  	[bflag:$0x0] =	sbarrier.arrive $0xFFFF  }
0x8e: {  	[tilespmem:s16], [sflag:$0x5] =	stream.linear.gather [spmem:s2], $0x186A0, $0x38;
	[tilespmem:$0x1FF80] =	vst v63  }
.Ltmp6:
0x8f: {  	_ =	swait.ge [sflag:s4], $0x186A0;
	(pc) =	sbr.rel @p0 .LBB2_13-.Ltmp6, $3  }
0x90: {  	[sflag:s4] =	ssyncset.done $0x0  }
0x91: {  	[sflag:s4] =	ssyncadd.s32 $0xFFFE7960  }
0x92: {  	[bflag:$0x0] =	sbarrier.arrive $0xFFFF;
	_ =	sdelay $0x1  }
0x93: {  	s20 =	simm.s32 $0x40;
	s21 =	simm.s32 $0x0  }
.LBB2_11:
0x94: {  	p1 =	sne.s32 s20, $0x1840;
	[tilespmem:s21+$0x1D700] =	vst v0;
	s21 =	smov.u32 s20;
	s20 =	sadd.s32 $0x40, s20  }
.Ltmp7:
0x95: {  	(pc) =	sbr.rel @p1 .LBB2_11-.Ltmp7, $2  }
0x96: {  	_ =	sdelay $0x2  }
0x97: {  	s21 =	sshra.s32 s21, $0x2  }
0x98: {  	[tilespmem:s21+$0x1D700] =	vst v0  }
0x99: {  	[spmem:s8] =	stream.linear.scatter [tilespmem:s30], [sflag:$0x5], $0x620, $0x38;
	[tilespmem:$0x1FF80] =	vst v63  }
0x9a: {  	_ =	swait.ge [sflag:s4], $0x620  }
0x9b: {  	[sflag:s4] =	ssyncset.done $0x0  }
0x9c: {  	[sflag:s4] =	ssyncadd.s32 $0xFFFFF9E0  }
0x9d: {  	[spmem:s11] =	stream.linear.scatter [tilespmem:s30], [sflag:$0x5], $0x620, $0x38;
	[tilespmem:$0x1FF80] =	vst v63  }
0x9e: {  	_ =	swait.ge [sflag:s4], $0x620  }
0x9f: {  	[sflag:s4] =	ssyncset.done $0x0  }
0xa0: {  	[sflag:s4] =	ssyncadd.s32 $0xFFFFF9E0  }
0xa1: {  	[spmem:s14] =	stream.linear.scatter [tilespmem:s30], [sflag:$0x5], $0x620, $0x38;
	[tilespmem:$0x1FF80] =	vst v63  }
0xa2: {  	_ =	swait.ge [sflag:s4], $0x620  }
0xa3: {  	[sflag:s4] =	ssyncset.done $0x0  }
0xa4: {  	[sflag:s4] =	ssyncadd.s32 $0xFFFFF9E0  }
0xa5: {  	[spmem:s17] =	stream.linear.scatter [tilespmem:s30], [sflag:$0x5], $0x620, $0x38;
	[tilespmem:$0x1FF80] =	vst v63  }
0xa6: {  	_ =	swait.ge [sflag:s4], $0x620  }
0xa7: {  	[sflag:s4] =	ssyncset.done $0x0  }
0xa8: {  	[sflag:s4] =	ssyncadd.s32 $0xFFFFF9E0  }
.LBB2_13:
0xa9: {  	s20 =	rddreg [dreg:$0xe];
	s21 =	simm.s32 $0x1B700  }
0xaa: {  	[tilespmem:s21], [sflag:$0x2] =	stream.linear.gather [hbm4b:s20+s16], $0xFA0, $0x38;
	[tilespmem:$0x1FF80] =	vst v63  }
0xab: {  	s26 =	rddreg [dreg:$0x12]  }
0xac: {  	[tilespmem:s9], [sflag:$0x2] =	stream.linear.gather [hbm4b:s26+s16], $0xFA0, $0x38;
	[tilespmem:$0x1FF80] =	vst v63  }
0xad: {  	s28 =	rddreg [dreg:$0xf]  }
0xae: {  	[tilespmem:s30], [sflag:$0x2] =	stream.linear.gather [hbm4b:s28+s16], $0xFA0, $0x38;
	[tilespmem:$0x1FF80] =	vst v63  }
0xaf: {  	s20 =	simm.s32 $0x0;
	[bflag:$0x0] =	sbarrier.arrive $0xFFFF  }
.LBB2_14:
0xb0: {  	p1 =	seq.s32 s20, $0x0  }
0xb1: {  	s21 =	simm.s32 @!p1 $0x4;
	s22 =	smul.u32 @!p1 $0x1F40, s20  }
0xb2: {  	_ =	swait.ge @!p1 [sflag:s21], $0xFA0  }
0xb3: {  	[sflag:s21] =	ssyncset.done @!p1 $0x0;
	s22 =	sadd.s32 @!p1 s22, s18  }
0xb4: {  	[sflag:s21] =	ssyncadd.s32 @!p1 $0xFFFFF060;
	s21 =	sshrl.u32 @!p1 s22, $0x3  }
0xb5: {  	s23 =	simm.s32 @!p1 $0x0;
	s25 =	simm.s32 @!p1 $0x1B700;
	s22 =	sadd.s32 @!p1 s5, s21  }
0xb6: {  	[tilespmem:s25], [sflag:$0x2] =	stream.linear.gather @!p1 [hbm4b:s22+s23], $0xFA0, $0x38;
	[tilespmem:$0x1FF80] =	vst v63  }
0xb7: {  	s22 =	sadd.s32 @!p1 $0xC3500, s22;
	s25 =	simm.s32 @!p1 $0x1C700  }
0xb8: {  	[tilespmem:s25], [sflag:$0x2] =	stream.linear.gather @!p1 [hbm4b:s22+s23], $0xFA0, $0x38;
	[tilespmem:$0x1FF80] =	vst v63  }
0xb9: {  	s21 =	sadd.s32 @!p1 s1, s21;
	s22 =	simm.s32 @!p1 $0x1D700  }
0xba: {  	[tilespmem:s22], [sflag:$0x2] =	stream.linear.gather @!p1 [hbm4b:s21+s23], $0xFA0, $0x38;
	[tilespmem:$0x1FF80] =	vst v63  }
0xbb: {  	_ =	swait.ge [sflag:s31], $0xFA0  }
0xbc: {  	[sflag:s31] =	ssyncset.done $0x0  }
0xbd: {  	[sflag:s31] =	ssyncadd.s32 $0xFFFFF060  }
0xbe: {  	_ =	swait.ge [sflag:s31], $0xFA0  }
0xbf: {  	[sflag:s31] =	ssyncset.done $0x0  }
0xc0: {  	[sflag:s31] =	ssyncadd.s32 $0xFFFFF060  }
0xc1: {  	_ =	swait.ge [sflag:s31], $0xFA0  }
0xc2: {  	[sflag:s31] =	ssyncset.done $0x0  }
0xc3: {  	s26 =	simm.s32 $0x187C0;
	[sflag:s31] =	ssyncadd.s32 $0xFFFFF060  }
0xc4: {  	s21 =	simm.s32 $0x1A7C0;
	v1 =	vld [tilespmem:s26+$0xB0]  }
0xc5: {  	s28 =	sand.u32 $0xFF0, s16;
	v2 =	vld [tilespmem:s21+$0xB0]  }
0xc6: {  	v3 =	vld [tilespmem:s28+$0x1A880]  }
0xc7: {  	v4 =	vld [tilespmem:s28+$0x1A780]  }
0xc8: {  	v5 =	vld [tilespmem:s28+$0x1A800]  }
0xc9: {  	v6 =	vld [tilespmem:s28+$0x18880]  }
0xca: {  	v7 =	vld [tilespmem:s28+$0x18780]  }
0xcb: {  	v8 =	vld [tilespmem:s28+$0x18800]  }
0xcc: {  	v9 =	vld [tilespmem:s21+$0xFFFFFF50]  }
0xcd: {  	v10 =	vld [tilespmem:s21+$0xFFFFFF60]  }
0xce: {  	v11 =	vld [tilespmem:s21+$0xFFFFFF70]  }
0xcf: {  	v12 =	vld [tilespmem:s21+$0xFFFFFF80]  }
0xd0: {  	v15 =	vld [tilespmem:s21+$0xFFFFFFB0]  }
0xd1: {  	v16 =	vld [tilespmem:s21+$0xFFFFFFD0]  }
0xd2: {  	v17 =	vld [tilespmem:s21+$0xFFFFFFE0]  }
0xd3: {  	v18 =	vld [tilespmem:s21+$0xFFFFFFF0]  }
0xd4: {  	v19 =	vld [tilespmem:s21+$0x0]  }
0xd5: {  	v20 =	vld [tilespmem:s21+$0x10]  }
0xd6: {  	v21 =	vld [tilespmem:s21+$0x20]  }
0xd7: {  	v22 =	vld [tilespmem:s21+$0x30]  }
0xd8: {  	v23 =	vld [tilespmem:s26+$0xFFFFFF50]  }
0xd9: {  	v53 =	vld [tilespmem:s26+$0xFFFFFF60]  }
0xda: {  	v26 =	vld [tilespmem:s26+$0xFFFFFF80]  }
0xdb: {  	v55 =	vld [tilespmem:s26+$0xFFFFFF90]  }
0xdc: {  	v56 =	vld [tilespmem:s26+$0xFFFFFFA0]  }
0xdd: {  	v29 =	vld [tilespmem:s26+$0xFFFFFFB0];
	v2 =	vmul.f32 $1.442695020e+00, v2  }
0xde: {  	v3 =	vmul.f32 $1.442695020e+00, v3;
	v13 =	vld.idx.msk [tilespmem:v1+s3+$0x0], $0xffff  }
0xdf: {  	v4 =	vmul.f32 $1.442695020e+00, v4;
	(erf) = vpow2.f32 v2;
	v14 =	vld.idx.msk [tilespmem:v6+s3+$0x0], $0xffff  }
0xe0: {  	v5 =	vmul.f32 $1.442695020e+00, v5;
	v1 =	vld [tilespmem:s21+$0xFFFFFF90];
	(erf) = vpow2.f32 v3  }
0xe1: {  	v6 =	vld [tilespmem:s21+$0xFFFFFFA0];
	(erf) = vpow2.f32 v4;
	v4 =	vmul.f32 $1.442695020e+00, v9  }
0xe2: {  	v58 =	vld [tilespmem:s26+$0xFFFFFFD0];
	(erf) = vpow2.f32 v5;
	v5 =	vmul.f32 $1.442695020e+00, v10  }
0xe3: {  	v59 =	vld [tilespmem:s26+$0xFFFFFFE0];
	v11 =	vmul.f32 $1.442695020e+00, v11;
	(erf) = vpow2.f32 v4  }
0xe4: {  	v33 =	vld [tilespmem:s26+$0xFFFFFFF0];
	v12 =	vmul.f32 $1.442695020e+00, v12;
	(erf) = vpow2.f32 v5  }
0xe5: {  	v34 =	vld [tilespmem:s26+$0x0];
	(erf) = vpow2.f32 v11;
	v1 =	vmul.f32 $1.442695020e+00, v1  }
0xe6: {  	v35 =	vld [tilespmem:s26+$0x10];
	v6 =	vmul.f32 $1.442695020e+00, v6;
	(erf) = vpow2.f32 v12  }
0xe7: {  	v37 =	vld [tilespmem:s26+$0x20];
	v15 =	vmul.f32 $1.442695020e+00, v15;
	(erf) = vpow2.f32 v1  }
0xe8: {  	v39 =	vld [tilespmem:s26+$0x30];
	v1 =	vmul.f32 $1.442695020e+00, v16;
	v24 =	vpop (erf);
	(erf) = vpow2.f32 v6  }
0xe9: {  	v42 =	vld [tilespmem:s26+$0x60];
	v6 =	vmul.f32 $1.442695020e+00, v17;
	v25 =	vpop (erf);
	(erf) = vpow2.f32 v15  }
0xea: {  	v18 =	vmul.f32 $1.442695020e+00, v18;
	v2 =	vld [tilespmem:s21+$0x50];
	v54 =	vpop (erf);
	(erf) = vpow2.f32 v1  }
0xeb: {  	v3 =	vld [tilespmem:s21+$0x60];
	v1 =	vmul.f32 $1.442695020e+00, v19;
	v27 =	vpop (erf);
	(erf) = vpow2.f32 v6  }
0xec: {  	v9 =	vld [tilespmem:s21+$0x70];
	v6 =	vmul.f32 $1.442695020e+00, v20;
	v28 =	vpop (erf);
	(erf) = vpow2.f32 v18  }
0xed: {  	v21 =	vmul.f32 $1.442695020e+00, v21;
	v10 =	vld [tilespmem:s21+$0x80];
	v57 =	vpop (erf);
	(erf) = vpow2.f32 v1  }
0xee: {  	v4 =	vld [tilespmem:s21+$0x90];
	v1 =	vmul.f32 $1.442695020e+00, v22;
	v30 =	vpop (erf);
	(erf) = vpow2.f32 v6  }
0xef: {  	v5 =	vld [tilespmem:s21+$0xA0];
	v2 =	vmul.f32 $1.442695020e+00, v2;
	v31 =	vpop (erf);
	(erf) = vpow2.f32 v21  }
0xf0: {  	v11 =	vld [tilespmem:s21+$0xFFFFFF40];
	v3 =	vmul.f32 $1.442695020e+00, v3;
	v32 =	vpop (erf);
	(erf) = vpow2.f32 v1  }
0xf1: {  	v44 =	vld [tilespmem:s26+$0x70];
	v1 =	vmul.f32 $1.442695020e+00, v9;
	v9 =	vpop (erf);
	(erf) = vpow2.f32 v2  }
0xf2: {  	v46 =	vld [tilespmem:s26+$0x80];
	v2 =	vmul.f32 $1.442695020e+00, v10;
	v10 =	vpop (erf);
	(erf) = vpow2.f32 v3  }
0xf3: {  	v12 =	vld [tilespmem:s26+$0xFFFFFF40];
	v3 =	vmul.f32 $1.442695020e+00, v4;
	v36 =	vpop (erf);
	(erf) = vpow2.f32 v1  }
0xf4: {  	v15 =	vld [tilespmem:s26+$0xFFFFFF70];
	v1 =	vmul.f32 $1.442695020e+00, v5;
	v38 =	vpop (erf);
	(erf) = vpow2.f32 v2  }
0xf5: {  	v48 =	vld [tilespmem:s26+$0x90];
	v2 =	vmul.f32 $1.442695020e+00, v11;
	v40 =	vpop (erf);
	(erf) = vpow2.f32 v3  }
0xf6: {  	v49 =	vld [tilespmem:s26+$0xA0];
	v41 =	vpop (erf);
	(erf) = vpow2.f32 v1  }
0xf7: {  	v7 =	vld.idx.msk [tilespmem:v7+s3+$0x0], $0xffff;
	(erf) = vpow2.f32 v2;
	v43 =	vpop (erf)  }
0xf8: {  	v8 =	vld.idx.msk [tilespmem:v8+s3+$0x0], $0xffff;
	v45 =	vpop (erf)  }
0xf9: {  	v23 =	vld.idx.msk [tilespmem:v23+s3+$0x0], $0xffff;
	v47 =	vpop (erf)  }
0xfa: {  	v60 =	vld.idx.msk [tilespmem:v26+s3+$0x0], $0xffff;
	v6 =	vpop (erf)  }
0xfb: {  	v12 =	vld.idx.msk [tilespmem:v12+s3+$0x0], $0xffff;
	v4 =	vmul.f32 v13, v24;
	v5 =	vpop (erf)  }
0xfc: {  	v14 =	vmul.f32 v14, v25;
	v15 =	vld.idx.msk [tilespmem:v15+s3+$0x0], $0xffff;
	v1 =	vpop (erf)  }
0xfd: {  	v13 =	vld.idx.msk [tilespmem:v53+s3+$0x0], $0xffff;
	v2 =	vpop (erf)  }
0xfe: {  	v8 =	vmul.f32 v8, v27;
	[tilespmem:s28+$0x1A880] =	vst v14;
	v11 =	vld [tilespmem:s26+$0x50];
	v3 =	vpop (erf)  }
0xff: {  	v61 =	vld.idx.msk [tilespmem:v55+s3+$0x0], $0xffff;
	v7 =	vmul.f32 v7, v54;
	[tilespmem:s21+$0xB0] =	vst v4;
	v4 =	vpop (erf)  }
0x100: {  	v62 =	vld.idx.msk [tilespmem:v33+s3+$0x0], $0xffff;
	[tilespmem:s28+$0x1A800] =	vst v8;
	v8 =	vmul.f32 v23, v28;
	v14 =	vpop (erf)  }
0x101: {  	[tilespmem:s28+$0x1A780] =	vst v7;
	v7 =	vmul.f32 v12, v14;
	v14 =	vld.idx.msk [tilespmem:v29+s3+$0x0], $0xffff  }
0x102: {  	[tilespmem:s21+$0xFFFFFF50] =	vst v8;
	v8 =	vmul.f32 v15, v30;
	v12 =	vld.idx.msk [tilespmem:v56+s3+$0x0], $0xffff  }
0x103: {  	v63 =	vld.idx.msk [tilespmem:v34+s3+$0x0], $0xffff;
	[tilespmem:s21+$0xFFFFFF40] =	vst v7;
	v7 =	vmul.f32 v13, v57  }
0x104: {  	[tilespmem:s21+$0xFFFFFF70] =	vst v8;
	v8 =	vmul.f32 v61, v32;
	v13 =	vld.idx.msk [tilespmem:v58+s3+$0x0], $0xffff  }
0x105: {  	v15 =	vld.idx.msk [tilespmem:v59+s3+$0x0], $0xffff;
	[tilespmem:s21+$0xFFFFFF60] =	vst v7;
	v7 =	vmul.f32 v60, v31  }
0x106: {  	[tilespmem:s21+$0xFFFFFF90] =	vst v8;
	v11 =	vld.idx.msk [tilespmem:v11+s3+$0x0], $0xffff;
	v8 =	vmul.f32 v14, v10  }
0x107: {  	[tilespmem:s21+$0xFFFFFF80] =	vst v7;
	v7 =	vmul.f32 v12, v9;
	v9 =	vld.idx.msk [tilespmem:v35+s3+$0x0], $0xffff  }
0x108: {  	v10 =	vmul.f32 v62, v40;
	v12 =	vld.idx.msk [tilespmem:v37+s3+$0x0], $0xffff;
	[tilespmem:s21+$0xFFFFFFB0] =	vst v8  }
0x109: {  	[tilespmem:s21+$0xFFFFFFA0] =	vst v7;
	v7 =	vmul.f32 v13, v36;
	v13 =	vld.idx.msk [tilespmem:v39+s3+$0x0], $0xffff  }
0x10a: {  	v8 =	vmul.f32 v15, v38;
	[tilespmem:s21+$0xFFFFFFF0] =	vst v10;
	v10 =	vld.idx.msk [tilespmem:v48+s3+$0x0], $0xffff  }
0x10b: {  	v14 =	vmul.f32 v63, v41;
	[tilespmem:s21+$0xFFFFFFD0] =	vst v7;
	v7 =	vld.idx.msk [tilespmem:v42+s3+$0x0], $0xffff  }
0x10c: {  	[tilespmem:s21+$0xFFFFFFE0] =	vst v8;
	v8 =	vld.idx.msk [tilespmem:v44+s3+$0x0], $0xffff;
	v15 =	vmul.f32 v9, v43  }
0x10d: {  	s25 =	simm.s32 $0x0;
	[tilespmem:s21+$0x0] =	vst v14;
	v9 =	vld.idx.msk [tilespmem:v46+s3+$0x0], $0xffff;
	v14 =	vmul.f32 v12, v45  }
0x10e: {  	s22 =	simm.s32 $0x0;
	s23 =	simm.s32 $0x18950;
	s26 =	simm.s32 $0x1A7C0;
	v12 =	vld.idx.msk [tilespmem:v49+s3+$0x0], $0xffff;
	[tilespmem:s21+$0x10] =	vst v15;
	v13 =	vmul.f32 v13, v47  }
.LBB2_15:
0x10f: {  	v15 =	vld [tilespmem:s23+$0xB0];
	[tilespmem:s21+$0x20] =	vst v14;
	v6 =	vmul.f32 v11, v6;
	s25 =	sadd.s32 $0x190, s25;
	s26 =	sadd.s32 $0x190, s26  }
0x110: {  	s22 =	sadd.s32 $0x19, s22;
	v5 =	vmul.f32 v7, v5;
	s28 =	sand.u32 $0xFF0, s25;
	v11 =	vld [tilespmem:s26+$0xB0];
	[tilespmem:s21+$0x30] =	vst v13  }
0x111: {  	p1 =	slt.u32 s22, $0xE1;
	v1 =	vmul.f32 v8, v1;
	v7 =	vld [tilespmem:s28+$0x1A880];
	[tilespmem:s21+$0x50] =	vst v6  }
0x112: {  	v2 =	vmul.f32 v9, v2;
	v6 =	vld [tilespmem:s28+$0x1A780];
	[tilespmem:s21+$0x60] =	vst v5  }
0x113: {  	v5 =	vld [tilespmem:s28+$0x1A800];
	[tilespmem:s21+$0x70] =	vst v1;
	v1 =	vmul.f32 v10, v3  }
0x114: {  	v3 =	vld [tilespmem:s28+$0x18880];
	[tilespmem:s21+$0x80] =	vst v2;
	v2 =	vmul.f32 v12, v4  }
0x115: {  	v4 =	vld [tilespmem:s28+$0x18780];
	v8 =	vmul.f32 $1.442695020e+00, v11;
	[tilespmem:s21+$0x90] =	vst v1  }
0x116: {  	v1 =	vld [tilespmem:s28+$0x18800];
	v7 =	vmul.f32 $1.442695020e+00, v7;
	[tilespmem:s21+$0xA0] =	vst v2;
	s21 =	smov.u32 s26  }
0x117: {  	v2 =	vld [tilespmem:s26+$0xFFFFFF50];
	v6 =	vmul.f32 $1.442695020e+00, v6;
	(erf) = vpow2.f32 v8  }
0x118: {  	v8 =	vld [tilespmem:s26+$0xFFFFFF60];
	v5 =	vmul.f32 $1.442695020e+00, v5;
	(erf) = vpow2.f32 v7  }
0x119: {  	v7 =	vld [tilespmem:s26+$0xFFFFFF70];
	(erf) = vpow2.f32 v6  }
0x11a: {  	v6 =	vld [tilespmem:s26+$0xFFFFFF80];
	(erf) = vpow2.f32 v5  }
0x11b: {  	v5 =	vld.idx.msk [tilespmem:v15+s3+$0x0], $0xffff  }
0x11c: {  	v2 =	vmul.f32 $1.442695020e+00, v2;
	v3 =	vld.idx.msk [tilespmem:v3+s3+$0x0], $0xffff  }
0x11d: {  	v8 =	vmul.f32 $1.442695020e+00, v8;
	v4 =	vld.idx.msk [tilespmem:v4+s3+$0x0], $0xffff  }
0x11e: {  	v9 =	vmul.f32 $1.442695020e+00, v7;
	v1 =	vld.idx.msk [tilespmem:v1+s3+$0x0], $0xffff;
	(erf) = vpow2.f32 v2  }
0x11f: {  	v10 =	vmul.f32 $1.442695020e+00, v6;
	v6 =	vld [tilespmem:s26+$0xFFFFFF90];
	(erf) = vpow2.f32 v8  }
0x120: {  	v8 =	vld [tilespmem:s26+$0xFFFFFFA0];
	(erf) = vpow2.f32 v9;
	v7 =	vpop (erf)  }
0x121: {  	v9 =	vld [tilespmem:s26+$0xFFFFFFB0];
	v11 =	vmul.f32 v5, v7;
	(erf) = vpow2.f32 v10;
	v2 =	vpop (erf)  }
0x122: {  	v7 =	vld [tilespmem:s26+$0xFFFFFFD0];
	v2 =	vmul.f32 v3, v2;
	v3 =	vpop (erf)  }
0x123: {  	v3 =	vmul.f32 v4, v3;
	v4 =	vld [tilespmem:s26+$0xFFFFFFE0];
	[tilespmem:s26+$0xB0] =	vst v11;
	v5 =	vpop (erf)  }
0x124: {  	v6 =	vmul.f32 $1.442695020e+00, v6;
	v10 =	vld [tilespmem:s26+$0xFFFFFFF0];
	v1 =	vmul.f32 v1, v5;
	[tilespmem:s28+$0x1A880] =	vst v2  }
0x125: {  	v2 =	vmul.f32 $1.442695020e+00, v8;
	[tilespmem:s28+$0x1A780] =	vst v3;
	v3 =	vld [tilespmem:s26+$0x0]  }
0x126: {  	v5 =	vmul.f32 $1.442695020e+00, v9;
	v8 =	vld [tilespmem:s26+$0x10];
	[tilespmem:s28+$0x1A800] =	vst v1;
	(erf) = vpow2.f32 v6  }
0x127: {  	v1 =	vmul.f32 $1.442695020e+00, v7;
	v6 =	vld [tilespmem:s26+$0x20];
	v7 =	vpop (erf);
	(erf) = vpow2.f32 v2  }
0x128: {  	v2 =	vmul.f32 $1.442695020e+00, v4;
	v4 =	vld [tilespmem:s26+$0x30];
	v9 =	vpop (erf);
	(erf) = vpow2.f32 v5  }
0x129: {  	v5 =	vmul.f32 $1.442695020e+00, v10;
	v10 =	vld [tilespmem:s26+$0x50];
	v11 =	vpop (erf);
	(erf) = vpow2.f32 v1  }
0x12a: {  	v1 =	vmul.f32 $1.442695020e+00, v3;
	v3 =	vld [tilespmem:s26+$0x60];
	v12 =	vpop (erf);
	(erf) = vpow2.f32 v2  }
0x12b: {  	v2 =	vmul.f32 $1.442695020e+00, v8;
	v8 =	vld [tilespmem:s26+$0x70];
	(erf) = vpow2.f32 v5  }
0x12c: {  	v5 =	vmul.f32 $1.442695020e+00, v6;
	v6 =	vld [tilespmem:s26+$0x80];
	(erf) = vpow2.f32 v1  }
0x12d: {  	v1 =	vmul.f32 $1.442695020e+00, v4;
	v4 =	vld [tilespmem:s26+$0x90];
	(erf) = vpow2.f32 v2  }
0x12e: {  	v2 =	vmul.f32 $1.442695020e+00, v10;
	v10 =	vld [tilespmem:s26+$0xA0];
	(erf) = vpow2.f32 v5  }
0x12f: {  	v5 =	vld [tilespmem:s26+$0xFFFFFF40];
	v3 =	vmul.f32 $1.442695020e+00, v3;
	v13 =	vpop (erf);
	(erf) = vpow2.f32 v1  }
0x130: {  	v14 =	vld [tilespmem:s23+$0xFFFFFF40];
	v1 =	vmul.f32 $1.442695020e+00, v8;
	v8 =	vpop (erf);
	(erf) = vpow2.f32 v2  }
0x131: {  	v15 =	vld [tilespmem:s23+$0xFFFFFF50];
	v2 =	vmul.f32 $1.442695020e+00, v6;
	v16 =	vpop (erf);
	(erf) = vpow2.f32 v3  }
0x132: {  	v17 =	vld [tilespmem:s23+$0xFFFFFF60];
	v3 =	vmul.f32 $1.442695020e+00, v4;
	v18 =	vpop (erf);
	(erf) = vpow2.f32 v1  }
0x133: {  	v19 =	vld [tilespmem:s23+$0xFFFFFF70];
	v1 =	vmul.f32 $1.442695020e+00, v10;
	v10 =	vpop (erf);
	(erf) = vpow2.f32 v2  }
0x134: {  	v2 =	vmul.f32 $1.442695020e+00, v5;
	v20 =	vld [tilespmem:s23+$0xFFFFFF80];
	v21 =	vpop (erf);
	(erf) = vpow2.f32 v3  }
0x135: {  	v22 =	vld [tilespmem:s23+$0xFFFFFF90];
	v23 =	vpop (erf);
	(erf) = vpow2.f32 v1  }
0x136: {  	v24 =	vld [tilespmem:s23+$0xFFFFFFA0];
	(erf) = vpow2.f32 v2;
	v25 =	vpop (erf)  }
0x137: {  	v26 =	vld [tilespmem:s23+$0xFFFFFFB0];
	v27 =	vpop (erf)  }
0x138: {  	v28 =	vld [tilespmem:s23+$0xFFFFFFD0];
	v29 =	vpop (erf)  }
0x139: {  	v30 =	vld [tilespmem:s23+$0xFFFFFFE0];
	v6 =	vpop (erf)  }
0x13a: {  	v31 =	vld [tilespmem:s23+$0xFFFFFFF0];
	v5 =	vpop (erf)  }
0x13b: {  	v32 =	vld [tilespmem:s23+$0x0];
	v1 =	vpop (erf)  }
0x13c: {  	v33 =	vld [tilespmem:s23+$0x10];
	v2 =	vpop (erf)  }
0x13d: {  	v34 =	vld [tilespmem:s23+$0x20];
	v3 =	vpop (erf)  }
0x13e: {  	v35 =	vld [tilespmem:s23+$0x30];
	v4 =	vpop (erf)  }
0x13f: {  	v36 =	vld [tilespmem:s23+$0x50];
	v37 =	vpop (erf)  }
0x140: {  	v38 =	vld [tilespmem:s23+$0x60]  }
0x141: {  	v39 =	vld [tilespmem:s23+$0x70]  }
0x142: {  	v40 =	vld [tilespmem:s23+$0x80]  }
0x143: {  	v41 =	vld [tilespmem:s23+$0x90]  }
0x144: {  	v42 =	vld [tilespmem:s23+$0xA0]  }
0x145: {  	v14 =	vld.idx.msk [tilespmem:v14+s3+$0x0], $0xffff  }
0x146: {  	v15 =	vld.idx.msk [tilespmem:v15+s3+$0x0], $0xffff  }
0x147: {  	v17 =	vld.idx.msk [tilespmem:v17+s3+$0x0], $0xffff  }
0x148: {  	v19 =	vld.idx.msk [tilespmem:v19+s3+$0x0], $0xffff  }
0x149: {  	v20 =	vld.idx.msk [tilespmem:v20+s3+$0x0], $0xffff  }
0x14a: {  	v22 =	vld.idx.msk [tilespmem:v22+s3+$0x0], $0xffff  }
0x14b: {  	v14 =	vmul.f32 v14, v37;
	v24 =	vld.idx.msk [tilespmem:v24+s3+$0x0], $0xffff  }
0x14c: {  	v7 =	vmul.f32 v15, v7;
	v15 =	vld.idx.msk [tilespmem:v26+s3+$0x0], $0xffff  }
0x14d: {  	v9 =	vmul.f32 v17, v9;
	[tilespmem:s26+$0xFFFFFF40] =	vst v14;
	v14 =	vld.idx.msk [tilespmem:v28+s3+$0x0], $0xffff  }
0x14e: {  	[tilespmem:s26+$0xFFFFFF50] =	vst v7;
	v7 =	vmul.f32 v19, v11;
	v11 =	vld.idx.msk [tilespmem:v30+s3+$0x0], $0xffff  }
0x14f: {  	[tilespmem:s26+$0xFFFFFF60] =	vst v9;
	v9 =	vmul.f32 v20, v12;
	v12 =	vld.idx.msk [tilespmem:v31+s3+$0x0], $0xffff  }
0x150: {  	[tilespmem:s26+$0xFFFFFF70] =	vst v7;
	v7 =	vmul.f32 v22, v13;
	v13 =	vld.idx.msk [tilespmem:v32+s3+$0x0], $0xffff  }
0x151: {  	v8 =	vmul.f32 v24, v8;
	[tilespmem:s26+$0xFFFFFF80] =	vst v9;
	v9 =	vld.idx.msk [tilespmem:v33+s3+$0x0], $0xffff  }
0x152: {  	[tilespmem:s26+$0xFFFFFF90] =	vst v7;
	v7 =	vmul.f32 v15, v16;
	v15 =	vld.idx.msk [tilespmem:v34+s3+$0x0], $0xffff  }
0x153: {  	[tilespmem:s26+$0xFFFFFFA0] =	vst v8;
	v8 =	vmul.f32 v14, v18;
	v16 =	vld.idx.msk [tilespmem:v35+s3+$0x0], $0xffff  }
0x154: {  	v10 =	vmul.f32 v11, v10;
	[tilespmem:s26+$0xFFFFFFB0] =	vst v7;
	v11 =	vld.idx.msk [tilespmem:v36+s3+$0x0], $0xffff  }
.Ltmp8:
0x155: {  	v12 =	vmul.f32 v12, v21;
	[tilespmem:s26+$0xFFFFFFD0] =	vst v8;
	v7 =	vld.idx.msk [tilespmem:v38+s3+$0x0], $0xffff;
	(pc) =	sbr.rel @p1 .LBB2_15-.Ltmp8, $4  }
0x156: {  	[tilespmem:s26+$0xFFFFFFE0] =	vst v10;
	v10 =	vmul.f32 v13, v23;
	v8 =	vld.idx.msk [tilespmem:v39+s3+$0x0], $0xffff  }
0x157: {  	[tilespmem:s26+$0xFFFFFFF0] =	vst v12;
	v12 =	vmul.f32 v9, v25;
	v9 =	vld.idx.msk [tilespmem:v40+s3+$0x0], $0xffff  }
0x158: {  	v14 =	vmul.f32 v15, v27;
	[tilespmem:s26+$0x0] =	vst v10;
	v10 =	vld.idx.msk [tilespmem:v41+s3+$0x0], $0xffff  }
0x159: {  	s23 =	sadd.s32 $0x190, s23;
	v13 =	vmul.f32 v16, v29;
	[tilespmem:s26+$0x10] =	vst v12;
	v12 =	vld.idx.msk [tilespmem:v42+s3+$0x0], $0xffff  }
0x15a: {  	[tilespmem:s21+$0x20] =	vst v14;
	v6 =	vmul.f32 v11, v6  }
0x15b: {  	v5 =	vmul.f32 v7, v5;
	[tilespmem:s21+$0x30] =	vst v13  }
0x15c: {  	v1 =	vmul.f32 v8, v1;
	[tilespmem:s21+$0x50] =	vst v6  }
0x15d: {  	[tilespmem:s21+$0x60] =	vst v5;
	v2 =	vmul.f32 v9, v2  }
0x15e: {  	[tilespmem:s21+$0x70] =	vst v1;
	v1 =	vmul.f32 v10, v3  }
0x15f: {  	[tilespmem:s21+$0x80] =	vst v2;
	v2 =	vmul.f32 v12, v4  }
0x160: {  	[tilespmem:s21+$0x90] =	vst v1  }
0x161: {  	[tilespmem:s21+$0xA0] =	vst v2  }
0x162: {  	[spmem:s2] =	stream.indirect.scatter.add.f32 [tilespmem:s29], [sflag:$0x3], $0x1, s7, s10, $0xb8;
	[tilespmem:$0x1FF80] =	vst v63  }
0x163: {  	_ =	swait.ge [sflag:s0], $0xFA0  }
0x164: {  	[sflag:s0] =	ssyncset.done $0x0  }
0x165: {  	[sflag:s0] =	ssyncadd.s32 $0xFFFFF060  }
0x166: {  	_ =	swait.ge [sflag:s0], $0xFA0  }
0x167: {  	[sflag:s0] =	ssyncset.done $0x0  }
0x168: {  	[sflag:s0] =	ssyncadd.s32 $0xFFFFF060  }
0x169: {  	_ =	swait.ge [sflag:s0], $0xFA0  }
0x16a: {  	[sflag:s0] =	ssyncset.done $0x0  }
0x16b: {  	s25 =	simm.s32 $0x1B7C0;
	[sflag:s0] =	ssyncadd.s32 $0xFFFFF060  }
0x16c: {  	s22 =	simm.s32 $0x0;
	s21 =	simm.s32 $0x1D7C0;
	v1 =	vld [tilespmem:s25+$0xB0]  }
0x16d: {  	s23 =	sand.u32 $0xFF0, s22;
	v2 =	vld [tilespmem:s21+$0xB0]  }
0x16e: {  	v3 =	vld [tilespmem:s23+$0x1D880]  }
0x16f: {  	v4 =	vld [tilespmem:s23+$0x1D780]  }
0x170: {  	v5 =	vld [tilespmem:s23+$0x1D800]  }
0x171: {  	v6 =	vld [tilespmem:s23+$0x1B880]  }
0x172: {  	v7 =	vld [tilespmem:s23+$0x1B780]  }
0x173: {  	v8 =	vld [tilespmem:s23+$0x1B800]  }
0x174: {  	v9 =	vld [tilespmem:s21+$0xFFFFFF50]  }
0x175: {  	v10 =	vld [tilespmem:s21+$0xFFFFFF60]  }
0x176: {  	v11 =	vld [tilespmem:s21+$0xFFFFFF70]  }
0x177: {  	v12 =	vld [tilespmem:s21+$0xFFFFFF80]  }
0x178: {  	v15 =	vld [tilespmem:s21+$0xFFFFFFB0]  }
0x179: {  	v16 =	vld [tilespmem:s21+$0xFFFFFFD0]  }
0x17a: {  	v17 =	vld [tilespmem:s21+$0xFFFFFFE0]  }
0x17b: {  	v18 =	vld [tilespmem:s21+$0xFFFFFFF0]  }
0x17c: {  	v19 =	vld [tilespmem:s21+$0x0]  }
0x17d: {  	v20 =	vld [tilespmem:s21+$0x10]  }
0x17e: {  	v21 =	vld [tilespmem:s21+$0x20]  }
0x17f: {  	v22 =	vld [tilespmem:s21+$0x30]  }
0x180: {  	v23 =	vld [tilespmem:s25+$0xFFFFFF50]  }
0x181: {  	v53 =	vld [tilespmem:s25+$0xFFFFFF60]  }
0x182: {  	v26 =	vld [tilespmem:s25+$0xFFFFFF80]  }
0x183: {  	v55 =	vld [tilespmem:s25+$0xFFFFFF90]  }
0x184: {  	v56 =	vld [tilespmem:s25+$0xFFFFFFA0]  }
0x185: {  	v29 =	vld [tilespmem:s25+$0xFFFFFFB0];
	v2 =	vmul.f32 $1.442695020e+00, v2  }
0x186: {  	v3 =	vmul.f32 $1.442695020e+00, v3;
	v13 =	vld.idx.msk [tilespmem:v1+s3+$0x0], $0xffff  }
0x187: {  	v4 =	vmul.f32 $1.442695020e+00, v4;
	(erf) = vpow2.f32 v2;
	v14 =	vld.idx.msk [tilespmem:v6+s3+$0x0], $0xffff  }
0x188: {  	v5 =	vmul.f32 $1.442695020e+00, v5;
	v1 =	vld [tilespmem:s21+$0xFFFFFF90];
	(erf) = vpow2.f32 v3  }
0x189: {  	v6 =	vld [tilespmem:s21+$0xFFFFFFA0];
	(erf) = vpow2.f32 v4;
	v4 =	vmul.f32 $1.442695020e+00, v9  }
0x18a: {  	v58 =	vld [tilespmem:s25+$0xFFFFFFD0];
	(erf) = vpow2.f32 v5;
	v5 =	vmul.f32 $1.442695020e+00, v10  }
0x18b: {  	v59 =	vld [tilespmem:s25+$0xFFFFFFE0];
	v11 =	vmul.f32 $1.442695020e+00, v11;
	(erf) = vpow2.f32 v4  }
0x18c: {  	v33 =	vld [tilespmem:s25+$0xFFFFFFF0];
	v12 =	vmul.f32 $1.442695020e+00, v12;
	(erf) = vpow2.f32 v5  }
0x18d: {  	v34 =	vld [tilespmem:s25+$0x0];
	(erf) = vpow2.f32 v11;
	v1 =	vmul.f32 $1.442695020e+00, v1  }
0x18e: {  	v35 =	vld [tilespmem:s25+$0x10];
	v6 =	vmul.f32 $1.442695020e+00, v6;
	(erf) = vpow2.f32 v12  }
0x18f: {  	v37 =	vld [tilespmem:s25+$0x20];
	v15 =	vmul.f32 $1.442695020e+00, v15;
	(erf) = vpow2.f32 v1  }
0x190: {  	v39 =	vld [tilespmem:s25+$0x30];
	v1 =	vmul.f32 $1.442695020e+00, v16;
	v24 =	vpop (erf);
	(erf) = vpow2.f32 v6  }
0x191: {  	v42 =	vld [tilespmem:s25+$0x60];
	v6 =	vmul.f32 $1.442695020e+00, v17;
	v25 =	vpop (erf);
	(erf) = vpow2.f32 v15  }
0x192: {  	v18 =	vmul.f32 $1.442695020e+00, v18;
	v2 =	vld [tilespmem:s21+$0x50];
	v54 =	vpop (erf);
	(erf) = vpow2.f32 v1  }
0x193: {  	v3 =	vld [tilespmem:s21+$0x60];
	v1 =	vmul.f32 $1.442695020e+00, v19;
	v27 =	vpop (erf);
	(erf) = vpow2.f32 v6  }
0x194: {  	v9 =	vld [tilespmem:s21+$0x70];
	v6 =	vmul.f32 $1.442695020e+00, v20;
	v28 =	vpop (erf);
	(erf) = vpow2.f32 v18  }
0x195: {  	v21 =	vmul.f32 $1.442695020e+00, v21;
	v10 =	vld [tilespmem:s21+$0x80];
	v57 =	vpop (erf);
	(erf) = vpow2.f32 v1  }
0x196: {  	v4 =	vld [tilespmem:s21+$0x90];
	v1 =	vmul.f32 $1.442695020e+00, v22;
	v30 =	vpop (erf);
	(erf) = vpow2.f32 v6  }
0x197: {  	v5 =	vld [tilespmem:s21+$0xA0];
	v2 =	vmul.f32 $1.442695020e+00, v2;
	v31 =	vpop (erf);
	(erf) = vpow2.f32 v21  }
0x198: {  	v11 =	vld [tilespmem:s21+$0xFFFFFF40];
	v3 =	vmul.f32 $1.442695020e+00, v3;
	v32 =	vpop (erf);
	(erf) = vpow2.f32 v1  }
0x199: {  	v44 =	vld [tilespmem:s25+$0x70];
	v1 =	vmul.f32 $1.442695020e+00, v9;
	v9 =	vpop (erf);
	(erf) = vpow2.f32 v2  }
0x19a: {  	v46 =	vld [tilespmem:s25+$0x80];
	v2 =	vmul.f32 $1.442695020e+00, v10;
	v10 =	vpop (erf);
	(erf) = vpow2.f32 v3  }
0x19b: {  	v12 =	vld [tilespmem:s25+$0xFFFFFF40];
	v3 =	vmul.f32 $1.442695020e+00, v4;
	v36 =	vpop (erf);
	(erf) = vpow2.f32 v1  }
0x19c: {  	v15 =	vld [tilespmem:s25+$0xFFFFFF70];
	v1 =	vmul.f32 $1.442695020e+00, v5;
	v38 =	vpop (erf);
	(erf) = vpow2.f32 v2  }
0x19d: {  	v48 =	vld [tilespmem:s25+$0x90];
	v2 =	vmul.f32 $1.442695020e+00, v11;
	v40 =	vpop (erf);
	(erf) = vpow2.f32 v3  }
0x19e: {  	v49 =	vld [tilespmem:s25+$0xA0];
	v41 =	vpop (erf);
	(erf) = vpow2.f32 v1  }
0x19f: {  	v7 =	vld.idx.msk [tilespmem:v7+s3+$0x0], $0xffff;
	(erf) = vpow2.f32 v2;
	v43 =	vpop (erf)  }
0x1a0: {  	v8 =	vld.idx.msk [tilespmem:v8+s3+$0x0], $0xffff;
	v45 =	vpop (erf)  }
0x1a1: {  	v23 =	vld.idx.msk [tilespmem:v23+s3+$0x0], $0xffff;
	v47 =	vpop (erf)  }
0x1a2: {  	v60 =	vld.idx.msk [tilespmem:v26+s3+$0x0], $0xffff;
	v6 =	vpop (erf)  }
0x1a3: {  	v12 =	vld.idx.msk [tilespmem:v12+s3+$0x0], $0xffff;
	v4 =	vmul.f32 v13, v24;
	v5 =	vpop (erf)  }
0x1a4: {  	v14 =	vmul.f32 v14, v25;
	v15 =	vld.idx.msk [tilespmem:v15+s3+$0x0], $0xffff;
	v1 =	vpop (erf)  }
0x1a5: {  	v13 =	vld.idx.msk [tilespmem:v53+s3+$0x0], $0xffff;
	v2 =	vpop (erf)  }
0x1a6: {  	v8 =	vmul.f32 v8, v27;
	[tilespmem:s23+$0x1D880] =	vst v14;
	v11 =	vld [tilespmem:s25+$0x50];
	v3 =	vpop (erf)  }
0x1a7: {  	v61 =	vld.idx.msk [tilespmem:v55+s3+$0x0], $0xffff;
	v7 =	vmul.f32 v7, v54;
	[tilespmem:s21+$0xB0] =	vst v4;
	v4 =	vpop (erf)  }
0x1a8: {  	v62 =	vld.idx.msk [tilespmem:v33+s3+$0x0], $0xffff;
	[tilespmem:s23+$0x1D800] =	vst v8;
	v8 =	vmul.f32 v23, v28;
	v14 =	vpop (erf)  }
0x1a9: {  	[tilespmem:s23+$0x1D780] =	vst v7;
	v7 =	vmul.f32 v12, v14;
	v14 =	vld.idx.msk [tilespmem:v29+s3+$0x0], $0xffff  }
0x1aa: {  	[tilespmem:s21+$0xFFFFFF50] =	vst v8;
	v8 =	vmul.f32 v15, v30;
	v12 =	vld.idx.msk [tilespmem:v56+s3+$0x0], $0xffff  }
0x1ab: {  	v63 =	vld.idx.msk [tilespmem:v34+s3+$0x0], $0xffff;
	[tilespmem:s21+$0xFFFFFF40] =	vst v7;
	v7 =	vmul.f32 v13, v57  }
0x1ac: {  	[tilespmem:s21+$0xFFFFFF70] =	vst v8;
	v8 =	vmul.f32 v61, v32;
	v13 =	vld.idx.msk [tilespmem:v58+s3+$0x0], $0xffff  }
0x1ad: {  	v15 =	vld.idx.msk [tilespmem:v59+s3+$0x0], $0xffff;
	[tilespmem:s21+$0xFFFFFF60] =	vst v7;
	v7 =	vmul.f32 v60, v31  }
0x1ae: {  	[tilespmem:s21+$0xFFFFFF90] =	vst v8;
	v11 =	vld.idx.msk [tilespmem:v11+s3+$0x0], $0xffff;
	v8 =	vmul.f32 v14, v10  }
0x1af: {  	[tilespmem:s21+$0xFFFFFF80] =	vst v7;
	v7 =	vmul.f32 v12, v9;
	v9 =	vld.idx.msk [tilespmem:v35+s3+$0x0], $0xffff  }
0x1b0: {  	v10 =	vmul.f32 v62, v40;
	v12 =	vld.idx.msk [tilespmem:v37+s3+$0x0], $0xffff;
	[tilespmem:s21+$0xFFFFFFB0] =	vst v8  }
0x1b1: {  	[tilespmem:s21+$0xFFFFFFA0] =	vst v7;
	v7 =	vmul.f32 v13, v36;
	v13 =	vld.idx.msk [tilespmem:v39+s3+$0x0], $0xffff  }
0x1b2: {  	v8 =	vmul.f32 v15, v38;
	[tilespmem:s21+$0xFFFFFFF0] =	vst v10;
	v10 =	vld.idx.msk [tilespmem:v48+s3+$0x0], $0xffff  }
0x1b3: {  	v14 =	vmul.f32 v63, v41;
	[tilespmem:s21+$0xFFFFFFD0] =	vst v7;
	v7 =	vld.idx.msk [tilespmem:v42+s3+$0x0], $0xffff  }
0x1b4: {  	[tilespmem:s21+$0xFFFFFFE0] =	vst v8;
	v8 =	vld.idx.msk [tilespmem:v44+s3+$0x0], $0xffff;
	v15 =	vmul.f32 v9, v43  }
0x1b5: {  	[tilespmem:s21+$0x0] =	vst v14;
	v9 =	vld.idx.msk [tilespmem:v46+s3+$0x0], $0xffff;
	v14 =	vmul.f32 v12, v45  }
0x1b6: {  	s26 =	simm.s32 $0x1D7C0;
	s23 =	simm.s32 $0x0;
	s25 =	simm.s32 $0x1B950;
	v12 =	vld.idx.msk [tilespmem:v49+s3+$0x0], $0xffff;
	[tilespmem:s21+$0x10] =	vst v15;
	v13 =	vmul.f32 v13, v47  }
.LBB2_17:
0x1b7: {  	v15 =	vld [tilespmem:s25+$0xB0];
	[tilespmem:s21+$0x20] =	vst v14;
	v6 =	vmul.f32 v11, v6;
	s22 =	sadd.s32 $0x190, s22;
	s26 =	sadd.s32 $0x190, s26  }
0x1b8: {  	s23 =	sadd.s32 $0x19, s23;
	v5 =	vmul.f32 v7, v5;
	s28 =	sand.u32 $0xFF0, s22;
	v11 =	vld [tilespmem:s26+$0xB0];
	[tilespmem:s21+$0x30] =	vst v13  }
0x1b9: {  	p1 =	slt.u32 s23, $0xE1;
	v1 =	vmul.f32 v8, v1;
	v7 =	vld [tilespmem:s28+$0x1D880];
	[tilespmem:s21+$0x50] =	vst v6  }
0x1ba: {  	v2 =	vmul.f32 v9, v2;
	v6 =	vld [tilespmem:s28+$0x1D780];
	[tilespmem:s21+$0x60] =	vst v5  }
0x1bb: {  	v5 =	vld [tilespmem:s28+$0x1D800];
	[tilespmem:s21+$0x70] =	vst v1;
	v1 =	vmul.f32 v10, v3  }
0x1bc: {  	v3 =	vld [tilespmem:s28+$0x1B880];
	[tilespmem:s21+$0x80] =	vst v2;
	v2 =	vmul.f32 v12, v4  }
0x1bd: {  	v4 =	vld [tilespmem:s28+$0x1B780];
	v8 =	vmul.f32 $1.442695020e+00, v11;
	[tilespmem:s21+$0x90] =	vst v1  }
0x1be: {  	v1 =	vld [tilespmem:s28+$0x1B800];
	v7 =	vmul.f32 $1.442695020e+00, v7;
	[tilespmem:s21+$0xA0] =	vst v2;
	s21 =	smov.u32 s26  }
0x1bf: {  	v2 =	vld [tilespmem:s26+$0xFFFFFF50];
	v6 =	vmul.f32 $1.442695020e+00, v6;
	(erf) = vpow2.f32 v8  }
0x1c0: {  	v8 =	vld [tilespmem:s26+$0xFFFFFF60];
	v5 =	vmul.f32 $1.442695020e+00, v5;
	(erf) = vpow2.f32 v7  }
0x1c1: {  	v7 =	vld [tilespmem:s26+$0xFFFFFF70];
	(erf) = vpow2.f32 v6  }
0x1c2: {  	v6 =	vld [tilespmem:s26+$0xFFFFFF80];
	(erf) = vpow2.f32 v5  }
0x1c3: {  	v5 =	vld.idx.msk [tilespmem:v15+s3+$0x0], $0xffff  }
0x1c4: {  	v2 =	vmul.f32 $1.442695020e+00, v2;
	v3 =	vld.idx.msk [tilespmem:v3+s3+$0x0], $0xffff  }
0x1c5: {  	v8 =	vmul.f32 $1.442695020e+00, v8;
	v4 =	vld.idx.msk [tilespmem:v4+s3+$0x0], $0xffff  }
0x1c6: {  	v9 =	vmul.f32 $1.442695020e+00, v7;
	v1 =	vld.idx.msk [tilespmem:v1+s3+$0x0], $0xffff;
	(erf) = vpow2.f32 v2  }
0x1c7: {  	v10 =	vmul.f32 $1.442695020e+00, v6;
	v6 =	vld [tilespmem:s26+$0xFFFFFF90];
	(erf) = vpow2.f32 v8  }
0x1c8: {  	v8 =	vld [tilespmem:s26+$0xFFFFFFA0];
	(erf) = vpow2.f32 v9;
	v7 =	vpop (erf)  }
0x1c9: {  	v9 =	vld [tilespmem:s26+$0xFFFFFFB0];
	v11 =	vmul.f32 v5, v7;
	(erf) = vpow2.f32 v10;
	v2 =	vpop (erf)  }
0x1ca: {  	v7 =	vld [tilespmem:s26+$0xFFFFFFD0];
	v2 =	vmul.f32 v3, v2;
	v3 =	vpop (erf)  }
0x1cb: {  	v3 =	vmul.f32 v4, v3;
	v4 =	vld [tilespmem:s26+$0xFFFFFFE0];
	[tilespmem:s26+$0xB0] =	vst v11;
	v5 =	vpop (erf)  }
0x1cc: {  	v6 =	vmul.f32 $1.442695020e+00, v6;
	v10 =	vld [tilespmem:s26+$0xFFFFFFF0];
	v1 =	vmul.f32 v1, v5;
	[tilespmem:s28+$0x1D880] =	vst v2  }
0x1cd: {  	v2 =	vmul.f32 $1.442695020e+00, v8;
	[tilespmem:s28+$0x1D780] =	vst v3;
	v3 =	vld [tilespmem:s26+$0x0]  }
0x1ce: {  	v5 =	vmul.f32 $1.442695020e+00, v9;
	v8 =	vld [tilespmem:s26+$0x10];
	[tilespmem:s28+$0x1D800] =	vst v1;
	(erf) = vpow2.f32 v6  }
0x1cf: {  	v1 =	vmul.f32 $1.442695020e+00, v7;
	v6 =	vld [tilespmem:s26+$0x20];
	v7 =	vpop (erf);
	(erf) = vpow2.f32 v2  }
0x1d0: {  	v2 =	vmul.f32 $1.442695020e+00, v4;
	v4 =	vld [tilespmem:s26+$0x30];
	v9 =	vpop (erf);
	(erf) = vpow2.f32 v5  }
0x1d1: {  	v5 =	vmul.f32 $1.442695020e+00, v10;
	v10 =	vld [tilespmem:s26+$0x50];
	v11 =	vpop (erf);
	(erf) = vpow2.f32 v1  }
0x1d2: {  	v1 =	vmul.f32 $1.442695020e+00, v3;
	v3 =	vld [tilespmem:s26+$0x60];
	v12 =	vpop (erf);
	(erf) = vpow2.f32 v2  }
0x1d3: {  	v2 =	vmul.f32 $1.442695020e+00, v8;
	v8 =	vld [tilespmem:s26+$0x70];
	(erf) = vpow2.f32 v5  }
0x1d4: {  	v5 =	vmul.f32 $1.442695020e+00, v6;
	v6 =	vld [tilespmem:s26+$0x80];
	(erf) = vpow2.f32 v1  }
0x1d5: {  	v1 =	vmul.f32 $1.442695020e+00, v4;
	v4 =	vld [tilespmem:s26+$0x90];
	(erf) = vpow2.f32 v2  }
0x1d6: {  	v2 =	vmul.f32 $1.442695020e+00, v10;
	v10 =	vld [tilespmem:s26+$0xA0];
	(erf) = vpow2.f32 v5  }
0x1d7: {  	v5 =	vld [tilespmem:s26+$0xFFFFFF40];
	v3 =	vmul.f32 $1.442695020e+00, v3;
	v13 =	vpop (erf);
	(erf) = vpow2.f32 v1  }
0x1d8: {  	v14 =	vld [tilespmem:s25+$0xFFFFFF40];
	v1 =	vmul.f32 $1.442695020e+00, v8;
	v8 =	vpop (erf);
	(erf) = vpow2.f32 v2  }
0x1d9: {  	v15 =	vld [tilespmem:s25+$0xFFFFFF50];
	v2 =	vmul.f32 $1.442695020e+00, v6;
	v16 =	vpop (erf);
	(erf) = vpow2.f32 v3  }
0x1da: {  	v17 =	vld [tilespmem:s25+$0xFFFFFF60];
	v3 =	vmul.f32 $1.442695020e+00, v4;
	v18 =	vpop (erf);
	(erf) = vpow2.f32 v1  }
0x1db: {  	v19 =	vld [tilespmem:s25+$0xFFFFFF70];
	v1 =	vmul.f32 $1.442695020e+00, v10;
	v10 =	vpop (erf);
	(erf) = vpow2.f32 v2  }
0x1dc: {  	v2 =	vmul.f32 $1.442695020e+00, v5;
	v20 =	vld [tilespmem:s25+$0xFFFFFF80];
	v21 =	vpop (erf);
	(erf) = vpow2.f32 v3  }
0x1dd: {  	v22 =	vld [tilespmem:s25+$0xFFFFFF90];
	v23 =	vpop (erf);
	(erf) = vpow2.f32 v1  }
0x1de: {  	v24 =	vld [tilespmem:s25+$0xFFFFFFA0];
	(erf) = vpow2.f32 v2;
	v25 =	vpop (erf)  }
0x1df: {  	v26 =	vld [tilespmem:s25+$0xFFFFFFB0];
	v27 =	vpop (erf)  }
0x1e0: {  	v28 =	vld [tilespmem:s25+$0xFFFFFFD0];
	v29 =	vpop (erf)  }
0x1e1: {  	v30 =	vld [tilespmem:s25+$0xFFFFFFE0];
	v6 =	vpop (erf)  }
0x1e2: {  	v31 =	vld [tilespmem:s25+$0xFFFFFFF0];
	v5 =	vpop (erf)  }
0x1e3: {  	v32 =	vld [tilespmem:s25+$0x0];
	v1 =	vpop (erf)  }
0x1e4: {  	v33 =	vld [tilespmem:s25+$0x10];
	v2 =	vpop (erf)  }
0x1e5: {  	v34 =	vld [tilespmem:s25+$0x20];
	v3 =	vpop (erf)  }
0x1e6: {  	v35 =	vld [tilespmem:s25+$0x30];
	v4 =	vpop (erf)  }
0x1e7: {  	v36 =	vld [tilespmem:s25+$0x50];
	v37 =	vpop (erf)  }
0x1e8: {  	v38 =	vld [tilespmem:s25+$0x60]  }
0x1e9: {  	v39 =	vld [tilespmem:s25+$0x70]  }
0x1ea: {  	v40 =	vld [tilespmem:s25+$0x80]  }
0x1eb: {  	v41 =	vld [tilespmem:s25+$0x90]  }
0x1ec: {  	v42 =	vld [tilespmem:s25+$0xA0]  }
0x1ed: {  	v14 =	vld.idx.msk [tilespmem:v14+s3+$0x0], $0xffff  }
0x1ee: {  	v15 =	vld.idx.msk [tilespmem:v15+s3+$0x0], $0xffff  }
0x1ef: {  	v17 =	vld.idx.msk [tilespmem:v17+s3+$0x0], $0xffff  }
0x1f0: {  	v19 =	vld.idx.msk [tilespmem:v19+s3+$0x0], $0xffff  }
0x1f1: {  	v20 =	vld.idx.msk [tilespmem:v20+s3+$0x0], $0xffff  }
0x1f2: {  	v22 =	vld.idx.msk [tilespmem:v22+s3+$0x0], $0xffff  }
0x1f3: {  	v14 =	vmul.f32 v14, v37;
	v24 =	vld.idx.msk [tilespmem:v24+s3+$0x0], $0xffff  }
0x1f4: {  	v7 =	vmul.f32 v15, v7;
	v15 =	vld.idx.msk [tilespmem:v26+s3+$0x0], $0xffff  }
0x1f5: {  	v9 =	vmul.f32 v17, v9;
	[tilespmem:s26+$0xFFFFFF40] =	vst v14;
	v14 =	vld.idx.msk [tilespmem:v28+s3+$0x0], $0xffff  }
0x1f6: {  	[tilespmem:s26+$0xFFFFFF50] =	vst v7;
	v7 =	vmul.f32 v19, v11;
	v11 =	vld.idx.msk [tilespmem:v30+s3+$0x0], $0xffff  }
0x1f7: {  	[tilespmem:s26+$0xFFFFFF60] =	vst v9;
	v9 =	vmul.f32 v20, v12;
	v12 =	vld.idx.msk [tilespmem:v31+s3+$0x0], $0xffff  }
0x1f8: {  	[tilespmem:s26+$0xFFFFFF70] =	vst v7;
	v7 =	vmul.f32 v22, v13;
	v13 =	vld.idx.msk [tilespmem:v32+s3+$0x0], $0xffff  }
0x1f9: {  	v8 =	vmul.f32 v24, v8;
	[tilespmem:s26+$0xFFFFFF80] =	vst v9;
	v9 =	vld.idx.msk [tilespmem:v33+s3+$0x0], $0xffff  }
0x1fa: {  	[tilespmem:s26+$0xFFFFFF90] =	vst v7;
	v7 =	vmul.f32 v15, v16;
	v15 =	vld.idx.msk [tilespmem:v34+s3+$0x0], $0xffff  }
0x1fb: {  	[tilespmem:s26+$0xFFFFFFA0] =	vst v8;
	v8 =	vmul.f32 v14, v18;
	v16 =	vld.idx.msk [tilespmem:v35+s3+$0x0], $0xffff  }
0x1fc: {  	v10 =	vmul.f32 v11, v10;
	[tilespmem:s26+$0xFFFFFFB0] =	vst v7;
	v11 =	vld.idx.msk [tilespmem:v36+s3+$0x0], $0xffff  }
.Ltmp9:
0x1fd: {  	v12 =	vmul.f32 v12, v21;
	[tilespmem:s26+$0xFFFFFFD0] =	vst v8;
	v7 =	vld.idx.msk [tilespmem:v38+s3+$0x0], $0xffff;
	(pc) =	sbr.rel @p1 .LBB2_17-.Ltmp9, $4  }
0x1fe: {  	[tilespmem:s26+$0xFFFFFFE0] =	vst v10;
	v10 =	vmul.f32 v13, v23;
	v8 =	vld.idx.msk [tilespmem:v39+s3+$0x0], $0xffff  }
0x1ff: {  	[tilespmem:s26+$0xFFFFFFF0] =	vst v12;
	v12 =	vmul.f32 v9, v25;
	v9 =	vld.idx.msk [tilespmem:v40+s3+$0x0], $0xffff  }
0x200: {  	v14 =	vmul.f32 v15, v27;
	[tilespmem:s26+$0x0] =	vst v10;
	v10 =	vld.idx.msk [tilespmem:v41+s3+$0x0], $0xffff  }
0x201: {  	s25 =	sadd.s32 $0x190, s25;
	v13 =	vmul.f32 v16, v29;
	[tilespmem:s26+$0x10] =	vst v12;
	v12 =	vld.idx.msk [tilespmem:v42+s3+$0x0], $0xffff  }
0x202: {  	[tilespmem:s21+$0x20] =	vst v14;
	v6 =	vmul.f32 v11, v6  }
0x203: {  	v5 =	vmul.f32 v7, v5;
	[tilespmem:s21+$0x30] =	vst v13  }
0x204: {  	v1 =	vmul.f32 v8, v1;
	[tilespmem:s21+$0x50] =	vst v6  }
0x205: {  	[tilespmem:s21+$0x60] =	vst v5;
	v2 =	vmul.f32 v9, v2  }
0x206: {  	[tilespmem:s21+$0x70] =	vst v1;
	v1 =	vmul.f32 v10, v3  }
0x207: {  	[tilespmem:s21+$0x80] =	vst v2;
	v2 =	vmul.f32 v12, v4  }
0x208: {  	p1 =	seq.s32 s20, $0x18;
	[tilespmem:s21+$0x90] =	vst v1  }
.Ltmp10:
0x209: {  	[tilespmem:s21+$0xA0] =	vst v2;
	(pc) =	sbr.rel @p1 .LBB2_20-.Ltmp10, $4  }
0x20a: {  	[spmem:s2] =	stream.indirect.scatter.add.f32 [tilespmem:s30], [sflag:$0x4], $0x1, s9, s10, $0xb8;
	[tilespmem:$0x1FF80] =	vst v63  }
0x20b: {  	_ =	swait.ge [sflag:s12], $0xFA0  }
0x20c: {  	[sflag:s12] =	ssyncset.done $0x0  }
0x20d: {  	[sflag:s12] =	ssyncadd.s32 $0xFFFFF060  }
0x20e: {  	s21 =	smul.u32 $0x1F40, s20;
	_ =	sdelay $0x1  }
0x20f: {  	s21 =	sadd.s32 s21, s24  }
0x210: {  	s21 =	sshrl.u32 s21, $0x3  }
0x211: {  	s22 =	sadd.s32 s5, s21  }
0x212: {  	[tilespmem:s6], [sflag:$0x1] =	stream.linear.gather [hbm4b:s22+s3], $0xFA0, $0x38;
	[tilespmem:$0x1FF80] =	vst v63  }
.Ltmp11:
0x213: {  	_ = 	snop;
	(pc) =	sbr.rel .LBB2_14-.Ltmp11, $4  }
0x214: {  	s22 =	sadd.s32 $0xC3500, s22  }
0x215: {  	[tilespmem:s7], [sflag:$0x1] =	stream.linear.gather [hbm4b:s22+s3], $0xFA0, $0x38;
	[tilespmem:$0x1FF80] =	vst v63  }
0x216: {  	s20 =	sadd.s32 $0x1, s20;
	s21 =	sadd.s32 s1, s21  }
0x217: {  	[tilespmem:s29], [sflag:$0x1] =	stream.linear.gather [hbm4b:s21+s3], $0xFA0, $0x38;
	[tilespmem:$0x1FF80] =	vst v63  }
.LBB2_21:
0x218: {  	_ =	sfence.sel $0x180000  }
0x219: {  	[bflag:$0x0] =	sbarrier.arrive $0xFFFF  }
0x21a: {  	_ =	strace $0x9000004D  }
0x21b: {  	s0 =	stileid.u32;
	[bflag:$0x2] =	sbarrier.arrive $0xFFFF  }
0x21c: {  	p0 =	sne.s32 s0, $0x0;
	s0 =	rddreg [dreg:$0x3]  }
0x21d: {  	s0 =	sadd.s32 @!p0 $0x100000, s0  }
0x21e: {  	[sflag:s0] =	ssyncadd.tile.s32 @!p0 $0x1;
	_ =	shalt  }
.Lfunc_end2:
_tile_overlayer_lowered:
.L_overlay_start_2:
0x21f: {  	(tag) =	ssettag $0x2  }
0x220: {  	s0 =	rddreg [dreg:$0x0];
	s2 =	stileid.u32  }
0x221: {  	s1 =	rddreg [dreg:$0x1];
	p0 =	sne.s32 s2, $0x0  }
0x222: {  	s3 =	rddreg [dreg:$0x2];
	[bflag:$0x3] =	sbarrier.arrive $0xFFFF;
	s2 =	simm.s32 @!p0 $0x1C05  }
0x223: {  	[timem:s3], [sflag:s2] =	dma.local @!p0 [hbm:s0], s1  }
0x224: {  	s0 =	simm.s32 @!p0 $0x5  }
0x225: {  	_ =	swait.ge @!p0 [sflag:s0], s1  }
0x226: {  	s1 =	ssub.s32 @!p0 $0x0, s1;
	[sflag:s0] =	ssyncset.done @!p0 $0x0  }
0x227: {  	[sflag:s0] =	ssyncadd.s32 @!p0 s1  }
0x228: {  	[bflag:$0x3] =	sbarrier.arrive $0xFFFF  }
0x229: {  	_ =	shalt  }

// kernel: kernel.13.cloned.1.call-start
scs
__scs_entry_jumppad:
0x0: {  	(pc) =	sbr.rel $0x88, $3  }
0x1: {  	(tag) =	ssettag $0x0;
	lr =	simm.s32 $0x1  }
0x2: {  	[smem:$0x3F95] =	sst lr;
	_ =	strace $0xD0000000  }
0x3: {  	_ = 	snop  }
0x4: {  	_ = 	snop  }
0x5: {  	_ = 	snop  }
0x6: {  	_ = 	snop  }
0x7: {  	_ = 	snop  }
__scs_overlays_trampoline_lowered:
0x8: {  	[smem:$0x3FA4] =	sst s0  }
0x9: {  	[smem:$0x3FA5] =	sst s1  }
0xa: {  	[smem:$0x3FA6] =	sst s2  }
0xb: {  	[smem:$0x3FA7] =	sst s3  }
0xc: {  	[smem:$0x3FA8] =	sst s4  }
0xd: {  	[smem:$0x3FA9] =	sst s5  }
0xe: {  	[smem:$0x3FAA] =	sst s6  }
0xf: {  	[smem:$0x3FAB] =	sst s7  }
0x10: {  	[smem:$0x3FAC] =	sst s8  }
0x11: {  	[smem:$0x3FAD] =	sst s9;
	s0 =	simm.s32 @!p0 $0x0  }
0x12: {  	s1 =	sld [smem:$0x3F93];
	s0 =	simm.s32 @p0 $0x1  }
0x13: {  	[smem:$0x3FAE] =	sst s0;
	s0 =	simm.s32 @!p1 $0x0  }
0x14: {  	s2 =	sld [smem:$0x3F92];
	s0 =	simm.s32 @p1 $0x1  }
0x15: {  	[smem:$0x3FAF] =	sst s0;
	s0 =	simm.s32 @!p2 $0x0  }
0x16: {  	s3 =	sld [smem:$0x3FDB];
	s0 =	simm.s32 @p2 $0x1  }
0x17: {  	s4 =	simm.s32 $0x1BF5;
	[smem:$0x3FB1] =	sst s0  }
0x18: {  	s0 =	sld [smem:$0x3F94];
	_ =	swait.ge [sflag:s4], $0x0  }
0x19: {  	s7 =	sld [smem:$0x3F95]  }
0x1a: {  	s8 =	sadd.s32 $0xFFFFE003, lr  }
0x1b: {  	s9 =	sadd.s32 $0xFFFFFEF7, lr;
	s5 =	simm.s32 $0xFFFFFFFF;
	p2 =	slt.u32 s8, $0xFFFFF086  }
0x1c: {  	p1 =	slt.u32 s9, $0xF7A;
	s5 =	simm.s32 @!p2 $0x0  }
0x1d: {  	s5 =	simm.s32 @p1 $0x1;
	p0 =	seq.s32 s7, s2  }
0x1e: {  	s7 =	smul.u32 @!p0 $0xF7A, s2;
	p2 =	seq.s32 @!p0 s5, $0x0  }
0x1f: {  	s9 =	smul.u32 $0xF7A, s1;
	s8 =	simm.s32 @!p0 $0x1BF5;
	p2 =	por !p2, p0  }
0x20: {  	[sflag:s8] =	ssyncset.s32 @!p0 $0xFFFFF086;
	s6 =	sadd.s32 @!p0 s3, s7;
	s7 =	simm.s32 @!p0 $0x108  }
0x21: {  	s3 =	sadd.s32 s3, s9;
	s6 =	sadd.s32 @!p0 $0x88, s6;
	s7 =	simm.s32 @p2 $0x1082  }
0x22: {  	[simem:s7], [sflag:s8] =	dma.local @!p0 [hbm:s6], $0xF7A  }
0x23: {  	s9 =	sor.u32 $0xD0000000, s2;
	s6 =	simm.s32 $0x108;
	_ =	swait.ge @!p0 [sflag:s8], $0x0  }
0x24: {  	s3 =	sadd.s32 $0x88, s3;
	s6 =	simm.s32 @!p1 $0x1082;
	[sflag:s4] =	ssyncset.s32 $0xFFFFF086  }
0x25: {  	[simem:s6], [sflag:s4] =	dma.local [hbm:s3], $0xF7A  }
0x26: {  	[smem:$0x3F95] =	sst s1;
	(tag) =	ssettag s2;
	_ =	strace s9  }
0x27: {  	s1 =	sld [smem:$0x3FA5]  }
0x28: {  	s2 =	sld [smem:$0x3FA6]  }
0x29: {  	s4 =	sld [smem:$0x3FA8]  }
0x2a: {  	p0 =	seq.s32 s5, $0x0;
	s5 =	sld [smem:$0x3FA9]  }
0x2b: {  	s6 =	sld [smem:$0x3FAA]  }
0x2c: {  	s7 =	sld [smem:$0x3FAB]  }
0x2d: {  	s3 =	simm.s32 $0x108;
	s8 =	sld [smem:$0x3FAC]  }
0x2e: {  	s3 =	simm.s32 @!p0 $0x1082;
	s9 =	sld [smem:$0x3FAD]  }
0x2f: {  	lr =	sadd.s32 s0, s3;
	s0 =	sld [smem:$0x3FA4]  }
0x30: {  	s3 =	sld [smem:$0x3FA7]  }
0x31: {  	[smem:$0x3FB0] =	sst s10  }
0x32: {  	s10 =	sld [smem:$0x3FAE];
	_ =	sdelay $0x3  }
0x33: {  	p0 =	seq.s32 s10, $0x1;
	s10 =	sld [smem:$0x3FB0];
	_ =	sdelay $0x3  }
0x34: {  	[smem:$0x3FB0] =	sst s10  }
0x35: {  	s10 =	sld [smem:$0x3FAF];
	_ =	sdelay $0x3  }
0x36: {  	p1 =	seq.s32 s10, $0x1;
	s10 =	sld [smem:$0x3FB0];
	_ =	sdelay $0x3  }
0x37: {  	[smem:$0x3FB0] =	sst s10  }
0x38: {  	s10 =	sld [smem:$0x3FB1]  }
0x39: {  	_ = 	snop;
	(pc) =	sbr.ind lr, $3  }
0x3a: {  	_ = 	snop  }
0x3b: {  	_ = 	snop  }
0x3c: {  	p2 =	seq.s32 s10, $0x1;
	s10 =	sld [smem:$0x3FB0]  }
0x3d: {  	_ =	shalt  }
0x3e: {  	_ =	shalt  }
0x3f: {  	_ =	shalt  }
0x40: {  	_ =	shalt  }
0x41: {  	_ =	shalt  }
0x42: {  	_ =	shalt  }
0x43: {  	_ =	shalt  }
0x44: {  	_ =	shalt  }
0x45: {  	_ =	shalt  }
0x46: {  	_ =	shalt  }
0x47: {  	_ =	shalt  }
0x48: {  	_ =	shalt  }
0x49: {  	_ =	shalt  }
0x4a: {  	_ =	shalt  }
0x4b: {  	_ =	shalt  }
0x4c: {  	_ =	shalt  }
0x4d: {  	_ =	shalt  }
0x4e: {  	_ =	shalt  }
0x4f: {  	_ =	shalt  }
0x50: {  	_ =	shalt  }
0x51: {  	_ =	shalt  }
0x52: {  	_ =	shalt  }
0x53: {  	_ =	shalt  }
0x54: {  	_ =	shalt  }
0x55: {  	_ =	shalt  }
0x56: {  	_ =	shalt  }
0x57: {  	_ =	shalt  }
0x58: {  	_ =	shalt  }
0x59: {  	_ =	shalt  }
0x5a: {  	_ =	shalt  }
0x5b: {  	_ =	shalt  }
0x5c: {  	_ =	shalt  }
0x5d: {  	_ =	shalt  }
0x5e: {  	_ =	shalt  }
0x5f: {  	_ =	shalt  }
0x60: {  	_ =	shalt  }
0x61: {  	_ =	shalt  }
0x62: {  	_ =	shalt  }
0x63: {  	_ =	shalt  }
0x64: {  	_ =	shalt  }
0x65: {  	_ =	shalt  }
0x66: {  	_ =	shalt  }
0x67: {  	_ =	shalt  }
0x68: {  	_ =	shalt  }
0x69: {  	_ =	shalt  }
0x6a: {  	_ =	shalt  }
0x6b: {  	_ =	shalt  }
0x6c: {  	_ =	shalt  }
0x6d: {  	_ =	shalt  }
0x6e: {  	_ =	shalt  }
0x6f: {  	_ =	shalt  }
0x70: {  	_ =	shalt  }
0x71: {  	_ =	shalt  }
0x72: {  	_ =	shalt  }
0x73: {  	_ =	shalt  }
0x74: {  	_ =	shalt  }
0x75: {  	_ =	shalt  }
0x76: {  	_ =	shalt  }
0x77: {  	_ =	shalt  }
0x78: {  	_ =	shalt  }
0x79: {  	_ =	shalt  }
0x7a: {  	_ =	shalt  }
0x7b: {  	_ =	shalt  }
0x7c: {  	_ =	shalt  }
0x7d: {  	_ =	shalt  }
0x7e: {  	_ =	shalt  }
0x7f: {  	_ =	shalt  }
0x80: {  	_ =	shalt  }
0x81: {  	_ =	shalt  }
0x82: {  	_ =	shalt  }
0x83: {  	_ =	shalt  }
0x84: {  	_ =	shalt  }
0x85: {  	_ =	shalt  }
0x86: {  	_ =	shalt  }
0x87: {  	_ =	shalt  }
.Lfunc_end0:
.L_simem_size_0:
called_computation.3_lowered:
.L_overlay_start_0:
0x88: {  	s2 =	sld [smem:$0x3FD9]  }
0x89: {  	s3 =	sld [smem:$0x3FFE];
	_ =	sdelay $0x1  }
0x8a: {  	s1 =	srdreg.scid  }
0x8b: {  	s0 =	sand.u32 $0x1, s1  }
0x8c: {  	s17 =	sshll.u32 s0, $0xA;
	s2 =	sadd.s32 s3, s2  }
0x8d: {  	s2 =	sadd.s32 s2, s17  }
0x8e: {  	[smem:$0x3FBC] =	sst s2  }
0x8f: {  	_ = 	snop  }
0x90: {  	s2 =	sld [smem:$0x3FC7];
	(tm) =	ssettm $0x1  }
0x91: {  	s18 =	sld [smem:$0x3FFB];
	_ =	sdelay $0x3  }
0x92: {  	_ =	strace s18  }
0x93: {  	s3 =	sld [smem:$0x3FFC];
	_ =	sdelay $0x3  }
0x94: {  	_ =	strace s3  }
0x95: {  	s3 =	sld [smem:$0x3FFD];
	_ =	sdelay $0x3  }
0x96: {  	_ =	strace s3  }
0x97: {  	_ =	strace $0x8FFFFFFF  }
0x98: {  	s19 =	sld [smem:$0x3FDB];
	_ =	sdelay $0x1  }
0x99: {  	s4 =	simm.s32 $_scs_section_size  }
0x9a: {  	s5 =	simm.s32 $_size__tile_overlayer_lowered;
	s6 =	simm.s32 $_tile_overlayer_lowered  }
0x9b: {  	s22 =	simm.s32 $0x1BFF;
	s21 =	sshll.u32 s6, $0x1;
	s3 =	sadd.s32 s4, s19  }
0x9c: {  	s7 =	simm.s32 $0x0;
	s20 =	sshll.u32 s5, $0x1;
	s5 =	sadd.s32 s21, s3  }
0x9d: {  	[timem:s7], [sflag:s22] =	dma.local [hbm:s5], s20  }
0x9e: {  	_ =	swait.ge [sflag:s22], s20  }
0x9f: {  	s4 =	ssub.s32 $0x0, s20;
	[sflag:s22] =	ssyncset.done $0x0  }
0xa0: {  	[sflag:s22] =	ssyncadd.s32 s4;
	_ =	sdelay $0x1  }
0xa1: {  	s23 =	simm.s32 $0x1B8B  }
0xa2: {  	_ =	swait.ge [sflag:s23], $0x1  }
0xa3: {  	[sflag:s23] =	ssyncset.done $0x0  }
0xa4: {  	s25 =	simm.s32 $0x1B8E;
	s24 =	sld [smem:$0x3FFE];
	[sflag:s23] =	ssyncadd.s32 $0xFFFFFFFF  }
0xa5: {  	s26 =	simm.s32 $execute0_lowered;
	[smem:$0x3FD2] =	sst s25  }
0xa6: {  	s5 =	sshll.u32 s26, $0x1;
	_ =	strace $0x8000004F;
	[dreg:$0x1] =	wrdreg $0xFFFFFFFF  }
0xa7: {  	s28 =	simm.s32 $_size_execute0_lowered;
	s3 =	sadd.s32 s3, s5;
	[dreg:$0x0] =	wrdreg $0x0  }
0xa8: {  	s5 =	sshll.u32 s28, $0x1;
	[dreg:$0x2] =	wrdreg s3  }
0xa9: {  	[dreg:$0x3] =	wrdreg s5  }
0xaa: {  	[dreg:$0x4] =	wrdreg $0xC0  }
0xab: {  	_ =	task [dreg:s7], $0x5FFFF  }
0xac: {  	[dreg:$0x1] =	wrdreg $0xFFFFFFFF  }
0xad: {  	[dreg:$0x0] =	wrdreg $0x60  }
0xae: {  	[dreg:$0x2] =	wrdreg s24  }
0xaf: {  	[dreg:$0x3] =	wrdreg s2  }
0xb0: {  	[dreg:$0x4] =	wrdreg $0x1E7000  }
0xb1: {  	[dreg:$0x5] =	wrdreg $0x9  }
0xb2: {  	_ =	task.clear_ibuf [dreg:s7], $0x6FFFF;
	_ =	strace $0x9000004F  }
0xb3: {  	s29 =	simm.s32 $0x9;
	_ =	strace $0x80000051  }
0xb4: {  	_ =	swait.ge [sflag:s29], $0x1  }
0xb5: {  	[sflag:s29] =	ssyncadd.s32 $0xFFFFFFFF  }
0xb6: {  	_ =	strace $0x90000051  }
0xb7: {  	_ =	sfence  }
0xb8: {  	s30 =	sld [smem:$0x0];
	_ =	sdelay $0x2  }
0xb9: {  	s31 =	sshll.u32 s1, $0xD;
	s1 =	sshrl.u32 s1, $0x2  }
0xba: {  	s3 =	sand.u32 $0x4000, s31;
	s1 =	sadd.s32 s1, s30  }
0xbb: {  	s0 =	sor.u32 s3, s0;
	s1 =	sshll.u32 s1, $0x11  }
0xbc: {  	s0 =	sor.u32 s1, s0  }
0xbd: {  	s0 =	sadd.s32 $0x8F2B, s0  }
0xbe: {  	[sflag:s0] =	ssyncadd.remote.s32 $0x1  }
0xbf: {  	_ =	sfence.sel $0xFFFF  }
0xc0: {  	[dreg:$0x0] =	wrdreg $0xFFFFFFFF;
	(pc) =	sbr.abs _section_cstart, $3  }
0xc1: {  	[dreg:$0x1] =	wrdreg $0xFFFFFFFF  }
0xc2: {  	_ =	task.clear_ibuf [dreg:s7], $0x2FFFF;
	_ =	strace $0x9FFFFFFF  }
0xc3: {  	(tm) =	ssettm $0x7FFFFFFF  }
tec
execute0_lowered:
.L_overlay_start_1:
0x0: {  	(tag) =	ssettag $0x1  }
0x1: {  	s0 =	rddreg [dreg:$0x0]  }
0x2: {  	s1 =	rddreg [dreg:$0x1]  }
0x3: {  	s2 =	rddreg [dreg:$0x2];
	s3 =	simm.s32 $0x0  }
0x4: {  	s4 =	srdreg.scid;
	s12 =	stileid.u32;
	s29 =	simm.s32 $0x1A700  }
0x5: {  	s30 =	simm.s32 $0x1D700;
	s31 =	simm.s32 $0x1;
	[smem:$0x7FF] =	sst s3  }
0x6: {  	s6 =	sadd.s32 $0x189E00, s0;
	s4 =	sand.u32 $0x1, s4;
	s7 =	sadd.s32 $0x193400, s0  }
0x7: {  	s9 =	smul.u32 $0x1880, s12;
	s5 =	sadd.s32 $0x3400, s0;
	_ =	strace $0x80000050  }
0x8: {  	s8 =	ssub.s32 $0x2, s4;
	s11 =	sshll.u32 s4, $0x4;
	p0 =	seq.s32 s4, $0x0  }
0x9: {  	s4 =	simm.s32 $0x18D000;
	s10 =	sshrl.u32 s8, $0x1;
	s24 =	sor.u32 s12, s11  }
0xa: {  	s25 =	sshrl.u32 s9, $0x3;
	s28 =	sadd.s32 $0x620, s9;
	s17 =	sadd.s32 $0xC40, s9  }
0xb: {  	s4 =	simm.s32 @!p0 $0x190200;
	s12 =	simm.s32 $0x3;
	s10 =	ssub.s32 s8, s10  }
0xc: {  	s13 =	smul.u32 $0x30D40, s24;
	s26 =	sadd.s32 s6, s25;
	s16 =	sadd.s32 s7, s25  }
0xd: {  	s8 =	sadd.s32 s9, s2;
	s14 =	sshrl.u32 s28, $0x3;
	s11 =	sadd.s32 s28, s2  }
0xe: {  	s18 =	sshrl.u32 s17, $0x3;
	s9 =	sadd.s32 $0x1260, s9;
	[dreg:$0x4] =	wrdreg s26  }
0xf: {  	s0 =	sadd.s32 s4, s0;
	s4 =	simm.s32 $0x5;
	[dreg:$0x5] =	wrdreg s16  }
0x10: {  	s15 =	sadd.s32 s6, s14;
	s14 =	sadd.s32 s7, s14;
	s16 =	sadd.s32 s6, s18  }
0x11: {  	s19 =	sshrl.u32 s9, $0x3;
	s0 =	sadd.s32 s0, s25;
	[dreg:$0x6] =	wrdreg s15  }
0x12: {  	s25 =	smax.u32 s10, $0x1;
	s10 =	simm.s32 $0xFA0;
	[dreg:$0x7] =	wrdreg s14  }
0x13: {  	[dreg:$0x8] =	wrdreg s16;
	s15 =	sadd.s32 s7, s18;
	s14 =	sadd.s32 s17, s2  }
0x14: {  	s6 =	sadd.s32 s6, s19;
	s20 =	sadd.s32 s7, s19;
	[dreg:$0xd] =	wrdreg s0  }
0x15: {  	s17 =	sadd.s32 s9, s2;
	s21 =	sshrl.u32 s13, $0x3;
	[dreg:$0x10] =	wrdreg s25  }
0x16: {  	s18 =	sadd.s32 $0xFA0, s13;
	s0 =	simm.s32 $0x2;
	[dreg:$0x9] =	wrdreg s15  }
0x17: {  	s7 =	simm.s32 $0x19700;
	s9 =	simm.s32 $0x1C700;
	[dreg:$0xa] =	wrdreg s6  }
0x18: {  	[dreg:$0xb] =	wrdreg s20;
	s22 =	sshrl.u32 s18, $0x3;
	s6 =	sadd.s32 s1, s21  }
.Ltmp0:
0x19: {  	[dreg:$0xc] =	wrdreg s6;
	s23 =	sadd.s32 s5, s22;
	(pc) =	sbr.rel .LBB2_1-.Ltmp0, $4  }
0x1a: {  	s19 =	sadd.s32 s5, s21;
	s24 =	sadd.s32 s1, s22;
	[dreg:$0xe] =	wrdreg s23  }
0x1b: {  	s15 =	simm.s32 $0x0;
	s26 =	sadd.s32 $0xC3500, s19;
	[dreg:$0xf] =	wrdreg s24  }
0x1c: {  	s28 =	sadd.s32 $0xC36F4, s19;
	s6 =	simm.s32 $0x18700;
	[dreg:$0x11] =	wrdreg s26  }
0x1d: {  	v0 =	vimm.f32 $0.0e+00;
	s24 =	sadd.s32 $0x1F40, s13;
	[dreg:$0x12] =	wrdreg s28;
	s13 =	simm.s32 $0x4  }
.LBB2_20:
0x1e: {  	_ =	swait.ge [sflag:s13], $0xFA0  }
0x1f: {  	[sflag:s13] =	ssyncset.done $0x0  }
0x20: {  	s16 =	stileid.u32;
	[sflag:s13] =	ssyncadd.s32 $0xFFFFF060  }
0x21: {  	s16 =	sshll.u32 s16, $0x6;
	[bflag:$0x0] =	sbarrier.arrive $0xFFFF  }
0x22: {  	s20 =	sshrl.u32 s8, $0x3;
	s16 =	sor.u32 $0x1C05, s16;
	s21 =	rddreg [dreg:$0xd]  }
0x23: {  	[hbm:s21], [sflag:s16] =	dma.local [spmem:s20], $0x310  }
0x24: {  	_ =	swait.ge [sflag:s4], $0x310  }
0x25: {  	s15 =	sadd.s32 $0x1, s15;
	s28 =	rddreg [dreg:$0x10]  }
0x26: {  	p1 =	sne.s32 s15, s28  }
.Ltmp1:
0x27: {  	_ = 	snop;
	(pc) =	sbr.rel @!p1 .LBB2_21-.Ltmp1, $3  }
0x28: {  	_ =	sdelay $0x1  }
0x29: {  	[sflag:s4] =	ssyncset.done $0x0  }
0x2a: {  	[sflag:s4] =	ssyncadd.s32 $0xFFFFFCF0  }
.LBB2_1:
0x2b: {  	s16 =	rddreg [dreg:$0x4]  }
0x2c: {  	[tilespmem:s29], [sflag:$0x1] =	stream.linear.gather [hbm4b:s16+s3], $0x620, $0x38;
	[tilespmem:$0x1FF80] =	vst v63  }
0x2d: {  	s28 =	rddreg [dreg:$0x5]  }
0x2e: {  	[tilespmem:s30], [sflag:$0x2] =	stream.linear.gather [hbm4b:s28+s3], $0x620, $0x38;
	[tilespmem:$0x1FF80] =	vst v63  }
0x2f: {  	_ =	swait.ge [sflag:s31], $0x620  }
0x30: {  	[sflag:s31] =	ssyncset.done $0x0  }
0x31: {  	[sflag:s31] =	ssyncadd.s32 $0xFFFFF9E0  }
0x32: {  	_ =	swait.ge [sflag:s0], $0x620  }
0x33: {  	[sflag:s0] =	ssyncset.done $0x0  }
0x34: {  	s16 =	simm.s32 $0x0;
	[sflag:s0] =	ssyncadd.s32 $0xFFFFF9E0  }
0x35: {  	s20 =	simm.s32 $0x40;
	v1 =	vld [tilespmem:s16+$0x1D700]  }
.LBB2_2:
0x36: {  	p1 =	sne.s32 s20, $0x1840;
	v2 =	vld [tilespmem:s16+$0x1A700];
	_ =	sdelay $0x2  }
.Ltmp2:
0x37: {  	(pc) =	sbr.rel @p1 .LBB2_2-.Ltmp2, $4  }
0x38: {  	_ = 	snop  }
0x39: {  	v2 =	vadd.f32 v1, v2  }
0x3a: {  	s21 =	sshra.s32 s20, $0x2  }
0x3b: {  	s20 =	sadd.s32 $0x40, s20;
	v1 =	vld [tilespmem:s21+$0x1D700];
	[tilespmem:s16+$0x1A700] =	vst v2;
	s16 =	smov.u32 s21  }
0x3c: {  	v2 =	vld [tilespmem:s16+$0x1A700];
	_ =	sdelay $0x4  }
0x3d: {  	v1 =	vadd.f32 v1, v2;
	_ =	sdelay $0x1  }
0x3e: {  	[tilespmem:s16+$0x1A700] =	vst v1  }
0x3f: {  	[spmem:s8] =	stream.linear.scatter [tilespmem:s29], [sflag:$0x5], $0x620, $0x38;
	[tilespmem:$0x1FF80] =	vst v63  }
0x40: {  	_ =	swait.ge [sflag:s4], $0x620  }
0x41: {  	[sflag:s4] =	ssyncset.done $0x0  }
0x42: {  	s26 =	simm.s32 $0x0;
	s20 =	rddreg [dreg:$0x6];
	[sflag:s4] =	ssyncadd.s32 $0xFFFFF9E0  }
0x43: {  	[tilespmem:s29], [sflag:$0x1] =	stream.linear.gather [hbm4b:s20+s26], $0x620, $0x38;
	[tilespmem:$0x1FF80] =	vst v63  }
0x44: {  	s28 =	rddreg [dreg:$0x7]  }
0x45: {  	[tilespmem:s30], [sflag:$0x2] =	stream.linear.gather [hbm4b:s28+s26], $0x620, $0x38;
	[tilespmem:$0x1FF80] =	vst v63  }
0x46: {  	_ =	swait.ge [sflag:s31], $0x620  }
0x47: {  	[sflag:s31] =	ssyncset.done $0x0  }
0x48: {  	[sflag:s31] =	ssyncadd.s32 $0xFFFFF9E0  }
0x49: {  	_ =	swait.ge [sflag:s0], $0x620  }
0x4a: {  	[sflag:s0] =	ssyncset.done $0x0  }
0x4b: {  	s16 =	simm.s32 $0x0;
	[sflag:s0] =	ssyncadd.s32 $0xFFFFF9E0  }
0x4c: {  	s20 =	simm.s32 $0x40;
	v1 =	vld [tilespmem:s16+$0x1D700]  }
.LBB2_4:
0x4d: {  	p1 =	sne.s32 s20, $0x1840;
	v2 =	vld [tilespmem:s16+$0x1A700];
	_ =	sdelay $0x2  }
.Ltmp3:
0x4e: {  	(pc) =	sbr.rel @p1 .LBB2_4-.Ltmp3, $4  }
0x4f: {  	_ = 	snop  }
0x50: {  	v2 =	vadd.f32 v1, v2  }
0x51: {  	s21 =	sshra.s32 s20, $0x2  }
0x52: {  	s20 =	sadd.s32 $0x40, s20;
	v1 =	vld [tilespmem:s21+$0x1D700];
	[tilespmem:s16+$0x1A700] =	vst v2;
	s16 =	smov.u32 s21  }
0x53: {  	v2 =	vld [tilespmem:s16+$0x1A700];
	_ =	sdelay $0x4  }
0x54: {  	v1 =	vadd.f32 v1, v2;
	_ =	sdelay $0x1  }
0x55: {  	[tilespmem:s16+$0x1A700] =	vst v1  }
0x56: {  	[spmem:s11] =	stream.linear.scatter [tilespmem:s29], [sflag:$0x5], $0x620, $0x38;
	[tilespmem:$0x1FF80] =	vst v63  }
0x57: {  	_ =	swait.ge [sflag:s4], $0x620  }
0x58: {  	[sflag:s4] =	ssyncset.done $0x0  }
0x59: {  	s26 =	simm.s32 $0x0;
	s20 =	rddreg [dreg:$0x8];
	[sflag:s4] =	ssyncadd.s32 $0xFFFFF9E0  }
0x5a: {  	[tilespmem:s29], [sflag:$0x1] =	stream.linear.gather [hbm4b:s20+s26], $0x620, $0x38;
	[tilespmem:$0x1FF80] =	vst v63  }
0x5b: {  	s28 =	rddreg [dreg:$0x9]  }
0x5c: {  	[tilespmem:s30], [sflag:$0x2] =	stream.linear.gather [hbm4b:s28+s26], $0x620, $0x38;
	[tilespmem:$0x1FF80] =	vst v63  }
0x5d: {  	_ =	swait.ge [sflag:s31], $0x620  }
0x5e: {  	[sflag:s31] =	ssyncset.done $0x0  }
0x5f: {  	[sflag:s31] =	ssyncadd.s32 $0xFFFFF9E0  }
0x60: {  	_ =	swait.ge [sflag:s0], $0x620  }
0x61: {  	[sflag:s0] =	ssyncset.done $0x0  }
0x62: {  	s16 =	simm.s32 $0x0;
	[sflag:s0] =	ssyncadd.s32 $0xFFFFF9E0  }
0x63: {  	s20 =	simm.s32 $0x40;
	v1 =	vld [tilespmem:s16+$0x1D700]  }
.LBB2_6:
0x64: {  	p1 =	sne.s32 s20, $0x1840;
	v2 =	vld [tilespmem:s16+$0x1A700];
	_ =	sdelay $0x2  }
.Ltmp4:
0x65: {  	(pc) =	sbr.rel @p1 .LBB2_6-.Ltmp4, $4  }
0x66: {  	_ = 	snop  }
0x67: {  	v2 =	vadd.f32 v1, v2  }
0x68: {  	s21 =	sshra.s32 s20, $0x2  }
0x69: {  	s20 =	sadd.s32 $0x40, s20;
	v1 =	vld [tilespmem:s21+$0x1D700];
	[tilespmem:s16+$0x1A700] =	vst v2;
	s16 =	smov.u32 s21  }
0x6a: {  	v2 =	vld [tilespmem:s16+$0x1A700];
	_ =	sdelay $0x4  }
0x6b: {  	v1 =	vadd.f32 v1, v2;
	_ =	sdelay $0x1  }
0x6c: {  	[tilespmem:s16+$0x1A700] =	vst v1  }
0x6d: {  	[spmem:s14] =	stream.linear.scatter [tilespmem:s29], [sflag:$0x5], $0x620, $0x38;
	[tilespmem:$0x1FF80] =	vst v63  }
0x6e: {  	_ =	swait.ge [sflag:s4], $0x620  }
0x6f: {  	[sflag:s4] =	ssyncset.done $0x0  }
0x70: {  	s26 =	simm.s32 $0x0;
	s20 =	rddreg [dreg:$0xa];
	[sflag:s4] =	ssyncadd.s32 $0xFFFFF9E0  }
0x71: {  	[tilespmem:s29], [sflag:$0x1] =	stream.linear.gather [hbm4b:s20+s26], $0x620, $0x38;
	[tilespmem:$0x1FF80] =	vst v63  }
0x72: {  	s28 =	rddreg [dreg:$0xb]  }
0x73: {  	[tilespmem:s30], [sflag:$0x2] =	stream.linear.gather [hbm4b:s28+s26], $0x620, $0x38;
	[tilespmem:$0x1FF80] =	vst v63  }
0x74: {  	_ =	swait.ge [sflag:s31], $0x620  }
0x75: {  	[sflag:s31] =	ssyncset.done $0x0  }
0x76: {  	[sflag:s31] =	ssyncadd.s32 $0xFFFFF9E0  }
0x77: {  	_ =	swait.ge [sflag:s0], $0x620  }
0x78: {  	[sflag:s0] =	ssyncset.done $0x0  }
0x79: {  	s16 =	simm.s32 $0x0;
	[sflag:s0] =	ssyncadd.s32 $0xFFFFF9E0  }
0x7a: {  	s20 =	simm.s32 $0x40;
	v1 =	vld [tilespmem:s16+$0x1D700]  }
.LBB2_8:
0x7b: {  	p1 =	sne.s32 s20, $0x1840;
	v2 =	vld [tilespmem:s16+$0x1A700];
	_ =	sdelay $0x2  }
.Ltmp5:
0x7c: {  	(pc) =	sbr.rel @p1 .LBB2_8-.Ltmp5, $4  }
0x7d: {  	_ = 	snop  }
0x7e: {  	v2 =	vadd.f32 v1, v2  }
0x7f: {  	s21 =	sshra.s32 s20, $0x2  }
0x80: {  	s20 =	sadd.s32 $0x40, s20;
	v1 =	vld [tilespmem:s21+$0x1D700];
	[tilespmem:s16+$0x1A700] =	vst v2;
	s16 =	smov.u32 s21  }
0x81: {  	v2 =	vld [tilespmem:s16+$0x1A700];
	_ =	sdelay $0x4  }
0x82: {  	v1 =	vadd.f32 v1, v2;
	_ =	sdelay $0x1  }
0x83: {  	[tilespmem:s16+$0x1A700] =	vst v1  }
0x84: {  	[spmem:s17] =	stream.linear.scatter [tilespmem:s29], [sflag:$0x5], $0x620, $0x38;
	[tilespmem:$0x1FF80] =	vst v63  }
0x85: {  	_ =	swait.ge [sflag:s4], $0x620  }
0x86: {  	[sflag:s4] =	ssyncset.done $0x0  }
0x87: {  	s16 =	simm.s32 $0x0;
	[sflag:s4] =	ssyncadd.s32 $0xFFFFF9E0  }
0x88: {  	[tilespmem:s6], [sflag:$0x1] =	stream.linear.gather [hbm4b:s19+s16], $0xFA0, $0x38;
	[tilespmem:$0x1FF80] =	vst v63  }
0x89: {  	s20 =	rddreg [dreg:$0x11]  }
0x8a: {  	[tilespmem:s7], [sflag:$0x1] =	stream.linear.gather [hbm4b:s20+s16], $0xFA0, $0x38;
	[tilespmem:$0x1FF80] =	vst v63  }
0x8b: {  	s28 =	rddreg [dreg:$0xc]  }
0x8c: {  	[tilespmem:s29], [sflag:$0x1] =	stream.linear.gather [hbm4b:s28+s16], $0xFA0, $0x38;
	[tilespmem:$0x1FF80] =	vst v63  }
0x8d: {  	[bflag:$0x0] =	sbarrier.arrive $0xFFFF  }
0x8e: {  	[tilespmem:s16], [sflag:$0x5] =	stream.linear.gather [spmem:s2], $0x186A0, $0x38;
	[tilespmem:$0x1FF80] =	vst v63  }
.Ltmp6:
0x8f: {  	_ =	swait.ge [sflag:s4], $0x186A0;
	(pc) =	sbr.rel @p0 .LBB2_13-.Ltmp6, $3  }
0x90: {  	[sflag:s4] =	ssyncset.done $0x0  }
0x91: {  	[sflag:s4] =	ssyncadd.s32 $0xFFFE7960  }
0x92: {  	[bflag:$0x0] =	sbarrier.arrive $0xFFFF;
	_ =	sdelay $0x1  }
0x93: {  	s20 =	simm.s32 $0x40;
	s21 =	simm.s32 $0x0  }
.LBB2_11:
0x94: {  	p1 =	sne.s32 s20, $0x1840;
	[tilespmem:s21+$0x1D700] =	vst v0;
	s21 =	smov.u32 s20;
	s20 =	sadd.s32 $0x40, s20  }
.Ltmp7:
0x95: {  	(pc) =	sbr.rel @p1 .LBB2_11-.Ltmp7, $2  }
0x96: {  	_ =	sdelay $0x2  }
0x97: {  	s21 =	sshra.s32 s21, $0x2  }
0x98: {  	[tilespmem:s21+$0x1D700] =	vst v0  }
0x99: {  	[spmem:s8] =	stream.linear.scatter [tilespmem:s30], [sflag:$0x5], $0x620, $0x38;
	[tilespmem:$0x1FF80] =	vst v63  }
0x9a: {  	_ =	swait.ge [sflag:s4], $0x620  }
0x9b: {  	[sflag:s4] =	ssyncset.done $0x0  }
0x9c: {  	[sflag:s4] =	ssyncadd.s32 $0xFFFFF9E0  }
0x9d: {  	[spmem:s11] =	stream.linear.scatter [tilespmem:s30], [sflag:$0x5], $0x620, $0x38;
	[tilespmem:$0x1FF80] =	vst v63  }
0x9e: {  	_ =	swait.ge [sflag:s4], $0x620  }
0x9f: {  	[sflag:s4] =	ssyncset.done $0x0  }
0xa0: {  	[sflag:s4] =	ssyncadd.s32 $0xFFFFF9E0  }
0xa1: {  	[spmem:s14] =	stream.linear.scatter [tilespmem:s30], [sflag:$0x5], $0x620, $0x38;
	[tilespmem:$0x1FF80] =	vst v63  }
0xa2: {  	_ =	swait.ge [sflag:s4], $0x620  }
0xa3: {  	[sflag:s4] =	ssyncset.done $0x0  }
0xa4: {  	[sflag:s4] =	ssyncadd.s32 $0xFFFFF9E0  }
0xa5: {  	[spmem:s17] =	stream.linear.scatter [tilespmem:s30], [sflag:$0x5], $0x620, $0x38;
	[tilespmem:$0x1FF80] =	vst v63  }
0xa6: {  	_ =	swait.ge [sflag:s4], $0x620  }
0xa7: {  	[sflag:s4] =	ssyncset.done $0x0  }
0xa8: {  	[sflag:s4] =	ssyncadd.s32 $0xFFFFF9E0  }
.LBB2_13:
0xa9: {  	s20 =	rddreg [dreg:$0xe];
	s21 =	simm.s32 $0x1B700  }
0xaa: {  	[tilespmem:s21], [sflag:$0x2] =	stream.linear.gather [hbm4b:s20+s16], $0xFA0, $0x38;
	[tilespmem:$0x1FF80] =	vst v63  }
0xab: {  	s26 =	rddreg [dreg:$0x12]  }
0xac: {  	[tilespmem:s9], [sflag:$0x2] =	stream.linear.gather [hbm4b:s26+s16], $0xFA0, $0x38;
	[tilespmem:$0x1FF80] =	vst v63  }
0xad: {  	s28 =	rddreg [dreg:$0xf]  }
0xae: {  	[tilespmem:s30], [sflag:$0x2] =	stream.linear.gather [hbm4b:s28+s16], $0xFA0, $0x38;
	[tilespmem:$0x1FF80] =	vst v63  }
0xaf: {  	s20 =	simm.s32 $0x0;
	[bflag:$0x0] =	sbarrier.arrive $0xFFFF  }
.LBB2_14:
0xb0: {  	p1 =	seq.s32 s20, $0x0  }
0xb1: {  	s21 =	simm.s32 @!p1 $0x4;
	s22 =	smul.u32 @!p1 $0x1F40, s20  }
0xb2: {  	_ =	swait.ge @!p1 [sflag:s21], $0xFA0  }
0xb3: {  	[sflag:s21] =	ssyncset.done @!p1 $0x0;
	s22 =	sadd.s32 @!p1 s22, s18  }
0xb4: {  	[sflag:s21] =	ssyncadd.s32 @!p1 $0xFFFFF060;
	s21 =	sshrl.u32 @!p1 s22, $0x3  }
0xb5: {  	s23 =	simm.s32 @!p1 $0x0;
	s25 =	simm.s32 @!p1 $0x1B700;
	s22 =	sadd.s32 @!p1 s5, s21  }
0xb6: {  	[tilespmem:s25], [sflag:$0x2] =	stream.linear.gather @!p1 [hbm4b:s22+s23], $0xFA0, $0x38;
	[tilespmem:$0x1FF80] =	vst v63  }
0xb7: {  	s22 =	sadd.s32 @!p1 $0xC3500, s22;
	s25 =	simm.s32 @!p1 $0x1C700  }
0xb8: {  	[tilespmem:s25], [sflag:$0x2] =	stream.linear.gather @!p1 [hbm4b:s22+s23], $0xFA0, $0x38;
	[tilespmem:$0x1FF80] =	vst v63  }
0xb9: {  	s21 =	sadd.s32 @!p1 s1, s21;
	s22 =	simm.s32 @!p1 $0x1D700  }
0xba: {  	[tilespmem:s22], [sflag:$0x2] =	stream.linear.gather @!p1 [hbm4b:s21+s23], $0xFA0, $0x38;
	[tilespmem:$0x1FF80] =	vst v63  }
0xbb: {  	_ =	swait.ge [sflag:s31], $0xFA0  }
0xbc: {  	[sflag:s31] =	ssyncset.done $0x0  }
0xbd: {  	[sflag:s31] =	ssyncadd.s32 $0xFFFFF060  }
0xbe: {  	_ =	swait.ge [sflag:s31], $0xFA0  }
0xbf: {  	[sflag:s31] =	ssyncset.done $0x0  }
0xc0: {  	[sflag:s31] =	ssyncadd.s32 $0xFFFFF060  }
0xc1: {  	_ =	swait.ge [sflag:s31], $0xFA0  }
0xc2: {  	[sflag:s31] =	ssyncset.done $0x0  }
0xc3: {  	s26 =	simm.s32 $0x187C0;
	[sflag:s31] =	ssyncadd.s32 $0xFFFFF060  }
0xc4: {  	s21 =	simm.s32 $0x1A7C0;
	v1 =	vld [tilespmem:s26+$0xB0]  }
0xc5: {  	s28 =	sand.u32 $0xFF0, s16;
	v2 =	vld [tilespmem:s21+$0xB0]  }
0xc6: {  	v3 =	vld [tilespmem:s28+$0x1A880]  }
0xc7: {  	v4 =	vld [tilespmem:s28+$0x1A780]  }
0xc8: {  	v5 =	vld [tilespmem:s28+$0x1A800]  }
0xc9: {  	v6 =	vld [tilespmem:s28+$0x18880]  }
0xca: {  	v7 =	vld [tilespmem:s28+$0x18780]  }
0xcb: {  	v8 =	vld [tilespmem:s28+$0x18800]  }
0xcc: {  	v9 =	vld [tilespmem:s21+$0xFFFFFF50]  }
0xcd: {  	v10 =	vld [tilespmem:s21+$0xFFFFFF60]  }
0xce: {  	v11 =	vld [tilespmem:s21+$0xFFFFFF70]  }
0xcf: {  	v12 =	vld [tilespmem:s21+$0xFFFFFF80]  }
0xd0: {  	v15 =	vld [tilespmem:s21+$0xFFFFFFB0]  }
0xd1: {  	v16 =	vld [tilespmem:s21+$0xFFFFFFD0]  }
0xd2: {  	v17 =	vld [tilespmem:s21+$0xFFFFFFE0]  }
0xd3: {  	v18 =	vld [tilespmem:s21+$0xFFFFFFF0]  }
0xd4: {  	v19 =	vld [tilespmem:s21+$0x0]  }
0xd5: {  	v20 =	vld [tilespmem:s21+$0x10]  }
0xd6: {  	v21 =	vld [tilespmem:s21+$0x20]  }
0xd7: {  	v22 =	vld [tilespmem:s21+$0x30]  }
0xd8: {  	v23 =	vld [tilespmem:s26+$0xFFFFFF50]  }
0xd9: {  	v53 =	vld [tilespmem:s26+$0xFFFFFF60]  }
0xda: {  	v26 =	vld [tilespmem:s26+$0xFFFFFF80]  }
0xdb: {  	v55 =	vld [tilespmem:s26+$0xFFFFFF90]  }
0xdc: {  	v56 =	vld [tilespmem:s26+$0xFFFFFFA0]  }
0xdd: {  	v29 =	vld [tilespmem:s26+$0xFFFFFFB0];
	v2 =	vmul.f32 $1.442695020e+00, v2  }
0xde: {  	v3 =	vmul.f32 $1.442695020e+00, v3;
	v13 =	vld.idx.msk [tilespmem:v1+s3+$0x0], $0xffff  }
0xdf: {  	v4 =	vmul.f32 $1.442695020e+00, v4;
	(erf) = vpow2.f32 v2;
	v14 =	vld.idx.msk [tilespmem:v6+s3+$0x0], $0xffff  }
0xe0: {  	v5 =	vmul.f32 $1.442695020e+00, v5;
	v1 =	vld [tilespmem:s21+$0xFFFFFF90];
	(erf) = vpow2.f32 v3  }
0xe1: {  	v6 =	vld [tilespmem:s21+$0xFFFFFFA0];
	(erf) = vpow2.f32 v4;
	v4 =	vmul.f32 $1.442695020e+00, v9  }
0xe2: {  	v58 =	vld [tilespmem:s26+$0xFFFFFFD0];
	(erf) = vpow2.f32 v5;
	v5 =	vmul.f32 $1.442695020e+00, v10  }
0xe3: {  	v59 =	vld [tilespmem:s26+$0xFFFFFFE0];
	v11 =	vmul.f32 $1.442695020e+00, v11;
	(erf) = vpow2.f32 v4  }
0xe4: {  	v33 =	vld [tilespmem:s26+$0xFFFFFFF0];
	v12 =	vmul.f32 $1.442695020e+00, v12;
	(erf) = vpow2.f32 v5  }
0xe5: {  	v34 =	vld [tilespmem:s26+$0x0];
	(erf) = vpow2.f32 v11;
	v1 =	vmul.f32 $1.442695020e+00, v1  }
0xe6: {  	v35 =	vld [tilespmem:s26+$0x10];
	v6 =	vmul.f32 $1.442695020e+00, v6;
	(erf) = vpow2.f32 v12  }
0xe7: {  	v37 =	vld [tilespmem:s26+$0x20];
	v15 =	vmul.f32 $1.442695020e+00, v15;
	(erf) = vpow2.f32 v1  }
0xe8: {  	v39 =	vld [tilespmem:s26+$0x30];
	v1 =	vmul.f32 $1.442695020e+00, v16;
	v24 =	vpop (erf);
	(erf) = vpow2.f32 v6  }
0xe9: {  	v42 =	vld [tilespmem:s26+$0x60];
	v6 =	vmul.f32 $1.442695020e+00, v17;
	v25 =	vpop (erf);
	(erf) = vpow2.f32 v15  }
0xea: {  	v18 =	vmul.f32 $1.442695020e+00, v18;
	v2 =	vld [tilespmem:s21+$0x50];
	v54 =	vpop (erf);
	(erf) = vpow2.f32 v1  }
0xeb: {  	v3 =	vld [tilespmem:s21+$0x60];
	v1 =	vmul.f32 $1.442695020e+00, v19;
	v27 =	vpop (erf);
	(erf) = vpow2.f32 v6  }
0xec: {  	v9 =	vld [tilespmem:s21+$0x70];
	v6 =	vmul.f32 $1.442695020e+00, v20;
	v28 =	vpop (erf);
	(erf) = vpow2.f32 v18  }
0xed: {  	v21 =	vmul.f32 $1.442695020e+00, v21;
	v10 =	vld [tilespmem:s21+$0x80];
	v57 =	vpop (erf);
	(erf) = vpow2.f32 v1  }
0xee: {  	v4 =	vld [tilespmem:s21+$0x90];
	v1 =	vmul.f32 $1.442695020e+00, v22;
	v30 =	vpop (erf);
	(erf) = vpow2.f32 v6  }
0xef: {  	v5 =	vld [tilespmem:s21+$0xA0];
	v2 =	vmul.f32 $1.442695020e+00, v2;
	v31 =	vpop (erf);
	(erf) = vpow2.f32 v21  }
0xf0: {  	v11 =	vld [tilespmem:s21+$0xFFFFFF40];
	v3 =	vmul.f32 $1.442695020e+00, v3;
	v32 =	vpop (erf);
	(erf) = vpow2.f32 v1  }
0xf1: {  	v44 =	vld [tilespmem:s26+$0x70];
	v1 =	vmul.f32 $1.442695020e+00, v9;
	v9 =	vpop (erf);
	(erf) = vpow2.f32 v2  }
0xf2: {  	v46 =	vld [tilespmem:s26+$0x80];
	v2 =	vmul.f32 $1.442695020e+00, v10;
	v10 =	vpop (erf);
	(erf) = vpow2.f32 v3  }
0xf3: {  	v12 =	vld [tilespmem:s26+$0xFFFFFF40];
	v3 =	vmul.f32 $1.442695020e+00, v4;
	v36 =	vpop (erf);
	(erf) = vpow2.f32 v1  }
0xf4: {  	v15 =	vld [tilespmem:s26+$0xFFFFFF70];
	v1 =	vmul.f32 $1.442695020e+00, v5;
	v38 =	vpop (erf);
	(erf) = vpow2.f32 v2  }
0xf5: {  	v48 =	vld [tilespmem:s26+$0x90];
	v2 =	vmul.f32 $1.442695020e+00, v11;
	v40 =	vpop (erf);
	(erf) = vpow2.f32 v3  }
0xf6: {  	v49 =	vld [tilespmem:s26+$0xA0];
	v41 =	vpop (erf);
	(erf) = vpow2.f32 v1  }
0xf7: {  	v7 =	vld.idx.msk [tilespmem:v7+s3+$0x0], $0xffff;
	(erf) = vpow2.f32 v2;
	v43 =	vpop (erf)  }
0xf8: {  	v8 =	vld.idx.msk [tilespmem:v8+s3+$0x0], $0xffff;
	v45 =	vpop (erf)  }
0xf9: {  	v23 =	vld.idx.msk [tilespmem:v23+s3+$0x0], $0xffff;
	v47 =	vpop (erf)  }
0xfa: {  	v60 =	vld.idx.msk [tilespmem:v26+s3+$0x0], $0xffff;
	v6 =	vpop (erf)  }
0xfb: {  	v12 =	vld.idx.msk [tilespmem:v12+s3+$0x0], $0xffff;
	v4 =	vmul.f32 v13, v24;
	v5 =	vpop (erf)  }
0xfc: {  	v14 =	vmul.f32 v14, v25;
	v15 =	vld.idx.msk [tilespmem:v15+s3+$0x0], $0xffff;
	v1 =	vpop (erf)  }
0xfd: {  	v13 =	vld.idx.msk [tilespmem:v53+s3+$0x0], $0xffff;
	v2 =	vpop (erf)  }
0xfe: {  	v8 =	vmul.f32 v8, v27;
	[tilespmem:s28+$0x1A880] =	vst v14;
	v11 =	vld [tilespmem:s26+$0x50];
	v3 =	vpop (erf)  }
0xff: {  	v61 =	vld.idx.msk [tilespmem:v55+s3+$0x0], $0xffff;
	v7 =	vmul.f32 v7, v54;
	[tilespmem:s21+$0xB0] =	vst v4;
	v4 =	vpop (erf)  }
0x100: {  	v62 =	vld.idx.msk [tilespmem:v33+s3+$0x0], $0xffff;
	[tilespmem:s28+$0x1A800] =	vst v8;
	v8 =	vmul.f32 v23, v28;
	v14 =	vpop (erf)  }
0x101: {  	[tilespmem:s28+$0x1A780] =	vst v7;
	v7 =	vmul.f32 v12, v14;
	v14 =	vld.idx.msk [tilespmem:v29+s3+$0x0], $0xffff  }
0x102: {  	[tilespmem:s21+$0xFFFFFF50] =	vst v8;
	v8 =	vmul.f32 v15, v30;
	v12 =	vld.idx.msk [tilespmem:v56+s3+$0x0], $0xffff  }
0x103: {  	v63 =	vld.idx.msk [tilespmem:v34+s3+$0x0], $0xffff;
	[tilespmem:s21+$0xFFFFFF40] =	vst v7;
	v7 =	vmul.f32 v13, v57  }
0x104: {  	[tilespmem:s21+$0xFFFFFF70] =	vst v8;
	v8 =	vmul.f32 v61, v32;
	v13 =	vld.idx.msk [tilespmem:v58+s3+$0x0], $0xffff  }
0x105: {  	v15 =	vld.idx.msk [tilespmem:v59+s3+$0x0], $0xffff;
	[tilespmem:s21+$0xFFFFFF60] =	vst v7;
	v7 =	vmul.f32 v60, v31  }
0x106: {  	[tilespmem:s21+$0xFFFFFF90] =	vst v8;
	v11 =	vld.idx.msk [tilespmem:v11+s3+$0x0], $0xffff;
	v8 =	vmul.f32 v14, v10  }
0x107: {  	[tilespmem:s21+$0xFFFFFF80] =	vst v7;
	v7 =	vmul.f32 v12, v9;
	v9 =	vld.idx.msk [tilespmem:v35+s3+$0x0], $0xffff  }
0x108: {  	v10 =	vmul.f32 v62, v40;
	v12 =	vld.idx.msk [tilespmem:v37+s3+$0x0], $0xffff;
	[tilespmem:s21+$0xFFFFFFB0] =	vst v8  }
0x109: {  	[tilespmem:s21+$0xFFFFFFA0] =	vst v7;
	v7 =	vmul.f32 v13, v36;
	v13 =	vld.idx.msk [tilespmem:v39+s3+$0x0], $0xffff  }
0x10a: {  	v8 =	vmul.f32 v15, v38;
	[tilespmem:s21+$0xFFFFFFF0] =	vst v10;
	v10 =	vld.idx.msk [tilespmem:v48+s3+$0x0], $0xffff  }
0x10b: {  	v14 =	vmul.f32 v63, v41;
	[tilespmem:s21+$0xFFFFFFD0] =	vst v7;
	v7 =	vld.idx.msk [tilespmem:v42+s3+$0x0], $0xffff  }
0x10c: {  	[tilespmem:s21+$0xFFFFFFE0] =	vst v8;
	v8 =	vld.idx.msk [tilespmem:v44+s3+$0x0], $0xffff;
	v15 =	vmul.f32 v9, v43  }
0x10d: {  	s25 =	simm.s32 $0x0;
	[tilespmem:s21+$0x0] =	vst v14;
	v9 =	vld.idx.msk [tilespmem:v46+s3+$0x0], $0xffff;
	v14 =	vmul.f32 v12, v45  }
0x10e: {  	s22 =	simm.s32 $0x0;
	s23 =	simm.s32 $0x18950;
	s26 =	simm.s32 $0x1A7C0;
	v12 =	vld.idx.msk [tilespmem:v49+s3+$0x0], $0xffff;
	[tilespmem:s21+$0x10] =	vst v15;
	v13 =	vmul.f32 v13, v47  }
.LBB2_15:
0x10f: {  	v15 =	vld [tilespmem:s23+$0xB0];
	[tilespmem:s21+$0x20] =	vst v14;
	v6 =	vmul.f32 v11, v6;
	s25 =	sadd.s32 $0x190, s25;
	s26 =	sadd.s32 $0x190, s26  }
0x110: {  	s22 =	sadd.s32 $0x19, s22;
	v5 =	vmul.f32 v7, v5;
	s28 =	sand.u32 $0xFF0, s25;
	v11 =	vld [tilespmem:s26+$0xB0];
	[tilespmem:s21+$0x30] =	vst v13  }
0x111: {  	p1 =	slt.u32 s22, $0xE1;
	v1 =	vmul.f32 v8, v1;
	v7 =	vld [tilespmem:s28+$0x1A880];
	[tilespmem:s21+$0x50] =	vst v6  }
0x112: {  	v2 =	vmul.f32 v9, v2;
	v6 =	vld [tilespmem:s28+$0x1A780];
	[tilespmem:s21+$0x60] =	vst v5  }
0x113: {  	v5 =	vld [tilespmem:s28+$0x1A800];
	[tilespmem:s21+$0x70] =	vst v1;
	v1 =	vmul.f32 v10, v3  }
0x114: {  	v3 =	vld [tilespmem:s28+$0x18880];
	[tilespmem:s21+$0x80] =	vst v2;
	v2 =	vmul.f32 v12, v4  }
0x115: {  	v4 =	vld [tilespmem:s28+$0x18780];
	v8 =	vmul.f32 $1.442695020e+00, v11;
	[tilespmem:s21+$0x90] =	vst v1  }
0x116: {  	v1 =	vld [tilespmem:s28+$0x18800];
	v7 =	vmul.f32 $1.442695020e+00, v7;
	[tilespmem:s21+$0xA0] =	vst v2;
	s21 =	smov.u32 s26  }
0x117: {  	v2 =	vld [tilespmem:s26+$0xFFFFFF50];
	v6 =	vmul.f32 $1.442695020e+00, v6;
	(erf) = vpow2.f32 v8  }
0x118: {  	v8 =	vld [tilespmem:s26+$0xFFFFFF60];
	v5 =	vmul.f32 $1.442695020e+00, v5;
	(erf) = vpow2.f32 v7  }
0x119: {  	v7 =	vld [tilespmem:s26+$0xFFFFFF70];
	(erf) = vpow2.f32 v6  }
0x11a: {  	v6 =	vld [tilespmem:s26+$0xFFFFFF80];
	(erf) = vpow2.f32 v5  }
0x11b: {  	v5 =	vld.idx.msk [tilespmem:v15+s3+$0x0], $0xffff  }
0x11c: {  	v2 =	vmul.f32 $1.442695020e+00, v2;
	v3 =	vld.idx.msk [tilespmem:v3+s3+$0x0], $0xffff  }
0x11d: {  	v8 =	vmul.f32 $1.442695020e+00, v8;
	v4 =	vld.idx.msk [tilespmem:v4+s3+$0x0], $0xffff  }
0x11e: {  	v9 =	vmul.f32 $1.442695020e+00, v7;
	v1 =	vld.idx.msk [tilespmem:v1+s3+$0x0], $0xffff;
	(erf) = vpow2.f32 v2  }
0x11f: {  	v10 =	vmul.f32 $1.442695020e+00, v6;
	v6 =	vld [tilespmem:s26+$0xFFFFFF90];
	(erf) = vpow2.f32 v8  }
0x120: {  	v8 =	vld [tilespmem:s26+$0xFFFFFFA0];
	(erf) = vpow2.f32 v9;
	v7 =	vpop (erf)  }
0x121: {  	v9 =	vld [tilespmem:s26+$0xFFFFFFB0];
	v11 =	vmul.f32 v5, v7;
	(erf) = vpow2.f32 v10;
	v2 =	vpop (erf)  }
0x122: {  	v7 =	vld [tilespmem:s26+$0xFFFFFFD0];
	v2 =	vmul.f32 v3, v2;
	v3 =	vpop (erf)  }
0x123: {  	v3 =	vmul.f32 v4, v3;
	v4 =	vld [tilespmem:s26+$0xFFFFFFE0];
	[tilespmem:s26+$0xB0] =	vst v11;
	v5 =	vpop (erf)  }
0x124: {  	v6 =	vmul.f32 $1.442695020e+00, v6;
	v10 =	vld [tilespmem:s26+$0xFFFFFFF0];
	v1 =	vmul.f32 v1, v5;
	[tilespmem:s28+$0x1A880] =	vst v2  }
0x125: {  	v2 =	vmul.f32 $1.442695020e+00, v8;
	[tilespmem:s28+$0x1A780] =	vst v3;
	v3 =	vld [tilespmem:s26+$0x0]  }
0x126: {  	v5 =	vmul.f32 $1.442695020e+00, v9;
	v8 =	vld [tilespmem:s26+$0x10];
	[tilespmem:s28+$0x1A800] =	vst v1;
	(erf) = vpow2.f32 v6  }
0x127: {  	v1 =	vmul.f32 $1.442695020e+00, v7;
	v6 =	vld [tilespmem:s26+$0x20];
	v7 =	vpop (erf);
	(erf) = vpow2.f32 v2  }
0x128: {  	v2 =	vmul.f32 $1.442695020e+00, v4;
	v4 =	vld [tilespmem:s26+$0x30];
	v9 =	vpop (erf);
	(erf) = vpow2.f32 v5  }
0x129: {  	v5 =	vmul.f32 $1.442695020e+00, v10;
	v10 =	vld [tilespmem:s26+$0x50];
	v11 =	vpop (erf);
	(erf) = vpow2.f32 v1  }
0x12a: {  	v1 =	vmul.f32 $1.442695020e+00, v3;
	v3 =	vld [tilespmem:s26+$0x60];
	v12 =	vpop (erf);
	(erf) = vpow2.f32 v2  }
0x12b: {  	v2 =	vmul.f32 $1.442695020e+00, v8;
	v8 =	vld [tilespmem:s26+$0x70];
	(erf) = vpow2.f32 v5  }
0x12c: {  	v5 =	vmul.f32 $1.442695020e+00, v6;
	v6 =	vld [tilespmem:s26+$0x80];
	(erf) = vpow2.f32 v1  }
0x12d: {  	v1 =	vmul.f32 $1.442695020e+00, v4;
	v4 =	vld [tilespmem:s26+$0x90];
	(erf) = vpow2.f32 v2  }
0x12e: {  	v2 =	vmul.f32 $1.442695020e+00, v10;
	v10 =	vld [tilespmem:s26+$0xA0];
	(erf) = vpow2.f32 v5  }
0x12f: {  	v5 =	vld [tilespmem:s26+$0xFFFFFF40];
	v3 =	vmul.f32 $1.442695020e+00, v3;
	v13 =	vpop (erf);
	(erf) = vpow2.f32 v1  }
0x130: {  	v14 =	vld [tilespmem:s23+$0xFFFFFF40];
	v1 =	vmul.f32 $1.442695020e+00, v8;
	v8 =	vpop (erf);
	(erf) = vpow2.f32 v2  }
0x131: {  	v15 =	vld [tilespmem:s23+$0xFFFFFF50];
	v2 =	vmul.f32 $1.442695020e+00, v6;
	v16 =	vpop (erf);
	(erf) = vpow2.f32 v3  }
0x132: {  	v17 =	vld [tilespmem:s23+$0xFFFFFF60];
	v3 =	vmul.f32 $1.442695020e+00, v4;
	v18 =	vpop (erf);
	(erf) = vpow2.f32 v1  }
0x133: {  	v19 =	vld [tilespmem:s23+$0xFFFFFF70];
	v1 =	vmul.f32 $1.442695020e+00, v10;
	v10 =	vpop (erf);
	(erf) = vpow2.f32 v2  }
0x134: {  	v2 =	vmul.f32 $1.442695020e+00, v5;
	v20 =	vld [tilespmem:s23+$0xFFFFFF80];
	v21 =	vpop (erf);
	(erf) = vpow2.f32 v3  }
0x135: {  	v22 =	vld [tilespmem:s23+$0xFFFFFF90];
	v23 =	vpop (erf);
	(erf) = vpow2.f32 v1  }
0x136: {  	v24 =	vld [tilespmem:s23+$0xFFFFFFA0];
	(erf) = vpow2.f32 v2;
	v25 =	vpop (erf)  }
0x137: {  	v26 =	vld [tilespmem:s23+$0xFFFFFFB0];
	v27 =	vpop (erf)  }
0x138: {  	v28 =	vld [tilespmem:s23+$0xFFFFFFD0];
	v29 =	vpop (erf)  }
0x139: {  	v30 =	vld [tilespmem:s23+$0xFFFFFFE0];
	v6 =	vpop (erf)  }
0x13a: {  	v31 =	vld [tilespmem:s23+$0xFFFFFFF0];
	v5 =	vpop (erf)  }
0x13b: {  	v32 =	vld [tilespmem:s23+$0x0];
	v1 =	vpop (erf)  }
0x13c: {  	v33 =	vld [tilespmem:s23+$0x10];
	v2 =	vpop (erf)  }
0x13d: {  	v34 =	vld [tilespmem:s23+$0x20];
	v3 =	vpop (erf)  }
0x13e: {  	v35 =	vld [tilespmem:s23+$0x30];
	v4 =	vpop (erf)  }
0x13f: {  	v36 =	vld [tilespmem:s23+$0x50];
	v37 =	vpop (erf)  }
0x140: {  	v38 =	vld [tilespmem:s23+$0x60]  }
0x141: {  	v39 =	vld [tilespmem:s23+$0x70]  }
0x142: {  	v40 =	vld [tilespmem:s23+$0x80]  }
0x143: {  	v41 =	vld [tilespmem:s23+$0x90]  }
0x144: {  	v42 =	vld [tilespmem:s23+$0xA0]  }
0x145: {  	v14 =	vld.idx.msk [tilespmem:v14+s3+$0x0], $0xffff  }
0x146: {  	v15 =	vld.idx.msk [tilespmem:v15+s3+$0x0], $0xffff  }
0x147: {  	v17 =	vld.idx.msk [tilespmem:v17+s3+$0x0], $0xffff  }
0x148: {  	v19 =	vld.idx.msk [tilespmem:v19+s3+$0x0], $0xffff  }
0x149: {  	v20 =	vld.idx.msk [tilespmem:v20+s3+$0x0], $0xffff  }
0x14a: {  	v22 =	vld.idx.msk [tilespmem:v22+s3+$0x0], $0xffff  }
0x14b: {  	v14 =	vmul.f32 v14, v37;
	v24 =	vld.idx.msk [tilespmem:v24+s3+$0x0], $0xffff  }
0x14c: {  	v7 =	vmul.f32 v15, v7;
	v15 =	vld.idx.msk [tilespmem:v26+s3+$0x0], $0xffff  }
0x14d: {  	v9 =	vmul.f32 v17, v9;
	[tilespmem:s26+$0xFFFFFF40] =	vst v14;
	v14 =	vld.idx.msk [tilespmem:v28+s3+$0x0], $0xffff  }
0x14e: {  	[tilespmem:s26+$0xFFFFFF50] =	vst v7;
	v7 =	vmul.f32 v19, v11;
	v11 =	vld.idx.msk [tilespmem:v30+s3+$0x0], $0xffff  }
0x14f: {  	[tilespmem:s26+$0xFFFFFF60] =	vst v9;
	v9 =	vmul.f32 v20, v12;
	v12 =	vld.idx.msk [tilespmem:v31+s3+$0x0], $0xffff  }
0x150: {  	[tilespmem:s26+$0xFFFFFF70] =	vst v7;
	v7 =	vmul.f32 v22, v13;
	v13 =	vld.idx.msk [tilespmem:v32+s3+$0x0], $0xffff  }
0x151: {  	v8 =	vmul.f32 v24, v8;
	[tilespmem:s26+$0xFFFFFF80] =	vst v9;
	v9 =	vld.idx.msk [tilespmem:v33+s3+$0x0], $0xffff  }
0x152: {  	[tilespmem:s26+$0xFFFFFF90] =	vst v7;
	v7 =	vmul.f32 v15, v16;
	v15 =	vld.idx.msk [tilespmem:v34+s3+$0x0], $0xffff  }
0x153: {  	[tilespmem:s26+$0xFFFFFFA0] =	vst v8;
	v8 =	vmul.f32 v14, v18;
	v16 =	vld.idx.msk [tilespmem:v35+s3+$0x0], $0xffff  }
0x154: {  	v10 =	vmul.f32 v11, v10;
	[tilespmem:s26+$0xFFFFFFB0] =	vst v7;
	v11 =	vld.idx.msk [tilespmem:v36+s3+$0x0], $0xffff  }
.Ltmp8:
0x155: {  	v12 =	vmul.f32 v12, v21;
	[tilespmem:s26+$0xFFFFFFD0] =	vst v8;
	v7 =	vld.idx.msk [tilespmem:v38+s3+$0x0], $0xffff;
	(pc) =	sbr.rel @p1 .LBB2_15-.Ltmp8, $4  }
0x156: {  	[tilespmem:s26+$0xFFFFFFE0] =	vst v10;
	v10 =	vmul.f32 v13, v23;
	v8 =	vld.idx.msk [tilespmem:v39+s3+$0x0], $0xffff  }
0x157: {  	[tilespmem:s26+$0xFFFFFFF0] =	vst v12;
	v12 =	vmul.f32 v9, v25;
	v9 =	vld.idx.msk [tilespmem:v40+s3+$0x0], $0xffff  }
0x158: {  	v14 =	vmul.f32 v15, v27;
	[tilespmem:s26+$0x0] =	vst v10;
	v10 =	vld.idx.msk [tilespmem:v41+s3+$0x0], $0xffff  }
0x159: {  	s23 =	sadd.s32 $0x190, s23;
	v13 =	vmul.f32 v16, v29;
	[tilespmem:s26+$0x10] =	vst v12;
	v12 =	vld.idx.msk [tilespmem:v42+s3+$0x0], $0xffff  }
0x15a: {  	[tilespmem:s21+$0x20] =	vst v14;
	v6 =	vmul.f32 v11, v6  }
0x15b: {  	v5 =	vmul.f32 v7, v5;
	[tilespmem:s21+$0x30] =	vst v13  }
0x15c: {  	v1 =	vmul.f32 v8, v1;
	[tilespmem:s21+$0x50] =	vst v6  }
0x15d: {  	[tilespmem:s21+$0x60] =	vst v5;
	v2 =	vmul.f32 v9, v2  }
0x15e: {  	[tilespmem:s21+$0x70] =	vst v1;
	v1 =	vmul.f32 v10, v3  }
0x15f: {  	[tilespmem:s21+$0x80] =	vst v2;
	v2 =	vmul.f32 v12, v4  }
0x160: {  	[tilespmem:s21+$0x90] =	vst v1  }
0x161: {  	[tilespmem:s21+$0xA0] =	vst v2  }
0x162: {  	[spmem:s2] =	stream.indirect.scatter.add.f32 [tilespmem:s29], [sflag:$0x3], $0x1, s7, s10, $0xb8;
	[tilespmem:$0x1FF80] =	vst v63  }
0x163: {  	_ =	swait.ge [sflag:s0], $0xFA0  }
0x164: {  	[sflag:s0] =	ssyncset.done $0x0  }
0x165: {  	[sflag:s0] =	ssyncadd.s32 $0xFFFFF060  }
0x166: {  	_ =	swait.ge [sflag:s0], $0xFA0  }
0x167: {  	[sflag:s0] =	ssyncset.done $0x0  }
0x168: {  	[sflag:s0] =	ssyncadd.s32 $0xFFFFF060  }
0x169: {  	_ =	swait.ge [sflag:s0], $0xFA0  }
0x16a: {  	[sflag:s0] =	ssyncset.done $0x0  }
0x16b: {  	s25 =	simm.s32 $0x1B7C0;
	[sflag:s0] =	ssyncadd.s32 $0xFFFFF060  }
0x16c: {  	s22 =	simm.s32 $0x0;
	s21 =	simm.s32 $0x1D7C0;
	v1 =	vld [tilespmem:s25+$0xB0]  }
0x16d: {  	s23 =	sand.u32 $0xFF0, s22;
	v2 =	vld [tilespmem:s21+$0xB0]  }
0x16e: {  	v3 =	vld [tilespmem:s23+$0x1D880]  }
0x16f: {  	v4 =	vld [tilespmem:s23+$0x1D780]  }
0x170: {  	v5 =	vld [tilespmem:s23+$0x1D800]  }
0x171: {  	v6 =	vld [tilespmem:s23+$0x1B880]  }
0x172: {  	v7 =	vld [tilespmem:s23+$0x1B780]  }
0x173: {  	v8 =	vld [tilespmem:s23+$0x1B800]  }
0x174: {  	v9 =	vld [tilespmem:s21+$0xFFFFFF50]  }
0x175: {  	v10 =	vld [tilespmem:s21+$0xFFFFFF60]  }
0x176: {  	v11 =	vld [tilespmem:s21+$0xFFFFFF70]  }
0x177: {  	v12 =	vld [tilespmem:s21+$0xFFFFFF80]  }
0x178: {  	v15 =	vld [tilespmem:s21+$0xFFFFFFB0]  }
0x179: {  	v16 =	vld [tilespmem:s21+$0xFFFFFFD0]  }
0x17a: {  	v17 =	vld [tilespmem:s21+$0xFFFFFFE0]  }
0x17b: {  	v18 =	vld [tilespmem:s21+$0xFFFFFFF0]  }
0x17c: {  	v19 =	vld [tilespmem:s21+$0x0]  }
0x17d: {  	v20 =	vld [tilespmem:s21+$0x10]  }
0x17e: {  	v21 =	vld [tilespmem:s21+$0x20]  }
0x17f: {  	v22 =	vld [tilespmem:s21+$0x30]  }
0x180: {  	v23 =	vld [tilespmem:s25+$0xFFFFFF50]  }
0x181: {  	v53 =	vld [tilespmem:s25+$0xFFFFFF60]  }
0x182: {  	v26 =	vld [tilespmem:s25+$0xFFFFFF80]  }
0x183: {  	v55 =	vld [tilespmem:s25+$0xFFFFFF90]  }
0x184: {  	v56 =	vld [tilespmem:s25+$0xFFFFFFA0]  }
0x185: {  	v29 =	vld [tilespmem:s25+$0xFFFFFFB0];
	v2 =	vmul.f32 $1.442695020e+00, v2  }
0x186: {  	v3 =	vmul.f32 $1.442695020e+00, v3;
	v13 =	vld.idx.msk [tilespmem:v1+s3+$0x0], $0xffff  }
0x187: {  	v4 =	vmul.f32 $1.442695020e+00, v4;
	(erf) = vpow2.f32 v2;
	v14 =	vld.idx.msk [tilespmem:v6+s3+$0x0], $0xffff  }
0x188: {  	v5 =	vmul.f32 $1.442695020e+00, v5;
	v1 =	vld [tilespmem:s21+$0xFFFFFF90];
	(erf) = vpow2.f32 v3  }
0x189: {  	v6 =	vld [tilespmem:s21+$0xFFFFFFA0];
	(erf) = vpow2.f32 v4;
	v4 =	vmul.f32 $1.442695020e+00, v9  }
0x18a: {  	v58 =	vld [tilespmem:s25+$0xFFFFFFD0];
	(erf) = vpow2.f32 v5;
	v5 =	vmul.f32 $1.442695020e+00, v10  }
0x18b: {  	v59 =	vld [tilespmem:s25+$0xFFFFFFE0];
	v11 =	vmul.f32 $1.442695020e+00, v11;
	(erf) = vpow2.f32 v4  }
0x18c: {  	v33 =	vld [tilespmem:s25+$0xFFFFFFF0];
	v12 =	vmul.f32 $1.442695020e+00, v12;
	(erf) = vpow2.f32 v5  }
0x18d: {  	v34 =	vld [tilespmem:s25+$0x0];
	(erf) = vpow2.f32 v11;
	v1 =	vmul.f32 $1.442695020e+00, v1  }
0x18e: {  	v35 =	vld [tilespmem:s25+$0x10];
	v6 =	vmul.f32 $1.442695020e+00, v6;
	(erf) = vpow2.f32 v12  }
0x18f: {  	v37 =	vld [tilespmem:s25+$0x20];
	v15 =	vmul.f32 $1.442695020e+00, v15;
	(erf) = vpow2.f32 v1  }
0x190: {  	v39 =	vld [tilespmem:s25+$0x30];
	v1 =	vmul.f32 $1.442695020e+00, v16;
	v24 =	vpop (erf);
	(erf) = vpow2.f32 v6  }
0x191: {  	v42 =	vld [tilespmem:s25+$0x60];
	v6 =	vmul.f32 $1.442695020e+00, v17;
	v25 =	vpop (erf);
	(erf) = vpow2.f32 v15  }
0x192: {  	v18 =	vmul.f32 $1.442695020e+00, v18;
	v2 =	vld [tilespmem:s21+$0x50];
	v54 =	vpop (erf);
	(erf) = vpow2.f32 v1  }
0x193: {  	v3 =	vld [tilespmem:s21+$0x60];
	v1 =	vmul.f32 $1.442695020e+00, v19;
	v27 =	vpop (erf);
	(erf) = vpow2.f32 v6  }
0x194: {  	v9 =	vld [tilespmem:s21+$0x70];
	v6 =	vmul.f32 $1.442695020e+00, v20;
	v28 =	vpop (erf);
	(erf) = vpow2.f32 v18  }
0x195: {  	v21 =	vmul.f32 $1.442695020e+00, v21;
	v10 =	vld [tilespmem:s21+$0x80];
	v57 =	vpop (erf);
	(erf) = vpow2.f32 v1  }
0x196: {  	v4 =	vld [tilespmem:s21+$0x90];
	v1 =	vmul.f32 $1.442695020e+00, v22;
	v30 =	vpop (erf);
	(erf) = vpow2.f32 v6  }
0x197: {  	v5 =	vld [tilespmem:s21+$0xA0];
	v2 =	vmul.f32 $1.442695020e+00, v2;
	v31 =	vpop (erf);
	(erf) = vpow2.f32 v21  }
0x198: {  	v11 =	vld [tilespmem:s21+$0xFFFFFF40];
	v3 =	vmul.f32 $1.442695020e+00, v3;
	v32 =	vpop (erf);
	(erf) = vpow2.f32 v1  }
0x199: {  	v44 =	vld [tilespmem:s25+$0x70];
	v1 =	vmul.f32 $1.442695020e+00, v9;
	v9 =	vpop (erf);
	(erf) = vpow2.f32 v2  }
0x19a: {  	v46 =	vld [tilespmem:s25+$0x80];
	v2 =	vmul.f32 $1.442695020e+00, v10;
	v10 =	vpop (erf);
	(erf) = vpow2.f32 v3  }
0x19b: {  	v12 =	vld [tilespmem:s25+$0xFFFFFF40];
	v3 =	vmul.f32 $1.442695020e+00, v4;
	v36 =	vpop (erf);
	(erf) = vpow2.f32 v1  }
0x19c: {  	v15 =	vld [tilespmem:s25+$0xFFFFFF70];
	v1 =	vmul.f32 $1.442695020e+00, v5;
	v38 =	vpop (erf);
	(erf) = vpow2.f32 v2  }
0x19d: {  	v48 =	vld [tilespmem:s25+$0x90];
	v2 =	vmul.f32 $1.442695020e+00, v11;
	v40 =	vpop (erf);
	(erf) = vpow2.f32 v3  }
0x19e: {  	v49 =	vld [tilespmem:s25+$0xA0];
	v41 =	vpop (erf);
	(erf) = vpow2.f32 v1  }
0x19f: {  	v7 =	vld.idx.msk [tilespmem:v7+s3+$0x0], $0xffff;
	(erf) = vpow2.f32 v2;
	v43 =	vpop (erf)  }
0x1a0: {  	v8 =	vld.idx.msk [tilespmem:v8+s3+$0x0], $0xffff;
	v45 =	vpop (erf)  }
0x1a1: {  	v23 =	vld.idx.msk [tilespmem:v23+s3+$0x0], $0xffff;
	v47 =	vpop (erf)  }
0x1a2: {  	v60 =	vld.idx.msk [tilespmem:v26+s3+$0x0], $0xffff;
	v6 =	vpop (erf)  }
0x1a3: {  	v12 =	vld.idx.msk [tilespmem:v12+s3+$0x0], $0xffff;
	v4 =	vmul.f32 v13, v24;
	v5 =	vpop (erf)  }
0x1a4: {  	v14 =	vmul.f32 v14, v25;
	v15 =	vld.idx.msk [tilespmem:v15+s3+$0x0], $0xffff;
	v1 =	vpop (erf)  }
0x1a5: {  	v13 =	vld.idx.msk [tilespmem:v53+s3+$0x0], $0xffff;
	v2 =	vpop (erf)  }
0x1a6: {  	v8 =	vmul.f32 v8, v27;
	[tilespmem:s23+$0x1D880] =	vst v14;
	v11 =	vld [tilespmem:s25+$0x50];
	v3 =	vpop (erf)  }
0x1a7: {  	v61 =	vld.idx.msk [tilespmem:v55+s3+$0x0], $0xffff;
	v7 =	vmul.f32 v7, v54;
	[tilespmem:s21+$0xB0] =	vst v4;
	v4 =	vpop (erf)  }
0x1a8: {  	v62 =	vld.idx.msk [tilespmem:v33+s3+$0x0], $0xffff;
	[tilespmem:s23+$0x1D800] =	vst v8;
	v8 =	vmul.f32 v23, v28;
	v14 =	vpop (erf)  }
0x1a9: {  	[tilespmem:s23+$0x1D780] =	vst v7;
	v7 =	vmul.f32 v12, v14;
	v14 =	vld.idx.msk [tilespmem:v29+s3+$0x0], $0xffff  }
0x1aa: {  	[tilespmem:s21+$0xFFFFFF50] =	vst v8;
	v8 =	vmul.f32 v15, v30;
	v12 =	vld.idx.msk [tilespmem:v56+s3+$0x0], $0xffff  }
0x1ab: {  	v63 =	vld.idx.msk [tilespmem:v34+s3+$0x0], $0xffff;
	[tilespmem:s21+$0xFFFFFF40] =	vst v7;
	v7 =	vmul.f32 v13, v57  }
0x1ac: {  	[tilespmem:s21+$0xFFFFFF70] =	vst v8;
	v8 =	vmul.f32 v61, v32;
	v13 =	vld.idx.msk [tilespmem:v58+s3+$0x0], $0xffff  }
0x1ad: {  	v15 =	vld.idx.msk [tilespmem:v59+s3+$0x0], $0xffff;
	[tilespmem:s21+$0xFFFFFF60] =	vst v7;
	v7 =	vmul.f32 v60, v31  }
0x1ae: {  	[tilespmem:s21+$0xFFFFFF90] =	vst v8;
	v11 =	vld.idx.msk [tilespmem:v11+s3+$0x0], $0xffff;
	v8 =	vmul.f32 v14, v10  }
0x1af: {  	[tilespmem:s21+$0xFFFFFF80] =	vst v7;
	v7 =	vmul.f32 v12, v9;
	v9 =	vld.idx.msk [tilespmem:v35+s3+$0x0], $0xffff  }
0x1b0: {  	v10 =	vmul.f32 v62, v40;
	v12 =	vld.idx.msk [tilespmem:v37+s3+$0x0], $0xffff;
	[tilespmem:s21+$0xFFFFFFB0] =	vst v8  }
0x1b1: {  	[tilespmem:s21+$0xFFFFFFA0] =	vst v7;
	v7 =	vmul.f32 v13, v36;
	v13 =	vld.idx.msk [tilespmem:v39+s3+$0x0], $0xffff  }
0x1b2: {  	v8 =	vmul.f32 v15, v38;
	[tilespmem:s21+$0xFFFFFFF0] =	vst v10;
	v10 =	vld.idx.msk [tilespmem:v48+s3+$0x0], $0xffff  }
0x1b3: {  	v14 =	vmul.f32 v63, v41;
	[tilespmem:s21+$0xFFFFFFD0] =	vst v7;
	v7 =	vld.idx.msk [tilespmem:v42+s3+$0x0], $0xffff  }
0x1b4: {  	[tilespmem:s21+$0xFFFFFFE0] =	vst v8;
	v8 =	vld.idx.msk [tilespmem:v44+s3+$0x0], $0xffff;
	v15 =	vmul.f32 v9, v43  }
0x1b5: {  	[tilespmem:s21+$0x0] =	vst v14;
	v9 =	vld.idx.msk [tilespmem:v46+s3+$0x0], $0xffff;
	v14 =	vmul.f32 v12, v45  }
0x1b6: {  	s26 =	simm.s32 $0x1D7C0;
	s23 =	simm.s32 $0x0;
	s25 =	simm.s32 $0x1B950;
	v12 =	vld.idx.msk [tilespmem:v49+s3+$0x0], $0xffff;
	[tilespmem:s21+$0x10] =	vst v15;
	v13 =	vmul.f32 v13, v47  }
.LBB2_17:
0x1b7: {  	v15 =	vld [tilespmem:s25+$0xB0];
	[tilespmem:s21+$0x20] =	vst v14;
	v6 =	vmul.f32 v11, v6;
	s22 =	sadd.s32 $0x190, s22;
	s26 =	sadd.s32 $0x190, s26  }
0x1b8: {  	s23 =	sadd.s32 $0x19, s23;
	v5 =	vmul.f32 v7, v5;
	s28 =	sand.u32 $0xFF0, s22;
	v11 =	vld [tilespmem:s26+$0xB0];
	[tilespmem:s21+$0x30] =	vst v13  }
0x1b9: {  	p1 =	slt.u32 s23, $0xE1;
	v1 =	vmul.f32 v8, v1;
	v7 =	vld [tilespmem:s28+$0x1D880];
	[tilespmem:s21+$0x50] =	vst v6  }
0x1ba: {  	v2 =	vmul.f32 v9, v2;
	v6 =	vld [tilespmem:s28+$0x1D780];
	[tilespmem:s21+$0x60] =	vst v5  }
0x1bb: {  	v5 =	vld [tilespmem:s28+$0x1D800];
	[tilespmem:s21+$0x70] =	vst v1;
	v1 =	vmul.f32 v10, v3  }
0x1bc: {  	v3 =	vld [tilespmem:s28+$0x1B880];
	[tilespmem:s21+$0x80] =	vst v2;
	v2 =	vmul.f32 v12, v4  }
0x1bd: {  	v4 =	vld [tilespmem:s28+$0x1B780];
	v8 =	vmul.f32 $1.442695020e+00, v11;
	[tilespmem:s21+$0x90] =	vst v1  }
0x1be: {  	v1 =	vld [tilespmem:s28+$0x1B800];
	v7 =	vmul.f32 $1.442695020e+00, v7;
	[tilespmem:s21+$0xA0] =	vst v2;
	s21 =	smov.u32 s26  }
0x1bf: {  	v2 =	vld [tilespmem:s26+$0xFFFFFF50];
	v6 =	vmul.f32 $1.442695020e+00, v6;
	(erf) = vpow2.f32 v8  }
0x1c0: {  	v8 =	vld [tilespmem:s26+$0xFFFFFF60];
	v5 =	vmul.f32 $1.442695020e+00, v5;
	(erf) = vpow2.f32 v7  }
0x1c1: {  	v7 =	vld [tilespmem:s26+$0xFFFFFF70];
	(erf) = vpow2.f32 v6  }
0x1c2: {  	v6 =	vld [tilespmem:s26+$0xFFFFFF80];
	(erf) = vpow2.f32 v5  }
0x1c3: {  	v5 =	vld.idx.msk [tilespmem:v15+s3+$0x0], $0xffff  }
0x1c4: {  	v2 =	vmul.f32 $1.442695020e+00, v2;
	v3 =	vld.idx.msk [tilespmem:v3+s3+$0x0], $0xffff  }
0x1c5: {  	v8 =	vmul.f32 $1.442695020e+00, v8;
	v4 =	vld.idx.msk [tilespmem:v4+s3+$0x0], $0xffff  }
0x1c6: {  	v9 =	vmul.f32 $1.442695020e+00, v7;
	v1 =	vld.idx.msk [tilespmem:v1+s3+$0x0], $0xffff;
	(erf) = vpow2.f32 v2  }
0x1c7: {  	v10 =	vmul.f32 $1.442695020e+00, v6;
	v6 =	vld [tilespmem:s26+$0xFFFFFF90];
	(erf) = vpow2.f32 v8  }
0x1c8: {  	v8 =	vld [tilespmem:s26+$0xFFFFFFA0];
	(erf) = vpow2.f32 v9;
	v7 =	vpop (erf)  }
0x1c9: {  	v9 =	vld [tilespmem:s26+$0xFFFFFFB0];
	v11 =	vmul.f32 v5, v7;
	(erf) = vpow2.f32 v10;
	v2 =	vpop (erf)  }
0x1ca: {  	v7 =	vld [tilespmem:s26+$0xFFFFFFD0];
	v2 =	vmul.f32 v3, v2;
	v3 =	vpop (erf)  }
0x1cb: {  	v3 =	vmul.f32 v4, v3;
	v4 =	vld [tilespmem:s26+$0xFFFFFFE0];
	[tilespmem:s26+$0xB0] =	vst v11;
	v5 =	vpop (erf)  }
0x1cc: {  	v6 =	vmul.f32 $1.442695020e+00, v6;
	v10 =	vld [tilespmem:s26+$0xFFFFFFF0];
	v1 =	vmul.f32 v1, v5;
	[tilespmem:s28+$0x1D880] =	vst v2  }
0x1cd: {  	v2 =	vmul.f32 $1.442695020e+00, v8;
	[tilespmem:s28+$0x1D780] =	vst v3;
	v3 =	vld [tilespmem:s26+$0x0]  }
0x1ce: {  	v5 =	vmul.f32 $1.442695020e+00, v9;
	v8 =	vld [tilespmem:s26+$0x10];
	[tilespmem:s28+$0x1D800] =	vst v1;
	(erf) = vpow2.f32 v6  }
0x1cf: {  	v1 =	vmul.f32 $1.442695020e+00, v7;
	v6 =	vld [tilespmem:s26+$0x20];
	v7 =	vpop (erf);
	(erf) = vpow2.f32 v2  }
0x1d0: {  	v2 =	vmul.f32 $1.442695020e+00, v4;
	v4 =	vld [tilespmem:s26+$0x30];
	v9 =	vpop (erf);
	(erf) = vpow2.f32 v5  }
0x1d1: {  	v5 =	vmul.f32 $1.442695020e+00, v10;
	v10 =	vld [tilespmem:s26+$0x50];
	v11 =	vpop (erf);
	(erf) = vpow2.f32 v1  }
0x1d2: {  	v1 =	vmul.f32 $1.442695020e+00, v3;
	v3 =	vld [tilespmem:s26+$0x60];
	v12 =	vpop (erf);
	(erf) = vpow2.f32 v2  }
0x1d3: {  	v2 =	vmul.f32 $1.442695020e+00, v8;
	v8 =	vld [tilespmem:s26+$0x70];
	(erf) = vpow2.f32 v5  }
0x1d4: {  	v5 =	vmul.f32 $1.442695020e+00, v6;
	v6 =	vld [tilespmem:s26+$0x80];
	(erf) = vpow2.f32 v1  }
0x1d5: {  	v1 =	vmul.f32 $1.442695020e+00, v4;
	v4 =	vld [tilespmem:s26+$0x90];
	(erf) = vpow2.f32 v2  }
0x1d6: {  	v2 =	vmul.f32 $1.442695020e+00, v10;
	v10 =	vld [tilespmem:s26+$0xA0];
	(erf) = vpow2.f32 v5  }
0x1d7: {  	v5 =	vld [tilespmem:s26+$0xFFFFFF40];
	v3 =	vmul.f32 $1.442695020e+00, v3;
	v13 =	vpop (erf);
	(erf) = vpow2.f32 v1  }
0x1d8: {  	v14 =	vld [tilespmem:s25+$0xFFFFFF40];
	v1 =	vmul.f32 $1.442695020e+00, v8;
	v8 =	vpop (erf);
	(erf) = vpow2.f32 v2  }
0x1d9: {  	v15 =	vld [tilespmem:s25+$0xFFFFFF50];
	v2 =	vmul.f32 $1.442695020e+00, v6;
	v16 =	vpop (erf);
	(erf) = vpow2.f32 v3  }
0x1da: {  	v17 =	vld [tilespmem:s25+$0xFFFFFF60];
	v3 =	vmul.f32 $1.442695020e+00, v4;
	v18 =	vpop (erf);
	(erf) = vpow2.f32 v1  }
0x1db: {  	v19 =	vld [tilespmem:s25+$0xFFFFFF70];
	v1 =	vmul.f32 $1.442695020e+00, v10;
	v10 =	vpop (erf);
	(erf) = vpow2.f32 v2  }
0x1dc: {  	v2 =	vmul.f32 $1.442695020e+00, v5;
	v20 =	vld [tilespmem:s25+$0xFFFFFF80];
	v21 =	vpop (erf);
	(erf) = vpow2.f32 v3  }
0x1dd: {  	v22 =	vld [tilespmem:s25+$0xFFFFFF90];
	v23 =	vpop (erf);
	(erf) = vpow2.f32 v1  }
0x1de: {  	v24 =	vld [tilespmem:s25+$0xFFFFFFA0];
	(erf) = vpow2.f32 v2;
	v25 =	vpop (erf)  }
0x1df: {  	v26 =	vld [tilespmem:s25+$0xFFFFFFB0];
	v27 =	vpop (erf)  }
0x1e0: {  	v28 =	vld [tilespmem:s25+$0xFFFFFFD0];
	v29 =	vpop (erf)  }
0x1e1: {  	v30 =	vld [tilespmem:s25+$0xFFFFFFE0];
	v6 =	vpop (erf)  }
0x1e2: {  	v31 =	vld [tilespmem:s25+$0xFFFFFFF0];
	v5 =	vpop (erf)  }
0x1e3: {  	v32 =	vld [tilespmem:s25+$0x0];
	v1 =	vpop (erf)  }
0x1e4: {  	v33 =	vld [tilespmem:s25+$0x10];
	v2 =	vpop (erf)  }
0x1e5: {  	v34 =	vld [tilespmem:s25+$0x20];
	v3 =	vpop (erf)  }
0x1e6: {  	v35 =	vld [tilespmem:s25+$0x30];
	v4 =	vpop (erf)  }
0x1e7: {  	v36 =	vld [tilespmem:s25+$0x50];
	v37 =	vpop (erf)  }
0x1e8: {  	v38 =	vld [tilespmem:s25+$0x60]  }
0x1e9: {  	v39 =	vld [tilespmem:s25+$0x70]  }
0x1ea: {  	v40 =	vld [tilespmem:s25+$0x80]  }
0x1eb: {  	v41 =	vld [tilespmem:s25+$0x90]  }
0x1ec: {  	v42 =	vld [tilespmem:s25+$0xA0]  }
0x1ed: {  	v14 =	vld.idx.msk [tilespmem:v14+s3+$0x0], $0xffff  }
0x1ee: {  	v15 =	vld.idx.msk [tilespmem:v15+s3+$0x0], $0xffff  }
0x1ef: {  	v17 =	vld.idx.msk [tilespmem:v17+s3+$0x0], $0xffff  }
0x1f0: {  	v19 =	vld.idx.msk [tilespmem:v19+s3+$0x0], $0xffff  }
0x1f1: {  	v20 =	vld.idx.msk [tilespmem:v20+s3+$0x0], $0xffff  }
0x1f2: {  	v22 =	vld.idx.msk [tilespmem:v22+s3+$0x0], $0xffff  }
0x1f3: {  	v14 =	vmul.f32 v14, v37;
	v24 =	vld.idx.msk [tilespmem:v24+s3+$0x0], $0xffff  }
0x1f4: {  	v7 =	vmul.f32 v15, v7;
	v15 =	vld.idx.msk [tilespmem:v26+s3+$0x0], $0xffff  }
0x1f5: {  	v9 =	vmul.f32 v17, v9;
	[tilespmem:s26+$0xFFFFFF40] =	vst v14;
	v14 =	vld.idx.msk [tilespmem:v28+s3+$0x0], $0xffff  }
0x1f6: {  	[tilespmem:s26+$0xFFFFFF50] =	vst v7;
	v7 =	vmul.f32 v19, v11;
	v11 =	vld.idx.msk [tilespmem:v30+s3+$0x0], $0xffff  }
0x1f7: {  	[tilespmem:s26+$0xFFFFFF60] =	vst v9;
	v9 =	vmul.f32 v20, v12;
	v12 =	vld.idx.msk [tilespmem:v31+s3+$0x0], $0xffff  }
0x1f8: {  	[tilespmem:s26+$0xFFFFFF70] =	vst v7;
	v7 =	vmul.f32 v22, v13;
	v13 =	vld.idx.msk [tilespmem:v32+s3+$0x0], $0xffff  }
0x1f9: {  	v8 =	vmul.f32 v24, v8;
	[tilespmem:s26+$0xFFFFFF80] =	vst v9;
	v9 =	vld.idx.msk [tilespmem:v33+s3+$0x0], $0xffff  }
0x1fa: {  	[tilespmem:s26+$0xFFFFFF90] =	vst v7;
	v7 =	vmul.f32 v15, v16;
	v15 =	vld.idx.msk [tilespmem:v34+s3+$0x0], $0xffff  }
0x1fb: {  	[tilespmem:s26+$0xFFFFFFA0] =	vst v8;
	v8 =	vmul.f32 v14, v18;
	v16 =	vld.idx.msk [tilespmem:v35+s3+$0x0], $0xffff  }
0x1fc: {  	v10 =	vmul.f32 v11, v10;
	[tilespmem:s26+$0xFFFFFFB0] =	vst v7;
	v11 =	vld.idx.msk [tilespmem:v36+s3+$0x0], $0xffff  }
.Ltmp9:
0x1fd: {  	v12 =	vmul.f32 v12, v21;
	[tilespmem:s26+$0xFFFFFFD0] =	vst v8;
	v7 =	vld.idx.msk [tilespmem:v38+s3+$0x0], $0xffff;
	(pc) =	sbr.rel @p1 .LBB2_17-.Ltmp9, $4  }
0x1fe: {  	[tilespmem:s26+$0xFFFFFFE0] =	vst v10;
	v10 =	vmul.f32 v13, v23;
	v8 =	vld.idx.msk [tilespmem:v39+s3+$0x0], $0xffff  }
0x1ff: {  	[tilespmem:s26+$0xFFFFFFF0] =	vst v12;
	v12 =	vmul.f32 v9, v25;
	v9 =	vld.idx.msk [tilespmem:v40+s3+$0x0], $0xffff  }
0x200: {  	v14 =	vmul.f32 v15, v27;
	[tilespmem:s26+$0x0] =	vst v10;
	v10 =	vld.idx.msk [tilespmem:v41+s3+$0x0], $0xffff  }
0x201: {  	s25 =	sadd.s32 $0x190, s25;
	v13 =	vmul.f32 v16, v29;
	[tilespmem:s26+$0x10] =	vst v12;
	v12 =	vld.idx.msk [tilespmem:v42+s3+$0x0], $0xffff  }
0x202: {  	[tilespmem:s21+$0x20] =	vst v14;
	v6 =	vmul.f32 v11, v6  }
0x203: {  	v5 =	vmul.f32 v7, v5;
	[tilespmem:s21+$0x30] =	vst v13  }
0x204: {  	v1 =	vmul.f32 v8, v1;
	[tilespmem:s21+$0x50] =	vst v6  }
0x205: {  	[tilespmem:s21+$0x60] =	vst v5;
	v2 =	vmul.f32 v9, v2  }
0x206: {  	[tilespmem:s21+$0x70] =	vst v1;
	v1 =	vmul.f32 v10, v3  }
0x207: {  	[tilespmem:s21+$0x80] =	vst v2;
	v2 =	vmul.f32 v12, v4  }
0x208: {  	p1 =	seq.s32 s20, $0x18;
	[tilespmem:s21+$0x90] =	vst v1  }
.Ltmp10:
0x209: {  	[tilespmem:s21+$0xA0] =	vst v2;
	(pc) =	sbr.rel @p1 .LBB2_20-.Ltmp10, $4  }
0x20a: {  	[spmem:s2] =	stream.indirect.scatter.add.f32 [tilespmem:s30], [sflag:$0x4], $0x1, s9, s10, $0xb8;
	[tilespmem:$0x1FF80] =	vst v63  }
0x20b: {  	_ =	swait.ge [sflag:s12], $0xFA0  }
0x20c: {  	[sflag:s12] =	ssyncset.done $0x0  }
0x20d: {  	[sflag:s12] =	ssyncadd.s32 $0xFFFFF060  }
0x20e: {  	s21 =	smul.u32 $0x1F40, s20;
	_ =	sdelay $0x1  }
0x20f: {  	s21 =	sadd.s32 s21, s24  }
0x210: {  	s21 =	sshrl.u32 s21, $0x3  }
0x211: {  	s22 =	sadd.s32 s5, s21  }
0x212: {  	[tilespmem:s6], [sflag:$0x1] =	stream.linear.gather [hbm4b:s22+s3], $0xFA0, $0x38;
	[tilespmem:$0x1FF80] =	vst v63  }
.Ltmp11:
0x213: {  	_ = 	snop;
	(pc) =	sbr.rel .LBB2_14-.Ltmp11, $4  }
0x214: {  	s22 =	sadd.s32 $0xC3500, s22  }
0x215: {  	[tilespmem:s7], [sflag:$0x1] =	stream.linear.gather [hbm4b:s22+s3], $0xFA0, $0x38;
	[tilespmem:$0x1FF80] =	vst v63  }
0x216: {  	s20 =	sadd.s32 $0x1, s20;
	s21 =	sadd.s32 s1, s21  }
0x217: {  	[tilespmem:s29], [sflag:$0x1] =	stream.linear.gather [hbm4b:s21+s3], $0xFA0, $0x38;
	[tilespmem:$0x1FF80] =	vst v63  }
.LBB2_21:
0x218: {  	_ =	sfence.sel $0x180000  }
0x219: {  	[bflag:$0x0] =	sbarrier.arrive $0xFFFF  }
0x21a: {  	_ =	strace $0x90000050  }
0x21b: {  	s0 =	stileid.u32;
	[bflag:$0x2] =	sbarrier.arrive $0xFFFF  }
0x21c: {  	p0 =	sne.s32 s0, $0x0;
	s0 =	rddreg [dreg:$0x3]  }
0x21d: {  	s0 =	sadd.s32 @!p0 $0x100000, s0  }
0x21e: {  	[sflag:s0] =	ssyncadd.tile.s32 @!p0 $0x1;
	_ =	shalt  }
.Lfunc_end2:
_tile_overlayer_lowered:
.L_overlay_start_2:
0x21f: {  	(tag) =	ssettag $0x2  }
0x220: {  	s0 =	rddreg [dreg:$0x0];
	s2 =	stileid.u32  }
0x221: {  	s1 =	rddreg [dreg:$0x1];
	p0 =	sne.s32 s2, $0x0  }
0x222: {  	s3 =	rddreg [dreg:$0x2];
	[bflag:$0x3] =	sbarrier.arrive $0xFFFF;
	s2 =	simm.s32 @!p0 $0x1C05  }
0x223: {  	[timem:s3], [sflag:s2] =	dma.local @!p0 [hbm:s0], s1  }
0x224: {  	s0 =	simm.s32 @!p0 $0x5  }
0x225: {  	_ =	swait.ge @!p0 [sflag:s0], s1  }
0x226: {  	s1 =	ssub.s32 @!p0 $0x0, s1;
	[sflag:s0] =	ssyncset.done @!p0 $0x0  }
0x227: {  	[sflag:s0] =	ssyncadd.s32 @!p0 s1  }
0x228: {  	[bflag:$0x3] =	sbarrier.arrive $0xFFFF  }
0x229: {  	_ =	shalt  }

// kernel: kernel.16.cloned.1.call-start
scs
__scs_entry_jumppad:
0x0: {  	(pc) =	sbr.rel $0x88, $3  }
0x1: {  	(tag) =	ssettag $0x0;
	lr =	simm.s32 $0x1  }
0x2: {  	[smem:$0x3F95] =	sst lr;
	_ =	strace $0xD0000000  }
0x3: {  	_ = 	snop  }
0x4: {  	_ = 	snop  }
0x5: {  	_ = 	snop  }
0x6: {  	_ = 	snop  }
0x7: {  	_ = 	snop  }
__scs_overlays_trampoline_lowered:
0x8: {  	[smem:$0x3FA4] =	sst s0  }
0x9: {  	[smem:$0x3FA5] =	sst s1  }
0xa: {  	[smem:$0x3FA6] =	sst s2  }
0xb: {  	[smem:$0x3FA7] =	sst s3  }
0xc: {  	[smem:$0x3FA8] =	sst s4  }
0xd: {  	[smem:$0x3FA9] =	sst s5  }
0xe: {  	[smem:$0x3FAA] =	sst s6  }
0xf: {  	[smem:$0x3FAB] =	sst s7  }
0x10: {  	[smem:$0x3FAC] =	sst s8  }
0x11: {  	[smem:$0x3FAD] =	sst s9;
	s0 =	simm.s32 @!p0 $0x0  }
0x12: {  	s1 =	sld [smem:$0x3F93];
	s0 =	simm.s32 @p0 $0x1  }
0x13: {  	[smem:$0x3FAE] =	sst s0;
	s0 =	simm.s32 @!p1 $0x0  }
0x14: {  	s2 =	sld [smem:$0x3F92];
	s0 =	simm.s32 @p1 $0x1  }
0x15: {  	[smem:$0x3FAF] =	sst s0;
	s0 =	simm.s32 @!p2 $0x0  }
0x16: {  	s3 =	sld [smem:$0x3FDB];
	s0 =	simm.s32 @p2 $0x1  }
0x17: {  	s4 =	simm.s32 $0x1BF5;
	[smem:$0x3FB1] =	sst s0  }
0x18: {  	s0 =	sld [smem:$0x3F94];
	_ =	swait.ge [sflag:s4], $0x0  }
0x19: {  	s7 =	sld [smem:$0x3F95]  }
0x1a: {  	s8 =	sadd.s32 $0xFFFFE003, lr  }
0x1b: {  	s9 =	sadd.s32 $0xFFFFFEF7, lr;
	s5 =	simm.s32 $0xFFFFFFFF;
	p2 =	slt.u32 s8, $0xFFFFF086  }
0x1c: {  	p1 =	slt.u32 s9, $0xF7A;
	s5 =	simm.s32 @!p2 $0x0  }
0x1d: {  	s5 =	simm.s32 @p1 $0x1;
	p0 =	seq.s32 s7, s2  }
0x1e: {  	s7 =	smul.u32 @!p0 $0xF7A, s2;
	p2 =	seq.s32 @!p0 s5, $0x0  }
0x1f: {  	s9 =	smul.u32 $0xF7A, s1;
	s8 =	simm.s32 @!p0 $0x1BF5;
	p2 =	por !p2, p0  }
0x20: {  	[sflag:s8] =	ssyncset.s32 @!p0 $0xFFFFF086;
	s6 =	sadd.s32 @!p0 s3, s7;
	s7 =	simm.s32 @!p0 $0x108  }
0x21: {  	s3 =	sadd.s32 s3, s9;
	s6 =	sadd.s32 @!p0 $0x88, s6;
	s7 =	simm.s32 @p2 $0x1082  }
0x22: {  	[simem:s7], [sflag:s8] =	dma.local @!p0 [hbm:s6], $0xF7A  }
0x23: {  	s9 =	sor.u32 $0xD0000000, s2;
	s6 =	simm.s32 $0x108;
	_ =	swait.ge @!p0 [sflag:s8], $0x0  }
0x24: {  	s3 =	sadd.s32 $0x88, s3;
	s6 =	simm.s32 @!p1 $0x1082;
	[sflag:s4] =	ssyncset.s32 $0xFFFFF086  }
0x25: {  	[simem:s6], [sflag:s4] =	dma.local [hbm:s3], $0xF7A  }
0x26: {  	[smem:$0x3F95] =	sst s1;
	(tag) =	ssettag s2;
	_ =	strace s9  }
0x27: {  	s1 =	sld [smem:$0x3FA5]  }
0x28: {  	s2 =	sld [smem:$0x3FA6]  }
0x29: {  	s4 =	sld [smem:$0x3FA8]  }
0x2a: {  	p0 =	seq.s32 s5, $0x0;
	s5 =	sld [smem:$0x3FA9]  }
0x2b: {  	s6 =	sld [smem:$0x3FAA]  }
0x2c: {  	s7 =	sld [smem:$0x3FAB]  }
0x2d: {  	s3 =	simm.s32 $0x108;
	s8 =	sld [smem:$0x3FAC]  }
0x2e: {  	s3 =	simm.s32 @!p0 $0x1082;
	s9 =	sld [smem:$0x3FAD]  }
0x2f: {  	lr =	sadd.s32 s0, s3;
	s0 =	sld [smem:$0x3FA4]  }
0x30: {  	s3 =	sld [smem:$0x3FA7]  }
0x31: {  	[smem:$0x3FB0] =	sst s10  }
0x32: {  	s10 =	sld [smem:$0x3FAE];
	_ =	sdelay $0x3  }
0x33: {  	p0 =	seq.s32 s10, $0x1;
	s10 =	sld [smem:$0x3FB0];
	_ =	sdelay $0x3  }
0x34: {  	[smem:$0x3FB0] =	sst s10  }
0x35: {  	s10 =	sld [smem:$0x3FAF];
	_ =	sdelay $0x3  }
0x36: {  	p1 =	seq.s32 s10, $0x1;
	s10 =	sld [smem:$0x3FB0];
	_ =	sdelay $0x3  }
0x37: {  	[smem:$0x3FB0] =	sst s10  }
0x38: {  	s10 =	sld [smem:$0x3FB1]  }
0x39: {  	_ = 	snop;
	(pc) =	sbr.ind lr, $3  }
0x3a: {  	_ = 	snop  }
0x3b: {  	_ = 	snop  }
0x3c: {  	p2 =	seq.s32 s10, $0x1;
	s10 =	sld [smem:$0x3FB0]  }
0x3d: {  	_ =	shalt  }
0x3e: {  	_ =	shalt  }
0x3f: {  	_ =	shalt  }
0x40: {  	_ =	shalt  }
0x41: {  	_ =	shalt  }
0x42: {  	_ =	shalt  }
0x43: {  	_ =	shalt  }
0x44: {  	_ =	shalt  }
0x45: {  	_ =	shalt  }
0x46: {  	_ =	shalt  }
0x47: {  	_ =	shalt  }
0x48: {  	_ =	shalt  }
0x49: {  	_ =	shalt  }
0x4a: {  	_ =	shalt  }
0x4b: {  	_ =	shalt  }
0x4c: {  	_ =	shalt  }
0x4d: {  	_ =	shalt  }
0x4e: {  	_ =	shalt  }
0x4f: {  	_ =	shalt  }
0x50: {  	_ =	shalt  }
0x51: {  	_ =	shalt  }
0x52: {  	_ =	shalt  }
0x53: {  	_ =	shalt  }
0x54: {  	_ =	shalt  }
0x55: {  	_ =	shalt  }
0x56: {  	_ =	shalt  }
0x57: {  	_ =	shalt  }
0x58: {  	_ =	shalt  }
0x59: {  	_ =	shalt  }
0x5a: {  	_ =	shalt  }
0x5b: {  	_ =	shalt  }
0x5c: {  	_ =	shalt  }
0x5d: {  	_ =	shalt  }
0x5e: {  	_ =	shalt  }
0x5f: {  	_ =	shalt  }
0x60: {  	_ =	shalt  }
0x61: {  	_ =	shalt  }
0x62: {  	_ =	shalt  }
0x63: {  	_ =	shalt  }
0x64: {  	_ =	shalt  }
0x65: {  	_ =	shalt  }
0x66: {  	_ =	shalt  }
0x67: {  	_ =	shalt  }
0x68: {  	_ =	shalt  }
0x69: {  	_ =	shalt  }
0x6a: {  	_ =	shalt  }
0x6b: {  	_ =	shalt  }
0x6c: {  	_ =	shalt  }
0x6d: {  	_ =	shalt  }
0x6e: {  	_ =	shalt  }
0x6f: {  	_ =	shalt  }
0x70: {  	_ =	shalt  }
0x71: {  	_ =	shalt  }
0x72: {  	_ =	shalt  }
0x73: {  	_ =	shalt  }
0x74: {  	_ =	shalt  }
0x75: {  	_ =	shalt  }
0x76: {  	_ =	shalt  }
0x77: {  	_ =	shalt  }
0x78: {  	_ =	shalt  }
0x79: {  	_ =	shalt  }
0x7a: {  	_ =	shalt  }
0x7b: {  	_ =	shalt  }
0x7c: {  	_ =	shalt  }
0x7d: {  	_ =	shalt  }
0x7e: {  	_ =	shalt  }
0x7f: {  	_ =	shalt  }
0x80: {  	_ =	shalt  }
0x81: {  	_ =	shalt  }
0x82: {  	_ =	shalt  }
0x83: {  	_ =	shalt  }
0x84: {  	_ =	shalt  }
0x85: {  	_ =	shalt  }
0x86: {  	_ =	shalt  }
0x87: {  	_ =	shalt  }
.Lfunc_end0:
.L_simem_size_0:
called_computation.4_lowered:
.L_overlay_start_0:
0x88: {  	s2 =	sld [smem:$0x3FD9]  }
0x89: {  	s3 =	sld [smem:$0x3FFE];
	_ =	sdelay $0x1  }
0x8a: {  	s1 =	srdreg.scid  }
0x8b: {  	s0 =	sand.u32 $0x1, s1  }
0x8c: {  	s16 =	sshll.u32 s0, $0xA;
	s2 =	sadd.s32 s3, s2  }
0x8d: {  	s2 =	sadd.s32 s2, s16  }
0x8e: {  	[smem:$0x3FBC] =	sst s2  }
0x8f: {  	_ = 	snop  }
0x90: {  	(tm) =	ssettm $0x1  }
0x91: {  	s17 =	sld [smem:$0x3FFB];
	_ =	sdelay $0x3  }
0x92: {  	_ =	strace s17  }
0x93: {  	s2 =	sld [smem:$0x3FFC];
	_ =	sdelay $0x3  }
0x94: {  	_ =	strace s2  }
0x95: {  	s2 =	sld [smem:$0x3FFD];
	_ =	sdelay $0x3  }
0x96: {  	_ =	strace s2  }
0x97: {  	_ =	strace $0x8FFFFFFF  }
0x98: {  	s18 =	sld [smem:$0x3FDB];
	_ =	sdelay $0x1  }
0x99: {  	s19 =	simm.s32 $_scs_section_size  }
0x9a: {  	s4 =	simm.s32 $_size__tile_overlayer_lowered;
	s5 =	simm.s32 $_tile_overlayer_lowered  }
0x9b: {  	s22 =	simm.s32 $0x1BFF;
	s21 =	sshll.u32 s5, $0x1;
	s2 =	sadd.s32 s19, s18  }
0x9c: {  	s6 =	simm.s32 $0x0;
	s20 =	sshll.u32 s4, $0x1;
	s4 =	sadd.s32 s21, s2  }
0x9d: {  	[timem:s6], [sflag:s22] =	dma.local [hbm:s4], s20  }
0x9e: {  	_ =	swait.ge [sflag:s22], s20  }
0x9f: {  	s3 =	ssub.s32 $0x0, s20;
	[sflag:s22] =	ssyncset.done $0x0  }
0xa0: {  	[sflag:s22] =	ssyncadd.s32 s3;
	_ =	sdelay $0x1  }
0xa1: {  	s23 =	simm.s32 $0x1B8B  }
0xa2: {  	_ =	swait.ge [sflag:s23], $0x1  }
0xa3: {  	[sflag:s23] =	ssyncset.done $0x0  }
0xa4: {  	s25 =	simm.s32 $0x1B8E;
	s24 =	sld [smem:$0x3FFE];
	[sflag:s23] =	ssyncadd.s32 $0xFFFFFFFF  }
0xa5: {  	s26 =	simm.s32 $execute0_lowered;
	[smem:$0x3FD2] =	sst s25  }
0xa6: {  	s4 =	sshll.u32 s26, $0x1;
	_ =	strace $0x80000052;
	[dreg:$0x1] =	wrdreg $0xFFFFFFFF  }
0xa7: {  	s28 =	simm.s32 $_size_execute0_lowered;
	s2 =	sadd.s32 s2, s4;
	[dreg:$0x0] =	wrdreg $0x0  }
0xa8: {  	s4 =	sshll.u32 s28, $0x1;
	[dreg:$0x2] =	wrdreg s2  }
0xa9: {  	[dreg:$0x3] =	wrdreg s4  }
0xaa: {  	[dreg:$0x4] =	wrdreg $0xC0  }
0xab: {  	_ =	task [dreg:s6], $0x5FFFF  }
0xac: {  	[dreg:$0x1] =	wrdreg $0xFFFFFFFF  }
0xad: {  	[dreg:$0x0] =	wrdreg $0x60  }
0xae: {  	[dreg:$0x2] =	wrdreg s24  }
0xaf: {  	[dreg:$0x3] =	wrdreg $0x9  }
0xb0: {  	_ =	task.clear_ibuf [dreg:s6], $0x4FFFF;
	_ =	strace $0x90000052  }
0xb1: {  	s29 =	simm.s32 $0x9;
	_ =	strace $0x80000054  }
0xb2: {  	_ =	swait.ge [sflag:s29], $0x1  }
0xb3: {  	[sflag:s29] =	ssyncadd.s32 $0xFFFFFFFF  }
0xb4: {  	_ =	strace $0x90000054  }
0xb5: {  	_ =	sfence  }
0xb6: {  	s30 =	sld [smem:$0x0];
	_ =	sdelay $0x2  }
0xb7: {  	s31 =	sshll.u32 s1, $0xD;
	s1 =	sshrl.u32 s1, $0x2  }
0xb8: {  	s3 =	sand.u32 $0x4000, s31;
	s1 =	sadd.s32 s1, s30  }
0xb9: {  	s0 =	sor.u32 s3, s0;
	s1 =	sshll.u32 s1, $0x11  }
0xba: {  	s0 =	sor.u32 s1, s0  }
0xbb: {  	s0 =	sadd.s32 $0x8F2B, s0  }
0xbc: {  	[sflag:s0] =	ssyncadd.remote.s32 $0x1  }
0xbd: {  	_ =	sfence.sel $0xFFFF  }
0xbe: {  	[dreg:$0x0] =	wrdreg $0xFFFFFFFF;
	(pc) =	sbr.abs _section_cstart, $3  }
0xbf: {  	[dreg:$0x1] =	wrdreg $0xFFFFFFFF  }
0xc0: {  	_ =	task.clear_ibuf [dreg:s6], $0x2FFFF;
	_ =	strace $0x9FFFFFFF  }
0xc1: {  	(tm) =	ssettm $0x7FFFFFFF  }
tec
execute0_lowered:
.L_overlay_start_1:
0x0: {  	(tag) =	ssettag $0x1  }
0x1: {  	s3 =	rddreg [dreg:$0x0];
	s1 =	srdreg.scid  }
0x2: {  	s0 =	rddreg [dreg:$0x1];
	s2 =	simm.s32 $0x0;
	s4 =	sand.u32 $0x1, s1  }
0x3: {  	s11 =	simm.s32 $0x680;
	s1 =	stileid.u32;
	s5 =	sshll.u32 s4, $0x4  }
0x4: {  	s12 =	simm.s32 $0x0;
	[smem:$0x7FF] =	sst s2;
	s5 =	sor.u32 s1, s5  }
0x5: {  	s6 =	sadd.s32 $0x18D000, s3;
	s4 =	ssub.s32 $0x2, s4;
	s5 =	smul.u32 $0xC40, s5  }
0x6: {  	s7 =	sadd.s32 $0x190200, s3;
	s8 =	sadd.s32 $0x3400, s3;
	s31 =	sshrl.u32 s4, $0x1  }
0x7: {  	_ =	strace $0x80000053;
	s9 =	ssub.s32 s4, s31;
	s5 =	sshrl.u32 s5, $0x3  }
0x8: {  	s9 =	smax.u32 s9, $0x1;
	s3 =	sadd.s32 s6, s5;
	s10 =	sadd.s32 $0xC4, s5  }
0x9: {  	s4 =	sadd.s32 s7, s5;
	s5 =	sadd.s32 s8, s5;
	s6 =	sadd.s32 s6, s10  }
0xa: {  	s7 =	sadd.s32 s7, s10;
	s8 =	sadd.s32 s8, s10;
	s10 =	simm.s32 $0x1  }
.LBB2_1:
0xb: {  	[tilespmem:s2], [sflag:$0x1] =	stream.linear.gather [hbm4b:s3+s2], $0x620, $0x38;
	[tilespmem:$0xD00] =	vst v63  }
0xc: {  	_ =	swait.ge [sflag:s10], $0x620  }
0xd: {  	[sflag:s10] =	ssyncset.done $0x0  }
0xe: {  	[sflag:s10] =	ssyncadd.s32 $0xFFFFF9E0  }
0xf: {  	[tilespmem:s11], [sflag:$0x1] =	stream.linear.gather [hbm4b:s4+s2], $0x620, $0x38;
	[tilespmem:$0xD00] =	vst v63  }
0x10: {  	_ =	swait.ge [sflag:s10], $0x620  }
0x11: {  	[sflag:s10] =	ssyncset.done $0x0  }
0x12: {  	s13 =	simm.s32 $0x0;
	[sflag:s10] =	ssyncadd.s32 $0xFFFFF9E0  }
0x13: {  	s14 =	simm.s32 $0x40;
	v0 =	vld [tilespmem:s13+$0x680]  }
.LBB2_2:
0x14: {  	p0 =	sne.s32 s14, $0x1840;
	v1 =	vld [tilespmem:s13+$0x0];
	_ =	sdelay $0x2  }
.Ltmp0:
0x15: {  	(pc) =	sbr.rel @p0 .LBB2_2-.Ltmp0, $4  }
0x16: {  	_ = 	snop  }
0x17: {  	v1 =	vadd.f32 v0, v1  }
0x18: {  	s15 =	sshra.s32 s14, $0x2  }
0x19: {  	s14 =	sadd.s32 $0x40, s14;
	v0 =	vld [tilespmem:s15+$0x680];
	[tilespmem:s13+$0x0] =	vst v1;
	s13 =	smov.u32 s15  }
0x1a: {  	v1 =	vld [tilespmem:s13+$0x0];
	_ =	sdelay $0x4  }
0x1b: {  	v0 =	vadd.f32 v0, v1;
	_ =	sdelay $0x1  }
0x1c: {  	s31 =	simm.s32 $0x0;
	[tilespmem:s13+$0x0] =	vst v0  }
0x1d: {  	[hbm4b:s5+s31] =	stream.linear.scatter [tilespmem:s31], [sflag:$0x1], $0x620, $0x38;
	[tilespmem:$0xD00] =	vst v63  }
0x1e: {  	_ =	swait.ge [sflag:s10], $0x620  }
0x1f: {  	[sflag:s10] =	ssyncset.done $0x0  }
0x20: {  	[sflag:s10] =	ssyncadd.s32 $0xFFFFF9E0  }
0x21: {  	[tilespmem:s31], [sflag:$0x1] =	stream.linear.gather [hbm4b:s6+s31], $0x620, $0x38;
	[tilespmem:$0xD00] =	vst v63  }
0x22: {  	_ =	swait.ge [sflag:s10], $0x620  }
0x23: {  	[sflag:s10] =	ssyncset.done $0x0  }
0x24: {  	[sflag:s10] =	ssyncadd.s32 $0xFFFFF9E0  }
0x25: {  	[tilespmem:s11], [sflag:$0x1] =	stream.linear.gather [hbm4b:s7+s31], $0x620, $0x38;
	[tilespmem:$0xD00] =	vst v63  }
0x26: {  	_ =	swait.ge [sflag:s10], $0x620  }
0x27: {  	[sflag:s10] =	ssyncset.done $0x0  }
0x28: {  	s13 =	simm.s32 $0x0;
	[sflag:s10] =	ssyncadd.s32 $0xFFFFF9E0  }
0x29: {  	s14 =	simm.s32 $0x40;
	v0 =	vld [tilespmem:s13+$0x680]  }
.LBB2_4:
0x2a: {  	p0 =	sne.s32 s14, $0x1840;
	v1 =	vld [tilespmem:s13+$0x0];
	_ =	sdelay $0x2  }
.Ltmp1:
0x2b: {  	(pc) =	sbr.rel @p0 .LBB2_4-.Ltmp1, $4  }
0x2c: {  	_ = 	snop  }
0x2d: {  	v1 =	vadd.f32 v0, v1  }
0x2e: {  	s15 =	sshra.s32 s14, $0x2  }
0x2f: {  	s14 =	sadd.s32 $0x40, s14;
	v0 =	vld [tilespmem:s15+$0x680];
	[tilespmem:s13+$0x0] =	vst v1;
	s13 =	smov.u32 s15  }
0x30: {  	v1 =	vld [tilespmem:s13+$0x0];
	_ =	sdelay $0x4  }
0x31: {  	s12 =	sadd.s32 $0x1, s12;
	v0 =	vadd.f32 v0, v1  }
0x32: {  	p0 =	sne.s32 s12, s9  }
.Ltmp2:
0x33: {  	[tilespmem:s13+$0x0] =	vst v0;
	(pc) =	sbr.rel @p0 .LBB2_1-.Ltmp2, $4  }
0x34: {  	[hbm4b:s8+s2] =	stream.linear.scatter [tilespmem:s2], [sflag:$0x1], $0x620, $0x38;
	[tilespmem:$0xD00] =	vst v63  }
0x35: {  	_ =	swait.ge [sflag:s10], $0x620  }
0x36: {  	[sflag:s10] =	ssyncset.done $0x0  }
0x37: {  	[sflag:s10] =	ssyncadd.s32 $0xFFFFF9E0  }
0x38: {  	_ =	sfence.sel $0x180000  }
0x39: {  	[bflag:$0x0] =	sbarrier.arrive $0xFFFF  }
0x3a: {  	p0 =	sne.s32 s1, $0x0;
	_ =	strace $0x90000053  }
0x3b: {  	s0 =	sadd.s32 @!p0 $0x100000, s0;
	[bflag:$0x2] =	sbarrier.arrive $0xFFFF  }
0x3c: {  	[sflag:s0] =	ssyncadd.tile.s32 @!p0 $0x1;
	_ =	shalt  }
.Lfunc_end2:
_tile_overlayer_lowered:
.L_overlay_start_2:
0x3d: {  	(tag) =	ssettag $0x2  }
0x3e: {  	s0 =	rddreg [dreg:$0x0];
	s2 =	stileid.u32  }
0x3f: {  	s1 =	rddreg [dreg:$0x1];
	p0 =	sne.s32 s2, $0x0  }
0x40: {  	s3 =	rddreg [dreg:$0x2];
	[bflag:$0x3] =	sbarrier.arrive $0xFFFF;
	s2 =	simm.s32 @!p0 $0x1C01  }
0x41: {  	[timem:s3], [sflag:s2] =	dma.local @!p0 [hbm:s0], s1  }
0x42: {  	s0 =	simm.s32 @!p0 $0x1  }
0x43: {  	_ =	swait.ge @!p0 [sflag:s0], s1  }
0x44: {  	s1 =	ssub.s32 @!p0 $0x0, s1;
	[sflag:s0] =	ssyncset.done @!p0 $0x0  }
0x45: {  	[sflag:s0] =	ssyncadd.s32 @!p0 s1  }
0x46: {  	[bflag:$0x3] =	sbarrier.arrive $0xFFFF  }
0x47: {  	_ =	shalt  }

// kernel: kernel.7.cloned.1.call-start
scs
__scs_entry_jumppad:
0x0: {  	(pc) =	sbr.rel $0x88, $3  }
0x1: {  	(tag) =	ssettag $0x0;
	lr =	simm.s32 $0x1  }
0x2: {  	[smem:$0x3F95] =	sst lr;
	_ =	strace $0xD0000000  }
0x3: {  	_ = 	snop  }
0x4: {  	_ = 	snop  }
0x5: {  	_ = 	snop  }
0x6: {  	_ = 	snop  }
0x7: {  	_ = 	snop  }
__scs_overlays_trampoline_lowered:
0x8: {  	[smem:$0x3FA4] =	sst s0  }
0x9: {  	[smem:$0x3FA5] =	sst s1  }
0xa: {  	[smem:$0x3FA6] =	sst s2  }
0xb: {  	[smem:$0x3FA7] =	sst s3  }
0xc: {  	[smem:$0x3FA8] =	sst s4  }
0xd: {  	[smem:$0x3FA9] =	sst s5  }
0xe: {  	[smem:$0x3FAA] =	sst s6  }
0xf: {  	[smem:$0x3FAB] =	sst s7  }
0x10: {  	[smem:$0x3FAC] =	sst s8  }
0x11: {  	[smem:$0x3FAD] =	sst s9;
	s0 =	simm.s32 @!p0 $0x0  }
0x12: {  	s1 =	sld [smem:$0x3F93];
	s0 =	simm.s32 @p0 $0x1  }
0x13: {  	[smem:$0x3FAE] =	sst s0;
	s0 =	simm.s32 @!p1 $0x0  }
0x14: {  	s2 =	sld [smem:$0x3F92];
	s0 =	simm.s32 @p1 $0x1  }
0x15: {  	[smem:$0x3FAF] =	sst s0;
	s0 =	simm.s32 @!p2 $0x0  }
0x16: {  	s3 =	sld [smem:$0x3FDB];
	s0 =	simm.s32 @p2 $0x1  }
0x17: {  	s4 =	simm.s32 $0x1BF5;
	[smem:$0x3FB1] =	sst s0  }
0x18: {  	s0 =	sld [smem:$0x3F94];
	_ =	swait.ge [sflag:s4], $0x0  }
0x19: {  	s7 =	sld [smem:$0x3F95]  }
0x1a: {  	s8 =	sadd.s32 $0xFFFFE003, lr  }
0x1b: {  	s9 =	sadd.s32 $0xFFFFFEF7, lr;
	s5 =	simm.s32 $0xFFFFFFFF;
	p2 =	slt.u32 s8, $0xFFFFF086  }
0x1c: {  	p1 =	slt.u32 s9, $0xF7A;
	s5 =	simm.s32 @!p2 $0x0  }
0x1d: {  	s5 =	simm.s32 @p1 $0x1;
	p0 =	seq.s32 s7, s2  }
0x1e: {  	s7 =	smul.u32 @!p0 $0xF7A, s2;
	p2 =	seq.s32 @!p0 s5, $0x0  }
0x1f: {  	s9 =	smul.u32 $0xF7A, s1;
	s8 =	simm.s32 @!p0 $0x1BF5;
	p2 =	por !p2, p0  }
0x20: {  	[sflag:s8] =	ssyncset.s32 @!p0 $0xFFFFF086;
	s6 =	sadd.s32 @!p0 s3, s7;
	s7 =	simm.s32 @!p0 $0x108  }
0x21: {  	s3 =	sadd.s32 s3, s9;
	s6 =	sadd.s32 @!p0 $0x88, s6;
	s7 =	simm.s32 @p2 $0x1082  }
0x22: {  	[simem:s7], [sflag:s8] =	dma.local @!p0 [hbm:s6], $0xF7A  }
0x23: {  	s9 =	sor.u32 $0xD0000000, s2;
	s6 =	simm.s32 $0x108;
	_ =	swait.ge @!p0 [sflag:s8], $0x0  }
0x24: {  	s3 =	sadd.s32 $0x88, s3;
	s6 =	simm.s32 @!p1 $0x1082;
	[sflag:s4] =	ssyncset.s32 $0xFFFFF086  }
0x25: {  	[simem:s6], [sflag:s4] =	dma.local [hbm:s3], $0xF7A  }
0x26: {  	[smem:$0x3F95] =	sst s1;
	(tag) =	ssettag s2;
	_ =	strace s9  }
0x27: {  	s1 =	sld [smem:$0x3FA5]  }
0x28: {  	s2 =	sld [smem:$0x3FA6]  }
0x29: {  	s4 =	sld [smem:$0x3FA8]  }
0x2a: {  	p0 =	seq.s32 s5, $0x0;
	s5 =	sld [smem:$0x3FA9]  }
0x2b: {  	s6 =	sld [smem:$0x3FAA]  }
0x2c: {  	s7 =	sld [smem:$0x3FAB]  }
0x2d: {  	s3 =	simm.s32 $0x108;
	s8 =	sld [smem:$0x3FAC]  }
0x2e: {  	s3 =	simm.s32 @!p0 $0x1082;
	s9 =	sld [smem:$0x3FAD]  }
0x2f: {  	lr =	sadd.s32 s0, s3;
	s0 =	sld [smem:$0x3FA4]  }
0x30: {  	s3 =	sld [smem:$0x3FA7]  }
0x31: {  	[smem:$0x3FB0] =	sst s10  }
0x32: {  	s10 =	sld [smem:$0x3FAE];
	_ =	sdelay $0x3  }
0x33: {  	p0 =	seq.s32 s10, $0x1;
	s10 =	sld [smem:$0x3FB0];
	_ =	sdelay $0x3  }
0x34: {  	[smem:$0x3FB0] =	sst s10  }
0x35: {  	s10 =	sld [smem:$0x3FAF];
	_ =	sdelay $0x3  }
0x36: {  	p1 =	seq.s32 s10, $0x1;
	s10 =	sld [smem:$0x3FB0];
	_ =	sdelay $0x3  }
0x37: {  	[smem:$0x3FB0] =	sst s10  }
0x38: {  	s10 =	sld [smem:$0x3FB1]  }
0x39: {  	_ = 	snop;
	(pc) =	sbr.ind lr, $3  }
0x3a: {  	_ = 	snop  }
0x3b: {  	_ = 	snop  }
0x3c: {  	p2 =	seq.s32 s10, $0x1;
	s10 =	sld [smem:$0x3FB0]  }
0x3d: {  	_ =	shalt  }
0x3e: {  	_ =	shalt  }
0x3f: {  	_ =	shalt  }
0x40: {  	_ =	shalt  }
0x41: {  	_ =	shalt  }
0x42: {  	_ =	shalt  }
0x43: {  	_ =	shalt  }
0x44: {  	_ =	shalt  }
0x45: {  	_ =	shalt  }
0x46: {  	_ =	shalt  }
0x47: {  	_ =	shalt  }
0x48: {  	_ =	shalt  }
0x49: {  	_ =	shalt  }
0x4a: {  	_ =	shalt  }
0x4b: {  	_ =	shalt  }
0x4c: {  	_ =	shalt  }
0x4d: {  	_ =	shalt  }
0x4e: {  	_ =	shalt  }
0x4f: {  	_ =	shalt  }
0x50: {  	_ =	shalt  }
0x51: {  	_ =	shalt  }
0x52: {  	_ =	shalt  }
0x53: {  	_ =	shalt  }
0x54: {  	_ =	shalt  }
0x55: {  	_ =	shalt  }
0x56: {  	_ =	shalt  }
0x57: {  	_ =	shalt  }
0x58: {  	_ =	shalt  }
0x59: {  	_ =	shalt  }
0x5a: {  	_ =	shalt  }
0x5b: {  	_ =	shalt  }
0x5c: {  	_ =	shalt  }
0x5d: {  	_ =	shalt  }
0x5e: {  	_ =	shalt  }
0x5f: {  	_ =	shalt  }
0x60: {  	_ =	shalt  }
0x61: {  	_ =	shalt  }
0x62: {  	_ =	shalt  }
0x63: {  	_ =	shalt  }
0x64: {  	_ =	shalt  }
0x65: {  	_ =	shalt  }
0x66: {  	_ =	shalt  }
0x67: {  	_ =	shalt  }
0x68: {  	_ =	shalt  }
0x69: {  	_ =	shalt  }
0x6a: {  	_ =	shalt  }
0x6b: {  	_ =	shalt  }
0x6c: {  	_ =	shalt  }
0x6d: {  	_ =	shalt  }
0x6e: {  	_ =	shalt  }
0x6f: {  	_ =	shalt  }
0x70: {  	_ =	shalt  }
0x71: {  	_ =	shalt  }
0x72: {  	_ =	shalt  }
0x73: {  	_ =	shalt  }
0x74: {  	_ =	shalt  }
0x75: {  	_ =	shalt  }
0x76: {  	_ =	shalt  }
0x77: {  	_ =	shalt  }
0x78: {  	_ =	shalt  }
0x79: {  	_ =	shalt  }
0x7a: {  	_ =	shalt  }
0x7b: {  	_ =	shalt  }
0x7c: {  	_ =	shalt  }
0x7d: {  	_ =	shalt  }
0x7e: {  	_ =	shalt  }
0x7f: {  	_ =	shalt  }
0x80: {  	_ =	shalt  }
0x81: {  	_ =	shalt  }
0x82: {  	_ =	shalt  }
0x83: {  	_ =	shalt  }
0x84: {  	_ =	shalt  }
0x85: {  	_ =	shalt  }
0x86: {  	_ =	shalt  }
0x87: {  	_ =	shalt  }
.Lfunc_end0:
.L_simem_size_0:
called_computation.1_lowered:
.L_overlay_start_0:
0x88: {  	s2 =	sld [smem:$0x3FD9]  }
0x89: {  	s3 =	sld [smem:$0x3FFE];
	_ =	sdelay $0x1  }
0x8a: {  	s1 =	srdreg.scid  }
0x8b: {  	s0 =	sand.u32 $0x1, s1  }
0x8c: {  	s17 =	sshll.u32 s0, $0xA;
	s2 =	sadd.s32 s3, s2  }
0x8d: {  	s2 =	sadd.s32 s2, s17  }
0x8e: {  	[smem:$0x3FBC] =	sst s2  }
0x8f: {  	_ = 	snop  }
0x90: {  	s2 =	sld [smem:$0x3FC7];
	(tm) =	ssettm $0x1  }
0x91: {  	s18 =	sld [smem:$0x3FFB];
	_ =	sdelay $0x3  }
0x92: {  	_ =	strace s18  }
0x93: {  	s3 =	sld [smem:$0x3FFC];
	_ =	sdelay $0x3  }
0x94: {  	_ =	strace s3  }
0x95: {  	s3 =	sld [smem:$0x3FFD];
	_ =	sdelay $0x3  }
0x96: {  	_ =	strace s3  }
0x97: {  	_ =	strace $0x8FFFFFFF  }
0x98: {  	s19 =	sld [smem:$0x3FDB];
	_ =	sdelay $0x1  }
0x99: {  	s4 =	simm.s32 $_scs_section_size  }
0x9a: {  	s5 =	simm.s32 $_size__tile_overlayer_lowered;
	s6 =	simm.s32 $_tile_overlayer_lowered  }
0x9b: {  	s22 =	simm.s32 $0x1BFF;
	s21 =	sshll.u32 s6, $0x1;
	s3 =	sadd.s32 s4, s19  }
0x9c: {  	s7 =	simm.s32 $0x0;
	s20 =	sshll.u32 s5, $0x1;
	s5 =	sadd.s32 s21, s3  }
0x9d: {  	[timem:s7], [sflag:s22] =	dma.local [hbm:s5], s20  }
0x9e: {  	_ =	swait.ge [sflag:s22], s20  }
0x9f: {  	s4 =	ssub.s32 $0x0, s20;
	[sflag:s22] =	ssyncset.done $0x0  }
0xa0: {  	[sflag:s22] =	ssyncadd.s32 s4;
	_ =	sdelay $0x1  }
0xa1: {  	s23 =	simm.s32 $0x1B8B  }
0xa2: {  	_ =	swait.ge [sflag:s23], $0x1  }
0xa3: {  	[sflag:s23] =	ssyncset.done $0x0  }
0xa4: {  	s25 =	simm.s32 $0x1B8E;
	s24 =	sld [smem:$0x3FFE];
	[sflag:s23] =	ssyncadd.s32 $0xFFFFFFFF  }
0xa5: {  	s26 =	simm.s32 $execute0_lowered;
	[smem:$0x3FD2] =	sst s25  }
0xa6: {  	s5 =	sshll.u32 s26, $0x1;
	_ =	strace $0x80000049;
	[dreg:$0x1] =	wrdreg $0xFFFFFFFF  }
0xa7: {  	s28 =	simm.s32 $_size_execute0_lowered;
	s3 =	sadd.s32 s3, s5;
	[dreg:$0x0] =	wrdreg $0x0  }
0xa8: {  	s5 =	sshll.u32 s28, $0x1;
	[dreg:$0x2] =	wrdreg s3  }
0xa9: {  	[dreg:$0x3] =	wrdreg s5  }
0xaa: {  	[dreg:$0x4] =	wrdreg $0xC0  }
0xab: {  	_ =	task [dreg:s7], $0x5FFFF  }
0xac: {  	[dreg:$0x1] =	wrdreg $0xFFFFFFFF  }
0xad: {  	[dreg:$0x0] =	wrdreg $0x60  }
0xae: {  	[dreg:$0x2] =	wrdreg s24  }
0xaf: {  	[dreg:$0x3] =	wrdreg s2  }
0xb0: {  	[dreg:$0x4] =	wrdreg $0x1E7000  }
0xb1: {  	[dreg:$0x5] =	wrdreg $0x9  }
0xb2: {  	_ =	task.clear_ibuf [dreg:s7], $0x6FFFF;
	_ =	strace $0x90000049  }
0xb3: {  	s29 =	simm.s32 $0x9;
	_ =	strace $0x8000004B  }
0xb4: {  	_ =	swait.ge [sflag:s29], $0x1  }
0xb5: {  	[sflag:s29] =	ssyncadd.s32 $0xFFFFFFFF  }
0xb6: {  	_ =	strace $0x9000004B  }
0xb7: {  	_ =	sfence  }
0xb8: {  	s30 =	sld [smem:$0x0];
	_ =	sdelay $0x2  }
0xb9: {  	s31 =	sshll.u32 s1, $0xD;
	s1 =	sshrl.u32 s1, $0x2  }
0xba: {  	s3 =	sand.u32 $0x4000, s31;
	s1 =	sadd.s32 s1, s30  }
0xbb: {  	s0 =	sor.u32 s3, s0;
	s1 =	sshll.u32 s1, $0x11  }
0xbc: {  	s0 =	sor.u32 s1, s0  }
0xbd: {  	s0 =	sadd.s32 $0x8F2B, s0  }
0xbe: {  	[sflag:s0] =	ssyncadd.remote.s32 $0x1  }
0xbf: {  	_ =	sfence.sel $0xFFFF  }
0xc0: {  	[dreg:$0x0] =	wrdreg $0xFFFFFFFF;
	(pc) =	sbr.abs _section_cstart, $3  }
0xc1: {  	[dreg:$0x1] =	wrdreg $0xFFFFFFFF  }
0xc2: {  	_ =	task.clear_ibuf [dreg:s7], $0x2FFFF;
	_ =	strace $0x9FFFFFFF  }
0xc3: {  	(tm) =	ssettm $0x7FFFFFFF  }
tec
execute0_lowered:
.L_overlay_start_1:
0x0: {  	(tag) =	ssettag $0x1  }
0x1: {  	s0 =	rddreg [dreg:$0x0]  }
0x2: {  	s1 =	rddreg [dreg:$0x1]  }
0x3: {  	s3 =	rddreg [dreg:$0x2]  }
0x4: {  	s2 =	srdreg.scid;
	s4 =	simm.s32 $0x0;
	s12 =	stileid.u32  }
0x5: {  	s29 =	simm.s32 $0x1C700;
	s30 =	simm.s32 $0x1D700;
	s31 =	simm.s32 $0x1  }
0x6: {  	s28 =	simm.s32 $0x3;
	s14 =	simm.s32 $0x0;
	s15 =	simm.s32 $0x0  }
0x7: {  	s2 =	sand.u32 $0x1, s2;
	[smem:$0x7FF] =	sst s4;
	s6 =	smul.u32 $0x1880, s12  }
0x8: {  	s17 =	sshll.u32 s12, $0x6;
	s5 =	sshll.u32 s2, $0x4;
	_ =	strace $0x8000004A  }
0x9: {  	s7 =	ssub.s32 $0x2, s2;
	p0 =	seq.s32 s2, $0x0;
	s5 =	sor.u32 s12, s5  }
0xa: {  	s8 =	sshrl.u32 s6, $0x3;
	s9 =	sshrl.u32 s7, $0x1;
	s13 =	sadd.s32 s6, s3  }
0xb: {  	s10 =	smul.u32 $0x30D40, s5;
	s11 =	sadd.s32 s8, s0;
	s5 =	sadd.s32 $0x3400, s0  }
0xc: {  	s16 =	ssub.s32 s7, s9;
	s21 =	sadd.s32 $0x620, s13;
	[dreg:$0x4] =	wrdreg s13  }
0xd: {  	s23 =	sadd.s32 $0xC40, s13;
	s24 =	sadd.s32 $0x1260, s13;
	[dreg:$0x8] =	wrdreg s21  }
0xe: {  	s0 =	simm.s32 $0xFA0;
	s8 =	sadd.s32 $0x189E00, s11;
	[dreg:$0x9] =	wrdreg s23  }
0xf: {  	[dreg:$0xa] =	wrdreg s24;
	s23 =	simm.s32 $0x5;
	s24 =	simm.s32 $0x18700  }
0x10: {  	s18 =	sshrl.u32 s10, $0x3;
	[dreg:$0x5] =	wrdreg s8;
	s8 =	sor.u32 $0x1C05, s17  }
0x11: {  	s12 =	sadd.s32 $0xFA0, s10;
	s9 =	sadd.s32 s5, s18;
	s20 =	sadd.s32 s1, s18  }
0x12: {  	s22 =	sshrl.u32 s12, $0x3;
	s19 =	sadd.s32 $0xC3500, s9;
	[dreg:$0x7] =	wrdreg s20  }
0x13: {  	s25 =	sadd.s32 s5, s22;
	s26 =	sadd.s32 $0xC36F4, s9;
	[dreg:$0x6] =	wrdreg s19  }
.Ltmp0:
0x14: {  	s2 =	sadd.s32 s1, s22;
	[dreg:$0xb] =	wrdreg s25;
	(pc) =	sbr.rel .LBB2_1-.Ltmp0, $4  }
0x15: {  	s20 =	smax.u32 s16, $0x1;
	s22 =	sshrl.u32 s13, $0x3;
	[dreg:$0xc] =	wrdreg s26  }
0x16: {  	s13 =	simm.s32 $0x4;
	[dreg:$0xd] =	wrdreg s2;
	s2 =	simm.s32 $0x18D000  }
0x17: {  	s19 =	sadd.s32 $0x1F40, s10;
	s25 =	simm.s32 $0x19700;
	s2 =	simm.s32 @!p0 $0x190200  }
0x18: {  	v0 =	vimm.f32 $0.0e+00;
	s26 =	simm.s32 $0x1A700;
	s21 =	sadd.s32 s2, s11;
	s2 =	simm.s32 $0x2  }
.LBB2_12:
0x19: {  	_ =	swait.ge [sflag:s13], $0xFA0  }
0x1a: {  	s14 =	sadd.s32 $0x1, s14;
	[sflag:s13] =	ssyncset.done $0x0  }
0x1b: {  	p1 =	sne.s32 s14, s20;
	[sflag:s13] =	ssyncadd.s32 $0xFFFFF060  }
.Ltmp1:
0x1c: {  	[bflag:$0x0] =	sbarrier.arrive $0xFFFF;
	(pc) =	sbr.rel @!p1 .LBB2_13-.Ltmp1, $4  }
0x1d: {  	[hbm:s21], [sflag:s8] =	dma.local [spmem:s22], $0x310  }
0x1e: {  	_ =	swait.ge [sflag:s23], $0x310  }
0x1f: {  	[sflag:s23] =	ssyncset.done $0x0  }
0x20: {  	[sflag:s23] =	ssyncadd.s32 $0xFFFFFCF0  }
.LBB2_1:
0x21: {  	s6 =	rddreg [dreg:$0x5]  }
0x22: {  	[spmem:s22], [sflag:s8] =	dma.local [hbm:s6], $0x310  }
0x23: {  	_ =	swait.ge [sflag:s23], $0x310  }
0x24: {  	[sflag:s23] =	ssyncset.done $0x0  }
0x25: {  	[sflag:s23] =	ssyncadd.s32 $0xFFFFFCF0  }
0x26: {  	[tilespmem:s24], [sflag:$0x1] =	stream.linear.gather [hbm4b:s9+s4], $0xFA0, $0x38;
	[tilespmem:$0x1FF80] =	vst v63  }
0x27: {  	s17 =	rddreg [dreg:$0x6]  }
0x28: {  	[tilespmem:s25], [sflag:$0x1] =	stream.linear.gather [hbm4b:s17+s4], $0xFA0, $0x38;
	[tilespmem:$0x1FF80] =	vst v63  }
0x29: {  	s18 =	rddreg [dreg:$0x7]  }
0x2a: {  	[tilespmem:s26], [sflag:$0x1] =	stream.linear.gather [hbm4b:s18+s4], $0xFA0, $0x38;
	[tilespmem:$0x1FF80] =	vst v63  }
0x2b: {  	[bflag:$0x0] =	sbarrier.arrive $0xFFFF  }
0x2c: {  	[tilespmem:s4], [sflag:$0x5] =	stream.linear.gather [spmem:s3], $0x186A0, $0x38;
	[tilespmem:$0x1FF80] =	vst v63  }
.Ltmp2:
0x2d: {  	_ =	swait.ge [sflag:s23], $0x186A0;
	(pc) =	sbr.rel @p0 .LBB2_5-.Ltmp2, $3  }
0x2e: {  	[sflag:s23] =	ssyncset.done $0x0  }
0x2f: {  	[sflag:s23] =	ssyncadd.s32 $0xFFFE7960  }
0x30: {  	[bflag:$0x0] =	sbarrier.arrive $0xFFFF;
	_ =	sdelay $0x1  }
0x31: {  	s6 =	simm.s32 $0x40;
	s7 =	simm.s32 $0x0  }
.LBB2_3:
0x32: {  	p1 =	sne.s32 s6, $0x1840;
	[tilespmem:s7+$0x1D700] =	vst v0;
	s7 =	smov.u32 s6;
	s6 =	sadd.s32 $0x40, s6  }
.Ltmp3:
0x33: {  	(pc) =	sbr.rel @p1 .LBB2_3-.Ltmp3, $2  }
0x34: {  	_ =	sdelay $0x2  }
0x35: {  	s7 =	sshra.s32 s7, $0x2  }
0x36: {  	[tilespmem:s7+$0x1D700] =	vst v0;
	s6 =	rddreg [dreg:$0x4]  }
0x37: {  	[spmem:s6] =	stream.linear.scatter [tilespmem:s30], [sflag:$0x5], $0x620, $0x38;
	[tilespmem:$0x1FF80] =	vst v63  }
0x38: {  	_ =	swait.ge [sflag:s23], $0x620  }
0x39: {  	[sflag:s23] =	ssyncset.done $0x0  }
0x3a: {  	s16 =	rddreg [dreg:$0x8];
	[sflag:s23] =	ssyncadd.s32 $0xFFFFF9E0  }
0x3b: {  	[spmem:s16] =	stream.linear.scatter [tilespmem:s30], [sflag:$0x5], $0x620, $0x38;
	[tilespmem:$0x1FF80] =	vst v63  }
0x3c: {  	_ =	swait.ge [sflag:s23], $0x620  }
0x3d: {  	[sflag:s23] =	ssyncset.done $0x0  }
0x3e: {  	s17 =	rddreg [dreg:$0x9];
	[sflag:s23] =	ssyncadd.s32 $0xFFFFF9E0  }
0x3f: {  	[spmem:s17] =	stream.linear.scatter [tilespmem:s30], [sflag:$0x5], $0x620, $0x38;
	[tilespmem:$0x1FF80] =	vst v63  }
0x40: {  	_ =	swait.ge [sflag:s23], $0x620  }
0x41: {  	[sflag:s23] =	ssyncset.done $0x0  }
0x42: {  	s18 =	rddreg [dreg:$0xa];
	[sflag:s23] =	ssyncadd.s32 $0xFFFFF9E0  }
0x43: {  	[spmem:s18] =	stream.linear.scatter [tilespmem:s30], [sflag:$0x5], $0x620, $0x38;
	[tilespmem:$0x1FF80] =	vst v63  }
0x44: {  	_ =	swait.ge [sflag:s23], $0x620  }
0x45: {  	[sflag:s23] =	ssyncset.done $0x0  }
0x46: {  	[sflag:s23] =	ssyncadd.s32 $0xFFFFF9E0  }
.LBB2_5:
0x47: {  	s6 =	rddreg [dreg:$0xb];
	s7 =	simm.s32 $0x1B700  }
0x48: {  	[tilespmem:s7], [sflag:$0x2] =	stream.linear.gather [hbm4b:s6+s15], $0xFA0, $0x38;
	[tilespmem:$0x1FF80] =	vst v63  }
0x49: {  	s17 =	rddreg [dreg:$0xc]  }
0x4a: {  	[tilespmem:s29], [sflag:$0x2] =	stream.linear.gather [hbm4b:s17+s15], $0xFA0, $0x38;
	[tilespmem:$0x1FF80] =	vst v63  }
0x4b: {  	s18 =	rddreg [dreg:$0xd]  }
0x4c: {  	[tilespmem:s30], [sflag:$0x2] =	stream.linear.gather [hbm4b:s18+s15], $0xFA0, $0x38;
	[tilespmem:$0x1FF80] =	vst v63  }
0x4d: {  	s6 =	simm.s32 $0x0;
	[bflag:$0x0] =	sbarrier.arrive $0xFFFF  }
.LBB2_6:
0x4e: {  	p1 =	seq.s32 s6, $0x0  }
0x4f: {  	s7 =	simm.s32 @!p1 $0x4;
	s10 =	smul.u32 @!p1 $0x1F40, s6  }
0x50: {  	_ =	swait.ge @!p1 [sflag:s7], $0xFA0  }
0x51: {  	[sflag:s7] =	ssyncset.done @!p1 $0x0;
	s10 =	sadd.s32 @!p1 s10, s12  }
0x52: {  	[sflag:s7] =	ssyncadd.s32 @!p1 $0xFFFFF060;
	s7 =	sshrl.u32 @!p1 s10, $0x3  }
0x53: {  	s11 =	simm.s32 @!p1 $0x0;
	s16 =	simm.s32 @!p1 $0x1B700;
	s10 =	sadd.s32 @!p1 s5, s7  }
0x54: {  	[tilespmem:s16], [sflag:$0x2] =	stream.linear.gather @!p1 [hbm4b:s10+s11], $0xFA0, $0x38;
	[tilespmem:$0x1FF80] =	vst v63  }
0x55: {  	s10 =	sadd.s32 @!p1 $0xC3500, s10;
	s16 =	simm.s32 @!p1 $0x1C700  }
0x56: {  	[tilespmem:s16], [sflag:$0x2] =	stream.linear.gather @!p1 [hbm4b:s10+s11], $0xFA0, $0x38;
	[tilespmem:$0x1FF80] =	vst v63  }
0x57: {  	s7 =	sadd.s32 @!p1 s1, s7;
	s10 =	simm.s32 @!p1 $0x1D700  }
0x58: {  	[tilespmem:s10], [sflag:$0x2] =	stream.linear.gather @!p1 [hbm4b:s7+s11], $0xFA0, $0x38;
	[tilespmem:$0x1FF80] =	vst v63  }
0x59: {  	_ =	swait.ge [sflag:s31], $0xFA0  }
0x5a: {  	[sflag:s31] =	ssyncset.done $0x0  }
0x5b: {  	[sflag:s31] =	ssyncadd.s32 $0xFFFFF060  }
0x5c: {  	_ =	swait.ge [sflag:s31], $0xFA0  }
0x5d: {  	[sflag:s31] =	ssyncset.done $0x0  }
0x5e: {  	[sflag:s31] =	ssyncadd.s32 $0xFFFFF060  }
0x5f: {  	_ =	swait.ge [sflag:s31], $0xFA0  }
0x60: {  	[sflag:s31] =	ssyncset.done $0x0  }
0x61: {  	s17 =	simm.s32 $0x187C0;
	[sflag:s31] =	ssyncadd.s32 $0xFFFFF060  }
0x62: {  	s7 =	simm.s32 $0x1A7C0;
	v1 =	vld [tilespmem:s17+$0xB0]  }
0x63: {  	s18 =	sand.u32 $0xFF0, s15;
	v2 =	vld [tilespmem:s7+$0xB0]  }
0x64: {  	v3 =	vld [tilespmem:s18+$0x1A880]  }
0x65: {  	v4 =	vld [tilespmem:s18+$0x1A780]  }
0x66: {  	v5 =	vld [tilespmem:s18+$0x1A800]  }
0x67: {  	v6 =	vld [tilespmem:s18+$0x18880]  }
0x68: {  	v7 =	vld [tilespmem:s18+$0x18780]  }
0x69: {  	v8 =	vld [tilespmem:s18+$0x18800]  }
0x6a: {  	v9 =	vld [tilespmem:s7+$0xFFFFFF50]  }
0x6b: {  	v10 =	vld [tilespmem:s7+$0xFFFFFF60]  }
0x6c: {  	v11 =	vld [tilespmem:s7+$0xFFFFFF70]  }
0x6d: {  	v12 =	vld [tilespmem:s7+$0xFFFFFF80]  }
0x6e: {  	v15 =	vld [tilespmem:s7+$0xFFFFFFB0]  }
0x6f: {  	v16 =	vld [tilespmem:s7+$0xFFFFFFD0]  }
0x70: {  	v17 =	vld [tilespmem:s7+$0xFFFFFFE0]  }
0x71: {  	v18 =	vld [tilespmem:s7+$0xFFFFFFF0]  }
0x72: {  	v19 =	vld [tilespmem:s7+$0x0]  }
0x73: {  	v20 =	vld [tilespmem:s7+$0x10]  }
0x74: {  	v21 =	vld [tilespmem:s7+$0x20]  }
0x75: {  	v22 =	vld [tilespmem:s7+$0x30]  }
0x76: {  	v23 =	vld [tilespmem:s17+$0xFFFFFF50]  }
0x77: {  	v53 =	vld [tilespmem:s17+$0xFFFFFF60]  }
0x78: {  	v26 =	vld [tilespmem:s17+$0xFFFFFF80]  }
0x79: {  	v55 =	vld [tilespmem:s17+$0xFFFFFF90]  }
0x7a: {  	v56 =	vld [tilespmem:s17+$0xFFFFFFA0]  }
0x7b: {  	v29 =	vld [tilespmem:s17+$0xFFFFFFB0];
	v2 =	vmul.f32 $1.442695020e+00, v2  }
0x7c: {  	v3 =	vmul.f32 $1.442695020e+00, v3;
	v13 =	vld.idx.msk [tilespmem:v1+s4+$0x0], $0xffff  }
0x7d: {  	v4 =	vmul.f32 $1.442695020e+00, v4;
	(erf) = vpow2.f32 v2;
	v14 =	vld.idx.msk [tilespmem:v6+s4+$0x0], $0xffff  }
0x7e: {  	v5 =	vmul.f32 $1.442695020e+00, v5;
	v1 =	vld [tilespmem:s7+$0xFFFFFF90];
	(erf) = vpow2.f32 v3  }
0x7f: {  	v6 =	vld [tilespmem:s7+$0xFFFFFFA0];
	(erf) = vpow2.f32 v4;
	v4 =	vmul.f32 $1.442695020e+00, v9  }
0x80: {  	v58 =	vld [tilespmem:s17+$0xFFFFFFD0];
	(erf) = vpow2.f32 v5;
	v5 =	vmul.f32 $1.442695020e+00, v10  }
0x81: {  	v59 =	vld [tilespmem:s17+$0xFFFFFFE0];
	v11 =	vmul.f32 $1.442695020e+00, v11;
	(erf) = vpow2.f32 v4  }
0x82: {  	v33 =	vld [tilespmem:s17+$0xFFFFFFF0];
	v12 =	vmul.f32 $1.442695020e+00, v12;
	(erf) = vpow2.f32 v5  }
0x83: {  	v34 =	vld [tilespmem:s17+$0x0];
	(erf) = vpow2.f32 v11;
	v1 =	vmul.f32 $1.442695020e+00, v1  }
0x84: {  	v35 =	vld [tilespmem:s17+$0x10];
	v6 =	vmul.f32 $1.442695020e+00, v6;
	(erf) = vpow2.f32 v12  }
0x85: {  	v37 =	vld [tilespmem:s17+$0x20];
	v15 =	vmul.f32 $1.442695020e+00, v15;
	(erf) = vpow2.f32 v1  }
0x86: {  	v39 =	vld [tilespmem:s17+$0x30];
	v1 =	vmul.f32 $1.442695020e+00, v16;
	v24 =	vpop (erf);
	(erf) = vpow2.f32 v6  }
0x87: {  	v42 =	vld [tilespmem:s17+$0x60];
	v6 =	vmul.f32 $1.442695020e+00, v17;
	v25 =	vpop (erf);
	(erf) = vpow2.f32 v15  }
0x88: {  	v18 =	vmul.f32 $1.442695020e+00, v18;
	v2 =	vld [tilespmem:s7+$0x50];
	v54 =	vpop (erf);
	(erf) = vpow2.f32 v1  }
0x89: {  	v3 =	vld [tilespmem:s7+$0x60];
	v1 =	vmul.f32 $1.442695020e+00, v19;
	v27 =	vpop (erf);
	(erf) = vpow2.f32 v6  }
0x8a: {  	v9 =	vld [tilespmem:s7+$0x70];
	v6 =	vmul.f32 $1.442695020e+00, v20;
	v28 =	vpop (erf);
	(erf) = vpow2.f32 v18  }
0x8b: {  	v21 =	vmul.f32 $1.442695020e+00, v21;
	v10 =	vld [tilespmem:s7+$0x80];
	v57 =	vpop (erf);
	(erf) = vpow2.f32 v1  }
0x8c: {  	v4 =	vld [tilespmem:s7+$0x90];
	v1 =	vmul.f32 $1.442695020e+00, v22;
	v30 =	vpop (erf);
	(erf) = vpow2.f32 v6  }
0x8d: {  	v5 =	vld [tilespmem:s7+$0xA0];
	v2 =	vmul.f32 $1.442695020e+00, v2;
	v31 =	vpop (erf);
	(erf) = vpow2.f32 v21  }
0x8e: {  	v11 =	vld [tilespmem:s7+$0xFFFFFF40];
	v3 =	vmul.f32 $1.442695020e+00, v3;
	v32 =	vpop (erf);
	(erf) = vpow2.f32 v1  }
0x8f: {  	v44 =	vld [tilespmem:s17+$0x70];
	v1 =	vmul.f32 $1.442695020e+00, v9;
	v9 =	vpop (erf);
	(erf) = vpow2.f32 v2  }
0x90: {  	v46 =	vld [tilespmem:s17+$0x80];
	v2 =	vmul.f32 $1.442695020e+00, v10;
	v10 =	vpop (erf);
	(erf) = vpow2.f32 v3  }
0x91: {  	v12 =	vld [tilespmem:s17+$0xFFFFFF40];
	v3 =	vmul.f32 $1.442695020e+00, v4;
	v36 =	vpop (erf);
	(erf) = vpow2.f32 v1  }
0x92: {  	v15 =	vld [tilespmem:s17+$0xFFFFFF70];
	v1 =	vmul.f32 $1.442695020e+00, v5;
	v38 =	vpop (erf);
	(erf) = vpow2.f32 v2  }
0x93: {  	v48 =	vld [tilespmem:s17+$0x90];
	v2 =	vmul.f32 $1.442695020e+00, v11;
	v40 =	vpop (erf);
	(erf) = vpow2.f32 v3  }
0x94: {  	v49 =	vld [tilespmem:s17+$0xA0];
	v41 =	vpop (erf);
	(erf) = vpow2.f32 v1  }
0x95: {  	v7 =	vld.idx.msk [tilespmem:v7+s4+$0x0], $0xffff;
	(erf) = vpow2.f32 v2;
	v43 =	vpop (erf)  }
0x96: {  	v8 =	vld.idx.msk [tilespmem:v8+s4+$0x0], $0xffff;
	v45 =	vpop (erf)  }
0x97: {  	v23 =	vld.idx.msk [tilespmem:v23+s4+$0x0], $0xffff;
	v47 =	vpop (erf)  }
0x98: {  	v60 =	vld.idx.msk [tilespmem:v26+s4+$0x0], $0xffff;
	v6 =	vpop (erf)  }
0x99: {  	v12 =	vld.idx.msk [tilespmem:v12+s4+$0x0], $0xffff;
	v4 =	vmul.f32 v13, v24;
	v5 =	vpop (erf)  }
0x9a: {  	v14 =	vmul.f32 v14, v25;
	v15 =	vld.idx.msk [tilespmem:v15+s4+$0x0], $0xffff;
	v1 =	vpop (erf)  }
0x9b: {  	v13 =	vld.idx.msk [tilespmem:v53+s4+$0x0], $0xffff;
	v2 =	vpop (erf)  }
0x9c: {  	v8 =	vmul.f32 v8, v27;
	[tilespmem:s18+$0x1A880] =	vst v14;
	v11 =	vld [tilespmem:s17+$0x50];
	v3 =	vpop (erf)  }
0x9d: {  	v61 =	vld.idx.msk [tilespmem:v55+s4+$0x0], $0xffff;
	v7 =	vmul.f32 v7, v54;
	[tilespmem:s7+$0xB0] =	vst v4;
	v4 =	vpop (erf)  }
0x9e: {  	v62 =	vld.idx.msk [tilespmem:v33+s4+$0x0], $0xffff;
	[tilespmem:s18+$0x1A800] =	vst v8;
	v8 =	vmul.f32 v23, v28;
	v14 =	vpop (erf)  }
0x9f: {  	[tilespmem:s18+$0x1A780] =	vst v7;
	v7 =	vmul.f32 v12, v14;
	v14 =	vld.idx.msk [tilespmem:v29+s4+$0x0], $0xffff  }
0xa0: {  	[tilespmem:s7+$0xFFFFFF50] =	vst v8;
	v8 =	vmul.f32 v15, v30;
	v12 =	vld.idx.msk [tilespmem:v56+s4+$0x0], $0xffff  }
0xa1: {  	v63 =	vld.idx.msk [tilespmem:v34+s4+$0x0], $0xffff;
	[tilespmem:s7+$0xFFFFFF40] =	vst v7;
	v7 =	vmul.f32 v13, v57  }
0xa2: {  	[tilespmem:s7+$0xFFFFFF70] =	vst v8;
	v8 =	vmul.f32 v61, v32;
	v13 =	vld.idx.msk [tilespmem:v58+s4+$0x0], $0xffff  }
0xa3: {  	v15 =	vld.idx.msk [tilespmem:v59+s4+$0x0], $0xffff;
	[tilespmem:s7+$0xFFFFFF60] =	vst v7;
	v7 =	vmul.f32 v60, v31  }
0xa4: {  	[tilespmem:s7+$0xFFFFFF90] =	vst v8;
	v11 =	vld.idx.msk [tilespmem:v11+s4+$0x0], $0xffff;
	v8 =	vmul.f32 v14, v10  }
0xa5: {  	[tilespmem:s7+$0xFFFFFF80] =	vst v7;
	v7 =	vmul.f32 v12, v9;
	v9 =	vld.idx.msk [tilespmem:v35+s4+$0x0], $0xffff  }
0xa6: {  	v10 =	vmul.f32 v62, v40;
	v12 =	vld.idx.msk [tilespmem:v37+s4+$0x0], $0xffff;
	[tilespmem:s7+$0xFFFFFFB0] =	vst v8  }
0xa7: {  	[tilespmem:s7+$0xFFFFFFA0] =	vst v7;
	v7 =	vmul.f32 v13, v36;
	v13 =	vld.idx.msk [tilespmem:v39+s4+$0x0], $0xffff  }
0xa8: {  	v8 =	vmul.f32 v15, v38;
	[tilespmem:s7+$0xFFFFFFF0] =	vst v10;
	v10 =	vld.idx.msk [tilespmem:v48+s4+$0x0], $0xffff  }
0xa9: {  	v14 =	vmul.f32 v63, v41;
	[tilespmem:s7+$0xFFFFFFD0] =	vst v7;
	v7 =	vld.idx.msk [tilespmem:v42+s4+$0x0], $0xffff  }
0xaa: {  	[tilespmem:s7+$0xFFFFFFE0] =	vst v8;
	v8 =	vld.idx.msk [tilespmem:v44+s4+$0x0], $0xffff;
	v15 =	vmul.f32 v9, v43  }
0xab: {  	s16 =	simm.s32 $0x0;
	[tilespmem:s7+$0x0] =	vst v14;
	v9 =	vld.idx.msk [tilespmem:v46+s4+$0x0], $0xffff;
	v14 =	vmul.f32 v12, v45  }
0xac: {  	s10 =	simm.s32 $0x0;
	s11 =	simm.s32 $0x18950;
	s17 =	simm.s32 $0x1A7C0;
	v12 =	vld.idx.msk [tilespmem:v49+s4+$0x0], $0xffff;
	[tilespmem:s7+$0x10] =	vst v15;
	v13 =	vmul.f32 v13, v47  }
.LBB2_7:
0xad: {  	v15 =	vld [tilespmem:s11+$0xB0];
	[tilespmem:s7+$0x20] =	vst v14;
	v6 =	vmul.f32 v11, v6;
	s16 =	sadd.s32 $0x190, s16;
	s17 =	sadd.s32 $0x190, s17  }
0xae: {  	s10 =	sadd.s32 $0x19, s10;
	v5 =	vmul.f32 v7, v5;
	s18 =	sand.u32 $0xFF0, s16;
	v11 =	vld [tilespmem:s17+$0xB0];
	[tilespmem:s7+$0x30] =	vst v13  }
0xaf: {  	p1 =	slt.u32 s10, $0xE1;
	v1 =	vmul.f32 v8, v1;
	v7 =	vld [tilespmem:s18+$0x1A880];
	[tilespmem:s7+$0x50] =	vst v6  }
0xb0: {  	v2 =	vmul.f32 v9, v2;
	v6 =	vld [tilespmem:s18+$0x1A780];
	[tilespmem:s7+$0x60] =	vst v5  }
0xb1: {  	v5 =	vld [tilespmem:s18+$0x1A800];
	[tilespmem:s7+$0x70] =	vst v1;
	v1 =	vmul.f32 v10, v3  }
0xb2: {  	v3 =	vld [tilespmem:s18+$0x18880];
	[tilespmem:s7+$0x80] =	vst v2;
	v2 =	vmul.f32 v12, v4  }
0xb3: {  	v4 =	vld [tilespmem:s18+$0x18780];
	v8 =	vmul.f32 $1.442695020e+00, v11;
	[tilespmem:s7+$0x90] =	vst v1  }
0xb4: {  	v1 =	vld [tilespmem:s18+$0x18800];
	v7 =	vmul.f32 $1.442695020e+00, v7;
	[tilespmem:s7+$0xA0] =	vst v2;
	s7 =	smov.u32 s17  }
0xb5: {  	v2 =	vld [tilespmem:s17+$0xFFFFFF50];
	v6 =	vmul.f32 $1.442695020e+00, v6;
	(erf) = vpow2.f32 v8  }
0xb6: {  	v8 =	vld [tilespmem:s17+$0xFFFFFF60];
	v5 =	vmul.f32 $1.442695020e+00, v5;
	(erf) = vpow2.f32 v7  }
0xb7: {  	v7 =	vld [tilespmem:s17+$0xFFFFFF70];
	(erf) = vpow2.f32 v6  }
0xb8: {  	v6 =	vld [tilespmem:s17+$0xFFFFFF80];
	(erf) = vpow2.f32 v5  }
0xb9: {  	v5 =	vld.idx.msk [tilespmem:v15+s4+$0x0], $0xffff  }
0xba: {  	v2 =	vmul.f32 $1.442695020e+00, v2;
	v3 =	vld.idx.msk [tilespmem:v3+s4+$0x0], $0xffff  }
0xbb: {  	v8 =	vmul.f32 $1.442695020e+00, v8;
	v4 =	vld.idx.msk [tilespmem:v4+s4+$0x0], $0xffff  }
0xbc: {  	v9 =	vmul.f32 $1.442695020e+00, v7;
	v1 =	vld.idx.msk [tilespmem:v1+s4+$0x0], $0xffff;
	(erf) = vpow2.f32 v2  }
0xbd: {  	v10 =	vmul.f32 $1.442695020e+00, v6;
	v6 =	vld [tilespmem:s17+$0xFFFFFF90];
	(erf) = vpow2.f32 v8  }
0xbe: {  	v8 =	vld [tilespmem:s17+$0xFFFFFFA0];
	(erf) = vpow2.f32 v9;
	v7 =	vpop (erf)  }
0xbf: {  	v9 =	vld [tilespmem:s17+$0xFFFFFFB0];
	v11 =	vmul.f32 v5, v7;
	(erf) = vpow2.f32 v10;
	v2 =	vpop (erf)  }
0xc0: {  	v7 =	vld [tilespmem:s17+$0xFFFFFFD0];
	v2 =	vmul.f32 v3, v2;
	v3 =	vpop (erf)  }
0xc1: {  	v3 =	vmul.f32 v4, v3;
	v4 =	vld [tilespmem:s17+$0xFFFFFFE0];
	[tilespmem:s17+$0xB0] =	vst v11;
	v5 =	vpop (erf)  }
0xc2: {  	v6 =	vmul.f32 $1.442695020e+00, v6;
	v10 =	vld [tilespmem:s17+$0xFFFFFFF0];
	v1 =	vmul.f32 v1, v5;
	[tilespmem:s18+$0x1A880] =	vst v2  }
0xc3: {  	v2 =	vmul.f32 $1.442695020e+00, v8;
	[tilespmem:s18+$0x1A780] =	vst v3;
	v3 =	vld [tilespmem:s17+$0x0]  }
0xc4: {  	v5 =	vmul.f32 $1.442695020e+00, v9;
	v8 =	vld [tilespmem:s17+$0x10];
	[tilespmem:s18+$0x1A800] =	vst v1;
	(erf) = vpow2.f32 v6  }
0xc5: {  	v1 =	vmul.f32 $1.442695020e+00, v7;
	v6 =	vld [tilespmem:s17+$0x20];
	v7 =	vpop (erf);
	(erf) = vpow2.f32 v2  }
0xc6: {  	v2 =	vmul.f32 $1.442695020e+00, v4;
	v4 =	vld [tilespmem:s17+$0x30];
	v9 =	vpop (erf);
	(erf) = vpow2.f32 v5  }
0xc7: {  	v5 =	vmul.f32 $1.442695020e+00, v10;
	v10 =	vld [tilespmem:s17+$0x50];
	v11 =	vpop (erf);
	(erf) = vpow2.f32 v1  }
0xc8: {  	v1 =	vmul.f32 $1.442695020e+00, v3;
	v3 =	vld [tilespmem:s17+$0x60];
	v12 =	vpop (erf);
	(erf) = vpow2.f32 v2  }
0xc9: {  	v2 =	vmul.f32 $1.442695020e+00, v8;
	v8 =	vld [tilespmem:s17+$0x70];
	(erf) = vpow2.f32 v5  }
0xca: {  	v5 =	vmul.f32 $1.442695020e+00, v6;
	v6 =	vld [tilespmem:s17+$0x80];
	(erf) = vpow2.f32 v1  }
0xcb: {  	v1 =	vmul.f32 $1.442695020e+00, v4;
	v4 =	vld [tilespmem:s17+$0x90];
	(erf) = vpow2.f32 v2  }
0xcc: {  	v2 =	vmul.f32 $1.442695020e+00, v10;
	v10 =	vld [tilespmem:s17+$0xA0];
	(erf) = vpow2.f32 v5  }
0xcd: {  	v5 =	vld [tilespmem:s17+$0xFFFFFF40];
	v3 =	vmul.f32 $1.442695020e+00, v3;
	v13 =	vpop (erf);
	(erf) = vpow2.f32 v1  }
0xce: {  	v14 =	vld [tilespmem:s11+$0xFFFFFF40];
	v1 =	vmul.f32 $1.442695020e+00, v8;
	v8 =	vpop (erf);
	(erf) = vpow2.f32 v2  }
0xcf: {  	v15 =	vld [tilespmem:s11+$0xFFFFFF50];
	v2 =	vmul.f32 $1.442695020e+00, v6;
	v16 =	vpop (erf);
	(erf) = vpow2.f32 v3  }
0xd0: {  	v17 =	vld [tilespmem:s11+$0xFFFFFF60];
	v3 =	vmul.f32 $1.442695020e+00, v4;
	v18 =	vpop (erf);
	(erf) = vpow2.f32 v1  }
0xd1: {  	v19 =	vld [tilespmem:s11+$0xFFFFFF70];
	v1 =	vmul.f32 $1.442695020e+00, v10;
	v10 =	vpop (erf);
	(erf) = vpow2.f32 v2  }
0xd2: {  	v2 =	vmul.f32 $1.442695020e+00, v5;
	v20 =	vld [tilespmem:s11+$0xFFFFFF80];
	v21 =	vpop (erf);
	(erf) = vpow2.f32 v3  }
0xd3: {  	v22 =	vld [tilespmem:s11+$0xFFFFFF90];
	v23 =	vpop (erf);
	(erf) = vpow2.f32 v1  }
0xd4: {  	v24 =	vld [tilespmem:s11+$0xFFFFFFA0];
	(erf) = vpow2.f32 v2;
	v25 =	vpop (erf)  }
0xd5: {  	v26 =	vld [tilespmem:s11+$0xFFFFFFB0];
	v27 =	vpop (erf)  }
0xd6: {  	v28 =	vld [tilespmem:s11+$0xFFFFFFD0];
	v29 =	vpop (erf)  }
0xd7: {  	v30 =	vld [tilespmem:s11+$0xFFFFFFE0];
	v6 =	vpop (erf)  }
0xd8: {  	v31 =	vld [tilespmem:s11+$0xFFFFFFF0];
	v5 =	vpop (erf)  }
0xd9: {  	v32 =	vld [tilespmem:s11+$0x0];
	v1 =	vpop (erf)  }
0xda: {  	v33 =	vld [tilespmem:s11+$0x10];
	v2 =	vpop (erf)  }
0xdb: {  	v34 =	vld [tilespmem:s11+$0x20];
	v3 =	vpop (erf)  }
0xdc: {  	v35 =	vld [tilespmem:s11+$0x30];
	v4 =	vpop (erf)  }
0xdd: {  	v36 =	vld [tilespmem:s11+$0x50];
	v37 =	vpop (erf)  }
0xde: {  	v38 =	vld [tilespmem:s11+$0x60]  }
0xdf: {  	v39 =	vld [tilespmem:s11+$0x70]  }
0xe0: {  	v40 =	vld [tilespmem:s11+$0x80]  }
0xe1: {  	v41 =	vld [tilespmem:s11+$0x90]  }
0xe2: {  	v42 =	vld [tilespmem:s11+$0xA0]  }
0xe3: {  	v14 =	vld.idx.msk [tilespmem:v14+s4+$0x0], $0xffff  }
0xe4: {  	v15 =	vld.idx.msk [tilespmem:v15+s4+$0x0], $0xffff  }
0xe5: {  	v17 =	vld.idx.msk [tilespmem:v17+s4+$0x0], $0xffff  }
0xe6: {  	v19 =	vld.idx.msk [tilespmem:v19+s4+$0x0], $0xffff  }
0xe7: {  	v20 =	vld.idx.msk [tilespmem:v20+s4+$0x0], $0xffff  }
0xe8: {  	v22 =	vld.idx.msk [tilespmem:v22+s4+$0x0], $0xffff  }
0xe9: {  	v14 =	vmul.f32 v14, v37;
	v24 =	vld.idx.msk [tilespmem:v24+s4+$0x0], $0xffff  }
0xea: {  	v7 =	vmul.f32 v15, v7;
	v15 =	vld.idx.msk [tilespmem:v26+s4+$0x0], $0xffff  }
0xeb: {  	v9 =	vmul.f32 v17, v9;
	[tilespmem:s17+$0xFFFFFF40] =	vst v14;
	v14 =	vld.idx.msk [tilespmem:v28+s4+$0x0], $0xffff  }
0xec: {  	[tilespmem:s17+$0xFFFFFF50] =	vst v7;
	v7 =	vmul.f32 v19, v11;
	v11 =	vld.idx.msk [tilespmem:v30+s4+$0x0], $0xffff  }
0xed: {  	[tilespmem:s17+$0xFFFFFF60] =	vst v9;
	v9 =	vmul.f32 v20, v12;
	v12 =	vld.idx.msk [tilespmem:v31+s4+$0x0], $0xffff  }
0xee: {  	[tilespmem:s17+$0xFFFFFF70] =	vst v7;
	v7 =	vmul.f32 v22, v13;
	v13 =	vld.idx.msk [tilespmem:v32+s4+$0x0], $0xffff  }
0xef: {  	v8 =	vmul.f32 v24, v8;
	[tilespmem:s17+$0xFFFFFF80] =	vst v9;
	v9 =	vld.idx.msk [tilespmem:v33+s4+$0x0], $0xffff  }
0xf0: {  	[tilespmem:s17+$0xFFFFFF90] =	vst v7;
	v7 =	vmul.f32 v15, v16;
	v15 =	vld.idx.msk [tilespmem:v34+s4+$0x0], $0xffff  }
0xf1: {  	[tilespmem:s17+$0xFFFFFFA0] =	vst v8;
	v8 =	vmul.f32 v14, v18;
	v16 =	vld.idx.msk [tilespmem:v35+s4+$0x0], $0xffff  }
0xf2: {  	v10 =	vmul.f32 v11, v10;
	[tilespmem:s17+$0xFFFFFFB0] =	vst v7;
	v11 =	vld.idx.msk [tilespmem:v36+s4+$0x0], $0xffff  }
.Ltmp4:
0xf3: {  	v12 =	vmul.f32 v12, v21;
	[tilespmem:s17+$0xFFFFFFD0] =	vst v8;
	v7 =	vld.idx.msk [tilespmem:v38+s4+$0x0], $0xffff;
	(pc) =	sbr.rel @p1 .LBB2_7-.Ltmp4, $4  }
0xf4: {  	[tilespmem:s17+$0xFFFFFFE0] =	vst v10;
	v10 =	vmul.f32 v13, v23;
	v8 =	vld.idx.msk [tilespmem:v39+s4+$0x0], $0xffff  }
0xf5: {  	[tilespmem:s17+$0xFFFFFFF0] =	vst v12;
	v12 =	vmul.f32 v9, v25;
	v9 =	vld.idx.msk [tilespmem:v40+s4+$0x0], $0xffff  }
0xf6: {  	v14 =	vmul.f32 v15, v27;
	[tilespmem:s17+$0x0] =	vst v10;
	v10 =	vld.idx.msk [tilespmem:v41+s4+$0x0], $0xffff  }
0xf7: {  	s11 =	sadd.s32 $0x190, s11;
	v13 =	vmul.f32 v16, v29;
	[tilespmem:s17+$0x10] =	vst v12;
	v12 =	vld.idx.msk [tilespmem:v42+s4+$0x0], $0xffff  }
0xf8: {  	[tilespmem:s7+$0x20] =	vst v14;
	v6 =	vmul.f32 v11, v6  }
0xf9: {  	v5 =	vmul.f32 v7, v5;
	[tilespmem:s7+$0x30] =	vst v13  }
0xfa: {  	v1 =	vmul.f32 v8, v1;
	[tilespmem:s7+$0x50] =	vst v6  }
0xfb: {  	[tilespmem:s7+$0x60] =	vst v5;
	v2 =	vmul.f32 v9, v2  }
0xfc: {  	[tilespmem:s7+$0x70] =	vst v1;
	v1 =	vmul.f32 v10, v3  }
0xfd: {  	[tilespmem:s7+$0x80] =	vst v2;
	v2 =	vmul.f32 v12, v4  }
0xfe: {  	[tilespmem:s7+$0x90] =	vst v1  }
0xff: {  	[tilespmem:s7+$0xA0] =	vst v2  }
0x100: {  	[spmem:s3] =	stream.indirect.scatter.add.f32 [tilespmem:s26], [sflag:$0x3], $0x1, s25, s0, $0xb8;
	[tilespmem:$0x1FF80] =	vst v63  }
0x101: {  	_ =	swait.ge [sflag:s2], $0xFA0  }
0x102: {  	[sflag:s2] =	ssyncset.done $0x0  }
0x103: {  	[sflag:s2] =	ssyncadd.s32 $0xFFFFF060  }
0x104: {  	_ =	swait.ge [sflag:s2], $0xFA0  }
0x105: {  	[sflag:s2] =	ssyncset.done $0x0  }
0x106: {  	[sflag:s2] =	ssyncadd.s32 $0xFFFFF060  }
0x107: {  	_ =	swait.ge [sflag:s2], $0xFA0  }
0x108: {  	[sflag:s2] =	ssyncset.done $0x0  }
0x109: {  	s16 =	simm.s32 $0x1B7C0;
	[sflag:s2] =	ssyncadd.s32 $0xFFFFF060  }
0x10a: {  	s10 =	simm.s32 $0x0;
	s7 =	simm.s32 $0x1D7C0;
	v1 =	vld [tilespmem:s16+$0xB0]  }
0x10b: {  	s11 =	sand.u32 $0xFF0, s10;
	v2 =	vld [tilespmem:s7+$0xB0]  }
0x10c: {  	v3 =	vld [tilespmem:s11+$0x1D880]  }
0x10d: {  	v4 =	vld [tilespmem:s11+$0x1D780]  }
0x10e: {  	v5 =	vld [tilespmem:s11+$0x1D800]  }
0x10f: {  	v6 =	vld [tilespmem:s11+$0x1B880]  }
0x110: {  	v7 =	vld [tilespmem:s11+$0x1B780]  }
0x111: {  	v8 =	vld [tilespmem:s11+$0x1B800]  }
0x112: {  	v9 =	vld [tilespmem:s7+$0xFFFFFF50]  }
0x113: {  	v10 =	vld [tilespmem:s7+$0xFFFFFF60]  }
0x114: {  	v11 =	vld [tilespmem:s7+$0xFFFFFF70]  }
0x115: {  	v12 =	vld [tilespmem:s7+$0xFFFFFF80]  }
0x116: {  	v15 =	vld [tilespmem:s7+$0xFFFFFFB0]  }
0x117: {  	v16 =	vld [tilespmem:s7+$0xFFFFFFD0]  }
0x118: {  	v17 =	vld [tilespmem:s7+$0xFFFFFFE0]  }
0x119: {  	v18 =	vld [tilespmem:s7+$0xFFFFFFF0]  }
0x11a: {  	v19 =	vld [tilespmem:s7+$0x0]  }
0x11b: {  	v20 =	vld [tilespmem:s7+$0x10]  }
0x11c: {  	v21 =	vld [tilespmem:s7+$0x20]  }
0x11d: {  	v22 =	vld [tilespmem:s7+$0x30]  }
0x11e: {  	v23 =	vld [tilespmem:s16+$0xFFFFFF50]  }
0x11f: {  	v53 =	vld [tilespmem:s16+$0xFFFFFF60]  }
0x120: {  	v26 =	vld [tilespmem:s16+$0xFFFFFF80]  }
0x121: {  	v55 =	vld [tilespmem:s16+$0xFFFFFF90]  }
0x122: {  	v56 =	vld [tilespmem:s16+$0xFFFFFFA0]  }
0x123: {  	v29 =	vld [tilespmem:s16+$0xFFFFFFB0];
	v2 =	vmul.f32 $1.442695020e+00, v2  }
0x124: {  	v3 =	vmul.f32 $1.442695020e+00, v3;
	v13 =	vld.idx.msk [tilespmem:v1+s4+$0x0], $0xffff  }
0x125: {  	v4 =	vmul.f32 $1.442695020e+00, v4;
	(erf) = vpow2.f32 v2;
	v14 =	vld.idx.msk [tilespmem:v6+s4+$0x0], $0xffff  }
0x126: {  	v5 =	vmul.f32 $1.442695020e+00, v5;
	v1 =	vld [tilespmem:s7+$0xFFFFFF90];
	(erf) = vpow2.f32 v3  }
0x127: {  	v6 =	vld [tilespmem:s7+$0xFFFFFFA0];
	(erf) = vpow2.f32 v4;
	v4 =	vmul.f32 $1.442695020e+00, v9  }
0x128: {  	v58 =	vld [tilespmem:s16+$0xFFFFFFD0];
	(erf) = vpow2.f32 v5;
	v5 =	vmul.f32 $1.442695020e+00, v10  }
0x129: {  	v59 =	vld [tilespmem:s16+$0xFFFFFFE0];
	v11 =	vmul.f32 $1.442695020e+00, v11;
	(erf) = vpow2.f32 v4  }
0x12a: {  	v33 =	vld [tilespmem:s16+$0xFFFFFFF0];
	v12 =	vmul.f32 $1.442695020e+00, v12;
	(erf) = vpow2.f32 v5  }
0x12b: {  	v34 =	vld [tilespmem:s16+$0x0];
	(erf) = vpow2.f32 v11;
	v1 =	vmul.f32 $1.442695020e+00, v1  }
0x12c: {  	v35 =	vld [tilespmem:s16+$0x10];
	v6 =	vmul.f32 $1.442695020e+00, v6;
	(erf) = vpow2.f32 v12  }
0x12d: {  	v37 =	vld [tilespmem:s16+$0x20];
	v15 =	vmul.f32 $1.442695020e+00, v15;
	(erf) = vpow2.f32 v1  }
0x12e: {  	v39 =	vld [tilespmem:s16+$0x30];
	v1 =	vmul.f32 $1.442695020e+00, v16;
	v24 =	vpop (erf);
	(erf) = vpow2.f32 v6  }
0x12f: {  	v42 =	vld [tilespmem:s16+$0x60];
	v6 =	vmul.f32 $1.442695020e+00, v17;
	v25 =	vpop (erf);
	(erf) = vpow2.f32 v15  }
0x130: {  	v18 =	vmul.f32 $1.442695020e+00, v18;
	v2 =	vld [tilespmem:s7+$0x50];
	v54 =	vpop (erf);
	(erf) = vpow2.f32 v1  }
0x131: {  	v3 =	vld [tilespmem:s7+$0x60];
	v1 =	vmul.f32 $1.442695020e+00, v19;
	v27 =	vpop (erf);
	(erf) = vpow2.f32 v6  }
0x132: {  	v9 =	vld [tilespmem:s7+$0x70];
	v6 =	vmul.f32 $1.442695020e+00, v20;
	v28 =	vpop (erf);
	(erf) = vpow2.f32 v18  }
0x133: {  	v21 =	vmul.f32 $1.442695020e+00, v21;
	v10 =	vld [tilespmem:s7+$0x80];
	v57 =	vpop (erf);
	(erf) = vpow2.f32 v1  }
0x134: {  	v4 =	vld [tilespmem:s7+$0x90];
	v1 =	vmul.f32 $1.442695020e+00, v22;
	v30 =	vpop (erf);
	(erf) = vpow2.f32 v6  }
0x135: {  	v5 =	vld [tilespmem:s7+$0xA0];
	v2 =	vmul.f32 $1.442695020e+00, v2;
	v31 =	vpop (erf);
	(erf) = vpow2.f32 v21  }
0x136: {  	v11 =	vld [tilespmem:s7+$0xFFFFFF40];
	v3 =	vmul.f32 $1.442695020e+00, v3;
	v32 =	vpop (erf);
	(erf) = vpow2.f32 v1  }
0x137: {  	v44 =	vld [tilespmem:s16+$0x70];
	v1 =	vmul.f32 $1.442695020e+00, v9;
	v9 =	vpop (erf);
	(erf) = vpow2.f32 v2  }
0x138: {  	v46 =	vld [tilespmem:s16+$0x80];
	v2 =	vmul.f32 $1.442695020e+00, v10;
	v10 =	vpop (erf);
	(erf) = vpow2.f32 v3  }
0x139: {  	v12 =	vld [tilespmem:s16+$0xFFFFFF40];
	v3 =	vmul.f32 $1.442695020e+00, v4;
	v36 =	vpop (erf);
	(erf) = vpow2.f32 v1  }
0x13a: {  	v15 =	vld [tilespmem:s16+$0xFFFFFF70];
	v1 =	vmul.f32 $1.442695020e+00, v5;
	v38 =	vpop (erf);
	(erf) = vpow2.f32 v2  }
0x13b: {  	v48 =	vld [tilespmem:s16+$0x90];
	v2 =	vmul.f32 $1.442695020e+00, v11;
	v40 =	vpop (erf);
	(erf) = vpow2.f32 v3  }
0x13c: {  	v49 =	vld [tilespmem:s16+$0xA0];
	v41 =	vpop (erf);
	(erf) = vpow2.f32 v1  }
0x13d: {  	v7 =	vld.idx.msk [tilespmem:v7+s4+$0x0], $0xffff;
	(erf) = vpow2.f32 v2;
	v43 =	vpop (erf)  }
0x13e: {  	v8 =	vld.idx.msk [tilespmem:v8+s4+$0x0], $0xffff;
	v45 =	vpop (erf)  }
0x13f: {  	v23 =	vld.idx.msk [tilespmem:v23+s4+$0x0], $0xffff;
	v47 =	vpop (erf)  }
0x140: {  	v60 =	vld.idx.msk [tilespmem:v26+s4+$0x0], $0xffff;
	v6 =	vpop (erf)  }
0x141: {  	v12 =	vld.idx.msk [tilespmem:v12+s4+$0x0], $0xffff;
	v4 =	vmul.f32 v13, v24;
	v5 =	vpop (erf)  }
0x142: {  	v14 =	vmul.f32 v14, v25;
	v15 =	vld.idx.msk [tilespmem:v15+s4+$0x0], $0xffff;
	v1 =	vpop (erf)  }
0x143: {  	v13 =	vld.idx.msk [tilespmem:v53+s4+$0x0], $0xffff;
	v2 =	vpop (erf)  }
0x144: {  	v8 =	vmul.f32 v8, v27;
	[tilespmem:s11+$0x1D880] =	vst v14;
	v11 =	vld [tilespmem:s16+$0x50];
	v3 =	vpop (erf)  }
0x145: {  	v61 =	vld.idx.msk [tilespmem:v55+s4+$0x0], $0xffff;
	v7 =	vmul.f32 v7, v54;
	[tilespmem:s7+$0xB0] =	vst v4;
	v4 =	vpop (erf)  }
0x146: {  	v62 =	vld.idx.msk [tilespmem:v33+s4+$0x0], $0xffff;
	[tilespmem:s11+$0x1D800] =	vst v8;
	v8 =	vmul.f32 v23, v28;
	v14 =	vpop (erf)  }
0x147: {  	[tilespmem:s11+$0x1D780] =	vst v7;
	v7 =	vmul.f32 v12, v14;
	v14 =	vld.idx.msk [tilespmem:v29+s4+$0x0], $0xffff  }
0x148: {  	[tilespmem:s7+$0xFFFFFF50] =	vst v8;
	v8 =	vmul.f32 v15, v30;
	v12 =	vld.idx.msk [tilespmem:v56+s4+$0x0], $0xffff  }
0x149: {  	v63 =	vld.idx.msk [tilespmem:v34+s4+$0x0], $0xffff;
	[tilespmem:s7+$0xFFFFFF40] =	vst v7;
	v7 =	vmul.f32 v13, v57  }
0x14a: {  	[tilespmem:s7+$0xFFFFFF70] =	vst v8;
	v8 =	vmul.f32 v61, v32;
	v13 =	vld.idx.msk [tilespmem:v58+s4+$0x0], $0xffff  }
0x14b: {  	v15 =	vld.idx.msk [tilespmem:v59+s4+$0x0], $0xffff;
	[tilespmem:s7+$0xFFFFFF60] =	vst v7;
	v7 =	vmul.f32 v60, v31  }
0x14c: {  	[tilespmem:s7+$0xFFFFFF90] =	vst v8;
	v11 =	vld.idx.msk [tilespmem:v11+s4+$0x0], $0xffff;
	v8 =	vmul.f32 v14, v10  }
0x14d: {  	[tilespmem:s7+$0xFFFFFF80] =	vst v7;
	v7 =	vmul.f32 v12, v9;
	v9 =	vld.idx.msk [tilespmem:v35+s4+$0x0], $0xffff  }
0x14e: {  	v10 =	vmul.f32 v62, v40;
	v12 =	vld.idx.msk [tilespmem:v37+s4+$0x0], $0xffff;
	[tilespmem:s7+$0xFFFFFFB0] =	vst v8  }
0x14f: {  	[tilespmem:s7+$0xFFFFFFA0] =	vst v7;
	v7 =	vmul.f32 v13, v36;
	v13 =	vld.idx.msk [tilespmem:v39+s4+$0x0], $0xffff  }
0x150: {  	v8 =	vmul.f32 v15, v38;
	[tilespmem:s7+$0xFFFFFFF0] =	vst v10;
	v10 =	vld.idx.msk [tilespmem:v48+s4+$0x0], $0xffff  }
0x151: {  	v14 =	vmul.f32 v63, v41;
	[tilespmem:s7+$0xFFFFFFD0] =	vst v7;
	v7 =	vld.idx.msk [tilespmem:v42+s4+$0x0], $0xffff  }
0x152: {  	[tilespmem:s7+$0xFFFFFFE0] =	vst v8;
	v8 =	vld.idx.msk [tilespmem:v44+s4+$0x0], $0xffff;
	v15 =	vmul.f32 v9, v43  }
0x153: {  	[tilespmem:s7+$0x0] =	vst v14;
	v9 =	vld.idx.msk [tilespmem:v46+s4+$0x0], $0xffff;
	v14 =	vmul.f32 v12, v45  }
0x154: {  	s17 =	simm.s32 $0x1D7C0;
	s11 =	simm.s32 $0x0;
	s16 =	simm.s32 $0x1B950;
	v12 =	vld.idx.msk [tilespmem:v49+s4+$0x0], $0xffff;
	[tilespmem:s7+$0x10] =	vst v15;
	v13 =	vmul.f32 v13, v47  }
.LBB2_9:
0x155: {  	v15 =	vld [tilespmem:s16+$0xB0];
	[tilespmem:s7+$0x20] =	vst v14;
	v6 =	vmul.f32 v11, v6;
	s10 =	sadd.s32 $0x190, s10;
	s17 =	sadd.s32 $0x190, s17  }
0x156: {  	s11 =	sadd.s32 $0x19, s11;
	v5 =	vmul.f32 v7, v5;
	s18 =	sand.u32 $0xFF0, s10;
	v11 =	vld [tilespmem:s17+$0xB0];
	[tilespmem:s7+$0x30] =	vst v13  }
0x157: {  	p1 =	slt.u32 s11, $0xE1;
	v1 =	vmul.f32 v8, v1;
	v7 =	vld [tilespmem:s18+$0x1D880];
	[tilespmem:s7+$0x50] =	vst v6  }
0x158: {  	v2 =	vmul.f32 v9, v2;
	v6 =	vld [tilespmem:s18+$0x1D780];
	[tilespmem:s7+$0x60] =	vst v5  }
0x159: {  	v5 =	vld [tilespmem:s18+$0x1D800];
	[tilespmem:s7+$0x70] =	vst v1;
	v1 =	vmul.f32 v10, v3  }
0x15a: {  	v3 =	vld [tilespmem:s18+$0x1B880];
	[tilespmem:s7+$0x80] =	vst v2;
	v2 =	vmul.f32 v12, v4  }
0x15b: {  	v4 =	vld [tilespmem:s18+$0x1B780];
	v8 =	vmul.f32 $1.442695020e+00, v11;
	[tilespmem:s7+$0x90] =	vst v1  }
0x15c: {  	v1 =	vld [tilespmem:s18+$0x1B800];
	v7 =	vmul.f32 $1.442695020e+00, v7;
	[tilespmem:s7+$0xA0] =	vst v2;
	s7 =	smov.u32 s17  }
0x15d: {  	v2 =	vld [tilespmem:s17+$0xFFFFFF50];
	v6 =	vmul.f32 $1.442695020e+00, v6;
	(erf) = vpow2.f32 v8  }
0x15e: {  	v8 =	vld [tilespmem:s17+$0xFFFFFF60];
	v5 =	vmul.f32 $1.442695020e+00, v5;
	(erf) = vpow2.f32 v7  }
0x15f: {  	v7 =	vld [tilespmem:s17+$0xFFFFFF70];
	(erf) = vpow2.f32 v6  }
0x160: {  	v6 =	vld [tilespmem:s17+$0xFFFFFF80];
	(erf) = vpow2.f32 v5  }
0x161: {  	v5 =	vld.idx.msk [tilespmem:v15+s4+$0x0], $0xffff  }
0x162: {  	v2 =	vmul.f32 $1.442695020e+00, v2;
	v3 =	vld.idx.msk [tilespmem:v3+s4+$0x0], $0xffff  }
0x163: {  	v8 =	vmul.f32 $1.442695020e+00, v8;
	v4 =	vld.idx.msk [tilespmem:v4+s4+$0x0], $0xffff  }
0x164: {  	v9 =	vmul.f32 $1.442695020e+00, v7;
	v1 =	vld.idx.msk [tilespmem:v1+s4+$0x0], $0xffff;
	(erf) = vpow2.f32 v2  }
0x165: {  	v10 =	vmul.f32 $1.442695020e+00, v6;
	v6 =	vld [tilespmem:s17+$0xFFFFFF90];
	(erf) = vpow2.f32 v8  }
0x166: {  	v8 =	vld [tilespmem:s17+$0xFFFFFFA0];
	(erf) = vpow2.f32 v9;
	v7 =	vpop (erf)  }
0x167: {  	v9 =	vld [tilespmem:s17+$0xFFFFFFB0];
	v11 =	vmul.f32 v5, v7;
	(erf) = vpow2.f32 v10;
	v2 =	vpop (erf)  }
0x168: {  	v7 =	vld [tilespmem:s17+$0xFFFFFFD0];
	v2 =	vmul.f32 v3, v2;
	v3 =	vpop (erf)  }
0x169: {  	v3 =	vmul.f32 v4, v3;
	v4 =	vld [tilespmem:s17+$0xFFFFFFE0];
	[tilespmem:s17+$0xB0] =	vst v11;
	v5 =	vpop (erf)  }
0x16a: {  	v6 =	vmul.f32 $1.442695020e+00, v6;
	v10 =	vld [tilespmem:s17+$0xFFFFFFF0];
	v1 =	vmul.f32 v1, v5;
	[tilespmem:s18+$0x1D880] =	vst v2  }
0x16b: {  	v2 =	vmul.f32 $1.442695020e+00, v8;
	[tilespmem:s18+$0x1D780] =	vst v3;
	v3 =	vld [tilespmem:s17+$0x0]  }
0x16c: {  	v5 =	vmul.f32 $1.442695020e+00, v9;
	v8 =	vld [tilespmem:s17+$0x10];
	[tilespmem:s18+$0x1D800] =	vst v1;
	(erf) = vpow2.f32 v6  }
0x16d: {  	v1 =	vmul.f32 $1.442695020e+00, v7;
	v6 =	vld [tilespmem:s17+$0x20];
	v7 =	vpop (erf);
	(erf) = vpow2.f32 v2  }
0x16e: {  	v2 =	vmul.f32 $1.442695020e+00, v4;
	v4 =	vld [tilespmem:s17+$0x30];
	v9 =	vpop (erf);
	(erf) = vpow2.f32 v5  }
0x16f: {  	v5 =	vmul.f32 $1.442695020e+00, v10;
	v10 =	vld [tilespmem:s17+$0x50];
	v11 =	vpop (erf);
	(erf) = vpow2.f32 v1  }
0x170: {  	v1 =	vmul.f32 $1.442695020e+00, v3;
	v3 =	vld [tilespmem:s17+$0x60];
	v12 =	vpop (erf);
	(erf) = vpow2.f32 v2  }
0x171: {  	v2 =	vmul.f32 $1.442695020e+00, v8;
	v8 =	vld [tilespmem:s17+$0x70];
	(erf) = vpow2.f32 v5  }
0x172: {  	v5 =	vmul.f32 $1.442695020e+00, v6;
	v6 =	vld [tilespmem:s17+$0x80];
	(erf) = vpow2.f32 v1  }
0x173: {  	v1 =	vmul.f32 $1.442695020e+00, v4;
	v4 =	vld [tilespmem:s17+$0x90];
	(erf) = vpow2.f32 v2  }
0x174: {  	v2 =	vmul.f32 $1.442695020e+00, v10;
	v10 =	vld [tilespmem:s17+$0xA0];
	(erf) = vpow2.f32 v5  }
0x175: {  	v5 =	vld [tilespmem:s17+$0xFFFFFF40];
	v3 =	vmul.f32 $1.442695020e+00, v3;
	v13 =	vpop (erf);
	(erf) = vpow2.f32 v1  }
0x176: {  	v14 =	vld [tilespmem:s16+$0xFFFFFF40];
	v1 =	vmul.f32 $1.442695020e+00, v8;
	v8 =	vpop (erf);
	(erf) = vpow2.f32 v2  }
0x177: {  	v15 =	vld [tilespmem:s16+$0xFFFFFF50];
	v2 =	vmul.f32 $1.442695020e+00, v6;
	v16 =	vpop (erf);
	(erf) = vpow2.f32 v3  }
0x178: {  	v17 =	vld [tilespmem:s16+$0xFFFFFF60];
	v3 =	vmul.f32 $1.442695020e+00, v4;
	v18 =	vpop (erf);
	(erf) = vpow2.f32 v1  }
0x179: {  	v19 =	vld [tilespmem:s16+$0xFFFFFF70];
	v1 =	vmul.f32 $1.442695020e+00, v10;
	v10 =	vpop (erf);
	(erf) = vpow2.f32 v2  }
0x17a: {  	v2 =	vmul.f32 $1.442695020e+00, v5;
	v20 =	vld [tilespmem:s16+$0xFFFFFF80];
	v21 =	vpop (erf);
	(erf) = vpow2.f32 v3  }
0x17b: {  	v22 =	vld [tilespmem:s16+$0xFFFFFF90];
	v23 =	vpop (erf);
	(erf) = vpow2.f32 v1  }
0x17c: {  	v24 =	vld [tilespmem:s16+$0xFFFFFFA0];
	(erf) = vpow2.f32 v2;
	v25 =	vpop (erf)  }
0x17d: {  	v26 =	vld [tilespmem:s16+$0xFFFFFFB0];
	v27 =	vpop (erf)  }
0x17e: {  	v28 =	vld [tilespmem:s16+$0xFFFFFFD0];
	v29 =	vpop (erf)  }
0x17f: {  	v30 =	vld [tilespmem:s16+$0xFFFFFFE0];
	v6 =	vpop (erf)  }
0x180: {  	v31 =	vld [tilespmem:s16+$0xFFFFFFF0];
	v5 =	vpop (erf)  }
0x181: {  	v32 =	vld [tilespmem:s16+$0x0];
	v1 =	vpop (erf)  }
0x182: {  	v33 =	vld [tilespmem:s16+$0x10];
	v2 =	vpop (erf)  }
0x183: {  	v34 =	vld [tilespmem:s16+$0x20];
	v3 =	vpop (erf)  }
0x184: {  	v35 =	vld [tilespmem:s16+$0x30];
	v4 =	vpop (erf)  }
0x185: {  	v36 =	vld [tilespmem:s16+$0x50];
	v37 =	vpop (erf)  }
0x186: {  	v38 =	vld [tilespmem:s16+$0x60]  }
0x187: {  	v39 =	vld [tilespmem:s16+$0x70]  }
0x188: {  	v40 =	vld [tilespmem:s16+$0x80]  }
0x189: {  	v41 =	vld [tilespmem:s16+$0x90]  }
0x18a: {  	v42 =	vld [tilespmem:s16+$0xA0]  }
0x18b: {  	v14 =	vld.idx.msk [tilespmem:v14+s4+$0x0], $0xffff  }
0x18c: {  	v15 =	vld.idx.msk [tilespmem:v15+s4+$0x0], $0xffff  }
0x18d: {  	v17 =	vld.idx.msk [tilespmem:v17+s4+$0x0], $0xffff  }
0x18e: {  	v19 =	vld.idx.msk [tilespmem:v19+s4+$0x0], $0xffff  }
0x18f: {  	v20 =	vld.idx.msk [tilespmem:v20+s4+$0x0], $0xffff  }
0x190: {  	v22 =	vld.idx.msk [tilespmem:v22+s4+$0x0], $0xffff  }
0x191: {  	v14 =	vmul.f32 v14, v37;
	v24 =	vld.idx.msk [tilespmem:v24+s4+$0x0], $0xffff  }
0x192: {  	v7 =	vmul.f32 v15, v7;
	v15 =	vld.idx.msk [tilespmem:v26+s4+$0x0], $0xffff  }
0x193: {  	v9 =	vmul.f32 v17, v9;
	[tilespmem:s17+$0xFFFFFF40] =	vst v14;
	v14 =	vld.idx.msk [tilespmem:v28+s4+$0x0], $0xffff  }
0x194: {  	[tilespmem:s17+$0xFFFFFF50] =	vst v7;
	v7 =	vmul.f32 v19, v11;
	v11 =	vld.idx.msk [tilespmem:v30+s4+$0x0], $0xffff  }
0x195: {  	[tilespmem:s17+$0xFFFFFF60] =	vst v9;
	v9 =	vmul.f32 v20, v12;
	v12 =	vld.idx.msk [tilespmem:v31+s4+$0x0], $0xffff  }
0x196: {  	[tilespmem:s17+$0xFFFFFF70] =	vst v7;
	v7 =	vmul.f32 v22, v13;
	v13 =	vld.idx.msk [tilespmem:v32+s4+$0x0], $0xffff  }
0x197: {  	v8 =	vmul.f32 v24, v8;
	[tilespmem:s17+$0xFFFFFF80] =	vst v9;
	v9 =	vld.idx.msk [tilespmem:v33+s4+$0x0], $0xffff  }
0x198: {  	[tilespmem:s17+$0xFFFFFF90] =	vst v7;
	v7 =	vmul.f32 v15, v16;
	v15 =	vld.idx.msk [tilespmem:v34+s4+$0x0], $0xffff  }
0x199: {  	[tilespmem:s17+$0xFFFFFFA0] =	vst v8;
	v8 =	vmul.f32 v14, v18;
	v16 =	vld.idx.msk [tilespmem:v35+s4+$0x0], $0xffff  }
0x19a: {  	v10 =	vmul.f32 v11, v10;
	[tilespmem:s17+$0xFFFFFFB0] =	vst v7;
	v11 =	vld.idx.msk [tilespmem:v36+s4+$0x0], $0xffff  }
.Ltmp5:
0x19b: {  	v12 =	vmul.f32 v12, v21;
	[tilespmem:s17+$0xFFFFFFD0] =	vst v8;
	v7 =	vld.idx.msk [tilespmem:v38+s4+$0x0], $0xffff;
	(pc) =	sbr.rel @p1 .LBB2_9-.Ltmp5, $4  }
0x19c: {  	[tilespmem:s17+$0xFFFFFFE0] =	vst v10;
	v10 =	vmul.f32 v13, v23;
	v8 =	vld.idx.msk [tilespmem:v39+s4+$0x0], $0xffff  }
0x19d: {  	[tilespmem:s17+$0xFFFFFFF0] =	vst v12;
	v12 =	vmul.f32 v9, v25;
	v9 =	vld.idx.msk [tilespmem:v40+s4+$0x0], $0xffff  }
0x19e: {  	v14 =	vmul.f32 v15, v27;
	[tilespmem:s17+$0x0] =	vst v10;
	v10 =	vld.idx.msk [tilespmem:v41+s4+$0x0], $0xffff  }
0x19f: {  	s16 =	sadd.s32 $0x190, s16;
	v13 =	vmul.f32 v16, v29;
	[tilespmem:s17+$0x10] =	vst v12;
	v12 =	vld.idx.msk [tilespmem:v42+s4+$0x0], $0xffff  }
0x1a0: {  	[tilespmem:s7+$0x20] =	vst v14;
	v6 =	vmul.f32 v11, v6  }
0x1a1: {  	v5 =	vmul.f32 v7, v5;
	[tilespmem:s7+$0x30] =	vst v13  }
0x1a2: {  	v1 =	vmul.f32 v8, v1;
	[tilespmem:s7+$0x50] =	vst v6  }
0x1a3: {  	[tilespmem:s7+$0x60] =	vst v5;
	v2 =	vmul.f32 v9, v2  }
0x1a4: {  	[tilespmem:s7+$0x70] =	vst v1;
	v1 =	vmul.f32 v10, v3  }
0x1a5: {  	[tilespmem:s7+$0x80] =	vst v2;
	v2 =	vmul.f32 v12, v4  }
0x1a6: {  	p1 =	seq.s32 s6, $0x18;
	[tilespmem:s7+$0x90] =	vst v1  }
.Ltmp6:
0x1a7: {  	[tilespmem:s7+$0xA0] =	vst v2;
	(pc) =	sbr.rel @p1 .LBB2_12-.Ltmp6, $4  }
0x1a8: {  	[spmem:s3] =	stream.indirect.scatter.add.f32 [tilespmem:s30], [sflag:$0x4], $0x1, s29, s0, $0xb8;
	[tilespmem:$0x1FF80] =	vst v63  }
0x1a9: {  	_ =	swait.ge [sflag:s28], $0xFA0  }
0x1aa: {  	[sflag:s28] =	ssyncset.done $0x0  }
0x1ab: {  	[sflag:s28] =	ssyncadd.s32 $0xFFFFF060  }
0x1ac: {  	s7 =	smul.u32 $0x1F40, s6;
	_ =	sdelay $0x1  }
0x1ad: {  	s7 =	sadd.s32 s7, s19  }
0x1ae: {  	s7 =	sshrl.u32 s7, $0x3  }
0x1af: {  	s10 =	sadd.s32 s5, s7  }
0x1b0: {  	[tilespmem:s24], [sflag:$0x1] =	stream.linear.gather [hbm4b:s10+s4], $0xFA0, $0x38;
	[tilespmem:$0x1FF80] =	vst v63  }
.Ltmp7:
0x1b1: {  	_ = 	snop;
	(pc) =	sbr.rel .LBB2_6-.Ltmp7, $4  }
0x1b2: {  	s10 =	sadd.s32 $0xC3500, s10  }
0x1b3: {  	[tilespmem:s25], [sflag:$0x1] =	stream.linear.gather [hbm4b:s10+s4], $0xFA0, $0x38;
	[tilespmem:$0x1FF80] =	vst v63  }
0x1b4: {  	s6 =	sadd.s32 $0x1, s6;
	s7 =	sadd.s32 s1, s7  }
0x1b5: {  	[tilespmem:s26], [sflag:$0x1] =	stream.linear.gather [hbm4b:s7+s4], $0xFA0, $0x38;
	[tilespmem:$0x1FF80] =	vst v63  }
.LBB2_13:
0x1b6: {  	_ =	sfence.sel $0x180000  }
0x1b7: {  	[bflag:$0x0] =	sbarrier.arrive $0xFFFF  }
0x1b8: {  	_ =	strace $0x9000004A  }
0x1b9: {  	s0 =	stileid.u32;
	[bflag:$0x2] =	sbarrier.arrive $0xFFFF  }
0x1ba: {  	p0 =	sne.s32 s0, $0x0;
	s0 =	rddreg [dreg:$0x3]  }
0x1bb: {  	s0 =	sadd.s32 @!p0 $0x100000, s0  }
0x1bc: {  	[sflag:s0] =	ssyncadd.tile.s32 @!p0 $0x1;
	_ =	shalt  }
.Lfunc_end2:
_tile_overlayer_lowered:
.L_overlay_start_2:
0x1bd: {  	(tag) =	ssettag $0x2  }
0x1be: {  	s0 =	rddreg [dreg:$0x0];
	s2 =	stileid.u32  }
0x1bf: {  	s1 =	rddreg [dreg:$0x1];
	p0 =	sne.s32 s2, $0x0  }
0x1c0: {  	s3 =	rddreg [dreg:$0x2];
	[bflag:$0x3] =	sbarrier.arrive $0xFFFF;
	s2 =	simm.s32 @!p0 $0x1C05  }
0x1c1: {  	[timem:s3], [sflag:s2] =	dma.local @!p0 [hbm:s0], s1  }
0x1c2: {  	s0 =	simm.s32 @!p0 $0x5  }
0x1c3: {  	_ =	swait.ge @!p0 [sflag:s0], s1  }
0x1c4: {  	s1 =	ssub.s32 @!p0 $0x0, s1;
	[sflag:s0] =	ssyncset.done @!p0 $0x0  }
0x1c5: {  	[sflag:s0] =	ssyncadd.s32 @!p0 s1  }
0x1c6: {  	[bflag:$0x3] =	sbarrier.arrive $0xFFFF  }
0x1c7: {  	_ =	shalt  }

// kernel: sparse-core-data-format-call.cloned.1.call-start
scs
called_computation_lowered:
.L_overlay_start_0:
0x0: {  	s2 =	sld [smem:$0x3FD9]  }
0x1: {  	s3 =	sld [smem:$0x3FFE];
	_ =	sdelay $0x1  }
0x2: {  	s1 =	srdreg.scid  }
0x3: {  	s0 =	sand.u32 $0x1, s1  }
0x4: {  	s18 =	sshll.u32 s0, $0xA;
	s2 =	sadd.s32 s3, s2  }
0x5: {  	s2 =	sadd.s32 s2, s18  }
0x6: {  	[smem:$0x3FBC] =	sst s2  }
0x7: {  	_ = 	snop  }
0x8: {  	s2 =	sld [smem:$0x3FC8];
	(tm) =	ssettm $0x1  }
0x9: {  	s19 =	sld [smem:$0x3FFB];
	_ =	sdelay $0x3  }
0xa: {  	_ =	strace s19  }
0xb: {  	s3 =	sld [smem:$0x3FFC];
	_ =	sdelay $0x3  }
0xc: {  	_ =	strace s3  }
0xd: {  	s3 =	sld [smem:$0x3FFD];
	_ =	sdelay $0x3  }
0xe: {  	_ =	strace s3  }
0xf: {  	_ =	strace $0x8FFFFFFF  }
0x10: {  	s20 =	sld [smem:$0x3FDB];
	_ =	sdelay $0x1  }
0x11: {  	s4 =	simm.s32 $_scs_section_size  }
0x12: {  	s5 =	simm.s32 $_size__tile_overlayer_lowered;
	s6 =	simm.s32 $_tile_overlayer_lowered  }
0x13: {  	s23 =	simm.s32 $0x1BFF;
	s22 =	sshll.u32 s6, $0x1;
	s3 =	sadd.s32 s4, s20  }
0x14: {  	s7 =	simm.s32 $0x0;
	s21 =	sshll.u32 s5, $0x1;
	s5 =	sadd.s32 s22, s3  }
0x15: {  	[timem:s7], [sflag:s23] =	dma.local [hbm:s5], s21  }
0x16: {  	_ =	swait.ge [sflag:s23], s21  }
0x17: {  	s4 =	ssub.s32 $0x0, s21;
	[sflag:s23] =	ssyncset.done $0x0  }
0x18: {  	[sflag:s23] =	ssyncadd.s32 s4;
	_ =	sdelay $0x1  }
0x19: {  	s24 =	simm.s32 $0x1B8B  }
0x1a: {  	_ =	swait.ge [sflag:s24], $0x1  }
0x1b: {  	[sflag:s24] =	ssyncset.done $0x0  }
0x1c: {  	s26 =	simm.s32 $0x1B8E;
	s25 =	sld [smem:$0x3FFE];
	[sflag:s24] =	ssyncadd.s32 $0xFFFFFFFF  }
0x1d: {  	s27 =	simm.s32 $execute0_lowered;
	[smem:$0x3FD2] =	sst s26  }
0x1e: {  	s5 =	sshll.u32 s27, $0x1;
	_ =	strace $0x80000046;
	[dreg:$0x1] =	wrdreg $0xFFFFFFFF  }
0x1f: {  	s28 =	simm.s32 $_size_execute0_lowered;
	s3 =	sadd.s32 s3, s5;
	[dreg:$0x0] =	wrdreg $0x0  }
0x20: {  	s5 =	sshll.u32 s28, $0x1;
	[dreg:$0x2] =	wrdreg s3  }
0x21: {  	[dreg:$0x3] =	wrdreg s5  }
0x22: {  	[dreg:$0x4] =	wrdreg $0xC0  }
0x23: {  	_ =	task [dreg:s7], $0x5FFFF  }
0x24: {  	[dreg:$0x1] =	wrdreg $0xFFFFFFFF  }
0x25: {  	[dreg:$0x0] =	wrdreg $0x60  }
0x26: {  	[dreg:$0x2] =	wrdreg s2  }
0x27: {  	[dreg:$0x3] =	wrdreg s25  }
0x28: {  	[dreg:$0x4] =	wrdreg $0x9  }
0x29: {  	_ =	task.clear_ibuf [dreg:s7], $0x5FFFF;
	_ =	strace $0x90000046  }
0x2a: {  	s29 =	simm.s32 $0x9;
	_ =	strace $0x80000048  }
0x2b: {  	_ =	swait.ge [sflag:s29], $0x1  }
0x2c: {  	[sflag:s29] =	ssyncadd.s32 $0xFFFFFFFF  }
0x2d: {  	_ =	strace $0x90000048  }
0x2e: {  	_ =	sfence  }
0x2f: {  	s30 =	sld [smem:$0x0];
	_ =	sdelay $0x2  }
0x30: {  	s31 =	sshll.u32 s1, $0xD;
	s1 =	sshrl.u32 s1, $0x2  }
0x31: {  	s3 =	sand.u32 $0x4000, s31;
	s1 =	sadd.s32 s1, s30  }
0x32: {  	s0 =	sor.u32 s3, s0;
	s1 =	sshll.u32 s1, $0x11  }
0x33: {  	s0 =	sor.u32 s1, s0  }
0x34: {  	s0 =	sadd.s32 $0x8F2B, s0  }
0x35: {  	[sflag:s0] =	ssyncadd.remote.s32 $0x1  }
0x36: {  	_ =	sfence.sel $0xFFFF  }
0x37: {  	[dreg:$0x0] =	wrdreg $0xFFFFFFFF;
	(pc) =	sbr.abs _section_cstart, $3  }
0x38: {  	[dreg:$0x1] =	wrdreg $0xFFFFFFFF  }
0x39: {  	_ =	task.clear_ibuf [dreg:s7], $0x2FFFF;
	_ =	strace $0x9FFFFFFF  }
0x3a: {  	(tm) =	ssettm $0x7FFFFFFF  }
0x3b: {  	_ =	shalt  }
tec
execute0_lowered:
.L_overlay_start_1:
0x0: {  	(tag) =	ssettag $0x1  }
0x1: {  	s0 =	stileid.u32;
	s7 =	rddreg [dreg:$0x0]  }
0x2: {  	s1 =	srdreg.scid;
	s4 =	rddreg [dreg:$0x1]  }
0x3: {  	s30 =	simm.s32 $0x2;
	s10 =	simm.s32 $0x0;
	s14 =	simm.s32 $0x0  }
0x4: {  	s15 =	simm.s32 $0x0;
	s11 =	simm.s32 $0x0;
	s13 =	simm.s32 $0x0  }
0x5: {  	s2 =	sand.u32 $0x1, s1;
	s3 =	sshll.u32 s0, $0x7;
	s1 =	rddreg [dreg:$0x2]  }
0x6: {  	_ =	strace $0x80000047;
	s5 =	ssub.s32 $0xC300, s3;
	s6 =	ssub.s32 $0x2, s2  }
.Ltmp0:
0x7: {  	s5 =	sshrl.u32 s5, $0xB;
	s8 =	sshrl.u32 s6, $0x1;
	(pc) =	sbr.rel .LBB1_1-.Ltmp0, $4  }
0x8: {  	s4 =	sadd.s32 $0x3400, s4;
	s9 =	sadd.s32 $0x1, s5;
	s6 =	ssub.s32 s6, s8  }
0x9: {  	s31 =	sshll.u32 s2, $0x4;
	s5 =	simm.s32 $0x1;
	s6 =	smul.u32 s9, s6  }
0xa: {  	s12 =	smov.u32 s3;
	s7 =	sadd.s32 s7, s31;
	[sflag:s5] =	ssyncpa.u1 $0x0  }
0xb: {  	s9 =	simm.s32 $0x0;
	[sflag:s30] =	ssyncpa.u1 $0x0;
	s8 =	sadd.s32 $0x1, s6  }
.LBB1_4:
0xc: {  	s21 =	simm.s32 $0x0  }
.LBB1_8:
0xd: {  	_ =	sdelay $0x3  }
0xe: {  	v6 =	vld [tilespmem:s18+$0xFFFFFFC0];
	[tilespmem:v0+s20+$0x30 ss:$0x1] =	vst.idx.msk @p0 $0xffff, v2  }
0xf: {  	v58 =	vld [tilespmem:s18+$0xFFFFFFD0];
	[tilespmem:v0+s20+$0x40 ss:$0x1] =	vst.idx.msk @p0 $0xffff, v3;
	s21 =	sadd.s32 @p0 $0x80, s21  }
0x10: {  	v59 =	vld [tilespmem:s18+$0xFFFFFFE0];
	[tilespmem:v0+s20+$0x50 ss:$0x1] =	vst.idx.msk @p0 $0xffff, v5;
	s19 =	smov.u32 @p0 s21  }
0x11: {  	v60 =	vld [tilespmem:s18+$0xFFFFFFF0];
	[tilespmem:v0+s20+$0x60 ss:$0x1] =	vst.idx.msk @p0 $0xffff, v4;
	s19 =	sand.u32 $0x3F80, s19  }
0x12: {  	v61 =	vld [tilespmem:s18+$0x0];
	[tilespmem:v0+s19+$0x70 ss:$0x1] =	vst.idx.msk $0xffff, v1  }
0x13: {  	v62 =	vld [tilespmem:s18+$0x10];
	[tilespmem:v0+s19+$0x0 ss:$0x1] =	vst.idx.msk $0xffff, v6  }
0x14: {  	v63 =	vld [tilespmem:s18+$0x20];
	[tilespmem:v0+s19+$0x10 ss:$0x1] =	vst.idx.msk $0xffff, v58  }
0x15: {  	[tilespmem:v0+s19+$0x20 ss:$0x1] =	vst.idx.msk $0xffff, v59  }
0x16: {  	[tilespmem:v0+s19+$0x30 ss:$0x1] =	vst.idx.msk $0xffff, v60  }
0x17: {  	[tilespmem:v0+s19+$0x40 ss:$0x1] =	vst.idx.msk $0xffff, v61  }
0x18: {  	[tilespmem:v0+s19+$0x50 ss:$0x1] =	vst.idx.msk $0xffff, v62  }
0x19: {  	[tilespmem:v0+s19+$0x60 ss:$0x1] =	vst.idx.msk $0xffff, v63  }
.LBB1_9:
0x1a: {  	s18 =	sand.u32 $0x1FFFFFF, s11  }
0x1b: {  	s19 =	smulhi.u32 $0x14F8B59, s18;
	_ =	sdelay $0x1  }
0x1c: {  	s19 =	sshrl.u32 s19, $0x8  }
0x1d: {  	s19 =	smul.u32 $0xC350, s19  }
0x1e: {  	s15 =	smul.u32 $0xC3500, s15  }
0x1f: {  	s18 =	ssub.s32 s18, s19  }
0x20: {  	s15 =	sadd.s32 s4, s15;
	s18 =	sshll.u32 s18, $0x4  }
0x21: {  	s15 =	sadd.s32 s18, s15  }
0x22: {  	[hbm4b:s15+s9] =	stream.linear.scatter [tilespmem:s17], [sflag:$0x2], s16, $0x38;
	[tilespmem:$0x10000] =	vst v63  }
.LBB1_10:
0x23: {  	p0 =	slt.u32 s13, $0x2  }
0x24: {  	p1 =	sgt.s32 @!p0 s14, $0xC2D0  }
0x25: {  	s15 =	smov.u32 s14;
	s16 =	sshra.s32 @!p0 s14, $0x1F;
	p1 =	por !p1, p0  }
0x26: {  	s14 =	sand.u32 @!p0 s16, s14;
	s15 =	simm.s32 @p1 $0xC2D0  }
0x27: {  	s14 =	ssub.s32 @!p0 s15, s14  }
0x28: {  	s14 =	sadd.s32 @!p0 $0xFFFF3D30, s14  }
0x29: {  	s15 =	sshll.u32 @!p0 s14, $0x7  }
0x2a: {  	p1 =	sgt.s32 @!p0 s14, $0x7F;
	s14 =	ssub.s32 @!p0 $0x4000, s15  }
0x2b: {  	s16 =	sadd.s32 $0x800, s12;
	p1 =	por !p1, p0;
	s14 =	sand.u32 @!p0 $0x3FFFFF80, s14  }
0x2c: {  	s14 =	simm.s32 @!p1 $0x0;
	p1 =	sgt.s32 s16, $0xC34F  }
0x2d: {  	s16 =	smov.u32 @p1 s3;
	p1 =	sne.s32 s13, s8  }
.Ltmp1:
0x2e: {  	_ = 	snop;
	(pc) =	sbr.rel @!p1 .LBB1_11-.Ltmp1, $4  }
0x2f: {  	s10 =	sadd.s32 $0x4000, s10;
	s15 =	simm.s32 @!p0 $0x2  }
0x30: {  	_ =	swait.ge @!p0 [sflag:s15], s14;
	s17 =	ssub.s32 @!p0 $0x0, s14;
	s14 =	smov.u32 s11  }
0x31: {  	s13 =	sadd.s32 $0x1, s13;
	s11 =	smov.u32 s12;
	[sflag:s15] =	ssyncset.done @!p0 $0x0  }
0x32: {  	s12 =	smov.u32 s16;
	[sflag:s15] =	ssyncadd.s32 @!p0 s17;
	s15 =	smov.u32 s2  }
.LBB1_1:
0x33: {  	p0 =	sge.u32 s13, s6  }
0x34: {  	p1 =	sgt.s32 @!p0 s12, $0xC2D0  }
0x35: {  	s16 =	smov.u32 s12;
	s17 =	sshra.s32 @!p0 s12, $0x1F;
	p1 =	por !p1, p0  }
0x36: {  	s17 =	sand.u32 @!p0 s17, s12;
	s16 =	simm.s32 @p1 $0xC2D0  }
0x37: {  	s16 =	ssub.s32 @!p0 s16, s17  }
0x38: {  	s31 =	sadd.s32 $0xFFFFFFFF, s13;
	s18 =	sxor.u32 @!p0 $0xFFFFFFFF, s13;
	s16 =	sadd.s32 @!p0 $0xFFFF3D30, s16  }
0x39: {  	s19 =	simm.s32 @!p0 $0x80;
	s20 =	simm.s32 @!p0 $0x100;
	s17 =	sshll.u32 @!p0 s16, $0x7  }
0x3a: {  	p1 =	sgt.s32 @!p0 s16, $0x7F;
	s16 =	ssub.s32 @!p0 $0x4000, s17;
	s17 =	sshll.u32 @!p0 s18, $0xE  }
0x3b: {  	p1 =	por !p1, p0;
	s18 =	sshll.u32 @!p0 s12, $0x5;
	s16 =	sand.u32 @!p0 $0x3FFFFF80, s16  }
0x3c: {  	s17 =	sand.u32 @!p0 $0x4000, s17;
	s18 =	sadd.s32 @!p0 s18, s7;
	s16 =	simm.s32 @!p1 $0x0  }
0x3d: {  	[tilespmem:s17], [sflag:$0x1] =	stream.strided.gather @!p0 [hbm4b:s18+s19], s16, s20, s19, $0x38;
	[tilespmem:$0x10000] =	vst v63  }
0x3e: {  	p0 =	sge.u32 s31, s6  }
.Ltmp2:
0x3f: {  	_ = 	snop;
	(pc) =	sbr.rel @p0 .LBB1_10-.Ltmp2, $1  }
0x40: {  	_ =	sdelay $0x3  }
0x41: {  	p0 =	sgt.s32 s11, $0xC2D0;
	s16 =	smov.u32 s11;
	s17 =	sshra.s32 s11, $0x1F  }
0x42: {  	s16 =	simm.s32 @!p0 $0xC2D0;
	s17 =	sand.u32 s17, s11  }
0x43: {  	s16 =	ssub.s32 s16, s17  }
0x44: {  	s16 =	sadd.s32 $0xFFFF3D30, s16  }
0x45: {  	s30 =	sshll.u32 s16, $0x7  }
0x46: {  	s17 =	ssub.s32 $0x4000, s30  }
0x47: {  	p0 =	sgt.s32 s16, $0x7F;
	s16 =	sand.u32 $0x3FFFFF80, s17;
	s17 =	sadd.s32 $0x80, s11  }
0x48: {  	s16 =	simm.s32 @p0 $0x0;
	p0 =	slt.s32 s17, $0xC350  }
0x49: {  	s17 =	simm.s32 @!p0 $0xC350  }
0x4a: {  	s20 =	ssub.s32 s17, s11  }
0x4b: {  	p0 =	slt.s32 s20, $0x1  }
.Ltmp3:
0x4c: {  	_ = 	snop;
	(pc) =	sbr.rel @p0 .LBB1_9-.Ltmp3, $4  }
0x4d: {  	_ = 	snop  }
0x4e: {  	s19 =	sshll.u32 s13, $0xE;
	_ =	swait.ge [sflag:s5], s16  }
0x4f: {  	s31 =	sand.u32 $0x4000, s19;
	s18 =	ssub.s32 $0x0, s16;
	[sflag:s5] =	ssyncset.done $0x0  }
0x50: {  	s17 =	sor.u32 $0x8000, s31;
	[sflag:s5] =	ssyncadd.s32 s18  }
0x51: {  	p1 =	sne.s32 s20, $0x1  }
.Ltmp4:
0x52: {  	v0 =	vmov s17;
	(pc) =	sbr.rel @!p1 .LBB1_4-.Ltmp4, $4  }
0x53: {  	_ = 	snop  }
0x54: {  	s18 =	sand.u32 $0x4000, s10  }
0x55: {  	s18 =	sor.u32 $0x40, s18  }
0x56: {  	s19 =	simm.s32 $0x0;
	s21 =	sadd.s32 $0xFFFFFFFF, s20;
	p0 =	por $0x0, $0x0;
	v1 =	vld [tilespmem:s18+$0x30]  }
0x57: {  	v4 =	vld [tilespmem:s18+$0xFFFFFFC0]  }
0x58: {  	v6 =	vld [tilespmem:s18+$0xFFFFFFD0]  }
0x59: {  	v7 =	vld [tilespmem:s18+$0xFFFFFFE0];
	p1 =	sne.s32 s21, $0x1  }
.Ltmp5:
0x5a: {  	v2 =	vld [tilespmem:s18+$0xFFFFFFF0];
	s20 =	sand.u32 $0x3F80, s19;
	(pc) =	sbr.rel @!p1 .LBB1_6-.Ltmp5, $4  }
0x5b: {  	v3 =	vld [tilespmem:s18+$0x0];
	[tilespmem:v0+s20+$0x70 ss:$0x1] =	vst.idx.msk $0xffff, v1  }
0x5c: {  	v5 =	vld [tilespmem:s18+$0x10];
	[tilespmem:v0+s20+$0x0 ss:$0x1] =	vst.idx.msk $0xffff, v4  }
0x5d: {  	v4 =	vld [tilespmem:s18+$0x20];
	[tilespmem:v0+s20+$0x10 ss:$0x1] =	vst.idx.msk $0xffff, v6;
	s18 =	sadd.s32 $0x80, s18  }
0x5e: {  	s22 =	sadd.s32 $0xFFFFFFFF, s21;
	p0 =	por $0x1, $0x1;
	s21 =	simm.s32 $0x0;
	[tilespmem:v0+s20+$0x20 ss:$0x1] =	vst.idx.msk $0xffff, v7;
	v1 =	vld [tilespmem:s18+$0x30]  }
.LBB1_7:
0x5f: {  	p1 =	sne.s32 s22, $0x1;
	v6 =	vld [tilespmem:s18+$0xFFFFFFC0];
	[tilespmem:v0+s20+$0x30 ss:$0x1] =	vst.idx.msk $0xffff, v2  }
0x60: {  	v7 =	vld [tilespmem:s18+$0xFFFFFFD0];
	[tilespmem:v0+s20+$0x40 ss:$0x1] =	vst.idx.msk $0xffff, v3  }
0x61: {  	s21 =	sadd.s32 $0x80, s21;
	v8 =	vld [tilespmem:s18+$0xFFFFFFE0];
	[tilespmem:v0+s20+$0x50 ss:$0x1] =	vst.idx.msk $0xffff, v5  }
.Ltmp6:
0x62: {  	v2 =	vld [tilespmem:s18+$0xFFFFFFF0];
	[tilespmem:v0+s20+$0x60 ss:$0x1] =	vst.idx.msk $0xffff, v4;
	s20 =	sand.u32 $0x3F80, s21;
	(pc) =	sbr.rel @p1 .LBB1_7-.Ltmp6, $4  }
0x63: {  	v3 =	vld [tilespmem:s18+$0x0];
	[tilespmem:v0+s20+$0x70 ss:$0x1] =	vst.idx.msk $0xffff, v1  }
0x64: {  	[tilespmem:v0+s20+$0x0 ss:$0x1] =	vst.idx.msk $0xffff, v6;
	v5 =	vld [tilespmem:s18+$0x10]  }
0x65: {  	[tilespmem:v0+s20+$0x10 ss:$0x1] =	vst.idx.msk $0xffff, v7;
	v4 =	vld [tilespmem:s18+$0x20];
	s18 =	sadd.s32 $0x80, s18  }
0x66: {  	s22 =	sadd.s32 $0xFFFFFFFF, s22;
	v1 =	vld [tilespmem:s18+$0x30];
	[tilespmem:v0+s20+$0x20 ss:$0x1] =	vst.idx.msk $0xffff, v8  }
.Ltmp7:
0x67: {  	_ = 	snop;
	(pc) =	sbr.rel .LBB1_8-.Ltmp7, $1  }
0x68: {  	_ =	sdelay $0x3  }
.LBB1_6:
.Ltmp8:
0x69: {  	(pc) =	sbr.rel .LBB1_8-.Ltmp8, $2  }
0x6a: {  	_ =	sdelay $0x2  }
0x6b: {  	s21 =	simm.s32 $0x0  }
.LBB1_11:
0x6c: {  	_ =	sfence.sel $0x180000  }
0x6d: {  	s2 =	simm.s32 $0x1;
	[bflag:$0x0] =	sbarrier.arrive $0xFFFF  }
0x6e: {  	s31 =	simm.s32 $0x2;
	[sflag:s2] =	ssyncpa.u1 $0x1  }
0x6f: {  	[sflag:s31] =	ssyncpa.u1 $0x1  }
0x70: {  	p0 =	sne.s32 s0, $0x0;
	_ =	strace $0x90000047  }
0x71: {  	s0 =	sadd.s32 @!p0 $0x100000, s1;
	[bflag:$0x2] =	sbarrier.arrive $0xFFFF  }
0x72: {  	[sflag:s0] =	ssyncadd.tile.s32 @!p0 $0x1;
	_ =	shalt  }
.Lfunc_end1:
_tile_overlayer_lowered:
.L_overlay_start_2:
0x73: {  	(tag) =	ssettag $0x2  }
0x74: {  	s0 =	rddreg [dreg:$0x0];
	s2 =	stileid.u32  }
0x75: {  	s1 =	rddreg [dreg:$0x1];
	p0 =	sne.s32 s2, $0x0  }
0x76: {  	s3 =	rddreg [dreg:$0x2];
	[bflag:$0x3] =	sbarrier.arrive $0xFFFF;
	s2 =	simm.s32 @!p0 $0x1C01  }
0x77: {  	[timem:s3], [sflag:s2] =	dma.local @!p0 [hbm:s0], s1  }
0x78: {  	s0 =	simm.s32 @!p0 $0x1  }
0x79: {  	_ =	swait.ge @!p0 [sflag:s0], s1  }
0x7a: {  	s1 =	ssub.s32 @!p0 $0x0, s1;
	[sflag:s0] =	ssyncset.done @!p0 $0x0  }
0x7b: {  	[sflag:s0] =	ssyncadd.s32 @!p0 s1  }
0x7c: {  	[bflag:$0x3] =	sbarrier.arrive $0xFFFF  }
0x7d: {  	_ =	shalt  }

</sc_bundles>
